<compile_context>
chip_gen: v7x
topology: tpu7x:2x2x1
jax: 0.10.2.dev20260603
libtpu: 0.0.44.dev20260713+nightly
codegen_flags: <defaults>
</compile_context>

<pallas_src>
import functools

import jax
import jax.numpy as jnp
from jax import lax
from jax.experimental import pallas as pl
from jax.experimental.pallas import tpu as pltpu
from jax.experimental.pallas import tpu_sc as plsc

NN = 10000
DD = 128
EE = 320000
NT = 16
CHUNK = 128
CPT = 160
E_PAD = NT * CPT * CHUNK
PAD0 = NN + 16
ACC_ROWS = NN + 32
HIST_ROWS = 640
BLK = 1024
NBLK = 10

_f32 = jnp.float32
_i32 = jnp.int32



HIST = HIST_ROWS * 16


def _deg_body(s0, s1, s2, s3, out,
              idxb, ones_v, zeros_v, sh0, sh1, dsem):
    sid = lax.axis_index("s")
    cid = lax.axis_index("c")
    ones16 = jnp.ones((16,), _f32)
    zeros16 = jnp.zeros((16,), _f32)
    edges = (s0, s1, s2, s3)
    shs = (sh0, sh1)

    def fill(r, carry):
        ones_v[pl.ds(r * 16, 16)] = ones16
        return carry

    lax.fori_loop(0, CHUNK // 16, fill, 0)

    def fillz(r, carry):
        zeros_v[pl.ds(r * 16, 16)] = zeros16
        return carry

    lax.fori_loop(0, (HIST // NT) // 16, fillz, 0)

    for sh in shs:
        pltpu.sync_copy(zeros_v, sh.at[pl.ds(sid * (HIST // NT), HIST // NT)])
    plsc.subcore_barrier()

    def count(arr, sh, dsem):
        pltpu.sync_copy(arr.at[pl.ds(sid * CPT, CPT)], idxb)
        grp = 16

        def body(g, carry):
            def issue(j, c2):
                pltpu.async_copy(ones_v, sh.at[idxb.at[g * grp + j]],
                                 dsem, add=True)
                return c2

            lax.fori_loop(0, grp, issue, 0)

            @pl.when(g > 0)
            def _():
                def drain(j, c2):
                    pltpu.make_async_copy(ones_v, sh.at[idxb.at[0]],
                                          dsem).wait()
                    return c2

                lax.fori_loop(0, grp, drain, 0)

            return carry

        lax.fori_loop(0, CPT // grp, body, 0)

        def drain_last(j, c2):
            pltpu.make_async_copy(ones_v, sh.at[idxb.at[0]], dsem).wait()
            return c2

        lax.fori_loop(0, grp, drain_last, 0)

    for c in (0, 1):
        @pl.when(cid == c)
        def _(c=c):
            for sl in (0, 1):
                count(edges[2 * c + sl], shs[sl], dsem)

    plsc.subcore_barrier()

    for c in (0, 1):
        @pl.when(cid == c)
        def _(c=c):
            for h in range(2):
                @pl.when(sid == h)
                def _(c=c, h=h):
                    pltpu.sync_copy(shs[h], out.at[2 * c + h])


_deg_call = pl.kernel(
    _deg_body,
    out_type=jax.ShapeDtypeStruct((4, HIST), _f32),
    mesh=plsc.VectorSubcoreMesh(core_axis_name="c", subcore_axis_name="s"),
    scratch_types=[
        pltpu.VMEM((CPT, CHUNK), _i32),
        pltpu.VMEM((CHUNK,), _f32),
        pltpu.VMEM((HIST // NT,), _f32),
        pltpu.VMEM_SHARED((HIST,), _f32),
        pltpu.VMEM_SHARED((HIST,), _f32),
        pltpu.SemaphoreType.DMA,
    ],
)



def _h_body(x1_r, x2_r, deg_r, w1_r, w2_r, h0_r, h1_r, h2_r, h3_r):
    i = pl.program_id(0)
    outs = (h0_r, h1_r, h2_r, h3_r)
    xs = (x1_r, x1_r, x2_r, x2_r)
    ws = (w1_r, w1_r, w2_r, w2_r)
    for s in range(4):
        dg = deg_r[s, pl.ds(i * BLK, BLK)]
        no = jnp.where(dg > 0, lax.rsqrt(dg), 0.0)
        outs[s][...] = jnp.dot(xs[s][...] * no[:, None], ws[s][...],
                               preferred_element_type=_f32)


def _h_call(x1, x2, deg, w1, w2):
    return pl.pallas_call(
        _h_body,
        grid=(NBLK,),
        in_specs=[
            pl.BlockSpec((BLK, DD), lambda i: (i, 0)),
            pl.BlockSpec((BLK, DD), lambda i: (i, 0)),
            pl.BlockSpec((4, 10240), lambda i: (0, 0)),
            pl.BlockSpec((DD, DD), lambda i: (0, 0)),
            pl.BlockSpec((DD, DD), lambda i: (0, 0)),
        ],
        out_specs=[pl.BlockSpec((BLK, DD), lambda i: (i, 0))] * 4,
        out_shape=[jax.ShapeDtypeStruct((ACC_ROWS, DD), _f32)] * 4,
    )(x1, x2, deg, w1, w2)



IGRP = 32


def _agg_body(h0, h1, h2, h3, s0, s1, s2, s3, d0, d1, d2, d3,
              o0, o1, o2, o3, dh,
              sidx, didx, rows_a, rows_b, ones_v, zeros_v, acc, hist,
              gsa, gsb, hsem):
    sid = lax.axis_index("s")
    cid = lax.axis_index("c")
    zeros16 = jnp.zeros((16,), _f32)
    ones16 = jnp.ones((16,), _f32)
    hs = (h0, h1, h2, h3)
    ss = (s0, s1, s2, s3)
    ds_ = (d0, d1, d2, d3)
    os_ = (o0, o1, o2, o3)

    def fill(r, carry):
        ones_v[pl.ds(r * 16, 16)] = ones16
        return carry

    lax.fori_loop(0, CHUNK // 16, fill, 0)

    def fillz(r, carry):
        zeros_v[pl.ds(r * 16, 16)] = zeros16
        return carry

    lax.fori_loop(0, (HIST // NT) // 16, fillz, 0)

    def process(h, s2d, d2d, out, set_i):
        def zb(r, carry):
            for k in range(DD // 16):
                rows_a[r, pl.ds(k * 16, 16)] = zeros16
            return carry

        lax.fori_loop(0, CHUNK, zb, 0)
        base = sid * 640
        for j in range(5):
            pltpu.sync_copy(rows_a, acc.at[pl.ds(base + j * CHUNK, CHUNK)])
        pltpu.sync_copy(zeros_v, hist.at[pl.ds(sid * (HIST // NT),
                                               HIST // NT)])
        plsc.subcore_barrier()

        def group(g, carry):
            gb = sid * CPT + g * IGRP
            pltpu.sync_copy(s2d.at[pl.ds(gb, IGRP)], sidx)
            pltpu.sync_copy(d2d.at[pl.ds(gb, IGRP)], didx)
            pltpu.async_copy(h.at[sidx.at[0]], rows_a, gsa)

            def pair(p, carry2):
                first = (g == 0) & (p == 0)
                pltpu.make_async_copy(h.at[sidx.at[0]], rows_a, gsa).wait()
                pltpu.async_copy(h.at[sidx.at[2 * p + 1]], rows_b, gsb)
                pltpu.sync_copy(rows_a, acc.at[didx.at[2 * p]], add=True)

                @pl.when(jnp.logical_not(first))
                def _():
                    pltpu.make_async_copy(ones_v, hist.at[didx.at[0]],
                                          hsem).wait()

                pltpu.async_copy(ones_v, hist.at[didx.at[2 * p]],
                                 hsem, add=True)

                @pl.when(p < IGRP // 2 - 1)
                def _():
                    pltpu.async_copy(h.at[sidx.at[2 * p + 2]], rows_a, gsa)

                pltpu.make_async_copy(h.at[sidx.at[0]], rows_b, gsb).wait()
                pltpu.sync_copy(rows_b, acc.at[didx.at[2 * p + 1]], add=True)
                pltpu.make_async_copy(ones_v, hist.at[didx.at[0]],
                                      hsem).wait()
                pltpu.async_copy(ones_v, hist.at[didx.at[2 * p + 1]],
                                 hsem, add=True)
                return carry2

            lax.fori_loop(0, IGRP // 2, pair, 0)
            return carry

        lax.fori_loop(0, CPT // IGRP, group, 0)
        pltpu.make_async_copy(ones_v, hist.at[didx.at[0]], hsem).wait()
        plsc.subcore_barrier()
        pltpu.sync_copy(acc.at[pl.ds(base, 640)], out.at[pl.ds(base, 640)])
        pltpu.sync_copy(hist.at[pl.ds(sid * (HIST // NT), HIST // NT)],
                        dh.at[set_i, pl.ds(sid * (HIST // NT), HIST // NT)])
        plsc.subcore_barrier()

    for c in (0, 1):
        @pl.when(cid == c)
        def _(c=c):
            process(hs[2 * c], ss[2 * c], ds_[2 * c], os_[2 * c], 2 * c)
            process(hs[2 * c + 1], ss[2 * c + 1], ds_[2 * c + 1],
                    os_[2 * c + 1], 2 * c + 1)


_agg_call = pl.kernel(
    _agg_body,
    out_type=[jax.ShapeDtypeStruct((NT * 640, DD), _f32)] * 4 +
             [jax.ShapeDtypeStruct((4, HIST), _f32)],
    mesh=plsc.VectorSubcoreMesh(core_axis_name="c", subcore_axis_name="s"),
    scratch_types=[
        pltpu.VMEM((IGRP, CHUNK), _i32),
        pltpu.VMEM((IGRP, CHUNK), _i32),
        pltpu.VMEM((CHUNK, DD), _f32),
        pltpu.VMEM((CHUNK, DD), _f32),
        pltpu.VMEM((CHUNK,), _f32),
        pltpu.VMEM((HIST // NT,), _f32),
        pltpu.VMEM_SHARED((NT * 640, DD), _f32),
        pltpu.VMEM_SHARED((HIST,), _f32),
        pltpu.SemaphoreType.DMA,
        pltpu.SemaphoreType.DMA,
        pltpu.SemaphoreType.DMA,
    ],
)



def _fin_body(a0, a1, a2, a3, deg_r, b1_r, b2_r,
              wa11_r, ba11_r, wa21_r, wa12_r, ba12_r, wa22_r,
              wp1_r, wp2_r, o1, o2, tsv):
    p = pl.program_id(0)
    i = pl.program_id(1)
    aggs = (a0, a1, a2, a3)
    bs = (b1_r, b2_r)
    wa1s = (wa11_r, wa12_r)
    ba1s = (ba11_r, ba12_r)
    wa2s = (wa21_r, wa22_r)
    outs = (o1, o2)
    wps = (wp1_r, wp2_r)

    embs = []
    for s in range(4):
        br = s // 2
        dg = deg_r[s, pl.ds(i * BLK, BLK)]
        ni = jnp.where(dg > 0, lax.rsqrt(dg), 0.0)
        embs.append(jnp.maximum(aggs[s][...] * ni[:, None] + bs[br][...],
                                0.0))

    @pl.when((p == 0) & (i == 0))
    def _():
        tsv[...] = jnp.zeros_like(tsv)

    @pl.when(p == 0)
    def _():
        tscal = []
        for s in range(4):
            br = s // 2
            t = jnp.tanh(jnp.dot(embs[s], wa1s[br][...],
                                 preferred_element_type=_f32) +
                         ba1s[br][...])
            srow = jnp.sum(t * wa2s[br][...], axis=1, keepdims=True)
            valid = (lax.broadcasted_iota(_i32, (BLK, 1), 0) + i * BLK) < NN
            tscal.append(jnp.sum(jnp.where(valid, srow, 0.0)))
        row = lax.broadcasted_iota(_i32, (8, 128), 0)
        contrib = jnp.zeros((8, 128), _f32)
        for s in range(4):
            contrib = contrib + jnp.where(row == s, tscal[s], 0.0)
        tsv[...] += contrib
        outs[0][...] = embs[0]
        outs[1][...] = embs[2]

    @pl.when(p == 1)
    def _():
        inv_n = 1.0 / NN
        for br in range(2):
            t0 = tsv[2 * br, 0] * inv_n
            t1 = tsv[2 * br + 1, 0] * inv_n
            m = jnp.maximum(t0, t1)
            ea = jnp.exp(t0 - m)
            eb = jnp.exp(t1 - m)
            b0 = ea / (ea + eb)
            b1 = eb / (ea + eb)
            z = b0 * embs[2 * br] + b1 * embs[2 * br + 1]
            outs[br][...] = jnp.dot(z, wps[br][...],
                                    preferred_element_type=_f32)


def _fin_call(aggs, deg, b1, b2, wa11, ba11, wa21, wa12, ba12, wa22,
              wp1, wp2):
    full = lambda shape: pl.BlockSpec(
        shape, lambda p, i: tuple(0 for _ in shape))
    return pl.pallas_call(
        _fin_body,
        grid=(2, NBLK),
        in_specs=[pl.BlockSpec((BLK, DD), lambda p, i: (i, 0))] * 4 + [
            pl.BlockSpec((4, 10240), lambda p, i: (0, 0)),
            full((1, DD)), full((1, DD)),
            full((DD, 32)), full((1, 32)), full((1, 32)),
            full((DD, 32)), full((1, 32)), full((1, 32)),
            full((DD, DD)), full((DD, DD)),
        ],
        out_specs=[pl.BlockSpec((BLK, DD), lambda p, i: (i, 0))] * 2,
        out_shape=[jax.ShapeDtypeStruct((NN, DD), _f32)] * 2,
        scratch_shapes=[pltpu.VMEM((8, 128), _f32)],
    )(*aggs, deg, b1, b2, wa11, ba11, wa21, wa12, ba12, wa22, wp1, wp2)



def _prep_edges(e):
    pad = PAD0 + (jnp.arange(E_PAD - EE, dtype=_i32) % 16)
    src = jnp.concatenate([e[0].astype(_i32), pad]).reshape(NT * CPT, CHUNK)
    dst = jnp.concatenate([e[1].astype(_i32), pad]).reshape(NT * CPT, CHUNK)
    return src, dst


def kernel(x1, x2, edge_index_1a, edge_index_1b, edge_index_2a, edge_index_2b,
           W_gc1, b_gc1, Wa1_1, ba1_1, Wa2_1, Wp1,
           W_gc2, b_gc2, Wa1_2, ba1_2, Wa2_2, Wp2):
    pairs = [_prep_edges(e)
             for e in (edge_index_1a, edge_index_1b, edge_index_2a,
                       edge_index_2b)]
    srcs = [p[0] for p in pairs]
    dsts = [p[1] for p in pairs]

    deg_src = _deg_call(*srcs)

    hset = _h_call(x1, x2, deg_src, W_gc1, W_gc2)

    *aggs, deg_in = _agg_call(*hset, *srcs, *dsts)

    h1, h2 = _fin_call(
        aggs, deg_in,
        b_gc1.reshape(1, DD), b_gc2.reshape(1, DD),
        Wa1_1, ba1_1.reshape(1, 32), Wa2_1.reshape(1, 32),
        Wa1_2, ba1_2.reshape(1, 32), Wa2_2.reshape(1, 32),
        Wp1, Wp2)
    return h1, h2

# --- scband reference (transcript-rebuilt; emitter-appended) ---
"""Pipeline reference for scband-hmtcl-1872605741068 (READ-ONLY COPY).

The authoritative reference and input builder live on the scoring server;
editing this copy changes nothing except your own understanding.
"""

import jax, jax.numpy as jnp
import numpy as np

N = 10000
E = 320000
D_IN = 128
D_HID = 128
D_OUT = 128
A_HID = 32


def _graph_conv(x, W, b, src, dst, n):
    # DGL GraphConv with norm='both', activation=relu, allow_zero_in_degree=True
    deg_out = jnp.zeros((n,), jnp.float32).at[src].add(1.0)
    deg_in = jnp.zeros((n,), jnp.float32).at[dst].add(1.0)
    norm_out = jnp.where(deg_out > 0, deg_out ** -0.5, 0.0)
    norm_in = jnp.where(deg_in > 0, deg_in ** -0.5, 0.0)
    h = (x * norm_out[:, None]) @ W
    msg = h[src]  # gather along edges
    agg = jnp.zeros((n, W.shape[1]), jnp.float32).at[dst].add(msg)  # scatter-add
    return jax.nn.relu(agg * norm_in[:, None] + b)


def _semantic_attention(z, W1, b1, W2):
    # z: [N, M, D]
    w = (jnp.tanh(z @ W1 + b1) @ W2).mean(0)  # [M, 1]
    beta = jax.nn.softmax(w, axis=0)  # [M, 1]
    return (beta[None, :, :] * z).sum(1)  # [N, D]


def _han(x, e_a, e_b, W_gc, b_gc, Wa1, ba1, Wa2, Wp, n):
    embs = []
    for e in (e_a, e_b):
        embs.append(_graph_conv(x, W_gc, b_gc, e[0], e[1], n))
    z = jnp.stack(embs, axis=1)  # [N, n_metapaths, D_HID]
    h = _semantic_attention(z, Wa1, ba1, Wa2)
    return h @ Wp  # predict (bias=False)


def setup_inputs(seed: int = 0):
    key = jax.random.key(seed)
    ks = jax.random.split(key, 20)
    inp = {}
    inp['x1'] = jax.random.normal(ks[0], (N, D_IN), jnp.float32)
    inp['x2'] = jax.random.normal(ks[1], (N, D_IN), jnp.float32)
    inp['edge_index_1a'] = jax.random.randint(ks[2], (2, E), 0, N)
    inp['edge_index_1b'] = jax.random.randint(ks[3], (2, E), 0, N)
    inp['edge_index_2a'] = jax.random.randint(ks[4], (2, E), 0, N)
    inp['edge_index_2b'] = jax.random.randint(ks[5], (2, E), 0, N)
    # learned parameters (xavier-ish scaling)
    inp['W_gc1'] = jax.random.normal(ks[6], (D_IN, D_HID), jnp.float32) * 0.05
    inp['b_gc1'] = jnp.zeros((D_HID,), jnp.float32)
    inp['Wa1_1'] = jax.random.normal(ks[7], (D_HID, A_HID), jnp.float32) * 0.1
    inp['ba1_1'] = jnp.zeros((A_HID,), jnp.float32)
    inp['Wa2_1'] = jax.random.normal(ks[8], (A_HID, 1), jnp.float32) * 0.1
    inp['Wp1'] = jax.random.normal(ks[9], (D_HID, D_OUT), jnp.float32) * 0.05
    inp['W_gc2'] = jax.random.normal(ks[10], (D_IN, D_HID), jnp.float32) * 0.05
    inp['b_gc2'] = jnp.zeros((D_HID,), jnp.float32)
    inp['Wa1_2'] = jax.random.normal(ks[11], (D_HID, A_HID), jnp.float32) * 0.1
    inp['ba1_2'] = jnp.zeros((A_HID,), jnp.float32)
    inp['Wa2_2'] = jax.random.normal(ks[12], (A_HID, 1), jnp.float32) * 0.1
    inp['Wp2'] = jax.random.normal(ks[13], (D_HID, D_OUT), jnp.float32) * 0.05
    return inp


def reference(x1, x2, edge_index_1a, edge_index_1b, edge_index_2a, edge_index_2b,
              W_gc1, b_gc1, Wa1_1, ba1_1, Wa2_1, Wp1,
              W_gc2, b_gc2, Wa1_2, ba1_2, Wa2_2, Wp2):
    # HAN_DTI forward: two HAN branches over metapath-reachable graphs
    h1 = _han(x1, edge_index_1a, edge_index_1b, W_gc1, b_gc1, Wa1_1, ba1_1, Wa2_1, Wp1, N)
    h2 = _han(x2, edge_index_2a, edge_index_2b, W_gc2, b_gc2, Wa1_2, ba1_2, Wa2_2, Wp2, N)
    return (h1, h2)

if __name__ == "__main__":
    import jax
    _d = setup_inputs()
    print(jax.jit(kernel)(*tuple(_d.values())))

</pallas_src>

<mosaic_0001>
#map = affine_map<(d0, d1) -> (0, 0)>
module attributes {stable_mosaic.version = 14 : i64} {
  func.func @_deg_body(%arg0: i32, %arg1: i32, %arg2: memref<2560x128xi32, #tpu.memory_space<hbm>>, %arg3: memref<2560x128xi32, #tpu.memory_space<hbm>>, %arg4: memref<2560x128xi32, #tpu.memory_space<hbm>>, %arg5: memref<2560x128xi32, #tpu.memory_space<hbm>>, %arg6: memref<4x10240xf32, #tpu.memory_space<hbm>>, %arg7: memref<160x128xi32, #tpu.memory_space<vmem>>, %arg8: memref<128xf32, #tpu.memory_space<vmem>>, %arg9: memref<640xf32, #tpu.memory_space<vmem>>, %arg10: memref<10240xf32, #tpu.memory_space<vmem_shared>>, %arg11: memref<10240xf32, #tpu.memory_space<vmem_shared>>, %arg12: memref<!tpu.dma_semaphore, #tpu.memory_space<semaphore_mem>>) attributes {dimension_semantics = [#tpu.dimension_semantics<core_parallel>, #tpu.dimension_semantics<subcore_parallel>], iteration_bounds = array<i64: 2, 16>, scalar_prefetch = 0 : i64, scratch_operands = 6 : i64, tpu.core_type = #tpu.core_type<sc_vector_subcore>, window_params = [{transform_indices = #map}, {transform_indices = #map}, {transform_indices = #map}, {transform_indices = #map}, {transform_indices = #map}]} {
    %broadcast_in_dim3A = arith.constant 1.000000e+00 : f32
    %broadcast_in_dim3A_0 = vector.broadcast %broadcast_in_dim3A : f32 to vector<16xf32>
    %broadcast_in_dim3A_1 = arith.constant 0.000000e+00 : f32
    %broadcast_in_dim3A_2 = vector.broadcast %broadcast_in_dim3A_1 : f32 to vector<16xf32>
    %scan3A = arith.constant 0 : i32
    %scan3A_3 = arith.constant 0 : i32
    %scan3A_4 = arith.constant 8 : i32
    %scan3A_5 = arith.addi %scan3A_3, %scan3A_4 : i32
    %scan3A_6 = arith.constant 1 : i32
    scf.for %scan3A_35 = %scan3A_3 to %scan3A_5 step %scan3A_6  : i32 {
      %mul3A_36 = arith.constant 16 : i32
      %mul3A_37 = arith.muli %scan3A_35, %mul3A_36 : i32
      %swap3A = arith.index_cast %mul3A_37 : i32 to index
      %swap3A_38 = tpu.vector_load %arg8[%swap3A] {strides = array<i32>} : memref<128xf32, #tpu.memory_space<vmem>>, vector<16xf32>,
      %swap3A_39 = vector.shape_cast %swap3A_38 : vector<16xf32> to vector<16xf32>
      %swap3A_40 = vector.shape_cast %broadcast_in_dim3A_0 : vector<16xf32> to vector<16xf32>
      tpu.vector_store %arg8[%swap3A], %swap3A_40 {strides = array<i32>} : memref<128xf32, #tpu.memory_space<vmem>>, vector<16xf32>,
    }
    %scan3A_7 = arith.constant 8 : i32
    %scan3A_8 = arith.constant 0 : i32
    %scan3A_9 = arith.constant 0 : i32
    %scan3A_10 = arith.constant 40 : i32
    %scan3A_11 = arith.addi %scan3A_9, %scan3A_10 : i32
    %scan3A_12 = arith.constant 1 : i32
    scf.for %scan3A_35 = %scan3A_9 to %scan3A_11 step %scan3A_12  : i32 {
      %mul3A_36 = arith.constant 16 : i32
      %mul3A_37 = arith.muli %scan3A_35, %mul3A_36 : i32
      %swap3A = arith.index_cast %mul3A_37 : i32 to index
      %swap3A_38 = tpu.vector_load %arg9[%swap3A] {strides = array<i32>} : memref<640xf32, #tpu.memory_space<vmem>>, vector<16xf32>,
      %swap3A_39 = vector.shape_cast %swap3A_38 : vector<16xf32> to vector<16xf32>
      %swap3A_40 = vector.shape_cast %broadcast_in_dim3A_2 : vector<16xf32> to vector<16xf32>
      tpu.vector_store %arg9[%swap3A], %swap3A_40 {strides = array<i32>} : memref<640xf32, #tpu.memory_space<vmem>>, vector<16xf32>,
    }
    %scan3A_13 = arith.constant 40 : i32
    %mul3A = arith.constant 640 : i32
    %mul3A_14 = arith.muli %arg1, %mul3A : i32
    "tpu.region"() ({
      %run_scoped3A = tpu.sem_alloc : memref<!tpu.dma_semaphore, #tpu.memory_space<semaphore_mem>>
      %dma_start3A = tpu.memref_slice %arg10[%mul3A_14] : memref<10240xf32, #tpu.memory_space<vmem_shared>> -> memref<640xf32, #tpu.memory_space<vmem_shared>>
      %dma_start3A_35 = tpu.memref_slice %arg10[%mul3A_14] : memref<10240xf32, #tpu.memory_space<vmem_shared>> -> memref<640xf32, #tpu.memory_space<vmem_shared>>
      tpu.enqueue_dma source(%arg9 : memref<640xf32, #tpu.memory_space<vmem>>) target(%dma_start3A_35 : memref<640xf32, #tpu.memory_space<vmem_shared>>) target_semaphore(%run_scoped3A : memref<!tpu.dma_semaphore, #tpu.memory_space<semaphore_mem>>)
      %dma_wait3A = tpu.memref_slice %arg10[%mul3A_14] : memref<10240xf32, #tpu.memory_space<vmem_shared>> -> memref<640xf32, #tpu.memory_space<vmem_shared>>
      %dma_wait3A_36 = tpu.memref_slice %arg10[%mul3A_14] : memref<10240xf32, #tpu.memory_space<vmem_shared>> -> memref<640xf32, #tpu.memory_space<vmem_shared>>
      tpu.wait_dma2 semaphore(%run_scoped3A : memref<!tpu.dma_semaphore, #tpu.memory_space<semaphore_mem>>) src(%arg9 : memref<640xf32, #tpu.memory_space<vmem>>) dst(%dma_wait3A_36 : memref<640xf32, #tpu.memory_space<vmem_shared>>)
      tpu.yield
    }) : () -> ()
    %mul3A_15 = arith.constant 640 : i32
    %mul3A_16 = arith.muli %arg1, %mul3A_15 : i32
    "tpu.region"() ({
      %run_scoped3A = tpu.sem_alloc : memref<!tpu.dma_semaphore, #tpu.memory_space<semaphore_mem>>
      %dma_start3A = tpu.memref_slice %arg11[%mul3A_16] : memref<10240xf32, #tpu.memory_space<vmem_shared>> -> memref<640xf32, #tpu.memory_space<vmem_shared>>
      %dma_start3A_35 = tpu.memref_slice %arg11[%mul3A_16] : memref<10240xf32, #tpu.memory_space<vmem_shared>> -> memref<640xf32, #tpu.memory_space<vmem_shared>>
      tpu.enqueue_dma source(%arg9 : memref<640xf32, #tpu.memory_space<vmem>>) target(%dma_start3A_35 : memref<640xf32, #tpu.memory_space<vmem_shared>>) target_semaphore(%run_scoped3A : memref<!tpu.dma_semaphore, #tpu.memory_space<semaphore_mem>>)
      %dma_wait3A = tpu.memref_slice %arg11[%mul3A_16] : memref<10240xf32, #tpu.memory_space<vmem_shared>> -> memref<640xf32, #tpu.memory_space<vmem_shared>>
      %dma_wait3A_36 = tpu.memref_slice %arg11[%mul3A_16] : memref<10240xf32, #tpu.memory_space<vmem_shared>> -> memref<640xf32, #tpu.memory_space<vmem_shared>>
      tpu.wait_dma2 semaphore(%run_scoped3A : memref<!tpu.dma_semaphore, #tpu.memory_space<semaphore_mem>>) src(%arg9 : memref<640xf32, #tpu.memory_space<vmem>>) dst(%dma_wait3A_36 : memref<640xf32, #tpu.memory_space<vmem_shared>>)
      tpu.yield
    }) : () -> ()
    %barrier3A = arith.constant 0 : index
    tpu.barrier barrier_id(%barrier3A)
    %eq3A = arith.constant 0 : i32
    %eq3A_17 = arith.cmpi eq, %arg0, %eq3A : i32
    %convert_element_type3A = arith.extui %eq3A_17 : i1 to i32
    %cond3A = arith.constant 0 : i32
    %cond3A_18 = arith.cmpi ne, %convert_element_type3A, %cond3A : i32
    scf.if %cond3A_18 {
      %mul3A_35 = arith.constant 160 : i32
      %mul3A_36 = arith.muli %arg1, %mul3A_35 : i32
      "tpu.region"() ({
        %run_scoped3A = tpu.sem_alloc : memref<!tpu.dma_semaphore, #tpu.memory_space<semaphore_mem>>
        %dma_start3A = arith.constant 0 : i32
        %dma_start3A_63 = tpu.memref_slice %arg2[%mul3A_36, %dma_start3A] : memref<2560x128xi32, #tpu.memory_space<hbm>> -> memref<160x128xi32, #tpu.memory_space<hbm>>
        %dma_start3A_64 = arith.constant 0 : i32
        %dma_start3A_65 = tpu.memref_slice %arg2[%mul3A_36, %dma_start3A_64] : memref<2560x128xi32, #tpu.memory_space<hbm>> -> memref<160x128xi32, #tpu.memory_space<hbm>>
        tpu.enqueue_dma source(%dma_start3A_65 : memref<160x128xi32, #tpu.memory_space<hbm>>) target(%arg7 : memref<160x128xi32, #tpu.memory_space<vmem>>) target_semaphore(%run_scoped3A : memref<!tpu.dma_semaphore, #tpu.memory_space<semaphore_mem>>)
        %dma_wait3A = arith.constant 0 : i32
        %dma_wait3A_66 = tpu.memref_slice %arg2[%mul3A_36, %dma_wait3A] : memref<2560x128xi32, #tpu.memory_space<hbm>> -> memref<160x128xi32, #tpu.memory_space<hbm>>
        %dma_wait3A_67 = arith.constant 0 : i32
        %dma_wait3A_68 = tpu.memref_slice %arg2[%mul3A_36, %dma_wait3A_67] : memref<2560x128xi32, #tpu.memory_space<hbm>> -> memref<160x128xi32, #tpu.memory_space<hbm>>
        tpu.wait_dma2 semaphore(%run_scoped3A : memref<!tpu.dma_semaphore, #tpu.memory_space<semaphore_mem>>) src(%dma_wait3A_68 : memref<160x128xi32, #tpu.memory_space<hbm>>) dst(%arg7 : memref<160x128xi32, #tpu.memory_space<vmem>>)
        tpu.yield
      }) : () -> ()
      %scan3A_37 = arith.constant 0 : i32
      %scan3A_38 = arith.constant 0 : i32
      %scan3A_39 = arith.constant 10 : i32
      %scan3A_40 = arith.addi %scan3A_38, %scan3A_39 : i32
      %scan3A_41 = arith.constant 1 : i32
      scf.for %scan3A_63 = %scan3A_38 to %scan3A_40 step %scan3A_41  : i32 {
        %scan3A_64 = arith.constant 0 : i32
        %scan3A_65 = arith.constant 0 : i32
        %scan3A_66 = arith.constant 16 : i32
        %scan3A_67 = arith.addi %scan3A_65, %scan3A_66 : i32
        %scan3A_68 = arith.constant 1 : i32
        scf.for %scan3A_74 = %scan3A_65 to %scan3A_67 step %scan3A_68  : i32 {
          %mul3A_75 = arith.constant 16 : i32
          %mul3A_76 = arith.muli %scan3A_63, %mul3A_75 : i32
          %add3A = arith.addi %mul3A_76, %scan3A_74 : i32
          %dma_start3A = arith.constant 0 : i32
          %dma_start3A_77 = tpu.memref_slice %arg7[%add3A, %dma_start3A] : memref<160x128xi32, #tpu.memory_space<vmem>> -> memref<1x128xi32, #tpu.memory_space<vmem>>
          %dma_start3A_78 = tpu.memref_squeeze %dma_start3A_77 : memref<1x128xi32, #tpu.memory_space<vmem>> -> memref<128xi32, #tpu.memory_space<vmem>>
          %dma_start3A_79 = arith.constant 0 : i32
          %dma_start3A_80 = tpu.memref_slice %arg10[%dma_start3A_79] : memref<10240xf32, #tpu.memory_space<vmem_shared>> -> memref<10240xf32, #tpu.memory_space<vmem_shared>>
          tpu.enqueue_indirect_dma source(%arg8 : memref<128xf32, #tpu.memory_space<vmem>>) target(%dma_start3A_80 : memref<10240xf32, #tpu.memory_space<vmem_shared>>) offsets(%dma_start3A_78 : memref<128xi32, #tpu.memory_space<vmem>>) semaphore(%arg12 : memref<!tpu.dma_semaphore, #tpu.memory_space<semaphore_mem>>) {add = true}
        }
        %scan3A_69 = arith.constant 16 : i32
        %gt3A = arith.constant 0 : i32
        %gt3A_70 = arith.cmpi sgt, %scan3A_63, %gt3A : i32
        %convert_element_type3A_71 = arith.extui %gt3A_70 : i1 to i32
        %cond3A_72 = arith.constant 0 : i32
        %cond3A_73 = arith.cmpi ne, %convert_element_type3A_71, %cond3A_72 : i32
        scf.if %cond3A_73 {
          %scan3A_74 = arith.constant 0 : i32
          %scan3A_75 = arith.constant 0 : i32
          %scan3A_76 = arith.constant 16 : i32
          %scan3A_77 = arith.addi %scan3A_75, %scan3A_76 : i32
          %scan3A_78 = arith.constant 1 : i32
          scf.for %scan3A_80 = %scan3A_75 to %scan3A_77 step %scan3A_78  : i32 {
            %dma_wait3A = arith.constant 0 : i32
            %dma_wait3A_81 = arith.constant 0 : i32
            %dma_wait3A_82 = tpu.memref_slice %arg7[%dma_wait3A, %dma_wait3A_81] : memref<160x128xi32, #tpu.memory_space<vmem>> -> memref<1x128xi32, #tpu.memory_space<vmem>>
            %dma_wait3A_83 = tpu.memref_squeeze %dma_wait3A_82 : memref<1x128xi32, #tpu.memory_space<vmem>> -> memref<128xi32, #tpu.memory_space<vmem>>
            %dma_wait3A_84 = arith.constant 0 : i32
            %dma_wait3A_85 = tpu.memref_slice %arg10[%dma_wait3A_84] : memref<10240xf32, #tpu.memory_space<vmem_shared>> -> memref<10240xf32, #tpu.memory_space<vmem_shared>>
            tpu.wait_indirect_dma semaphore(%arg12 : memref<!tpu.dma_semaphore, #tpu.memory_space<semaphore_mem>>) src(%arg8 : memref<128xf32, #tpu.memory_space<vmem>>) dst(%dma_wait3A_85 : memref<10240xf32, #tpu.memory_space<vmem_shared>>)
          }
          %scan3A_79 = arith.constant 16 : i32
        } else {
        }
      }
      %scan3A_42 = arith.constant 10 : i32
      %scan3A_43 = arith.constant 0 : i32
      %scan3A_44 = arith.constant 0 : i32
      %scan3A_45 = arith.constant 16 : i32
      %scan3A_46 = arith.addi %scan3A_44, %scan3A_45 : i32
      %scan3A_47 = arith.constant 1 : i32
      scf.for %scan3A_63 = %scan3A_44 to %scan3A_46 step %scan3A_47  : i32 {
        %dma_wait3A = arith.constant 0 : i32
        %dma_wait3A_64 = arith.constant 0 : i32
        %dma_wait3A_65 = tpu.memref_slice %arg7[%dma_wait3A, %dma_wait3A_64] : memref<160x128xi32, #tpu.memory_space<vmem>> -> memref<1x128xi32, #tpu.memory_space<vmem>>
        %dma_wait3A_66 = tpu.memref_squeeze %dma_wait3A_65 : memref<1x128xi32, #tpu.memory_space<vmem>> -> memref<128xi32, #tpu.memory_space<vmem>>
        %dma_wait3A_67 = arith.constant 0 : i32
        %dma_wait3A_68 = tpu.memref_slice %arg10[%dma_wait3A_67] : memref<10240xf32, #tpu.memory_space<vmem_shared>> -> memref<10240xf32, #tpu.memory_space<vmem_shared>>
        tpu.wait_indirect_dma semaphore(%arg12 : memref<!tpu.dma_semaphore, #tpu.memory_space<semaphore_mem>>) src(%arg8 : memref<128xf32, #tpu.memory_space<vmem>>) dst(%dma_wait3A_68 : memref<10240xf32, #tpu.memory_space<vmem_shared>>)
      }
      %scan3A_48 = arith.constant 16 : i32
      %mul3A_49 = arith.constant 160 : i32
      %mul3A_50 = arith.muli %arg1, %mul3A_49 : i32
      "tpu.region"() ({
        %run_scoped3A = tpu.sem_alloc : memref<!tpu.dma_semaphore, #tpu.memory_space<semaphore_mem>>
        %dma_start3A = arith.constant 0 : i32
        %dma_start3A_63 = tpu.memref_slice %arg3[%mul3A_50, %dma_start3A] : memref<2560x128xi32, #tpu.memory_space<hbm>> -> memref<160x128xi32, #tpu.memory_space<hbm>>
        %dma_start3A_64 = arith.constant 0 : i32
        %dma_start3A_65 = tpu.memref_slice %arg3[%mul3A_50, %dma_start3A_64] : memref<2560x128xi32, #tpu.memory_space<hbm>> -> memref<160x128xi32, #tpu.memory_space<hbm>>
        tpu.enqueue_dma source(%dma_start3A_65 : memref<160x128xi32, #tpu.memory_space<hbm>>) target(%arg7 : memref<160x128xi32, #tpu.memory_space<vmem>>) target_semaphore(%run_scoped3A : memref<!tpu.dma_semaphore, #tpu.memory_space<semaphore_mem>>)
        %dma_wait3A = arith.constant 0 : i32
        %dma_wait3A_66 = tpu.memref_slice %arg3[%mul3A_50, %dma_wait3A] : memref<2560x128xi32, #tpu.memory_space<hbm>> -> memref<160x128xi32, #tpu.memory_space<hbm>>
        %dma_wait3A_67 = arith.constant 0 : i32
        %dma_wait3A_68 = tpu.memref_slice %arg3[%mul3A_50, %dma_wait3A_67] : memref<2560x128xi32, #tpu.memory_space<hbm>> -> memref<160x128xi32, #tpu.memory_space<hbm>>
        tpu.wait_dma2 semaphore(%run_scoped3A : memref<!tpu.dma_semaphore, #tpu.memory_space<semaphore_mem>>) src(%dma_wait3A_68 : memref<160x128xi32, #tpu.memory_space<hbm>>) dst(%arg7 : memref<160x128xi32, #tpu.memory_space<vmem>>)
        tpu.yield
      }) : () -> ()
      %scan3A_51 = arith.constant 0 : i32
      %scan3A_52 = arith.constant 0 : i32
      %scan3A_53 = arith.constant 10 : i32
      %scan3A_54 = arith.addi %scan3A_52, %scan3A_53 : i32
      %scan3A_55 = arith.constant 1 : i32
      scf.for %scan3A_63 = %scan3A_52 to %scan3A_54 step %scan3A_55  : i32 {
        %scan3A_64 = arith.constant 0 : i32
        %scan3A_65 = arith.constant 0 : i32
        %scan3A_66 = arith.constant 16 : i32
        %scan3A_67 = arith.addi %scan3A_65, %scan3A_66 : i32
        %scan3A_68 = arith.constant 1 : i32
        scf.for %scan3A_74 = %scan3A_65 to %scan3A_67 step %scan3A_68  : i32 {
          %mul3A_75 = arith.constant 16 : i32
          %mul3A_76 = arith.muli %scan3A_63, %mul3A_75 : i32
          %add3A = arith.addi %mul3A_76, %scan3A_74 : i32
          %dma_start3A = arith.constant 0 : i32
          %dma_start3A_77 = tpu.memref_slice %arg7[%add3A, %dma_start3A] : memref<160x128xi32, #tpu.memory_space<vmem>> -> memref<1x128xi32, #tpu.memory_space<vmem>>
          %dma_start3A_78 = tpu.memref_squeeze %dma_start3A_77 : memref<1x128xi32, #tpu.memory_space<vmem>> -> memref<128xi32, #tpu.memory_space<vmem>>
          %dma_start3A_79 = arith.constant 0 : i32
          %dma_start3A_80 = tpu.memref_slice %arg11[%dma_start3A_79] : memref<10240xf32, #tpu.memory_space<vmem_shared>> -> memref<10240xf32, #tpu.memory_space<vmem_shared>>
          tpu.enqueue_indirect_dma source(%arg8 : memref<128xf32, #tpu.memory_space<vmem>>) target(%dma_start3A_80 : memref<10240xf32, #tpu.memory_space<vmem_shared>>) offsets(%dma_start3A_78 : memref<128xi32, #tpu.memory_space<vmem>>) semaphore(%arg12 : memref<!tpu.dma_semaphore, #tpu.memory_space<semaphore_mem>>) {add = true}
        }
        %scan3A_69 = arith.constant 16 : i32
        %gt3A = arith.constant 0 : i32
        %gt3A_70 = arith.cmpi sgt, %scan3A_63, %gt3A : i32
        %convert_element_type3A_71 = arith.extui %gt3A_70 : i1 to i32
        %cond3A_72 = arith.constant 0 : i32
        %cond3A_73 = arith.cmpi ne, %convert_element_type3A_71, %cond3A_72 : i32
        scf.if %cond3A_73 {
          %scan3A_74 = arith.constant 0 : i32
          %scan3A_75 = arith.constant 0 : i32
          %scan3A_76 = arith.constant 16 : i32
          %scan3A_77 = arith.addi %scan3A_75, %scan3A_76 : i32
          %scan3A_78 = arith.constant 1 : i32
          scf.for %scan3A_80 = %scan3A_75 to %scan3A_77 step %scan3A_78  : i32 {
            %dma_wait3A = arith.constant 0 : i32
            %dma_wait3A_81 = arith.constant 0 : i32
            %dma_wait3A_82 = tpu.memref_slice %arg7[%dma_wait3A, %dma_wait3A_81] : memref<160x128xi32, #tpu.memory_space<vmem>> -> memref<1x128xi32, #tpu.memory_space<vmem>>
            %dma_wait3A_83 = tpu.memref_squeeze %dma_wait3A_82 : memref<1x128xi32, #tpu.memory_space<vmem>> -> memref<128xi32, #tpu.memory_space<vmem>>
            %dma_wait3A_84 = arith.constant 0 : i32
            %dma_wait3A_85 = tpu.memref_slice %arg11[%dma_wait3A_84] : memref<10240xf32, #tpu.memory_space<vmem_shared>> -> memref<10240xf32, #tpu.memory_space<vmem_shared>>
            tpu.wait_indirect_dma semaphore(%arg12 : memref<!tpu.dma_semaphore, #tpu.memory_space<semaphore_mem>>) src(%arg8 : memref<128xf32, #tpu.memory_space<vmem>>) dst(%dma_wait3A_85 : memref<10240xf32, #tpu.memory_space<vmem_shared>>)
          }
          %scan3A_79 = arith.constant 16 : i32
        } else {
        }
      }
      %scan3A_56 = arith.constant 10 : i32
      %scan3A_57 = arith.constant 0 : i32
      %scan3A_58 = arith.constant 0 : i32
      %scan3A_59 = arith.constant 16 : i32
      %scan3A_60 = arith.addi %scan3A_58, %scan3A_59 : i32
      %scan3A_61 = arith.constant 1 : i32
      scf.for %scan3A_63 = %scan3A_58 to %scan3A_60 step %scan3A_61  : i32 {
        %dma_wait3A = arith.constant 0 : i32
        %dma_wait3A_64 = arith.constant 0 : i32
        %dma_wait3A_65 = tpu.memref_slice %arg7[%dma_wait3A, %dma_wait3A_64] : memref<160x128xi32, #tpu.memory_space<vmem>> -> memref<1x128xi32, #tpu.memory_space<vmem>>
        %dma_wait3A_66 = tpu.memref_squeeze %dma_wait3A_65 : memref<1x128xi32, #tpu.memory_space<vmem>> -> memref<128xi32, #tpu.memory_space<vmem>>
        %dma_wait3A_67 = arith.constant 0 : i32
        %dma_wait3A_68 = tpu.memref_slice %arg11[%dma_wait3A_67] : memref<10240xf32, #tpu.memory_space<vmem_shared>> -> memref<10240xf32, #tpu.memory_space<vmem_shared>>
        tpu.wait_indirect_dma semaphore(%arg12 : memref<!tpu.dma_semaphore, #tpu.memory_space<semaphore_mem>>) src(%arg8 : memref<128xf32, #tpu.memory_space<vmem>>) dst(%dma_wait3A_68 : memref<10240xf32, #tpu.memory_space<vmem_shared>>)
      }
      %scan3A_62 = arith.constant 16 : i32
    } else {
    }
    %eq3A_19 = arith.constant 1 : i32
    %eq3A_20 = arith.cmpi eq, %arg0, %eq3A_19 : i32
    %convert_element_type3A_21 = arith.extui %eq3A_20 : i1 to i32
    %cond3A_22 = arith.constant 0 : i32
    %cond3A_23 = arith.cmpi ne, %convert_element_type3A_21, %cond3A_22 : i32
    scf.if %cond3A_23 {
      %mul3A_35 = arith.constant 160 : i32
      %mul3A_36 = arith.muli %arg1, %mul3A_35 : i32
      "tpu.region"() ({
        %run_scoped3A = tpu.sem_alloc : memref<!tpu.dma_semaphore, #tpu.memory_space<semaphore_mem>>
        %dma_start3A = arith.constant 0 : i32
        %dma_start3A_63 = tpu.memref_slice %arg4[%mul3A_36, %dma_start3A] : memref<2560x128xi32, #tpu.memory_space<hbm>> -> memref<160x128xi32, #tpu.memory_space<hbm>>
        %dma_start3A_64 = arith.constant 0 : i32
        %dma_start3A_65 = tpu.memref_slice %arg4[%mul3A_36, %dma_start3A_64] : memref<2560x128xi32, #tpu.memory_space<hbm>> -> memref<160x128xi32, #tpu.memory_space<hbm>>
        tpu.enqueue_dma source(%dma_start3A_65 : memref<160x128xi32, #tpu.memory_space<hbm>>) target(%arg7 : memref<160x128xi32, #tpu.memory_space<vmem>>) target_semaphore(%run_scoped3A : memref<!tpu.dma_semaphore, #tpu.memory_space<semaphore_mem>>)
        %dma_wait3A = arith.constant 0 : i32
        %dma_wait3A_66 = tpu.memref_slice %arg4[%mul3A_36, %dma_wait3A] : memref<2560x128xi32, #tpu.memory_space<hbm>> -> memref<160x128xi32, #tpu.memory_space<hbm>>
        %dma_wait3A_67 = arith.constant 0 : i32
        %dma_wait3A_68 = tpu.memref_slice %arg4[%mul3A_36, %dma_wait3A_67] : memref<2560x128xi32, #tpu.memory_space<hbm>> -> memref<160x128xi32, #tpu.memory_space<hbm>>
        tpu.wait_dma2 semaphore(%run_scoped3A : memref<!tpu.dma_semaphore, #tpu.memory_space<semaphore_mem>>) src(%dma_wait3A_68 : memref<160x128xi32, #tpu.memory_space<hbm>>) dst(%arg7 : memref<160x128xi32, #tpu.memory_space<vmem>>)
        tpu.yield
      }) : () -> ()
      %scan3A_37 = arith.constant 0 : i32
      %scan3A_38 = arith.constant 0 : i32
      %scan3A_39 = arith.constant 10 : i32
      %scan3A_40 = arith.addi %scan3A_38, %scan3A_39 : i32
      %scan3A_41 = arith.constant 1 : i32
      scf.for %scan3A_63 = %scan3A_38 to %scan3A_40 step %scan3A_41  : i32 {
        %scan3A_64 = arith.constant 0 : i32
        %scan3A_65 = arith.constant 0 : i32
        %scan3A_66 = arith.constant 16 : i32
        %scan3A_67 = arith.addi %scan3A_65, %scan3A_66 : i32
        %scan3A_68 = arith.constant 1 : i32
        scf.for %scan3A_74 = %scan3A_65 to %scan3A_67 step %scan3A_68  : i32 {
          %mul3A_75 = arith.constant 16 : i32
          %mul3A_76 = arith.muli %scan3A_63, %mul3A_75 : i32
          %add3A = arith.addi %mul3A_76, %scan3A_74 : i32
          %dma_start3A = arith.constant 0 : i32
          %dma_start3A_77 = tpu.memref_slice %arg7[%add3A, %dma_start3A] : memref<160x128xi32, #tpu.memory_space<vmem>> -> memref<1x128xi32, #tpu.memory_space<vmem>>
          %dma_start3A_78 = tpu.memref_squeeze %dma_start3A_77 : memref<1x128xi32, #tpu.memory_space<vmem>> -> memref<128xi32, #tpu.memory_space<vmem>>
          %dma_start3A_79 = arith.constant 0 : i32
          %dma_start3A_80 = tpu.memref_slice %arg10[%dma_start3A_79] : memref<10240xf32, #tpu.memory_space<vmem_shared>> -> memref<10240xf32, #tpu.memory_space<vmem_shared>>
          tpu.enqueue_indirect_dma source(%arg8 : memref<128xf32, #tpu.memory_space<vmem>>) target(%dma_start3A_80 : memref<10240xf32, #tpu.memory_space<vmem_shared>>) offsets(%dma_start3A_78 : memref<128xi32, #tpu.memory_space<vmem>>) semaphore(%arg12 : memref<!tpu.dma_semaphore, #tpu.memory_space<semaphore_mem>>) {add = true}
        }
        %scan3A_69 = arith.constant 16 : i32
        %gt3A = arith.constant 0 : i32
        %gt3A_70 = arith.cmpi sgt, %scan3A_63, %gt3A : i32
        %convert_element_type3A_71 = arith.extui %gt3A_70 : i1 to i32
        %cond3A_72 = arith.constant 0 : i32
        %cond3A_73 = arith.cmpi ne, %convert_element_type3A_71, %cond3A_72 : i32
        scf.if %cond3A_73 {
          %scan3A_74 = arith.constant 0 : i32
          %scan3A_75 = arith.constant 0 : i32
          %scan3A_76 = arith.constant 16 : i32
          %scan3A_77 = arith.addi %scan3A_75, %scan3A_76 : i32
          %scan3A_78 = arith.constant 1 : i32
          scf.for %scan3A_80 = %scan3A_75 to %scan3A_77 step %scan3A_78  : i32 {
            %dma_wait3A = arith.constant 0 : i32
            %dma_wait3A_81 = arith.constant 0 : i32
            %dma_wait3A_82 = tpu.memref_slice %arg7[%dma_wait3A, %dma_wait3A_81] : memref<160x128xi32, #tpu.memory_space<vmem>> -> memref<1x128xi32, #tpu.memory_space<vmem>>
            %dma_wait3A_83 = tpu.memref_squeeze %dma_wait3A_82 : memref<1x128xi32, #tpu.memory_space<vmem>> -> memref<128xi32, #tpu.memory_space<vmem>>
            %dma_wait3A_84 = arith.constant 0 : i32
            %dma_wait3A_85 = tpu.memref_slice %arg10[%dma_wait3A_84] : memref<10240xf32, #tpu.memory_space<vmem_shared>> -> memref<10240xf32, #tpu.memory_space<vmem_shared>>
            tpu.wait_indirect_dma semaphore(%arg12 : memref<!tpu.dma_semaphore, #tpu.memory_space<semaphore_mem>>) src(%arg8 : memref<128xf32, #tpu.memory_space<vmem>>) dst(%dma_wait3A_85 : memref<10240xf32, #tpu.memory_space<vmem_shared>>)
          }
          %scan3A_79 = arith.constant 16 : i32
        } else {
        }
      }
      %scan3A_42 = arith.constant 10 : i32
      %scan3A_43 = arith.constant 0 : i32
      %scan3A_44 = arith.constant 0 : i32
      %scan3A_45 = arith.constant 16 : i32
      %scan3A_46 = arith.addi %scan3A_44, %scan3A_45 : i32
      %scan3A_47 = arith.constant 1 : i32
      scf.for %scan3A_63 = %scan3A_44 to %scan3A_46 step %scan3A_47  : i32 {
        %dma_wait3A = arith.constant 0 : i32
        %dma_wait3A_64 = arith.constant 0 : i32
        %dma_wait3A_65 = tpu.memref_slice %arg7[%dma_wait3A, %dma_wait3A_64] : memref<160x128xi32, #tpu.memory_space<vmem>> -> memref<1x128xi32, #tpu.memory_space<vmem>>
        %dma_wait3A_66 = tpu.memref_squeeze %dma_wait3A_65 : memref<1x128xi32, #tpu.memory_space<vmem>> -> memref<128xi32, #tpu.memory_space<vmem>>
        %dma_wait3A_67 = arith.constant 0 : i32
        %dma_wait3A_68 = tpu.memref_slice %arg10[%dma_wait3A_67] : memref<10240xf32, #tpu.memory_space<vmem_shared>> -> memref<10240xf32, #tpu.memory_space<vmem_shared>>
        tpu.wait_indirect_dma semaphore(%arg12 : memref<!tpu.dma_semaphore, #tpu.memory_space<semaphore_mem>>) src(%arg8 : memref<128xf32, #tpu.memory_space<vmem>>) dst(%dma_wait3A_68 : memref<10240xf32, #tpu.memory_space<vmem_shared>>)
      }
      %scan3A_48 = arith.constant 16 : i32
      %mul3A_49 = arith.constant 160 : i32
      %mul3A_50 = arith.muli %arg1, %mul3A_49 : i32
      "tpu.region"() ({
        %run_scoped3A = tpu.sem_alloc : memref<!tpu.dma_semaphore, #tpu.memory_space<semaphore_mem>>
        %dma_start3A = arith.constant 0 : i32
        %dma_start3A_63 = tpu.memref_slice %arg5[%mul3A_50, %dma_start3A] : memref<2560x128xi32, #tpu.memory_space<hbm>> -> memref<160x128xi32, #tpu.memory_space<hbm>>
        %dma_start3A_64 = arith.constant 0 : i32
        %dma_start3A_65 = tpu.memref_slice %arg5[%mul3A_50, %dma_start3A_64] : memref<2560x128xi32, #tpu.memory_space<hbm>> -> memref<160x128xi32, #tpu.memory_space<hbm>>
        tpu.enqueue_dma source(%dma_start3A_65 : memref<160x128xi32, #tpu.memory_space<hbm>>) target(%arg7 : memref<160x128xi32, #tpu.memory_space<vmem>>) target_semaphore(%run_scoped3A : memref<!tpu.dma_semaphore, #tpu.memory_space<semaphore_mem>>)
        %dma_wait3A = arith.constant 0 : i32
        %dma_wait3A_66 = tpu.memref_slice %arg5[%mul3A_50, %dma_wait3A] : memref<2560x128xi32, #tpu.memory_space<hbm>> -> memref<160x128xi32, #tpu.memory_space<hbm>>
        %dma_wait3A_67 = arith.constant 0 : i32
        %dma_wait3A_68 = tpu.memref_slice %arg5[%mul3A_50, %dma_wait3A_67] : memref<2560x128xi32, #tpu.memory_space<hbm>> -> memref<160x128xi32, #tpu.memory_space<hbm>>
        tpu.wait_dma2 semaphore(%run_scoped3A : memref<!tpu.dma_semaphore, #tpu.memory_space<semaphore_mem>>) src(%dma_wait3A_68 : memref<160x128xi32, #tpu.memory_space<hbm>>) dst(%arg7 : memref<160x128xi32, #tpu.memory_space<vmem>>)
        tpu.yield
      }) : () -> ()
      %scan3A_51 = arith.constant 0 : i32
      %scan3A_52 = arith.constant 0 : i32
      %scan3A_53 = arith.constant 10 : i32
      %scan3A_54 = arith.addi %scan3A_52, %scan3A_53 : i32
      %scan3A_55 = arith.constant 1 : i32
      scf.for %scan3A_63 = %scan3A_52 to %scan3A_54 step %scan3A_55  : i32 {
        %scan3A_64 = arith.constant 0 : i32
        %scan3A_65 = arith.constant 0 : i32
        %scan3A_66 = arith.constant 16 : i32
        %scan3A_67 = arith.addi %scan3A_65, %scan3A_66 : i32
        %scan3A_68 = arith.constant 1 : i32
        scf.for %scan3A_74 = %scan3A_65 to %scan3A_67 step %scan3A_68  : i32 {
          %mul3A_75 = arith.constant 16 : i32
          %mul3A_76 = arith.muli %scan3A_63, %mul3A_75 : i32
          %add3A = arith.addi %mul3A_76, %scan3A_74 : i32
          %dma_start3A = arith.constant 0 : i32
          %dma_start3A_77 = tpu.memref_slice %arg7[%add3A, %dma_start3A] : memref<160x128xi32, #tpu.memory_space<vmem>> -> memref<1x128xi32, #tpu.memory_space<vmem>>
          %dma_start3A_78 = tpu.memref_squeeze %dma_start3A_77 : memref<1x128xi32, #tpu.memory_space<vmem>> -> memref<128xi32, #tpu.memory_space<vmem>>
          %dma_start3A_79 = arith.constant 0 : i32
          %dma_start3A_80 = tpu.memref_slice %arg11[%dma_start3A_79] : memref<10240xf32, #tpu.memory_space<vmem_shared>> -> memref<10240xf32, #tpu.memory_space<vmem_shared>>
          tpu.enqueue_indirect_dma source(%arg8 : memref<128xf32, #tpu.memory_space<vmem>>) target(%dma_start3A_80 : memref<10240xf32, #tpu.memory_space<vmem_shared>>) offsets(%dma_start3A_78 : memref<128xi32, #tpu.memory_space<vmem>>) semaphore(%arg12 : memref<!tpu.dma_semaphore, #tpu.memory_space<semaphore_mem>>) {add = true}
        }
        %scan3A_69 = arith.constant 16 : i32
        %gt3A = arith.constant 0 : i32
        %gt3A_70 = arith.cmpi sgt, %scan3A_63, %gt3A : i32
        %convert_element_type3A_71 = arith.extui %gt3A_70 : i1 to i32
        %cond3A_72 = arith.constant 0 : i32
        %cond3A_73 = arith.cmpi ne, %convert_element_type3A_71, %cond3A_72 : i32
        scf.if %cond3A_73 {
          %scan3A_74 = arith.constant 0 : i32
          %scan3A_75 = arith.constant 0 : i32
          %scan3A_76 = arith.constant 16 : i32
          %scan3A_77 = arith.addi %scan3A_75, %scan3A_76 : i32
          %scan3A_78 = arith.constant 1 : i32
          scf.for %scan3A_80 = %scan3A_75 to %scan3A_77 step %scan3A_78  : i32 {
            %dma_wait3A = arith.constant 0 : i32
            %dma_wait3A_81 = arith.constant 0 : i32
            %dma_wait3A_82 = tpu.memref_slice %arg7[%dma_wait3A, %dma_wait3A_81] : memref<160x128xi32, #tpu.memory_space<vmem>> -> memref<1x128xi32, #tpu.memory_space<vmem>>
            %dma_wait3A_83 = tpu.memref_squeeze %dma_wait3A_82 : memref<1x128xi32, #tpu.memory_space<vmem>> -> memref<128xi32, #tpu.memory_space<vmem>>
            %dma_wait3A_84 = arith.constant 0 : i32
            %dma_wait3A_85 = tpu.memref_slice %arg11[%dma_wait3A_84] : memref<10240xf32, #tpu.memory_space<vmem_shared>> -> memref<10240xf32, #tpu.memory_space<vmem_shared>>
            tpu.wait_indirect_dma semaphore(%arg12 : memref<!tpu.dma_semaphore, #tpu.memory_space<semaphore_mem>>) src(%arg8 : memref<128xf32, #tpu.memory_space<vmem>>) dst(%dma_wait3A_85 : memref<10240xf32, #tpu.memory_space<vmem_shared>>)
          }
          %scan3A_79 = arith.constant 16 : i32
        } else {
        }
      }
      %scan3A_56 = arith.constant 10 : i32
      %scan3A_57 = arith.constant 0 : i32
      %scan3A_58 = arith.constant 0 : i32
      %scan3A_59 = arith.constant 16 : i32
      %scan3A_60 = arith.addi %scan3A_58, %scan3A_59 : i32
      %scan3A_61 = arith.constant 1 : i32
      scf.for %scan3A_63 = %scan3A_58 to %scan3A_60 step %scan3A_61  : i32 {
        %dma_wait3A = arith.constant 0 : i32
        %dma_wait3A_64 = arith.constant 0 : i32
        %dma_wait3A_65 = tpu.memref_slice %arg7[%dma_wait3A, %dma_wait3A_64] : memref<160x128xi32, #tpu.memory_space<vmem>> -> memref<1x128xi32, #tpu.memory_space<vmem>>
        %dma_wait3A_66 = tpu.memref_squeeze %dma_wait3A_65 : memref<1x128xi32, #tpu.memory_space<vmem>> -> memref<128xi32, #tpu.memory_space<vmem>>
        %dma_wait3A_67 = arith.constant 0 : i32
        %dma_wait3A_68 = tpu.memref_slice %arg11[%dma_wait3A_67] : memref<10240xf32, #tpu.memory_space<vmem_shared>> -> memref<10240xf32, #tpu.memory_space<vmem_shared>>
        tpu.wait_indirect_dma semaphore(%arg12 : memref<!tpu.dma_semaphore, #tpu.memory_space<semaphore_mem>>) src(%arg8 : memref<128xf32, #tpu.memory_space<vmem>>) dst(%dma_wait3A_68 : memref<10240xf32, #tpu.memory_space<vmem_shared>>)
      }
      %scan3A_62 = arith.constant 16 : i32
    } else {
    }
    %barrier3A_24 = arith.constant 0 : index
    tpu.barrier barrier_id(%barrier3A_24)
    %eq3A_25 = arith.constant 0 : i32
    %eq3A_26 = arith.cmpi eq, %arg0, %eq3A_25 : i32
    %convert_element_type3A_27 = arith.extui %eq3A_26 : i1 to i32
    %cond3A_28 = arith.constant 0 : i32
    %cond3A_29 = arith.cmpi ne, %convert_element_type3A_27, %cond3A_28 : i32
    scf.if %cond3A_29 {
      %eq3A_35 = arith.constant 0 : i32
      %eq3A_36 = arith.cmpi eq, %arg1, %eq3A_35 : i32
      %convert_element_type3A_37 = arith.extui %eq3A_36 : i1 to i32
      %cond3A_38 = arith.constant 0 : i32
      %cond3A_39 = arith.cmpi ne, %convert_element_type3A_37, %cond3A_38 : i32
      scf.if %cond3A_39 {
        %run_scoped3A = arith.constant 0 : i32
        "tpu.region"() ({
          %run_scoped3A_45 = tpu.sem_alloc : memref<!tpu.dma_semaphore, #tpu.memory_space<semaphore_mem>>
          %dma_start3A = arith.constant 0 : i32
          %dma_start3A_46 = tpu.memref_slice %arg6[%run_scoped3A, %dma_start3A] : memref<4x10240xf32, #tpu.memory_space<hbm>> -> memref<1x10240xf32, #tpu.memory_space<hbm>>
          %dma_start3A_47 = tpu.memref_squeeze %dma_start3A_46 : memref<1x10240xf32, #tpu.memory_space<hbm>> -> memref<10240xf32, #tpu.memory_space<hbm>>
          tpu.enqueue_dma source(%arg10 : memref<10240xf32, #tpu.memory_space<vmem_shared>>) target(%dma_start3A_47 : memref<10240xf32, #tpu.memory_space<hbm>>) target_semaphore(%run_scoped3A_45 : memref<!tpu.dma_semaphore, #tpu.memory_space<semaphore_mem>>)
          %dma_wait3A = arith.constant 0 : i32
          %dma_wait3A_48 = tpu.memref_slice %arg6[%run_scoped3A, %dma_wait3A] : memref<4x10240xf32, #tpu.memory_space<hbm>> -> memref<1x10240xf32, #tpu.memory_space<hbm>>
          %dma_wait3A_49 = tpu.memref_squeeze %dma_wait3A_48 : memref<1x10240xf32, #tpu.memory_space<hbm>> -> memref<10240xf32, #tpu.memory_space<hbm>>
          tpu.wait_dma2 semaphore(%run_scoped3A_45 : memref<!tpu.dma_semaphore, #tpu.memory_space<semaphore_mem>>) src(%arg10 : memref<10240xf32, #tpu.memory_space<vmem_shared>>) dst(%dma_wait3A_49 : memref<10240xf32, #tpu.memory_space<hbm>>)
          tpu.yield
        }) : () -> ()
      } else {
      }
      %eq3A_40 = arith.constant 1 : i32
      %eq3A_41 = arith.cmpi eq, %arg1, %eq3A_40 : i32
      %convert_element_type3A_42 = arith.extui %eq3A_41 : i1 to i32
      %cond3A_43 = arith.constant 0 : i32
      %cond3A_44 = arith.cmpi ne, %convert_element_type3A_42, %cond3A_43 : i32
      scf.if %cond3A_44 {
        %run_scoped3A = arith.constant 1 : i32
        "tpu.region"() ({
          %run_scoped3A_45 = tpu.sem_alloc : memref<!tpu.dma_semaphore, #tpu.memory_space<semaphore_mem>>
          %dma_start3A = arith.constant 0 : i32
          %dma_start3A_46 = tpu.memref_slice %arg6[%run_scoped3A, %dma_start3A] : memref<4x10240xf32, #tpu.memory_space<hbm>> -> memref<1x10240xf32, #tpu.memory_space<hbm>>
          %dma_start3A_47 = tpu.memref_squeeze %dma_start3A_46 : memref<1x10240xf32, #tpu.memory_space<hbm>> -> memref<10240xf32, #tpu.memory_space<hbm>>
          tpu.enqueue_dma source(%arg11 : memref<10240xf32, #tpu.memory_space<vmem_shared>>) target(%dma_start3A_47 : memref<10240xf32, #tpu.memory_space<hbm>>) target_semaphore(%run_scoped3A_45 : memref<!tpu.dma_semaphore, #tpu.memory_space<semaphore_mem>>)
          %dma_wait3A = arith.constant 0 : i32
          %dma_wait3A_48 = tpu.memref_slice %arg6[%run_scoped3A, %dma_wait3A] : memref<4x10240xf32, #tpu.memory_space<hbm>> -> memref<1x10240xf32, #tpu.memory_space<hbm>>
          %dma_wait3A_49 = tpu.memref_squeeze %dma_wait3A_48 : memref<1x10240xf32, #tpu.memory_space<hbm>> -> memref<10240xf32, #tpu.memory_space<hbm>>
          tpu.wait_dma2 semaphore(%run_scoped3A_45 : memref<!tpu.dma_semaphore, #tpu.memory_space<semaphore_mem>>) src(%arg11 : memref<10240xf32, #tpu.memory_space<vmem_shared>>) dst(%dma_wait3A_49 : memref<10240xf32, #tpu.memory_space<hbm>>)
          tpu.yield
        }) : () -> ()
      } else {
      }
    } else {
    }
    %eq3A_30 = arith.constant 1 : i32
    %eq3A_31 = arith.cmpi eq, %arg0, %eq3A_30 : i32
    %convert_element_type3A_32 = arith.extui %eq3A_31 : i1 to i32
    %cond3A_33 = arith.constant 0 : i32
    %cond3A_34 = arith.cmpi ne, %convert_element_type3A_32, %cond3A_33 : i32
    scf.if %cond3A_34 {
      %eq3A_35 = arith.constant 0 : i32
      %eq3A_36 = arith.cmpi eq, %arg1, %eq3A_35 : i32
      %convert_element_type3A_37 = arith.extui %eq3A_36 : i1 to i32
      %cond3A_38 = arith.constant 0 : i32
      %cond3A_39 = arith.cmpi ne, %convert_element_type3A_37, %cond3A_38 : i32
      scf.if %cond3A_39 {
        %run_scoped3A = arith.constant 2 : i32
        "tpu.region"() ({
          %run_scoped3A_45 = tpu.sem_alloc : memref<!tpu.dma_semaphore, #tpu.memory_space<semaphore_mem>>
          %dma_start3A = arith.constant 0 : i32
          %dma_start3A_46 = tpu.memref_slice %arg6[%run_scoped3A, %dma_start3A] : memref<4x10240xf32, #tpu.memory_space<hbm>> -> memref<1x10240xf32, #tpu.memory_space<hbm>>
          %dma_start3A_47 = tpu.memref_squeeze %dma_start3A_46 : memref<1x10240xf32, #tpu.memory_space<hbm>> -> memref<10240xf32, #tpu.memory_space<hbm>>
          tpu.enqueue_dma source(%arg10 : memref<10240xf32, #tpu.memory_space<vmem_shared>>) target(%dma_start3A_47 : memref<10240xf32, #tpu.memory_space<hbm>>) target_semaphore(%run_scoped3A_45 : memref<!tpu.dma_semaphore, #tpu.memory_space<semaphore_mem>>)
          %dma_wait3A = arith.constant 0 : i32
          %dma_wait3A_48 = tpu.memref_slice %arg6[%run_scoped3A, %dma_wait3A] : memref<4x10240xf32, #tpu.memory_space<hbm>> -> memref<1x10240xf32, #tpu.memory_space<hbm>>
          %dma_wait3A_49 = tpu.memref_squeeze %dma_wait3A_48 : memref<1x10240xf32, #tpu.memory_space<hbm>> -> memref<10240xf32, #tpu.memory_space<hbm>>
          tpu.wait_dma2 semaphore(%run_scoped3A_45 : memref<!tpu.dma_semaphore, #tpu.memory_space<semaphore_mem>>) src(%arg10 : memref<10240xf32, #tpu.memory_space<vmem_shared>>) dst(%dma_wait3A_49 : memref<10240xf32, #tpu.memory_space<hbm>>)
          tpu.yield
        }) : () -> ()
      } else {
      }
      %eq3A_40 = arith.constant 1 : i32
      %eq3A_41 = arith.cmpi eq, %arg1, %eq3A_40 : i32
      %convert_element_type3A_42 = arith.extui %eq3A_41 : i1 to i32
      %cond3A_43 = arith.constant 0 : i32
      %cond3A_44 = arith.cmpi ne, %convert_element_type3A_42, %cond3A_43 : i32
      scf.if %cond3A_44 {
        %run_scoped3A = arith.constant 3 : i32
        "tpu.region"() ({
          %run_scoped3A_45 = tpu.sem_alloc : memref<!tpu.dma_semaphore, #tpu.memory_space<semaphore_mem>>
          %dma_start3A = arith.constant 0 : i32
          %dma_start3A_46 = tpu.memref_slice %arg6[%run_scoped3A, %dma_start3A] : memref<4x10240xf32, #tpu.memory_space<hbm>> -> memref<1x10240xf32, #tpu.memory_space<hbm>>
          %dma_start3A_47 = tpu.memref_squeeze %dma_start3A_46 : memref<1x10240xf32, #tpu.memory_space<hbm>> -> memref<10240xf32, #tpu.memory_space<hbm>>
          tpu.enqueue_dma source(%arg11 : memref<10240xf32, #tpu.memory_space<vmem_shared>>) target(%dma_start3A_47 : memref<10240xf32, #tpu.memory_space<hbm>>) target_semaphore(%run_scoped3A_45 : memref<!tpu.dma_semaphore, #tpu.memory_space<semaphore_mem>>)
          %dma_wait3A = arith.constant 0 : i32
          %dma_wait3A_48 = tpu.memref_slice %arg6[%run_scoped3A, %dma_wait3A] : memref<4x10240xf32, #tpu.memory_space<hbm>> -> memref<1x10240xf32, #tpu.memory_space<hbm>>
          %dma_wait3A_49 = tpu.memref_squeeze %dma_wait3A_48 : memref<1x10240xf32, #tpu.memory_space<hbm>> -> memref<10240xf32, #tpu.memory_space<hbm>>
          tpu.wait_dma2 semaphore(%run_scoped3A_45 : memref<!tpu.dma_semaphore, #tpu.memory_space<semaphore_mem>>) src(%arg11 : memref<10240xf32, #tpu.memory_space<vmem_shared>>) dst(%dma_wait3A_49 : memref<10240xf32, #tpu.memory_space<hbm>>)
          tpu.yield
        }) : () -> ()
      } else {
      }
    } else {
    }
    return
  }
}

#map = affine_map<(d0, d1) -> (0, 0)>
module attributes {stable_mosaic.version = 14 : i64} {
  func.func @_agg_body(%arg0: i32, %arg1: i32, %arg2: memref<10032x128xf32, #tpu.memory_space<hbm>>, %arg3: memref<10032x128xf32, #tpu.memory_space<hbm>>, %arg4: memref<10032x128xf32, #tpu.memory_space<hbm>>, %arg5: memref<10032x128xf32, #tpu.memory_space<hbm>>, %arg6: memref<2560x128xi32, #tpu.memory_space<hbm>>, %arg7: memref<2560x128xi32, #tpu.memory_space<hbm>>, %arg8: memref<2560x128xi32, #tpu.memory_space<hbm>>, %arg9: memref<2560x128xi32, #tpu.memory_space<hbm>>, %arg10: memref<2560x128xi32, #tpu.memory_space<hbm>>, %arg11: memref<2560x128xi32, #tpu.memory_space<hbm>>, %arg12: memref<2560x128xi32, #tpu.memory_space<hbm>>, %arg13: memref<2560x128xi32, #tpu.memory_space<hbm>>, %arg14: memref<10240x128xf32, #tpu.memory_space<hbm>>, %arg15: memref<10240x128xf32, #tpu.memory_space<hbm>>, %arg16: memref<10240x128xf32, #tpu.memory_space<hbm>>, %arg17: memref<10240x128xf32, #tpu.memory_space<hbm>>, %arg18: memref<4x10240xf32, #tpu.memory_space<hbm>>, %arg19: memref<32x128xi32, #tpu.memory_space<vmem>>, %arg20: memref<32x128xi32, #tpu.memory_space<vmem>>, %arg21: memref<128x128xf32, #tpu.memory_space<vmem>>, %arg22: memref<128x128xf32, #tpu.memory_space<vmem>>, %arg23: memref<128xf32, #tpu.memory_space<vmem>>, %arg24: memref<640xf32, #tpu.memory_space<vmem>>, %arg25: memref<10240x128xf32, #tpu.memory_space<vmem_shared>>, %arg26: memref<10240xf32, #tpu.memory_space<vmem_shared>>, %arg27: memref<!tpu.dma_semaphore, #tpu.memory_space<semaphore_mem>>, %arg28: memref<!tpu.dma_semaphore, #tpu.memory_space<semaphore_mem>>, %arg29: memref<!tpu.dma_semaphore, #tpu.memory_space<semaphore_mem>>) attributes {dimension_semantics = [#tpu.dimension_semantics<core_parallel>, #tpu.dimension_semantics<subcore_parallel>], iteration_bounds = array<i64: 2, 16>, scalar_prefetch = 0 : i64, scratch_operands = 11 : i64, tpu.core_type = #tpu.core_type<sc_vector_subcore>, window_params = [{transform_indices = #map}, {transform_indices = #map}, {transform_indices = #map}, {transform_indices = #map}, {transform_indices = #map}, {transform_indices = #map}, {transform_indices = #map}, {transform_indices = #map}, {transform_indices = #map}, {transform_indices = #map}, {transform_indices = #map}, {transform_indices = #map}, {transform_indices = #map}, {transform_indices = #map}, {transform_indices = #map}, {transform_indices = #map}, {transform_indices = #map}]} {
    %broadcast_in_dim3A = arith.constant 0.000000e+00 : f32
    %broadcast_in_dim3A_0 = vector.broadcast %broadcast_in_dim3A : f32 to vector<16xf32>
    %broadcast_in_dim3A_1 = arith.constant 1.000000e+00 : f32
    %broadcast_in_dim3A_2 = vector.broadcast %broadcast_in_dim3A_1 : f32 to vector<16xf32>
    %scan3A = arith.constant 0 : i32
    %scan3A_3 = arith.constant 0 : i32
    %scan3A_4 = arith.constant 8 : i32
    %scan3A_5 = arith.addi %scan3A_3, %scan3A_4 : i32
    %scan3A_6 = arith.constant 1 : i32
    scf.for %scan3A_21 = %scan3A_3 to %scan3A_5 step %scan3A_6  : i32 {
      %mul3A = arith.constant 16 : i32
      %mul3A_22 = arith.muli %scan3A_21, %mul3A : i32
      %swap3A = arith.index_cast %mul3A_22 : i32 to index
      %swap3A_23 = tpu.vector_load %arg23[%swap3A] {strides = array<i32>} : memref<128xf32, #tpu.memory_space<vmem>>, vector<16xf32>,
      %swap3A_24 = vector.shape_cast %swap3A_23 : vector<16xf32> to vector<16xf32>
      %swap3A_25 = vector.shape_cast %broadcast_in_dim3A_2 : vector<16xf32> to vector<16xf32>
      tpu.vector_store %arg23[%swap3A], %swap3A_25 {strides = array<i32>} : memref<128xf32, #tpu.memory_space<vmem>>, vector<16xf32>,
    }
    %scan3A_7 = arith.constant 8 : i32
    %scan3A_8 = arith.constant 0 : i32
    %scan3A_9 = arith.constant 0 : i32
    %scan3A_10 = arith.constant 40 : i32
    %scan3A_11 = arith.addi %scan3A_9, %scan3A_10 : i32
    %scan3A_12 = arith.constant 1 : i32
    scf.for %scan3A_21 = %scan3A_9 to %scan3A_11 step %scan3A_12  : i32 {
      %mul3A = arith.constant 16 : i32
      %mul3A_22 = arith.muli %scan3A_21, %mul3A : i32
      %swap3A = arith.index_cast %mul3A_22 : i32 to index
      %swap3A_23 = tpu.vector_load %arg24[%swap3A] {strides = array<i32>} : memref<640xf32, #tpu.memory_space<vmem>>, vector<16xf32>,
      %swap3A_24 = vector.shape_cast %swap3A_23 : vector<16xf32> to vector<16xf32>
      %swap3A_25 = vector.shape_cast %broadcast_in_dim3A_0 : vector<16xf32> to vector<16xf32>
      tpu.vector_store %arg24[%swap3A], %swap3A_25 {strides = array<i32>} : memref<640xf32, #tpu.memory_space<vmem>>, vector<16xf32>,
    }
    %scan3A_13 = arith.constant 40 : i32
    %eq3A = arith.constant 0 : i32
    %eq3A_14 = arith.cmpi eq, %arg0, %eq3A : i32
    %convert_element_type3A = arith.extui %eq3A_14 : i1 to i32
    %cond3A = arith.constant 0 : i32
    %cond3A_15 = arith.cmpi ne, %convert_element_type3A, %cond3A : i32
    scf.if %cond3A_15 {
      %scan3A_21 = arith.constant 0 : i32
      %scan3A_22 = arith.constant 0 : i32
      %scan3A_23 = arith.constant 128 : i32
      %scan3A_24 = arith.addi %scan3A_22, %scan3A_23 : i32
      %scan3A_25 = arith.constant 1 : i32
      scf.for %scan3A_96 = %scan3A_22 to %scan3A_24 step %scan3A_25  : i32 {
        %swap3A = arith.index_cast %scan3A_96 : i32 to index
        %swap3A_97 = arith.constant 0 : index
        %swap3A_98 = tpu.vector_load %arg21[%swap3A, %swap3A_97] {strides = array<i32>} : memref<128x128xf32, #tpu.memory_space<vmem>>, vector<1x16xf32>,
        %swap3A_99 = vector.shape_cast %swap3A_98 : vector<1x16xf32> to vector<16xf32>
        %swap3A_100 = vector.shape_cast %broadcast_in_dim3A_0 : vector<16xf32> to vector<1x16xf32>
        tpu.vector_store %arg21[%swap3A, %swap3A_97], %swap3A_100 {strides = array<i32>} : memref<128x128xf32, #tpu.memory_space<vmem>>, vector<1x16xf32>,
        %swap3A_101 = arith.index_cast %scan3A_96 : i32 to index
        %swap3A_102 = arith.constant 16 : index
        %swap3A_103 = tpu.vector_load %arg21[%swap3A_101, %swap3A_102] {strides = array<i32>} : memref<128x128xf32, #tpu.memory_space<vmem>>, vector<1x16xf32>,
        %swap3A_104 = vector.shape_cast %swap3A_103 : vector<1x16xf32> to vector<16xf32>
        %swap3A_105 = vector.shape_cast %broadcast_in_dim3A_0 : vector<16xf32> to vector<1x16xf32>
        tpu.vector_store %arg21[%swap3A_101, %swap3A_102], %swap3A_105 {strides = array<i32>} : memref<128x128xf32, #tpu.memory_space<vmem>>, vector<1x16xf32>,
        %swap3A_106 = arith.index_cast %scan3A_96 : i32 to index
        %swap3A_107 = arith.constant 32 : index
        %swap3A_108 = tpu.vector_load %arg21[%swap3A_106, %swap3A_107] {strides = array<i32>} : memref<128x128xf32, #tpu.memory_space<vmem>>, vector<1x16xf32>,
        %swap3A_109 = vector.shape_cast %swap3A_108 : vector<1x16xf32> to vector<16xf32>
        %swap3A_110 = vector.shape_cast %broadcast_in_dim3A_0 : vector<16xf32> to vector<1x16xf32>
        tpu.vector_store %arg21[%swap3A_106, %swap3A_107], %swap3A_110 {strides = array<i32>} : memref<128x128xf32, #tpu.memory_space<vmem>>, vector<1x16xf32>,
        %swap3A_111 = arith.index_cast %scan3A_96 : i32 to index
        %swap3A_112 = arith.constant 48 : index
        %swap3A_113 = tpu.vector_load %arg21[%swap3A_111, %swap3A_112] {strides = array<i32>} : memref<128x128xf32, #tpu.memory_space<vmem>>, vector<1x16xf32>,
        %swap3A_114 = vector.shape_cast %swap3A_113 : vector<1x16xf32> to vector<16xf32>
        %swap3A_115 = vector.shape_cast %broadcast_in_dim3A_0 : vector<16xf32> to vector<1x16xf32>
        tpu.vector_store %arg21[%swap3A_111, %swap3A_112], %swap3A_115 {strides = array<i32>} : memref<128x128xf32, #tpu.memory_space<vmem>>, vector<1x16xf32>,
        %swap3A_116 = arith.index_cast %scan3A_96 : i32 to index
        %swap3A_117 = arith.constant 64 : index
        %swap3A_118 = tpu.vector_load %arg21[%swap3A_116, %swap3A_117] {strides = array<i32>} : memref<128x128xf32, #tpu.memory_space<vmem>>, vector<1x16xf32>,
        %swap3A_119 = vector.shape_cast %swap3A_118 : vector<1x16xf32> to vector<16xf32>
        %swap3A_120 = vector.shape_cast %broadcast_in_dim3A_0 : vector<16xf32> to vector<1x16xf32>
        tpu.vector_store %arg21[%swap3A_116, %swap3A_117], %swap3A_120 {strides = array<i32>} : memref<128x128xf32, #tpu.memory_space<vmem>>, vector<1x16xf32>,
        %swap3A_121 = arith.index_cast %scan3A_96 : i32 to index
        %swap3A_122 = arith.constant 80 : index
        %swap3A_123 = tpu.vector_load %arg21[%swap3A_121, %swap3A_122] {strides = array<i32>} : memref<128x128xf32, #tpu.memory_space<vmem>>, vector<1x16xf32>,
        %swap3A_124 = vector.shape_cast %swap3A_123 : vector<1x16xf32> to vector<16xf32>
        %swap3A_125 = vector.shape_cast %broadcast_in_dim3A_0 : vector<16xf32> to vector<1x16xf32>
        tpu.vector_store %arg21[%swap3A_121, %swap3A_122], %swap3A_125 {strides = array<i32>} : memref<128x128xf32, #tpu.memory_space<vmem>>, vector<1x16xf32>,
        %swap3A_126 = arith.index_cast %scan3A_96 : i32 to index
        %swap3A_127 = arith.constant 96 : index
        %swap3A_128 = tpu.vector_load %arg21[%swap3A_126, %swap3A_127] {strides = array<i32>} : memref<128x128xf32, #tpu.memory_space<vmem>>, vector<1x16xf32>,
        %swap3A_129 = vector.shape_cast %swap3A_128 : vector<1x16xf32> to vector<16xf32>
        %swap3A_130 = vector.shape_cast %broadcast_in_dim3A_0 : vector<16xf32> to vector<1x16xf32>
        tpu.vector_store %arg21[%swap3A_126, %swap3A_127], %swap3A_130 {strides = array<i32>} : memref<128x128xf32, #tpu.memory_space<vmem>>, vector<1x16xf32>,
        %swap3A_131 = arith.index_cast %scan3A_96 : i32 to index
        %swap3A_132 = arith.constant 112 : index
        %swap3A_133 = tpu.vector_load %arg21[%swap3A_131, %swap3A_132] {strides = array<i32>} : memref<128x128xf32, #tpu.memory_space<vmem>>, vector<1x16xf32>,
        %swap3A_134 = vector.shape_cast %swap3A_133 : vector<1x16xf32> to vector<16xf32>
        %swap3A_135 = vector.shape_cast %broadcast_in_dim3A_0 : vector<16xf32> to vector<1x16xf32>
        tpu.vector_store %arg21[%swap3A_131, %swap3A_132], %swap3A_135 {strides = array<i32>} : memref<128x128xf32, #tpu.memory_space<vmem>>, vector<1x16xf32>,
      }
      %scan3A_26 = arith.constant 128 : i32
      %mul3A = arith.constant 640 : i32
      %mul3A_27 = arith.muli %arg1, %mul3A : i32
      %add3A = arith.constant 0 : i32
      %add3A_28 = arith.addi %mul3A_27, %add3A : i32
      "tpu.region"() ({
        %run_scoped3A_96 = tpu.sem_alloc : memref<!tpu.dma_semaphore, #tpu.memory_space<semaphore_mem>>
        %dma_start3A = arith.constant 0 : i32
        %dma_start3A_97 = tpu.memref_slice %arg25[%add3A_28, %dma_start3A] : memref<10240x128xf32, #tpu.memory_space<vmem_shared>> -> memref<128x128xf32, #tpu.memory_space<vmem_shared>>
        %dma_start3A_98 = arith.constant 0 : i32
        %dma_start3A_99 = tpu.memref_slice %arg25[%add3A_28, %dma_start3A_98] : memref<10240x128xf32, #tpu.memory_space<vmem_shared>> -> memref<128x128xf32, #tpu.memory_space<vmem_shared>>
        tpu.enqueue_dma source(%arg21 : memref<128x128xf32, #tpu.memory_space<vmem>>) target(%dma_start3A_99 : memref<128x128xf32, #tpu.memory_space<vmem_shared>>) target_semaphore(%run_scoped3A_96 : memref<!tpu.dma_semaphore, #tpu.memory_space<semaphore_mem>>)
        %dma_wait3A_100 = arith.constant 0 : i32
        %dma_wait3A_101 = tpu.memref_slice %arg25[%add3A_28, %dma_wait3A_100] : memref<10240x128xf32, #tpu.memory_space<vmem_shared>> -> memref<128x128xf32, #tpu.memory_space<vmem_shared>>
        %dma_wait3A_102 = arith.constant 0 : i32
        %dma_wait3A_103 = tpu.memref_slice %arg25[%add3A_28, %dma_wait3A_102] : memref<10240x128xf32, #tpu.memory_space<vmem_shared>> -> memref<128x128xf32, #tpu.memory_space<vmem_shared>>
        tpu.wait_dma2 semaphore(%run_scoped3A_96 : memref<!tpu.dma_semaphore, #tpu.memory_space<semaphore_mem>>) src(%arg21 : memref<128x128xf32, #tpu.memory_space<vmem>>) dst(%dma_wait3A_103 : memref<128x128xf32, #tpu.memory_space<vmem_shared>>)
        tpu.yield
      }) : () -> ()
      %add3A_29 = arith.constant 128 : i32
      %add3A_30 = arith.addi %mul3A_27, %add3A_29 : i32
      "tpu.region"() ({
        %run_scoped3A_96 = tpu.sem_alloc : memref<!tpu.dma_semaphore, #tpu.memory_space<semaphore_mem>>
        %dma_start3A = arith.constant 0 : i32
        %dma_start3A_97 = tpu.memref_slice %arg25[%add3A_30, %dma_start3A] : memref<10240x128xf32, #tpu.memory_space<vmem_shared>> -> memref<128x128xf32, #tpu.memory_space<vmem_shared>>
        %dma_start3A_98 = arith.constant 0 : i32
        %dma_start3A_99 = tpu.memref_slice %arg25[%add3A_30, %dma_start3A_98] : memref<10240x128xf32, #tpu.memory_space<vmem_shared>> -> memref<128x128xf32, #tpu.memory_space<vmem_shared>>
        tpu.enqueue_dma source(%arg21 : memref<128x128xf32, #tpu.memory_space<vmem>>) target(%dma_start3A_99 : memref<128x128xf32, #tpu.memory_space<vmem_shared>>) target_semaphore(%run_scoped3A_96 : memref<!tpu.dma_semaphore, #tpu.memory_space<semaphore_mem>>)
        %dma_wait3A_100 = arith.constant 0 : i32
        %dma_wait3A_101 = tpu.memref_slice %arg25[%add3A_30, %dma_wait3A_100] : memref<10240x128xf32, #tpu.memory_space<vmem_shared>> -> memref<128x128xf32, #tpu.memory_space<vmem_shared>>
        %dma_wait3A_102 = arith.constant 0 : i32
        %dma_wait3A_103 = tpu.memref_slice %arg25[%add3A_30, %dma_wait3A_102] : memref<10240x128xf32, #tpu.memory_space<vmem_shared>> -> memref<128x128xf32, #tpu.memory_space<vmem_shared>>
        tpu.wait_dma2 semaphore(%run_scoped3A_96 : memref<!tpu.dma_semaphore, #tpu.memory_space<semaphore_mem>>) src(%arg21 : memref<128x128xf32, #tpu.memory_space<vmem>>) dst(%dma_wait3A_103 : memref<128x128xf32, #tpu.memory_space<vmem_shared>>)
        tpu.yield
      }) : () -> ()
      %add3A_31 = arith.constant 256 : i32
      %add3A_32 = arith.addi %mul3A_27, %add3A_31 : i32
      "tpu.region"() ({
        %run_scoped3A_96 = tpu.sem_alloc : memref<!tpu.dma_semaphore, #tpu.memory_space<semaphore_mem>>
        %dma_start3A = arith.constant 0 : i32
        %dma_start3A_97 = tpu.memref_slice %arg25[%add3A_32, %dma_start3A] : memref<10240x128xf32, #tpu.memory_space<vmem_shared>> -> memref<128x128xf32, #tpu.memory_space<vmem_shared>>
        %dma_start3A_98 = arith.constant 0 : i32
        %dma_start3A_99 = tpu.memref_slice %arg25[%add3A_32, %dma_start3A_98] : memref<10240x128xf32, #tpu.memory_space<vmem_shared>> -> memref<128x128xf32, #tpu.memory_space<vmem_shared>>
        tpu.enqueue_dma source(%arg21 : memref<128x128xf32, #tpu.memory_space<vmem>>) target(%dma_start3A_99 : memref<128x128xf32, #tpu.memory_space<vmem_shared>>) target_semaphore(%run_scoped3A_96 : memref<!tpu.dma_semaphore, #tpu.memory_space<semaphore_mem>>)
        %dma_wait3A_100 = arith.constant 0 : i32
        %dma_wait3A_101 = tpu.memref_slice %arg25[%add3A_32, %dma_wait3A_100] : memref<10240x128xf32, #tpu.memory_space<vmem_shared>> -> memref<128x128xf32, #tpu.memory_space<vmem_shared>>
        %dma_wait3A_102 = arith.constant 0 : i32
        %dma_wait3A_103 = tpu.memref_slice %arg25[%add3A_32, %dma_wait3A_102] : memref<10240x128xf32, #tpu.memory_space<vmem_shared>> -> memref<128x128xf32, #tpu.memory_space<vmem_shared>>
        tpu.wait_dma2 semaphore(%run_scoped3A_96 : memref<!tpu.dma_semaphore, #tpu.memory_space<semaphore_mem>>) src(%arg21 : memref<128x128xf32, #tpu.memory_space<vmem>>) dst(%dma_wait3A_103 : memref<128x128xf32, #tpu.memory_space<vmem_shared>>)
        tpu.yield
      }) : () -> ()
      %add3A_33 = arith.constant 384 : i32
      %add3A_34 = arith.addi %mul3A_27, %add3A_33 : i32
      "tpu.region"() ({
        %run_scoped3A_96 = tpu.sem_alloc : memref<!tpu.dma_semaphore, #tpu.memory_space<semaphore_mem>>
        %dma_start3A = arith.constant 0 : i32
        %dma_start3A_97 = tpu.memref_slice %arg25[%add3A_34, %dma_start3A] : memref<10240x128xf32, #tpu.memory_space<vmem_shared>> -> memref<128x128xf32, #tpu.memory_space<vmem_shared>>
        %dma_start3A_98 = arith.constant 0 : i32
        %dma_start3A_99 = tpu.memref_slice %arg25[%add3A_34, %dma_start3A_98] : memref<10240x128xf32, #tpu.memory_space<vmem_shared>> -> memref<128x128xf32, #tpu.memory_space<vmem_shared>>
        tpu.enqueue_dma source(%arg21 : memref<128x128xf32, #tpu.memory_space<vmem>>) target(%dma_start3A_99 : memref<128x128xf32, #tpu.memory_space<vmem_shared>>) target_semaphore(%run_scoped3A_96 : memref<!tpu.dma_semaphore, #tpu.memory_space<semaphore_mem>>)
        %dma_wait3A_100 = arith.constant 0 : i32
        %dma_wait3A_101 = tpu.memref_slice %arg25[%add3A_34, %dma_wait3A_100] : memref<10240x128xf32, #tpu.memory_space<vmem_shared>> -> memref<128x128xf32, #tpu.memory_space<vmem_shared>>
        %dma_wait3A_102 = arith.constant 0 : i32
        %dma_wait3A_103 = tpu.memref_slice %arg25[%add3A_34, %dma_wait3A_102] : memref<10240x128xf32, #tpu.memory_space<vmem_shared>> -> memref<128x128xf32, #tpu.memory_space<vmem_shared>>
        tpu.wait_dma2 semaphore(%run_scoped3A_96 : memref<!tpu.dma_semaphore, #tpu.memory_space<semaphore_mem>>) src(%arg21 : memref<128x128xf32, #tpu.memory_space<vmem>>) dst(%dma_wait3A_103 : memref<128x128xf32, #tpu.memory_space<vmem_shared>>)
        tpu.yield
      }) : () -> ()
      %add3A_35 = arith.constant 512 : i32
      %add3A_36 = arith.addi %mul3A_27, %add3A_35 : i32
      "tpu.region"() ({
        %run_scoped3A_96 = tpu.sem_alloc : memref<!tpu.dma_semaphore, #tpu.memory_space<semaphore_mem>>
        %dma_start3A = arith.constant 0 : i32
        %dma_start3A_97 = tpu.memref_slice %arg25[%add3A_36, %dma_start3A] : memref<10240x128xf32, #tpu.memory_space<vmem_shared>> -> memref<128x128xf32, #tpu.memory_space<vmem_shared>>
        %dma_start3A_98 = arith.constant 0 : i32
        %dma_start3A_99 = tpu.memref_slice %arg25[%add3A_36, %dma_start3A_98] : memref<10240x128xf32, #tpu.memory_space<vmem_shared>> -> memref<128x128xf32, #tpu.memory_space<vmem_shared>>
        tpu.enqueue_dma source(%arg21 : memref<128x128xf32, #tpu.memory_space<vmem>>) target(%dma_start3A_99 : memref<128x128xf32, #tpu.memory_space<vmem_shared>>) target_semaphore(%run_scoped3A_96 : memref<!tpu.dma_semaphore, #tpu.memory_space<semaphore_mem>>)
        %dma_wait3A_100 = arith.constant 0 : i32
        %dma_wait3A_101 = tpu.memref_slice %arg25[%add3A_36, %dma_wait3A_100] : memref<10240x128xf32, #tpu.memory_space<vmem_shared>> -> memref<128x128xf32, #tpu.memory_space<vmem_shared>>
        %dma_wait3A_102 = arith.constant 0 : i32
        %dma_wait3A_103 = tpu.memref_slice %arg25[%add3A_36, %dma_wait3A_102] : memref<10240x128xf32, #tpu.memory_space<vmem_shared>> -> memref<128x128xf32, #tpu.memory_space<vmem_shared>>
        tpu.wait_dma2 semaphore(%run_scoped3A_96 : memref<!tpu.dma_semaphore, #tpu.memory_space<semaphore_mem>>) src(%arg21 : memref<128x128xf32, #tpu.memory_space<vmem>>) dst(%dma_wait3A_103 : memref<128x128xf32, #tpu.memory_space<vmem_shared>>)
        tpu.yield
      }) : () -> ()
      %mul3A_37 = arith.constant 640 : i32
      %mul3A_38 = arith.muli %arg1, %mul3A_37 : i32
      "tpu.region"() ({
        %run_scoped3A_96 = tpu.sem_alloc : memref<!tpu.dma_semaphore, #tpu.memory_space<semaphore_mem>>
        %dma_start3A = tpu.memref_slice %arg26[%mul3A_38] : memref<10240xf32, #tpu.memory_space<vmem_shared>> -> memref<640xf32, #tpu.memory_space<vmem_shared>>
        %dma_start3A_97 = tpu.memref_slice %arg26[%mul3A_38] : memref<10240xf32, #tpu.memory_space<vmem_shared>> -> memref<640xf32, #tpu.memory_space<vmem_shared>>
        tpu.enqueue_dma source(%arg24 : memref<640xf32, #tpu.memory_space<vmem>>) target(%dma_start3A_97 : memref<640xf32, #tpu.memory_space<vmem_shared>>) target_semaphore(%run_scoped3A_96 : memref<!tpu.dma_semaphore, #tpu.memory_space<semaphore_mem>>)
        %dma_wait3A_98 = tpu.memref_slice %arg26[%mul3A_38] : memref<10240xf32, #tpu.memory_space<vmem_shared>> -> memref<640xf32, #tpu.memory_space<vmem_shared>>
        %dma_wait3A_99 = tpu.memref_slice %arg26[%mul3A_38] : memref<10240xf32, #tpu.memory_space<vmem_shared>> -> memref<640xf32, #tpu.memory_space<vmem_shared>>
        tpu.wait_dma2 semaphore(%run_scoped3A_96 : memref<!tpu.dma_semaphore, #tpu.memory_space<semaphore_mem>>) src(%arg24 : memref<640xf32, #tpu.memory_space<vmem>>) dst(%dma_wait3A_99 : memref<640xf32, #tpu.memory_space<vmem_shared>>)
        tpu.yield
      }) : () -> ()
      %barrier3A = arith.constant 0 : index
      tpu.barrier barrier_id(%barrier3A)
      %scan3A_39 = arith.constant 0 : i32
      %scan3A_40 = arith.constant 0 : i32
      %scan3A_41 = arith.constant 5 : i32
      %scan3A_42 = arith.addi %scan3A_40, %scan3A_41 : i32
      %scan3A_43 = arith.constant 1 : i32
      scf.for %scan3A_96 = %scan3A_40 to %scan3A_42 step %scan3A_43  : i32 {
        %mul3A_97 = arith.constant 160 : i32
        %mul3A_98 = arith.muli %arg1, %mul3A_97 : i32
        %mul3A_99 = arith.constant 32 : i32
        %mul3A_100 = arith.muli %scan3A_96, %mul3A_99 : i32
        %add3A_101 = arith.addi %mul3A_98, %mul3A_100 : i32
        "tpu.region"() ({
          %run_scoped3A_114 = tpu.sem_alloc : memref<!tpu.dma_semaphore, #tpu.memory_space<semaphore_mem>>
          %dma_start3A_115 = arith.constant 0 : i32
          %dma_start3A_116 = tpu.memref_slice %arg6[%add3A_101, %dma_start3A_115] : memref<2560x128xi32, #tpu.memory_space<hbm>> -> memref<32x128xi32, #tpu.memory_space<hbm>>
          %dma_start3A_117 = arith.constant 0 : i32
          %dma_start3A_118 = tpu.memref_slice %arg6[%add3A_101, %dma_start3A_117] : memref<2560x128xi32, #tpu.memory_space<hbm>> -> memref<32x128xi32, #tpu.memory_space<hbm>>
          tpu.enqueue_dma source(%dma_start3A_118 : memref<32x128xi32, #tpu.memory_space<hbm>>) target(%arg19 : memref<32x128xi32, #tpu.memory_space<vmem>>) target_semaphore(%run_scoped3A_114 : memref<!tpu.dma_semaphore, #tpu.memory_space<semaphore_mem>>)
          %dma_wait3A_119 = arith.constant 0 : i32
          %dma_wait3A_120 = tpu.memref_slice %arg6[%add3A_101, %dma_wait3A_119] : memref<2560x128xi32, #tpu.memory_space<hbm>> -> memref<32x128xi32, #tpu.memory_space<hbm>>
          %dma_wait3A_121 = arith.constant 0 : i32
          %dma_wait3A_122 = tpu.memref_slice %arg6[%add3A_101, %dma_wait3A_121] : memref<2560x128xi32, #tpu.memory_space<hbm>> -> memref<32x128xi32, #tpu.memory_space<hbm>>
          tpu.wait_dma2 semaphore(%run_scoped3A_114 : memref<!tpu.dma_semaphore, #tpu.memory_space<semaphore_mem>>) src(%dma_wait3A_122 : memref<32x128xi32, #tpu.memory_space<hbm>>) dst(%arg19 : memref<32x128xi32, #tpu.memory_space<vmem>>)
          tpu.yield
        }) : () -> ()
        "tpu.region"() ({
          %run_scoped3A_114 = tpu.sem_alloc : memref<!tpu.dma_semaphore, #tpu.memory_space<semaphore_mem>>
          %dma_start3A_115 = arith.constant 0 : i32
          %dma_start3A_116 = tpu.memref_slice %arg10[%add3A_101, %dma_start3A_115] : memref<2560x128xi32, #tpu.memory_space<hbm>> -> memref<32x128xi32, #tpu.memory_space<hbm>>
          %dma_start3A_117 = arith.constant 0 : i32
          %dma_start3A_118 = tpu.memref_slice %arg10[%add3A_101, %dma_start3A_117] : memref<2560x128xi32, #tpu.memory_space<hbm>> -> memref<32x128xi32, #tpu.memory_space<hbm>>
          tpu.enqueue_dma source(%dma_start3A_118 : memref<32x128xi32, #tpu.memory_space<hbm>>) target(%arg20 : memref<32x128xi32, #tpu.memory_space<vmem>>) target_semaphore(%run_scoped3A_114 : memref<!tpu.dma_semaphore, #tpu.memory_space<semaphore_mem>>)
          %dma_wait3A_119 = arith.constant 0 : i32
          %dma_wait3A_120 = tpu.memref_slice %arg10[%add3A_101, %dma_wait3A_119] : memref<2560x128xi32, #tpu.memory_space<hbm>> -> memref<32x128xi32, #tpu.memory_space<hbm>>
          %dma_wait3A_121 = arith.constant 0 : i32
          %dma_wait3A_122 = tpu.memref_slice %arg10[%add3A_101, %dma_wait3A_121] : memref<2560x128xi32, #tpu.memory_space<hbm>> -> memref<32x128xi32, #tpu.memory_space<hbm>>
          tpu.wait_dma2 semaphore(%run_scoped3A_114 : memref<!tpu.dma_semaphore, #tpu.memory_space<semaphore_mem>>) src(%dma_wait3A_122 : memref<32x128xi32, #tpu.memory_space<hbm>>) dst(%arg20 : memref<32x128xi32, #tpu.memory_space<vmem>>)
          tpu.yield
        }) : () -> ()
        %dma_start3A = arith.constant 0 : i32
        %dma_start3A_102 = arith.constant 0 : i32
        %dma_start3A_103 = tpu.memref_slice %arg19[%dma_start3A, %dma_start3A_102] : memref<32x128xi32, #tpu.memory_space<vmem>> -> memref<1x128xi32, #tpu.memory_space<vmem>>
        %dma_start3A_104 = tpu.memref_squeeze %dma_start3A_103 : memref<1x128xi32, #tpu.memory_space<vmem>> -> memref<128xi32, #tpu.memory_space<vmem>>
        %dma_start3A_105 = arith.constant 0 : i32
        %dma_start3A_106 = arith.constant 0 : i32
        %dma_start3A_107 = tpu.memref_slice %arg2[%dma_start3A_105, %dma_start3A_106] : memref<10032x128xf32, #tpu.memory_space<hbm>> -> memref<10032x128xf32, #tpu.memory_space<hbm>>
        tpu.enqueue_indirect_dma source(%dma_start3A_107 : memref<10032x128xf32, #tpu.memory_space<hbm>>) target(%arg21 : memref<128x128xf32, #tpu.memory_space<vmem>>) offsets(%dma_start3A_104 : memref<128xi32, #tpu.memory_space<vmem>>) semaphore(%arg27 : memref<!tpu.dma_semaphore, #tpu.memory_space<semaphore_mem>>)
        %scan3A_108 = arith.constant 0 : i32
        %scan3A_109 = arith.constant 0 : i32
        %scan3A_110 = arith.constant 16 : i32
        %scan3A_111 = arith.addi %scan3A_109, %scan3A_110 : i32
        %scan3A_112 = arith.constant 1 : i32
        scf.for %scan3A_114 = %scan3A_109 to %scan3A_111 step %scan3A_112  : i32 {
          %eq3A_115 = arith.constant 0 : i32
          %eq3A_116 = arith.cmpi eq, %scan3A_96, %eq3A_115 : i32
          %eq3A_117 = arith.constant 0 : i32
          %eq3A_118 = arith.cmpi eq, %scan3A_114, %eq3A_117 : i32
          %and3A = arith.andi %eq3A_116, %eq3A_118 : i1
          %dma_wait3A_119 = arith.constant 0 : i32
          %dma_wait3A_120 = arith.constant 0 : i32
          %dma_wait3A_121 = tpu.memref_slice %arg19[%dma_wait3A_119, %dma_wait3A_120] : memref<32x128xi32, #tpu.memory_space<vmem>> -> memref<1x128xi32, #tpu.memory_space<vmem>>
          %dma_wait3A_122 = tpu.memref_squeeze %dma_wait3A_121 : memref<1x128xi32, #tpu.memory_space<vmem>> -> memref<128xi32, #tpu.memory_space<vmem>>
          %dma_wait3A_123 = arith.constant 0 : i32
          %dma_wait3A_124 = arith.constant 0 : i32
          %dma_wait3A_125 = tpu.memref_slice %arg2[%dma_wait3A_123, %dma_wait3A_124] : memref<10032x128xf32, #tpu.memory_space<hbm>> -> memref<10032x128xf32, #tpu.memory_space<hbm>>
          tpu.wait_indirect_dma semaphore(%arg27 : memref<!tpu.dma_semaphore, #tpu.memory_space<semaphore_mem>>) src(%dma_wait3A_125 : memref<10032x128xf32, #tpu.memory_space<hbm>>) dst(%arg21 : memref<128x128xf32, #tpu.memory_space<vmem>>)
          %mul3A_126 = arith.constant 2 : i32
          %mul3A_127 = arith.muli %mul3A_126, %scan3A_114 : i32
          %add3A_128 = arith.constant 1 : i32
          %add3A_129 = arith.addi %mul3A_127, %add3A_128 : i32
          %dma_start3A_130 = arith.constant 0 : i32
          %dma_start3A_131 = tpu.memref_slice %arg19[%add3A_129, %dma_start3A_130] : memref<32x128xi32, #tpu.memory_space<vmem>> -> memref<1x128xi32, #tpu.memory_space<vmem>>
          %dma_start3A_132 = tpu.memref_squeeze %dma_start3A_131 : memref<1x128xi32, #tpu.memory_space<vmem>> -> memref<128xi32, #tpu.memory_space<vmem>>
          %dma_start3A_133 = arith.constant 0 : i32
          %dma_start3A_134 = arith.constant 0 : i32
          %dma_start3A_135 = tpu.memref_slice %arg2[%dma_start3A_133, %dma_start3A_134] : memref<10032x128xf32, #tpu.memory_space<hbm>> -> memref<10032x128xf32, #tpu.memory_space<hbm>>
          tpu.enqueue_indirect_dma source(%dma_start3A_135 : memref<10032x128xf32, #tpu.memory_space<hbm>>) target(%arg22 : memref<128x128xf32, #tpu.memory_space<vmem>>) offsets(%dma_start3A_132 : memref<128xi32, #tpu.memory_space<vmem>>) semaphore(%arg28 : memref<!tpu.dma_semaphore, #tpu.memory_space<semaphore_mem>>)
          %mul3A_136 = arith.constant 2 : i32
          %mul3A_137 = arith.muli %mul3A_136, %scan3A_114 : i32
          "tpu.region"() ({
            %run_scoped3A_179 = tpu.sem_alloc : memref<!tpu.dma_semaphore, #tpu.memory_space<semaphore_mem>>
            %dma_start3A_180 = arith.constant 0 : i32
            %dma_start3A_181 = tpu.memref_slice %arg20[%mul3A_137, %dma_start3A_180] : memref<32x128xi32, #tpu.memory_space<vmem>> -> memref<1x128xi32, #tpu.memory_space<vmem>>
            %dma_start3A_182 = tpu.memref_squeeze %dma_start3A_181 : memref<1x128xi32, #tpu.memory_space<vmem>> -> memref<128xi32, #tpu.memory_space<vmem>>
            %dma_start3A_183 = arith.constant 0 : i32
            %dma_start3A_184 = arith.constant 0 : i32
            %dma_start3A_185 = tpu.memref_slice %arg25[%dma_start3A_183, %dma_start3A_184] : memref<10240x128xf32, #tpu.memory_space<vmem_shared>> -> memref<10240x128xf32, #tpu.memory_space<vmem_shared>>
            tpu.enqueue_indirect_dma source(%arg21 : memref<128x128xf32, #tpu.memory_space<vmem>>) target(%dma_start3A_185 : memref<10240x128xf32, #tpu.memory_space<vmem_shared>>) offsets(%dma_start3A_182 : memref<128xi32, #tpu.memory_space<vmem>>) semaphore(%run_scoped3A_179 : memref<!tpu.dma_semaphore, #tpu.memory_space<semaphore_mem>>) {add = true}
            %dma_wait3A_186 = arith.constant 0 : i32
            %dma_wait3A_187 = tpu.memref_slice %arg20[%mul3A_137, %dma_wait3A_186] : memref<32x128xi32, #tpu.memory_space<vmem>> -> memref<1x128xi32, #tpu.memory_space<vmem>>
            %dma_wait3A_188 = tpu.memref_squeeze %dma_wait3A_187 : memref<1x128xi32, #tpu.memory_space<vmem>> -> memref<128xi32, #tpu.memory_space<vmem>>
            %dma_wait3A_189 = arith.constant 0 : i32
            %dma_wait3A_190 = arith.constant 0 : i32
            %dma_wait3A_191 = tpu.memref_slice %arg25[%dma_wait3A_189, %dma_wait3A_190] : memref<10240x128xf32, #tpu.memory_space<vmem_shared>> -> memref<10240x128xf32, #tpu.memory_space<vmem_shared>>
            tpu.wait_indirect_dma semaphore(%run_scoped3A_179 : memref<!tpu.dma_semaphore, #tpu.memory_space<semaphore_mem>>) src(%arg21 : memref<128x128xf32, #tpu.memory_space<vmem>>) dst(%dma_wait3A_191 : memref<10240x128xf32, #tpu.memory_space<vmem_shared>>)
            tpu.yield
          }) : () -> ()
          %not3A = arith.constant true
          %not3A_138 = arith.xori %and3A, %not3A : i1
          %convert_element_type3A_139 = arith.extui %not3A_138 : i1 to i32
          %cond3A_140 = arith.constant 0 : i32
          %cond3A_141 = arith.cmpi ne, %convert_element_type3A_139, %cond3A_140 : i32
          scf.if %cond3A_141 {
            %dma_wait3A_179 = arith.constant 0 : i32
            %dma_wait3A_180 = arith.constant 0 : i32
            %dma_wait3A_181 = tpu.memref_slice %arg20[%dma_wait3A_179, %dma_wait3A_180] : memref<32x128xi32, #tpu.memory_space<vmem>> -> memref<1x128xi32, #tpu.memory_space<vmem>>
            %dma_wait3A_182 = tpu.memref_squeeze %dma_wait3A_181 : memref<1x128xi32, #tpu.memory_space<vmem>> -> memref<128xi32, #tpu.memory_space<vmem>>
            %dma_wait3A_183 = arith.constant 0 : i32
            %dma_wait3A_184 = tpu.memref_slice %arg26[%dma_wait3A_183] : memref<10240xf32, #tpu.memory_space<vmem_shared>> -> memref<10240xf32, #tpu.memory_space<vmem_shared>>
            tpu.wait_indirect_dma semaphore(%arg29 : memref<!tpu.dma_semaphore, #tpu.memory_space<semaphore_mem>>) src(%arg23 : memref<128xf32, #tpu.memory_space<vmem>>) dst(%dma_wait3A_184 : memref<10240xf32, #tpu.memory_space<vmem_shared>>)
          } else {
          }
          %mul3A_142 = arith.constant 2 : i32
          %mul3A_143 = arith.muli %mul3A_142, %scan3A_114 : i32
          %dma_start3A_144 = arith.constant 0 : i32
          %dma_start3A_145 = tpu.memref_slice %arg20[%mul3A_143, %dma_start3A_144] : memref<32x128xi32, #tpu.memory_space<vmem>> -> memref<1x128xi32, #tpu.memory_space<vmem>>
          %dma_start3A_146 = tpu.memref_squeeze %dma_start3A_145 : memref<1x128xi32, #tpu.memory_space<vmem>> -> memref<128xi32, #tpu.memory_space<vmem>>
          %dma_start3A_147 = arith.constant 0 : i32
          %dma_start3A_148 = tpu.memref_slice %arg26[%dma_start3A_147] : memref<10240xf32, #tpu.memory_space<vmem_shared>> -> memref<10240xf32, #tpu.memory_space<vmem_shared>>
          tpu.enqueue_indirect_dma source(%arg23 : memref<128xf32, #tpu.memory_space<vmem>>) target(%dma_start3A_148 : memref<10240xf32, #tpu.memory_space<vmem_shared>>) offsets(%dma_start3A_146 : memref<128xi32, #tpu.memory_space<vmem>>) semaphore(%arg29 : memref<!tpu.dma_semaphore, #tpu.memory_space<semaphore_mem>>) {add = true}
          %lt3A = arith.constant 15 : i32
          %lt3A_149 = arith.cmpi slt, %scan3A_114, %lt3A : i32
          %convert_element_type3A_150 = arith.extui %lt3A_149 : i1 to i32
          %cond3A_151 = arith.constant 0 : i32
          %cond3A_152 = arith.cmpi ne, %convert_element_type3A_150, %cond3A_151 : i32
          scf.if %cond3A_152 {
            %mul3A_179 = arith.constant 2 : i32
            %mul3A_180 = arith.muli %mul3A_179, %scan3A_114 : i32
            %add3A_181 = arith.constant 2 : i32
            %add3A_182 = arith.addi %mul3A_180, %add3A_181 : i32
            %dma_start3A_183 = arith.constant 0 : i32
            %dma_start3A_184 = tpu.memref_slice %arg19[%add3A_182, %dma_start3A_183] : memref<32x128xi32, #tpu.memory_space<vmem>> -> memref<1x128xi32, #tpu.memory_space<vmem>>
            %dma_start3A_185 = tpu.memref_squeeze %dma_start3A_184 : memref<1x128xi32, #tpu.memory_space<vmem>> -> memref<128xi32, #tpu.memory_space<vmem>>
            %dma_start3A_186 = arith.constant 0 : i32
            %dma_start3A_187 = arith.constant 0 : i32
            %dma_start3A_188 = tpu.memref_slice %arg2[%dma_start3A_186, %dma_start3A_187] : memref<10032x128xf32, #tpu.memory_space<hbm>> -> memref<10032x128xf32, #tpu.memory_space<hbm>>
            tpu.enqueue_indirect_dma source(%dma_start3A_188 : memref<10032x128xf32, #tpu.memory_space<hbm>>) target(%arg21 : memref<128x128xf32, #tpu.memory_space<vmem>>) offsets(%dma_start3A_185 : memref<128xi32, #tpu.memory_space<vmem>>) semaphore(%arg27 : memref<!tpu.dma_semaphore, #tpu.memory_space<semaphore_mem>>)
          } else {
          }
          %dma_wait3A_153 = arith.constant 0 : i32
          %dma_wait3A_154 = arith.constant 0 : i32
          %dma_wait3A_155 = tpu.memref_slice %arg19[%dma_wait3A_153, %dma_wait3A_154] : memref<32x128xi32, #tpu.memory_space<vmem>> -> memref<1x128xi32, #tpu.memory_space<vmem>>
          %dma_wait3A_156 = tpu.memref_squeeze %dma_wait3A_155 : memref<1x128xi32, #tpu.memory_space<vmem>> -> memref<128xi32, #tpu.memory_space<vmem>>
          %dma_wait3A_157 = arith.constant 0 : i32
          %dma_wait3A_158 = arith.constant 0 : i32
          %dma_wait3A_159 = tpu.memref_slice %arg2[%dma_wait3A_157, %dma_wait3A_158] : memref<10032x128xf32, #tpu.memory_space<hbm>> -> memref<10032x128xf32, #tpu.memory_space<hbm>>
          tpu.wait_indirect_dma semaphore(%arg28 : memref<!tpu.dma_semaphore, #tpu.memory_space<semaphore_mem>>) src(%dma_wait3A_159 : memref<10032x128xf32, #tpu.memory_space<hbm>>) dst(%arg22 : memref<128x128xf32, #tpu.memory_space<vmem>>)
          %mul3A_160 = arith.constant 2 : i32
          %mul3A_161 = arith.muli %mul3A_160, %scan3A_114 : i32
          %add3A_162 = arith.constant 1 : i32
          %add3A_163 = arith.addi %mul3A_161, %add3A_162 : i32
          "tpu.region"() ({
            %run_scoped3A_179 = tpu.sem_alloc : memref<!tpu.dma_semaphore, #tpu.memory_space<semaphore_mem>>
            %dma_start3A_180 = arith.constant 0 : i32
            %dma_start3A_181 = tpu.memref_slice %arg20[%add3A_163, %dma_start3A_180] : memref<32x128xi32, #tpu.memory_space<vmem>> -> memref<1x128xi32, #tpu.memory_space<vmem>>
            %dma_start3A_182 = tpu.memref_squeeze %dma_start3A_181 : memref<1x128xi32, #tpu.memory_space<vmem>> -> memref<128xi32, #tpu.memory_space<vmem>>
            %dma_start3A_183 = arith.constant 0 : i32
            %dma_start3A_184 = arith.constant 0 : i32
            %dma_start3A_185 = tpu.memref_slice %arg25[%dma_start3A_183, %dma_start3A_184] : memref<10240x128xf32, #tpu.memory_space<vmem_shared>> -> memref<10240x128xf32, #tpu.memory_space<vmem_shared>>
            tpu.enqueue_indirect_dma source(%arg22 : memref<128x128xf32, #tpu.memory_space<vmem>>) target(%dma_start3A_185 : memref<10240x128xf32, #tpu.memory_space<vmem_shared>>) offsets(%dma_start3A_182 : memref<128xi32, #tpu.memory_space<vmem>>) semaphore(%run_scoped3A_179 : memref<!tpu.dma_semaphore, #tpu.memory_space<semaphore_mem>>) {add = true}
            %dma_wait3A_186 = arith.constant 0 : i32
            %dma_wait3A_187 = tpu.memref_slice %arg20[%add3A_163, %dma_wait3A_186] : memref<32x128xi32, #tpu.memory_space<vmem>> -> memref<1x128xi32, #tpu.memory_space<vmem>>
            %dma_wait3A_188 = tpu.memref_squeeze %dma_wait3A_187 : memref<1x128xi32, #tpu.memory_space<vmem>> -> memref<128xi32, #tpu.memory_space<vmem>>
            %dma_wait3A_189 = arith.constant 0 : i32
            %dma_wait3A_190 = arith.constant 0 : i32
            %dma_wait3A_191 = tpu.memref_slice %arg25[%dma_wait3A_189, %dma_wait3A_190] : memref<10240x128xf32, #tpu.memory_space<vmem_shared>> -> memref<10240x128xf32, #tpu.memory_space<vmem_shared>>
            tpu.wait_indirect_dma semaphore(%run_scoped3A_179 : memref<!tpu.dma_semaphore, #tpu.memory_space<semaphore_mem>>) src(%arg22 : memref<128x128xf32, #tpu.memory_space<vmem>>) dst(%dma_wait3A_191 : memref<10240x128xf32, #tpu.memory_space<vmem_shared>>)
            tpu.yield
          }) : () -> ()
          %dma_wait3A_164 = arith.constant 0 : i32
          %dma_wait3A_165 = arith.constant 0 : i32
          %dma_wait3A_166 = tpu.memref_slice %arg20[%dma_wait3A_164, %dma_wait3A_165] : memref<32x128xi32, #tpu.memory_space<vmem>> -> memref<1x128xi32, #tpu.memory_space<vmem>>
          %dma_wait3A_167 = tpu.memref_squeeze %dma_wait3A_166 : memref<1x128xi32, #tpu.memory_space<vmem>> -> memref<128xi32, #tpu.memory_space<vmem>>
          %dma_wait3A_168 = arith.constant 0 : i32
          %dma_wait3A_169 = tpu.memref_slice %arg26[%dma_wait3A_168] : memref<10240xf32, #tpu.memory_space<vmem_shared>> -> memref<10240xf32, #tpu.memory_space<vmem_shared>>
          tpu.wait_indirect_dma semaphore(%arg29 : memref<!tpu.dma_semaphore, #tpu.memory_space<semaphore_mem>>) src(%arg23 : memref<128xf32, #tpu.memory_space<vmem>>) dst(%dma_wait3A_169 : memref<10240xf32, #tpu.memory_space<vmem_shared>>)
          %mul3A_170 = arith.constant 2 : i32
          %mul3A_171 = arith.muli %mul3A_170, %scan3A_114 : i32
          %add3A_172 = arith.constant 1 : i32
          %add3A_173 = arith.addi %mul3A_171, %add3A_172 : i32
          %dma_start3A_174 = arith.constant 0 : i32
          %dma_start3A_175 = tpu.memref_slice %arg20[%add3A_173, %dma_start3A_174] : memref<32x128xi32, #tpu.memory_space<vmem>> -> memref<1x128xi32, #tpu.memory_space<vmem>>
          %dma_start3A_176 = tpu.memref_squeeze %dma_start3A_175 : memref<1x128xi32, #tpu.memory_space<vmem>> -> memref<128xi32, #tpu.memory_space<vmem>>
          %dma_start3A_177 = arith.constant 0 : i32
          %dma_start3A_178 = tpu.memref_slice %arg26[%dma_start3A_177] : memref<10240xf32, #tpu.memory_space<vmem_shared>> -> memref<10240xf32, #tpu.memory_space<vmem_shared>>
          tpu.enqueue_indirect_dma source(%arg23 : memref<128xf32, #tpu.memory_space<vmem>>) target(%dma_start3A_178 : memref<10240xf32, #tpu.memory_space<vmem_shared>>) offsets(%dma_start3A_176 : memref<128xi32, #tpu.memory_space<vmem>>) semaphore(%arg29 : memref<!tpu.dma_semaphore, #tpu.memory_space<semaphore_mem>>) {add = true}
        }
        %scan3A_113 = arith.constant 16 : i32
      }
      %scan3A_44 = arith.constant 5 : i32
      %dma_wait3A = arith.constant 0 : i32
      %dma_wait3A_45 = arith.constant 0 : i32
      %dma_wait3A_46 = tpu.memref_slice %arg20[%dma_wait3A, %dma_wait3A_45] : memref<32x128xi32, #tpu.memory_space<vmem>> -> memref<1x128xi32, #tpu.memory_space<vmem>>
      %dma_wait3A_47 = tpu.memref_squeeze %dma_wait3A_46 : memref<1x128xi32, #tpu.memory_space<vmem>> -> memref<128xi32, #tpu.memory_space<vmem>>
      %dma_wait3A_48 = arith.constant 0 : i32
      %dma_wait3A_49 = tpu.memref_slice %arg26[%dma_wait3A_48] : memref<10240xf32, #tpu.memory_space<vmem_shared>> -> memref<10240xf32, #tpu.memory_space<vmem_shared>>
      tpu.wait_indirect_dma semaphore(%arg29 : memref<!tpu.dma_semaphore, #tpu.memory_space<semaphore_mem>>) src(%arg23 : memref<128xf32, #tpu.memory_space<vmem>>) dst(%dma_wait3A_49 : memref<10240xf32, #tpu.memory_space<vmem_shared>>)
      %barrier3A_50 = arith.constant 0 : index
      tpu.barrier barrier_id(%barrier3A_50)
      "tpu.region"() ({
        %run_scoped3A_96 = tpu.sem_alloc : memref<!tpu.dma_semaphore, #tpu.memory_space<semaphore_mem>>
        %dma_start3A = arith.constant 0 : i32
        %dma_start3A_97 = tpu.memref_slice %arg14[%mul3A_27, %dma_start3A] : memref<10240x128xf32, #tpu.memory_space<hbm>> -> memref<640x128xf32, #tpu.memory_space<hbm>>
        %dma_start3A_98 = arith.constant 0 : i32
        %dma_start3A_99 = tpu.memref_slice %arg25[%mul3A_27, %dma_start3A_98] : memref<10240x128xf32, #tpu.memory_space<vmem_shared>> -> memref<640x128xf32, #tpu.memory_space<vmem_shared>>
        tpu.enqueue_dma source(%dma_start3A_99 : memref<640x128xf32, #tpu.memory_space<vmem_shared>>) target(%dma_start3A_97 : memref<640x128xf32, #tpu.memory_space<hbm>>) target_semaphore(%run_scoped3A_96 : memref<!tpu.dma_semaphore, #tpu.memory_space<semaphore_mem>>)
        %dma_wait3A_100 = arith.constant 0 : i32
        %dma_wait3A_101 = tpu.memref_slice %arg14[%mul3A_27, %dma_wait3A_100] : memref<10240x128xf32, #tpu.memory_space<hbm>> -> memref<640x128xf32, #tpu.memory_space<hbm>>
        %dma_wait3A_102 = arith.constant 0 : i32
        %dma_wait3A_103 = tpu.memref_slice %arg25[%mul3A_27, %dma_wait3A_102] : memref<10240x128xf32, #tpu.memory_space<vmem_shared>> -> memref<640x128xf32, #tpu.memory_space<vmem_shared>>
        tpu.wait_dma2 semaphore(%run_scoped3A_96 : memref<!tpu.dma_semaphore, #tpu.memory_space<semaphore_mem>>) src(%dma_wait3A_103 : memref<640x128xf32, #tpu.memory_space<vmem_shared>>) dst(%dma_wait3A_101 : memref<640x128xf32, #tpu.memory_space<hbm>>)
        tpu.yield
      }) : () -> ()
      %mul3A_51 = arith.constant 640 : i32
      %mul3A_52 = arith.muli %arg1, %mul3A_51 : i32
      %mul3A_53 = arith.constant 640 : i32
      %mul3A_54 = arith.muli %arg1, %mul3A_53 : i32
      %run_scoped3A = arith.constant 0 : i32
      "tpu.region"() ({
        %run_scoped3A_96 = tpu.sem_alloc : memref<!tpu.dma_semaphore, #tpu.memory_space<semaphore_mem>>
        %dma_start3A = tpu.memref_slice %arg18[%run_scoped3A, %mul3A_54] : memref<4x10240xf32, #tpu.memory_space<hbm>> -> memref<1x640xf32, #tpu.memory_space<hbm>>
        %dma_start3A_97 = tpu.memref_squeeze %dma_start3A : memref<1x640xf32, #tpu.memory_space<hbm>> -> memref<640xf32, #tpu.memory_space<hbm>>
        %dma_start3A_98 = tpu.memref_slice %arg26[%mul3A_52] : memref<10240xf32, #tpu.memory_space<vmem_shared>> -> memref<640xf32, #tpu.memory_space<vmem_shared>>
        tpu.enqueue_dma source(%dma_start3A_98 : memref<640xf32, #tpu.memory_space<vmem_shared>>) target(%dma_start3A_97 : memref<640xf32, #tpu.memory_space<hbm>>) target_semaphore(%run_scoped3A_96 : memref<!tpu.dma_semaphore, #tpu.memory_space<semaphore_mem>>)
        %dma_wait3A_99 = tpu.memref_slice %arg18[%run_scoped3A, %mul3A_54] : memref<4x10240xf32, #tpu.memory_space<hbm>> -> memref<1x640xf32, #tpu.memory_space<hbm>>
        %dma_wait3A_100 = tpu.memref_squeeze %dma_wait3A_99 : memref<1x640xf32, #tpu.memory_space<hbm>> -> memref<640xf32, #tpu.memory_space<hbm>>
        %dma_wait3A_101 = tpu.memref_slice %arg26[%mul3A_52] : memref<10240xf32, #tpu.memory_space<vmem_shared>> -> memref<640xf32, #tpu.memory_space<vmem_shared>>
        tpu.wait_dma2 semaphore(%run_scoped3A_96 : memref<!tpu.dma_semaphore, #tpu.memory_space<semaphore_mem>>) src(%dma_wait3A_101 : memref<640xf32, #tpu.memory_space<vmem_shared>>) dst(%dma_wait3A_100 : memref<640xf32, #tpu.memory_space<hbm>>)
        tpu.yield
      }) : () -> ()
      %barrier3A_55 = arith.constant 0 : index
      tpu.barrier barrier_id(%barrier3A_55)
      %scan3A_56 = arith.constant 0 : i32
      %scan3A_57 = arith.constant 0 : i32
      %scan3A_58 = arith.constant 128 : i32
      %scan3A_59 = arith.addi %scan3A_57, %scan3A_58 : i32
      %scan3A_60 = arith.constant 1 : i32
      scf.for %scan3A_96 = %scan3A_57 to %scan3A_59 step %scan3A_60  : i32 {
        %swap3A = arith.index_cast %scan3A_96 : i32 to index
        %swap3A_97 = arith.constant 0 : index
        %swap3A_98 = tpu.vector_load %arg21[%swap3A, %swap3A_97] {strides = array<i32>} : memref<128x128xf32, #tpu.memory_space<vmem>>, vector<1x16xf32>,
        %swap3A_99 = vector.shape_cast %swap3A_98 : vector<1x16xf32> to vector<16xf32>
        %swap3A_100 = vector.shape_cast %broadcast_in_dim3A_0 : vector<16xf32> to vector<1x16xf32>
        tpu.vector_store %arg21[%swap3A, %swap3A_97], %swap3A_100 {strides = array<i32>} : memref<128x128xf32, #tpu.memory_space<vmem>>, vector<1x16xf32>,
        %swap3A_101 = arith.index_cast %scan3A_96 : i32 to index
        %swap3A_102 = arith.constant 16 : index
        %swap3A_103 = tpu.vector_load %arg21[%swap3A_101, %swap3A_102] {strides = array<i32>} : memref<128x128xf32, #tpu.memory_space<vmem>>, vector<1x16xf32>,
        %swap3A_104 = vector.shape_cast %swap3A_103 : vector<1x16xf32> to vector<16xf32>
        %swap3A_105 = vector.shape_cast %broadcast_in_dim3A_0 : vector<16xf32> to vector<1x16xf32>
        tpu.vector_store %arg21[%swap3A_101, %swap3A_102], %swap3A_105 {strides = array<i32>} : memref<128x128xf32, #tpu.memory_space<vmem>>, vector<1x16xf32>,
        %swap3A_106 = arith.index_cast %scan3A_96 : i32 to index
        %swap3A_107 = arith.constant 32 : index
        %swap3A_108 = tpu.vector_load %arg21[%swap3A_106, %swap3A_107] {strides = array<i32>} : memref<128x128xf32, #tpu.memory_space<vmem>>, vector<1x16xf32>,
        %swap3A_109 = vector.shape_cast %swap3A_108 : vector<1x16xf32> to vector<16xf32>
        %swap3A_110 = vector.shape_cast %broadcast_in_dim3A_0 : vector<16xf32> to vector<1x16xf32>
        tpu.vector_store %arg21[%swap3A_106, %swap3A_107], %swap3A_110 {strides = array<i32>} : memref<128x128xf32, #tpu.memory_space<vmem>>, vector<1x16xf32>,
        %swap3A_111 = arith.index_cast %scan3A_96 : i32 to index
        %swap3A_112 = arith.constant 48 : index
        %swap3A_113 = tpu.vector_load %arg21[%swap3A_111, %swap3A_112] {strides = array<i32>} : memref<128x128xf32, #tpu.memory_space<vmem>>, vector<1x16xf32>,
        %swap3A_114 = vector.shape_cast %swap3A_113 : vector<1x16xf32> to vector<16xf32>
        %swap3A_115 = vector.shape_cast %broadcast_in_dim3A_0 : vector<16xf32> to vector<1x16xf32>
        tpu.vector_store %arg21[%swap3A_111, %swap3A_112], %swap3A_115 {strides = array<i32>} : memref<128x128xf32, #tpu.memory_space<vmem>>, vector<1x16xf32>,
        %swap3A_116 = arith.index_cast %scan3A_96 : i32 to index
        %swap3A_117 = arith.constant 64 : index
        %swap3A_118 = tpu.vector_load %arg21[%swap3A_116, %swap3A_117] {strides = array<i32>} : memref<128x128xf32, #tpu.memory_space<vmem>>, vector<1x16xf32>,
        %swap3A_119 = vector.shape_cast %swap3A_118 : vector<1x16xf32> to vector<16xf32>
        %swap3A_120 = vector.shape_cast %broadcast_in_dim3A_0 : vector<16xf32> to vector<1x16xf32>
        tpu.vector_store %arg21[%swap3A_116, %swap3A_117], %swap3A_120 {strides = array<i32>} : memref<128x128xf32, #tpu.memory_space<vmem>>, vector<1x16xf32>,
        %swap3A_121 = arith.index_cast %scan3A_96 : i32 to index
        %swap3A_122 = arith.constant 80 : index
        %swap3A_123 = tpu.vector_load %arg21[%swap3A_121, %swap3A_122] {strides = array<i32>} : memref<128x128xf32, #tpu.memory_space<vmem>>, vector<1x16xf32>,
        %swap3A_124 = vector.shape_cast %swap3A_123 : vector<1x16xf32> to vector<16xf32>
        %swap3A_125 = vector.shape_cast %broadcast_in_dim3A_0 : vector<16xf32> to vector<1x16xf32>
        tpu.vector_store %arg21[%swap3A_121, %swap3A_122], %swap3A_125 {strides = array<i32>} : memref<128x128xf32, #tpu.memory_space<vmem>>, vector<1x16xf32>,
        %swap3A_126 = arith.index_cast %scan3A_96 : i32 to index
        %swap3A_127 = arith.constant 96 : index
        %swap3A_128 = tpu.vector_load %arg21[%swap3A_126, %swap3A_127] {strides = array<i32>} : memref<128x128xf32, #tpu.memory_space<vmem>>, vector<1x16xf32>,
        %swap3A_129 = vector.shape_cast %swap3A_128 : vector<1x16xf32> to vector<16xf32>
        %swap3A_130 = vector.shape_cast %broadcast_in_dim3A_0 : vector<16xf32> to vector<1x16xf32>
        tpu.vector_store %arg21[%swap3A_126, %swap3A_127], %swap3A_130 {strides = array<i32>} : memref<128x128xf32, #tpu.memory_space<vmem>>, vector<1x16xf32>,
        %swap3A_131 = arith.index_cast %scan3A_96 : i32 to index
        %swap3A_132 = arith.constant 112 : index
        %swap3A_133 = tpu.vector_load %arg21[%swap3A_131, %swap3A_132] {strides = array<i32>} : memref<128x128xf32, #tpu.memory_space<vmem>>, vector<1x16xf32>,
        %swap3A_134 = vector.shape_cast %swap3A_133 : vector<1x16xf32> to vector<16xf32>
        %swap3A_135 = vector.shape_cast %broadcast_in_dim3A_0 : vector<16xf32> to vector<1x16xf32>
        tpu.vector_store %arg21[%swap3A_131, %swap3A_132], %swap3A_135 {strides = array<i32>} : memref<128x128xf32, #tpu.memory_space<vmem>>, vector<1x16xf32>,
      }
      %scan3A_61 = arith.constant 128 : i32
      %mul3A_62 = arith.constant 640 : i32
      %mul3A_63 = arith.muli %arg1, %mul3A_62 : i32
      %add3A_64 = arith.constant 0 : i32
      %add3A_65 = arith.addi %mul3A_63, %add3A_64 : i32
      "tpu.region"() ({
        %run_scoped3A_96 = tpu.sem_alloc : memref<!tpu.dma_semaphore, #tpu.memory_space<semaphore_mem>>
        %dma_start3A = arith.constant 0 : i32
        %dma_start3A_97 = tpu.memref_slice %arg25[%add3A_65, %dma_start3A] : memref<10240x128xf32, #tpu.memory_space<vmem_shared>> -> memref<128x128xf32, #tpu.memory_space<vmem_shared>>
        %dma_start3A_98 = arith.constant 0 : i32
        %dma_start3A_99 = tpu.memref_slice %arg25[%add3A_65, %dma_start3A_98] : memref<10240x128xf32, #tpu.memory_space<vmem_shared>> -> memref<128x128xf32, #tpu.memory_space<vmem_shared>>
        tpu.enqueue_dma source(%arg21 : memref<128x128xf32, #tpu.memory_space<vmem>>) target(%dma_start3A_99 : memref<128x128xf32, #tpu.memory_space<vmem_shared>>) target_semaphore(%run_scoped3A_96 : memref<!tpu.dma_semaphore, #tpu.memory_space<semaphore_mem>>)
        %dma_wait3A_100 = arith.constant 0 : i32
        %dma_wait3A_101 = tpu.memref_slice %arg25[%add3A_65, %dma_wait3A_100] : memref<10240x128xf32, #tpu.memory_space<vmem_shared>> -> memref<128x128xf32, #tpu.memory_space<vmem_shared>>
        %dma_wait3A_102 = arith.constant 0 : i32
        %dma_wait3A_103 = tpu.memref_slice %arg25[%add3A_65, %dma_wait3A_102] : memref<10240x128xf32, #tpu.memory_space<vmem_shared>> -> memref<128x128xf32, #tpu.memory_space<vmem_shared>>
        tpu.wait_dma2 semaphore(%run_scoped3A_96 : memref<!tpu.dma_semaphore, #tpu.memory_space<semaphore_mem>>) src(%arg21 : memref<128x128xf32, #tpu.memory_space<vmem>>) dst(%dma_wait3A_103 : memref<128x128xf32, #tpu.memory_space<vmem_shared>>)
        tpu.yield
      }) : () -> ()
      %add3A_66 = arith.constant 128 : i32
      %add3A_67 = arith.addi %mul3A_63, %add3A_66 : i32
      "tpu.region"() ({
        %run_scoped3A_96 = tpu.sem_alloc : memref<!tpu.dma_semaphore, #tpu.memory_space<semaphore_mem>>
        %dma_start3A = arith.constant 0 : i32
        %dma_start3A_97 = tpu.memref_slice %arg25[%add3A_67, %dma_start3A] : memref<10240x128xf32, #tpu.memory_space<vmem_shared>> -> memref<128x128xf32, #tpu.memory_space<vmem_shared>>
        %dma_start3A_98 = arith.constant 0 : i32
        %dma_start3A_99 = tpu.memref_slice %arg25[%add3A_67, %dma_start3A_98] : memref<10240x128xf32, #tpu.memory_space<vmem_shared>> -> memref<128x128xf32, #tpu.memory_space<vmem_shared>>
        tpu.enqueue_dma source(%arg21 : memref<128x128xf32, #tpu.memory_space<vmem>>) target(%dma_start3A_99 : memref<128x128xf32, #tpu.memory_space<vmem_shared>>) target_semaphore(%run_scoped3A_96 : memref<!tpu.dma_semaphore, #tpu.memory_space<semaphore_mem>>)
        %dma_wait3A_100 = arith.constant 0 : i32
        %dma_wait3A_101 = tpu.memref_slice %arg25[%add3A_67, %dma_wait3A_100] : memref<10240x128xf32, #tpu.memory_space<vmem_shared>> -> memref<128x128xf32, #tpu.memory_space<vmem_shared>>
        %dma_wait3A_102 = arith.constant 0 : i32
        %dma_wait3A_103 = tpu.memref_slice %arg25[%add3A_67, %dma_wait3A_102] : memref<10240x128xf32, #tpu.memory_space<vmem_shared>> -> memref<128x128xf32, #tpu.memory_space<vmem_shared>>
        tpu.wait_dma2 semaphore(%run_scoped3A_96 : memref<!tpu.dma_semaphore, #tpu.memory_space<semaphore_mem>>) src(%arg21 : memref<128x128xf32, #tpu.memory_space<vmem>>) dst(%dma_wait3A_103 : memref<128x128xf32, #tpu.memory_space<vmem_shared>>)
        tpu.yield
      }) : () -> ()
      %add3A_68 = arith.constant 256 : i32
      %add3A_69 = arith.addi %mul3A_63, %add3A_68 : i32
      "tpu.region"() ({
        %run_scoped3A_96 = tpu.sem_alloc : memref<!tpu.dma_semaphore, #tpu.memory_space<semaphore_mem>>
        %dma_start3A = arith.constant 0 : i32
        %dma_start3A_97 = tpu.memref_slice %arg25[%add3A_69, %dma_start3A] : memref<10240x128xf32, #tpu.memory_space<vmem_shared>> -> memref<128x128xf32, #tpu.memory_space<vmem_shared>>
        %dma_start3A_98 = arith.constant 0 : i32
        %dma_start3A_99 = tpu.memref_slice %arg25[%add3A_69, %dma_start3A_98] : memref<10240x128xf32, #tpu.memory_space<vmem_shared>> -> memref<128x128xf32, #tpu.memory_space<vmem_shared>>
        tpu.enqueue_dma source(%arg21 : memref<128x128xf32, #tpu.memory_space<vmem>>) target(%dma_start3A_99 : memref<128x128xf32, #tpu.memory_space<vmem_shared>>) target_semaphore(%run_scoped3A_96 : memref<!tpu.dma_semaphore, #tpu.memory_space<semaphore_mem>>)
        %dma_wait3A_100 = arith.constant 0 : i32
        %dma_wait3A_101 = tpu.memref_slice %arg25[%add3A_69, %dma_wait3A_100] : memref<10240x128xf32, #tpu.memory_space<vmem_shared>> -> memref<128x128xf32, #tpu.memory_space<vmem_shared>>
        %dma_wait3A_102 = arith.constant 0 : i32
        %dma_wait3A_103 = tpu.memref_slice %arg25[%add3A_69, %dma_wait3A_102] : memref<10240x128xf32, #tpu.memory_space<vmem_shared>> -> memref<128x128xf32, #tpu.memory_space<vmem_shared>>
        tpu.wait_dma2 semaphore(%run_scoped3A_96 : memref<!tpu.dma_semaphore, #tpu.memory_space<semaphore_mem>>) src(%arg21 : memref<128x128xf32, #tpu.memory_space<vmem>>) dst(%dma_wait3A_103 : memref<128x128xf32, #tpu.memory_space<vmem_shared>>)
        tpu.yield
      }) : () -> ()
      %add3A_70 = arith.constant 384 : i32
      %add3A_71 = arith.addi %mul3A_63, %add3A_70 : i32
      "tpu.region"() ({
        %run_scoped3A_96 = tpu.sem_alloc : memref<!tpu.dma_semaphore, #tpu.memory_space<semaphore_mem>>
        %dma_start3A = arith.constant 0 : i32
        %dma_start3A_97 = tpu.memref_slice %arg25[%add3A_71, %dma_start3A] : memref<10240x128xf32, #tpu.memory_space<vmem_shared>> -> memref<128x128xf32, #tpu.memory_space<vmem_shared>>
        %dma_start3A_98 = arith.constant 0 : i32
        %dma_start3A_99 = tpu.memref_slice %arg25[%add3A_71, %dma_start3A_98] : memref<10240x128xf32, #tpu.memory_space<vmem_shared>> -> memref<128x128xf32, #tpu.memory_space<vmem_shared>>
        tpu.enqueue_dma source(%arg21 : memref<128x128xf32, #tpu.memory_space<vmem>>) target(%dma_start3A_99 : memref<128x128xf32, #tpu.memory_space<vmem_shared>>) target_semaphore(%run_scoped3A_96 : memref<!tpu.dma_semaphore, #tpu.memory_space<semaphore_mem>>)
        %dma_wait3A_100 = arith.constant 0 : i32
        %dma_wait3A_101 = tpu.memref_slice %arg25[%add3A_71, %dma_wait3A_100] : memref<10240x128xf32, #tpu.memory_space<vmem_shared>> -> memref<128x128xf32, #tpu.memory_space<vmem_shared>>
        %dma_wait3A_102 = arith.constant 0 : i32
        %dma_wait3A_103 = tpu.memref_slice %arg25[%add3A_71, %dma_wait3A_102] : memref<10240x128xf32, #tpu.memory_space<vmem_shared>> -> memref<128x128xf32, #tpu.memory_space<vmem_shared>>
        tpu.wait_dma2 semaphore(%run_scoped3A_96 : memref<!tpu.dma_semaphore, #tpu.memory_space<semaphore_mem>>) src(%arg21 : memref<128x128xf32, #tpu.memory_space<vmem>>) dst(%dma_wait3A_103 : memref<128x128xf32, #tpu.memory_space<vmem_shared>>)
        tpu.yield
      }) : () -> ()
      %add3A_72 = arith.constant 512 : i32
      %add3A_73 = arith.addi %mul3A_63, %add3A_72 : i32
      "tpu.region"() ({
        %run_scoped3A_96 = tpu.sem_alloc : memref<!tpu.dma_semaphore, #tpu.memory_space<semaphore_mem>>
        %dma_start3A = arith.constant 0 : i32
        %dma_start3A_97 = tpu.memref_slice %arg25[%add3A_73, %dma_start3A] : memref<10240x128xf32, #tpu.memory_space<vmem_shared>> -> memref<128x128xf32, #tpu.memory_space<vmem_shared>>
        %dma_start3A_98 = arith.constant 0 : i32
        %dma_start3A_99 = tpu.memref_slice %arg25[%add3A_73, %dma_start3A_98] : memref<10240x128xf32, #tpu.memory_space<vmem_shared>> -> memref<128x128xf32, #tpu.memory_space<vmem_shared>>
        tpu.enqueue_dma source(%arg21 : memref<128x128xf32, #tpu.memory_space<vmem>>) target(%dma_start3A_99 : memref<128x128xf32, #tpu.memory_space<vmem_shared>>) target_semaphore(%run_scoped3A_96 : memref<!tpu.dma_semaphore, #tpu.memory_space<semaphore_mem>>)
        %dma_wait3A_100 = arith.constant 0 : i32
        %dma_wait3A_101 = tpu.memref_slice %arg25[%add3A_73, %dma_wait3A_100] : memref<10240x128xf32, #tpu.memory_space<vmem_shared>> -> memref<128x128xf32, #tpu.memory_space<vmem_shared>>
        %dma_wait3A_102 = arith.constant 0 : i32
        %dma_wait3A_103 = tpu.memref_slice %arg25[%add3A_73, %dma_wait3A_102] : memref<10240x128xf32, #tpu.memory_space<vmem_shared>> -> memref<128x128xf32, #tpu.memory_space<vmem_shared>>
        tpu.wait_dma2 semaphore(%run_scoped3A_96 : memref<!tpu.dma_semaphore, #tpu.memory_space<semaphore_mem>>) src(%arg21 : memref<128x128xf32, #tpu.memory_space<vmem>>) dst(%dma_wait3A_103 : memref<128x128xf32, #tpu.memory_space<vmem_shared>>)
        tpu.yield
      }) : () -> ()
      %mul3A_74 = arith.constant 640 : i32
      %mul3A_75 = arith.muli %arg1, %mul3A_74 : i32
      "tpu.region"() ({
        %run_scoped3A_96 = tpu.sem_alloc : memref<!tpu.dma_semaphore, #tpu.memory_space<semaphore_mem>>
        %dma_start3A = tpu.memref_slice %arg26[%mul3A_75] : memref<10240xf32, #tpu.memory_space<vmem_shared>> -> memref<640xf32, #tpu.memory_space<vmem_shared>>
        %dma_start3A_97 = tpu.memref_slice %arg26[%mul3A_75] : memref<10240xf32, #tpu.memory_space<vmem_shared>> -> memref<640xf32, #tpu.memory_space<vmem_shared>>
        tpu.enqueue_dma source(%arg24 : memref<640xf32, #tpu.memory_space<vmem>>) target(%dma_start3A_97 : memref<640xf32, #tpu.memory_space<vmem_shared>>) target_semaphore(%run_scoped3A_96 : memref<!tpu.dma_semaphore, #tpu.memory_space<semaphore_mem>>)
        %dma_wait3A_98 = tpu.memref_slice %arg26[%mul3A_75] : memref<10240xf32, #tpu.memory_space<vmem_shared>> -> memref<640xf32, #tpu.memory_space<vmem_shared>>
        %dma_wait3A_99 = tpu.memref_slice %arg26[%mul3A_75] : memref<10240xf32, #tpu.memory_space<vmem_shared>> -> memref<640xf32, #tpu.memory_space<vmem_shared>>
        tpu.wait_dma2 semaphore(%run_scoped3A_96 : memref<!tpu.dma_semaphore, #tpu.memory_space<semaphore_mem>>) src(%arg24 : memref<640xf32, #tpu.memory_space<vmem>>) dst(%dma_wait3A_99 : memref<640xf32, #tpu.memory_space<vmem_shared>>)
        tpu.yield
      }) : () -> ()
      %barrier3A_76 = arith.constant 0 : index
      tpu.barrier barrier_id(%barrier3A_76)
      %scan3A_77 = arith.constant 0 : i32
      %scan3A_78 = arith.constant 0 : i32
      %scan3A_79 = arith.constant 5 : i32
      %scan3A_80 = arith.addi %scan3A_78, %scan3A_79 : i32
      %scan3A_81 = arith.constant 1 : i32
      scf.for %scan3A_96 = %scan3A_78 to %scan3A_80 step %scan3A_81  : i32 {
        %mul3A_97 = arith.constant 160 : i32
        %mul3A_98 = arith.muli %arg1, %mul3A_97 : i32
        %mul3A_99 = arith.constant 32 : i32
        %mul3A_100 = arith.muli %scan3A_96, %mul3A_99 : i32
        %add3A_101 = arith.addi %mul3A_98, %mul3A_100 : i32
        "tpu.region"() ({
          %run_scoped3A_114 = tpu.sem_alloc : memref<!tpu.dma_semaphore, #tpu.memory_space<semaphore_mem>>
          %dma_start3A_115 = arith.constant 0 : i32
          %dma_start3A_116 = tpu.memref_slice %arg7[%add3A_101, %dma_start3A_115] : memref<2560x128xi32, #tpu.memory_space<hbm>> -> memref<32x128xi32, #tpu.memory_space<hbm>>
          %dma_start3A_117 = arith.constant 0 : i32
          %dma_start3A_118 = tpu.memref_slice %arg7[%add3A_101, %dma_start3A_117] : memref<2560x128xi32, #tpu.memory_space<hbm>> -> memref<32x128xi32, #tpu.memory_space<hbm>>
          tpu.enqueue_dma source(%dma_start3A_118 : memref<32x128xi32, #tpu.memory_space<hbm>>) target(%arg19 : memref<32x128xi32, #tpu.memory_space<vmem>>) target_semaphore(%run_scoped3A_114 : memref<!tpu.dma_semaphore, #tpu.memory_space<semaphore_mem>>)
          %dma_wait3A_119 = arith.constant 0 : i32
          %dma_wait3A_120 = tpu.memref_slice %arg7[%add3A_101, %dma_wait3A_119] : memref<2560x128xi32, #tpu.memory_space<hbm>> -> memref<32x128xi32, #tpu.memory_space<hbm>>
          %dma_wait3A_121 = arith.constant 0 : i32
          %dma_wait3A_122 = tpu.memref_slice %arg7[%add3A_101, %dma_wait3A_121] : memref<2560x128xi32, #tpu.memory_space<hbm>> -> memref<32x128xi32, #tpu.memory_space<hbm>>
          tpu.wait_dma2 semaphore(%run_scoped3A_114 : memref<!tpu.dma_semaphore, #tpu.memory_space<semaphore_mem>>) src(%dma_wait3A_122 : memref<32x128xi32, #tpu.memory_space<hbm>>) dst(%arg19 : memref<32x128xi32, #tpu.memory_space<vmem>>)
          tpu.yield
        }) : () -> ()
        "tpu.region"() ({
          %run_scoped3A_114 = tpu.sem_alloc : memref<!tpu.dma_semaphore, #tpu.memory_space<semaphore_mem>>
          %dma_start3A_115 = arith.constant 0 : i32
          %dma_start3A_116 = tpu.memref_slice %arg11[%add3A_101, %dma_start3A_115] : memref<2560x128xi32, #tpu.memory_space<hbm>> -> memref<32x128xi32, #tpu.memory_space<hbm>>
          %dma_start3A_117 = arith.constant 0 : i32
          %dma_start3A_118 = tpu.memref_slice %arg11[%add3A_101, %dma_start3A_117] : memref<2560x128xi32, #tpu.memory_space<hbm>> -> memref<32x128xi32, #tpu.memory_space<hbm>>
          tpu.enqueue_dma source(%dma_start3A_118 : memref<32x128xi32, #tpu.memory_space<hbm>>) target(%arg20 : memref<32x128xi32, #tpu.memory_space<vmem>>) target_semaphore(%run_scoped3A_114 : memref<!tpu.dma_semaphore, #tpu.memory_space<semaphore_mem>>)
          %dma_wait3A_119 = arith.constant 0 : i32
          %dma_wait3A_120 = tpu.memref_slice %arg11[%add3A_101, %dma_wait3A_119] : memref<2560x128xi32, #tpu.memory_space<hbm>> -> memref<32x128xi32, #tpu.memory_space<hbm>>
          %dma_wait3A_121 = arith.constant 0 : i32
          %dma_wait3A_122 = tpu.memref_slice %arg11[%add3A_101, %dma_wait3A_121] : memref<2560x128xi32, #tpu.memory_space<hbm>> -> memref<32x128xi32, #tpu.memory_space<hbm>>
          tpu.wait_dma2 semaphore(%run_scoped3A_114 : memref<!tpu.dma_semaphore, #tpu.memory_space<semaphore_mem>>) src(%dma_wait3A_122 : memref<32x128xi32, #tpu.memory_space<hbm>>) dst(%arg20 : memref<32x128xi32, #tpu.memory_space<vmem>>)
          tpu.yield
        }) : () -> ()
        %dma_start3A = arith.constant 0 : i32
        %dma_start3A_102 = arith.constant 0 : i32
        %dma_start3A_103 = tpu.memref_slice %arg19[%dma_start3A, %dma_start3A_102] : memref<32x128xi32, #tpu.memory_space<vmem>> -> memref<1x128xi32, #tpu.memory_space<vmem>>
        %dma_start3A_104 = tpu.memref_squeeze %dma_start3A_103 : memref<1x128xi32, #tpu.memory_space<vmem>> -> memref<128xi32, #tpu.memory_space<vmem>>
        %dma_start3A_105 = arith.constant 0 : i32
        %dma_start3A_106 = arith.constant 0 : i32
        %dma_start3A_107 = tpu.memref_slice %arg3[%dma_start3A_105, %dma_start3A_106] : memref<10032x128xf32, #tpu.memory_space<hbm>> -> memref<10032x128xf32, #tpu.memory_space<hbm>>
        tpu.enqueue_indirect_dma source(%dma_start3A_107 : memref<10032x128xf32, #tpu.memory_space<hbm>>) target(%arg21 : memref<128x128xf32, #tpu.memory_space<vmem>>) offsets(%dma_start3A_104 : memref<128xi32, #tpu.memory_space<vmem>>) semaphore(%arg27 : memref<!tpu.dma_semaphore, #tpu.memory_space<semaphore_mem>>)
        %scan3A_108 = arith.constant 0 : i32
        %scan3A_109 = arith.constant 0 : i32
        %scan3A_110 = arith.constant 16 : i32
        %scan3A_111 = arith.addi %scan3A_109, %scan3A_110 : i32
        %scan3A_112 = arith.constant 1 : i32
        scf.for %scan3A_114 = %scan3A_109 to %scan3A_111 step %scan3A_112  : i32 {
          %eq3A_115 = arith.constant 0 : i32
          %eq3A_116 = arith.cmpi eq, %scan3A_96, %eq3A_115 : i32
          %eq3A_117 = arith.constant 0 : i32
          %eq3A_118 = arith.cmpi eq, %scan3A_114, %eq3A_117 : i32
          %and3A = arith.andi %eq3A_116, %eq3A_118 : i1
          %dma_wait3A_119 = arith.constant 0 : i32
          %dma_wait3A_120 = arith.constant 0 : i32
          %dma_wait3A_121 = tpu.memref_slice %arg19[%dma_wait3A_119, %dma_wait3A_120] : memref<32x128xi32, #tpu.memory_space<vmem>> -> memref<1x128xi32, #tpu.memory_space<vmem>>
          %dma_wait3A_122 = tpu.memref_squeeze %dma_wait3A_121 : memref<1x128xi32, #tpu.memory_space<vmem>> -> memref<128xi32, #tpu.memory_space<vmem>>
          %dma_wait3A_123 = arith.constant 0 : i32
          %dma_wait3A_124 = arith.constant 0 : i32
          %dma_wait3A_125 = tpu.memref_slice %arg3[%dma_wait3A_123, %dma_wait3A_124] : memref<10032x128xf32, #tpu.memory_space<hbm>> -> memref<10032x128xf32, #tpu.memory_space<hbm>>
          tpu.wait_indirect_dma semaphore(%arg27 : memref<!tpu.dma_semaphore, #tpu.memory_space<semaphore_mem>>) src(%dma_wait3A_125 : memref<10032x128xf32, #tpu.memory_space<hbm>>) dst(%arg21 : memref<128x128xf32, #tpu.memory_space<vmem>>)
          %mul3A_126 = arith.constant 2 : i32
          %mul3A_127 = arith.muli %mul3A_126, %scan3A_114 : i32
          %add3A_128 = arith.constant 1 : i32
          %add3A_129 = arith.addi %mul3A_127, %add3A_128 : i32
          %dma_start3A_130 = arith.constant 0 : i32
          %dma_start3A_131 = tpu.memref_slice %arg19[%add3A_129, %dma_start3A_130] : memref<32x128xi32, #tpu.memory_space<vmem>> -> memref<1x128xi32, #tpu.memory_space<vmem>>
          %dma_start3A_132 = tpu.memref_squeeze %dma_start3A_131 : memref<1x128xi32, #tpu.memory_space<vmem>> -> memref<128xi32, #tpu.memory_space<vmem>>
          %dma_start3A_133 = arith.constant 0 : i32
          %dma_start3A_134 = arith.constant 0 : i32
          %dma_start3A_135 = tpu.memref_slice %arg3[%dma_start3A_133, %dma_start3A_134] : memref<10032x128xf32, #tpu.memory_space<hbm>> -> memref<10032x128xf32, #tpu.memory_space<hbm>>
          tpu.enqueue_indirect_dma source(%dma_start3A_135 : memref<10032x128xf32, #tpu.memory_space<hbm>>) target(%arg22 : memref<128x128xf32, #tpu.memory_space<vmem>>) offsets(%dma_start3A_132 : memref<128xi32, #tpu.memory_space<vmem>>) semaphore(%arg28 : memref<!tpu.dma_semaphore, #tpu.memory_space<semaphore_mem>>)
          %mul3A_136 = arith.constant 2 : i32
          %mul3A_137 = arith.muli %mul3A_136, %scan3A_114 : i32
          "tpu.region"() ({
            %run_scoped3A_179 = tpu.sem_alloc : memref<!tpu.dma_semaphore, #tpu.memory_space<semaphore_mem>>
            %dma_start3A_180 = arith.constant 0 : i32
            %dma_start3A_181 = tpu.memref_slice %arg20[%mul3A_137, %dma_start3A_180] : memref<32x128xi32, #tpu.memory_space<vmem>> -> memref<1x128xi32, #tpu.memory_space<vmem>>
            %dma_start3A_182 = tpu.memref_squeeze %dma_start3A_181 : memref<1x128xi32, #tpu.memory_space<vmem>> -> memref<128xi32, #tpu.memory_space<vmem>>
            %dma_start3A_183 = arith.constant 0 : i32
            %dma_start3A_184 = arith.constant 0 : i32
            %dma_start3A_185 = tpu.memref_slice %arg25[%dma_start3A_183, %dma_start3A_184] : memref<10240x128xf32, #tpu.memory_space<vmem_shared>> -> memref<10240x128xf32, #tpu.memory_space<vmem_shared>>
            tpu.enqueue_indirect_dma source(%arg21 : memref<128x128xf32, #tpu.memory_space<vmem>>) target(%dma_start3A_185 : memref<10240x128xf32, #tpu.memory_space<vmem_shared>>) offsets(%dma_start3A_182 : memref<128xi32, #tpu.memory_space<vmem>>) semaphore(%run_scoped3A_179 : memref<!tpu.dma_semaphore, #tpu.memory_space<semaphore_mem>>) {add = true}
            %dma_wait3A_186 = arith.constant 0 : i32
            %dma_wait3A_187 = tpu.memref_slice %arg20[%mul3A_137, %dma_wait3A_186] : memref<32x128xi32, #tpu.memory_space<vmem>> -> memref<1x128xi32, #tpu.memory_space<vmem>>
            %dma_wait3A_188 = tpu.memref_squeeze %dma_wait3A_187 : memref<1x128xi32, #tpu.memory_space<vmem>> -> memref<128xi32, #tpu.memory_space<vmem>>
            %dma_wait3A_189 = arith.constant 0 : i32
            %dma_wait3A_190 = arith.constant 0 : i32
            %dma_wait3A_191 = tpu.memref_slice %arg25[%dma_wait3A_189, %dma_wait3A_190] : memref<10240x128xf32, #tpu.memory_space<vmem_shared>> -> memref<10240x128xf32, #tpu.memory_space<vmem_shared>>
            tpu.wait_indirect_dma semaphore(%run_scoped3A_179 : memref<!tpu.dma_semaphore, #tpu.memory_space<semaphore_mem>>) src(%arg21 : memref<128x128xf32, #tpu.memory_space<vmem>>) dst(%dma_wait3A_191 : memref<10240x128xf32, #tpu.memory_space<vmem_shared>>)
            tpu.yield
          }) : () -> ()
          %not3A = arith.constant true
          %not3A_138 = arith.xori %and3A, %not3A : i1
          %convert_element_type3A_139 = arith.extui %not3A_138 : i1 to i32
          %cond3A_140 = arith.constant 0 : i32
          %cond3A_141 = arith.cmpi ne, %convert_element_type3A_139, %cond3A_140 : i32
          scf.if %cond3A_141 {
            %dma_wait3A_179 = arith.constant 0 : i32
            %dma_wait3A_180 = arith.constant 0 : i32
            %dma_wait3A_181 = tpu.memref_slice %arg20[%dma_wait3A_179, %dma_wait3A_180] : memref<32x128xi32, #tpu.memory_space<vmem>> -> memref<1x128xi32, #tpu.memory_space<vmem>>
            %dma_wait3A_182 = tpu.memref_squeeze %dma_wait3A_181 : memref<1x128xi32, #tpu.memory_space<vmem>> -> memref<128xi32, #tpu.memory_space<vmem>>
            %dma_wait3A_183 = arith.constant 0 : i32
            %dma_wait3A_184 = tpu.memref_slice %arg26[%dma_wait3A_183] : memref<10240xf32, #tpu.memory_space<vmem_shared>> -> memref<10240xf32, #tpu.memory_space<vmem_shared>>
            tpu.wait_indirect_dma semaphore(%arg29 : memref<!tpu.dma_semaphore, #tpu.memory_space<semaphore_mem>>) src(%arg23 : memref<128xf32, #tpu.memory_space<vmem>>) dst(%dma_wait3A_184 : memref<10240xf32, #tpu.memory_space<vmem_shared>>)
          } else {
          }
          %mul3A_142 = arith.constant 2 : i32
          %mul3A_143 = arith.muli %mul3A_142, %scan3A_114 : i32
          %dma_start3A_144 = arith.constant 0 : i32
          %dma_start3A_145 = tpu.memref_slice %arg20[%mul3A_143, %dma_start3A_144] : memref<32x128xi32, #tpu.memory_space<vmem>> -> memref<1x128xi32, #tpu.memory_space<vmem>>
          %dma_start3A_146 = tpu.memref_squeeze %dma_start3A_145 : memref<1x128xi32, #tpu.memory_space<vmem>> -> memref<128xi32, #tpu.memory_space<vmem>>
          %dma_start3A_147 = arith.constant 0 : i32
          %dma_start3A_148 = tpu.memref_slice %arg26[%dma_start3A_147] : memref<10240xf32, #tpu.memory_space<vmem_shared>> -> memref<10240xf32, #tpu.memory_space<vmem_shared>>
          tpu.enqueue_indirect_dma source(%arg23 : memref<128xf32, #tpu.memory_space<vmem>>) target(%dma_start3A_148 : memref<10240xf32, #tpu.memory_space<vmem_shared>>) offsets(%dma_start3A_146 : memref<128xi32, #tpu.memory_space<vmem>>) semaphore(%arg29 : memref<!tpu.dma_semaphore, #tpu.memory_space<semaphore_mem>>) {add = true}
          %lt3A = arith.constant 15 : i32
          %lt3A_149 = arith.cmpi slt, %scan3A_114, %lt3A : i32
          %convert_element_type3A_150 = arith.extui %lt3A_149 : i1 to i32
          %cond3A_151 = arith.constant 0 : i32
          %cond3A_152 = arith.cmpi ne, %convert_element_type3A_150, %cond3A_151 : i32
          scf.if %cond3A_152 {
            %mul3A_179 = arith.constant 2 : i32
            %mul3A_180 = arith.muli %mul3A_179, %scan3A_114 : i32
            %add3A_181 = arith.constant 2 : i32
            %add3A_182 = arith.addi %mul3A_180, %add3A_181 : i32
            %dma_start3A_183 = arith.constant 0 : i32
            %dma_start3A_184 = tpu.memref_slice %arg19[%add3A_182, %dma_start3A_183] : memref<32x128xi32, #tpu.memory_space<vmem>> -> memref<1x128xi32, #tpu.memory_space<vmem>>
            %dma_start3A_185 = tpu.memref_squeeze %dma_start3A_184 : memref<1x128xi32, #tpu.memory_space<vmem>> -> memref<128xi32, #tpu.memory_space<vmem>>
            %dma_start3A_186 = arith.constant 0 : i32
            %dma_start3A_187 = arith.constant 0 : i32
            %dma_start3A_188 = tpu.memref_slice %arg3[%dma_start3A_186, %dma_start3A_187] : memref<10032x128xf32, #tpu.memory_space<hbm>> -> memref<10032x128xf32, #tpu.memory_space<hbm>>
            tpu.enqueue_indirect_dma source(%dma_start3A_188 : memref<10032x128xf32, #tpu.memory_space<hbm>>) target(%arg21 : memref<128x128xf32, #tpu.memory_space<vmem>>) offsets(%dma_start3A_185 : memref<128xi32, #tpu.memory_space<vmem>>) semaphore(%arg27 : memref<!tpu.dma_semaphore, #tpu.memory_space<semaphore_mem>>)
          } else {
          }
          %dma_wait3A_153 = arith.constant 0 : i32
          %dma_wait3A_154 = arith.constant 0 : i32
          %dma_wait3A_155 = tpu.memref_slice %arg19[%dma_wait3A_153, %dma_wait3A_154] : memref<32x128xi32, #tpu.memory_space<vmem>> -> memref<1x128xi32, #tpu.memory_space<vmem>>
          %dma_wait3A_156 = tpu.memref_squeeze %dma_wait3A_155 : memref<1x128xi32, #tpu.memory_space<vmem>> -> memref<128xi32, #tpu.memory_space<vmem>>
          %dma_wait3A_157 = arith.constant 0 : i32
          %dma_wait3A_158 = arith.constant 0 : i32
          %dma_wait3A_159 = tpu.memref_slice %arg3[%dma_wait3A_157, %dma_wait3A_158] : memref<10032x128xf32, #tpu.memory_space<hbm>> -> memref<10032x128xf32, #tpu.memory_space<hbm>>
          tpu.wait_indirect_dma semaphore(%arg28 : memref<!tpu.dma_semaphore, #tpu.memory_space<semaphore_mem>>) src(%dma_wait3A_159 : memref<10032x128xf32, #tpu.memory_space<hbm>>) dst(%arg22 : memref<128x128xf32, #tpu.memory_space<vmem>>)
          %mul3A_160 = arith.constant 2 : i32
          %mul3A_161 = arith.muli %mul3A_160, %scan3A_114 : i32
          %add3A_162 = arith.constant 1 : i32
          %add3A_163 = arith.addi %mul3A_161, %add3A_162 : i32
          "tpu.region"() ({
            %run_scoped3A_179 = tpu.sem_alloc : memref<!tpu.dma_semaphore, #tpu.memory_space<semaphore_mem>>
            %dma_start3A_180 = arith.constant 0 : i32
            %dma_start3A_181 = tpu.memref_slice %arg20[%add3A_163, %dma_start3A_180] : memref<32x128xi32, #tpu.memory_space<vmem>> -> memref<1x128xi32, #tpu.memory_space<vmem>>
            %dma_start3A_182 = tpu.memref_squeeze %dma_start3A_181 : memref<1x128xi32, #tpu.memory_space<vmem>> -> memref<128xi32, #tpu.memory_space<vmem>>
            %dma_start3A_183 = arith.constant 0 : i32
            %dma_start3A_184 = arith.constant 0 : i32
            %dma_start3A_185 = tpu.memref_slice %arg25[%dma_start3A_183, %dma_start3A_184] : memref<10240x128xf32, #tpu.memory_space<vmem_shared>> -> memref<10240x128xf32, #tpu.memory_space<vmem_shared>>
            tpu.enqueue_indirect_dma source(%arg22 : memref<128x128xf32, #tpu.memory_space<vmem>>) target(%dma_start3A_185 : memref<10240x128xf32, #tpu.memory_space<vmem_shared>>) offsets(%dma_start3A_182 : memref<128xi32, #tpu.memory_space<vmem>>) semaphore(%run_scoped3A_179 : memref<!tpu.dma_semaphore, #tpu.memory_space<semaphore_mem>>) {add = true}
            %dma_wait3A_186 = arith.constant 0 : i32
            %dma_wait3A_187 = tpu.memref_slice %arg20[%add3A_163, %dma_wait3A_186] : memref<32x128xi32, #tpu.memory_space<vmem>> -> memref<1x128xi32, #tpu.memory_space<vmem>>
            %dma_wait3A_188 = tpu.memref_squeeze %dma_wait3A_187 : memref<1x128xi32, #tpu.memory_space<vmem>> -> memref<128xi32, #tpu.memory_space<vmem>>
            %dma_wait3A_189 = arith.constant 0 : i32
            %dma_wait3A_190 = arith.constant 0 : i32
            %dma_wait3A_191 = tpu.memref_slice %arg25[%dma_wait3A_189, %dma_wait3A_190] : memref<10240x128xf32, #tpu.memory_space<vmem_shared>> -> memref<10240x128xf32, #tpu.memory_space<vmem_shared>>
            tpu.wait_indirect_dma semaphore(%run_scoped3A_179 : memref<!tpu.dma_semaphore, #tpu.memory_space<semaphore_mem>>) src(%arg22 : memref<128x128xf32, #tpu.memory_space<vmem>>) dst(%dma_wait3A_191 : memref<10240x128xf32, #tpu.memory_space<vmem_shared>>)
            tpu.yield
          }) : () -> ()
          %dma_wait3A_164 = arith.constant 0 : i32
          %dma_wait3A_165 = arith.constant 0 : i32
          %dma_wait3A_166 = tpu.memref_slice %arg20[%dma_wait3A_164, %dma_wait3A_165] : memref<32x128xi32, #tpu.memory_space<vmem>> -> memref<1x128xi32, #tpu.memory_space<vmem>>
          %dma_wait3A_167 = tpu.memref_squeeze %dma_wait3A_166 : memref<1x128xi32, #tpu.memory_space<vmem>> -> memref<128xi32, #tpu.memory_space<vmem>>
          %dma_wait3A_168 = arith.constant 0 : i32
          %dma_wait3A_169 = tpu.memref_slice %arg26[%dma_wait3A_168] : memref<10240xf32, #tpu.memory_space<vmem_shared>> -> memref<10240xf32, #tpu.memory_space<vmem_shared>>
          tpu.wait_indirect_dma semaphore(%arg29 : memref<!tpu.dma_semaphore, #tpu.memory_space<semaphore_mem>>) src(%arg23 : memref<128xf32, #tpu.memory_space<vmem>>) dst(%dma_wait3A_169 : memref<10240xf32, #tpu.memory_space<vmem_shared>>)
          %mul3A_170 = arith.constant 2 : i32
          %mul3A_171 = arith.muli %mul3A_170, %scan3A_114 : i32
          %add3A_172 = arith.constant 1 : i32
          %add3A_173 = arith.addi %mul3A_171, %add3A_172 : i32
          %dma_start3A_174 = arith.constant 0 : i32
          %dma_start3A_175 = tpu.memref_slice %arg20[%add3A_173, %dma_start3A_174] : memref<32x128xi32, #tpu.memory_space<vmem>> -> memref<1x128xi32, #tpu.memory_space<vmem>>
          %dma_start3A_176 = tpu.memref_squeeze %dma_start3A_175 : memref<1x128xi32, #tpu.memory_space<vmem>> -> memref<128xi32, #tpu.memory_space<vmem>>
          %dma_start3A_177 = arith.constant 0 : i32
          %dma_start3A_178 = tpu.memref_slice %arg26[%dma_start3A_177] : memref<10240xf32, #tpu.memory_space<vmem_shared>> -> memref<10240xf32, #tpu.memory_space<vmem_shared>>
          tpu.enqueue_indirect_dma source(%arg23 : memref<128xf32, #tpu.memory_space<vmem>>) target(%dma_start3A_178 : memref<10240xf32, #tpu.memory_space<vmem_shared>>) offsets(%dma_start3A_176 : memref<128xi32, #tpu.memory_space<vmem>>) semaphore(%arg29 : memref<!tpu.dma_semaphore, #tpu.memory_space<semaphore_mem>>) {add = true}
        }
        %scan3A_113 = arith.constant 16 : i32
      }
      %scan3A_82 = arith.constant 5 : i32
      %dma_wait3A_83 = arith.constant 0 : i32
      %dma_wait3A_84 = arith.constant 0 : i32
      %dma_wait3A_85 = tpu.memref_slice %arg20[%dma_wait3A_83, %dma_wait3A_84] : memref<32x128xi32, #tpu.memory_space<vmem>> -> memref<1x128xi32, #tpu.memory_space<vmem>>
      %dma_wait3A_86 = tpu.memref_squeeze %dma_wait3A_85 : memref<1x128xi32, #tpu.memory_space<vmem>> -> memref<128xi32, #tpu.memory_space<vmem>>
      %dma_wait3A_87 = arith.constant 0 : i32
      %dma_wait3A_88 = tpu.memref_slice %arg26[%dma_wait3A_87] : memref<10240xf32, #tpu.memory_space<vmem_shared>> -> memref<10240xf32, #tpu.memory_space<vmem_shared>>
      tpu.wait_indirect_dma semaphore(%arg29 : memref<!tpu.dma_semaphore, #tpu.memory_space<semaphore_mem>>) src(%arg23 : memref<128xf32, #tpu.memory_space<vmem>>) dst(%dma_wait3A_88 : memref<10240xf32, #tpu.memory_space<vmem_shared>>)
      %barrier3A_89 = arith.constant 0 : index
      tpu.barrier barrier_id(%barrier3A_89)
      "tpu.region"() ({
        %run_scoped3A_96 = tpu.sem_alloc : memref<!tpu.dma_semaphore, #tpu.memory_space<semaphore_mem>>
        %dma_start3A = arith.constant 0 : i32
        %dma_start3A_97 = tpu.memref_slice %arg15[%mul3A_63, %dma_start3A] : memref<10240x128xf32, #tpu.memory_space<hbm>> -> memref<640x128xf32, #tpu.memory_space<hbm>>
        %dma_start3A_98 = arith.constant 0 : i32
        %dma_start3A_99 = tpu.memref_slice %arg25[%mul3A_63, %dma_start3A_98] : memref<10240x128xf32, #tpu.memory_space<vmem_shared>> -> memref<640x128xf32, #tpu.memory_space<vmem_shared>>
        tpu.enqueue_dma source(%dma_start3A_99 : memref<640x128xf32, #tpu.memory_space<vmem_shared>>) target(%dma_start3A_97 : memref<640x128xf32, #tpu.memory_space<hbm>>) target_semaphore(%run_scoped3A_96 : memref<!tpu.dma_semaphore, #tpu.memory_space<semaphore_mem>>)
        %dma_wait3A_100 = arith.constant 0 : i32
        %dma_wait3A_101 = tpu.memref_slice %arg15[%mul3A_63, %dma_wait3A_100] : memref<10240x128xf32, #tpu.memory_space<hbm>> -> memref<640x128xf32, #tpu.memory_space<hbm>>
        %dma_wait3A_102 = arith.constant 0 : i32
        %dma_wait3A_103 = tpu.memref_slice %arg25[%mul3A_63, %dma_wait3A_102] : memref<10240x128xf32, #tpu.memory_space<vmem_shared>> -> memref<640x128xf32, #tpu.memory_space<vmem_shared>>
        tpu.wait_dma2 semaphore(%run_scoped3A_96 : memref<!tpu.dma_semaphore, #tpu.memory_space<semaphore_mem>>) src(%dma_wait3A_103 : memref<640x128xf32, #tpu.memory_space<vmem_shared>>) dst(%dma_wait3A_101 : memref<640x128xf32, #tpu.memory_space<hbm>>)
        tpu.yield
      }) : () -> ()
      %mul3A_90 = arith.constant 640 : i32
      %mul3A_91 = arith.muli %arg1, %mul3A_90 : i32
      %mul3A_92 = arith.constant 640 : i32
      %mul3A_93 = arith.muli %arg1, %mul3A_92 : i32
      %run_scoped3A_94 = arith.constant 1 : i32
      "tpu.region"() ({
        %run_scoped3A_96 = tpu.sem_alloc : memref<!tpu.dma_semaphore, #tpu.memory_space<semaphore_mem>>
        %dma_start3A = tpu.memref_slice %arg18[%run_scoped3A_94, %mul3A_93] : memref<4x10240xf32, #tpu.memory_space<hbm>> -> memref<1x640xf32, #tpu.memory_space<hbm>>
        %dma_start3A_97 = tpu.memref_squeeze %dma_start3A : memref<1x640xf32, #tpu.memory_space<hbm>> -> memref<640xf32, #tpu.memory_space<hbm>>
        %dma_start3A_98 = tpu.memref_slice %arg26[%mul3A_91] : memref<10240xf32, #tpu.memory_space<vmem_shared>> -> memref<640xf32, #tpu.memory_space<vmem_shared>>
        tpu.enqueue_dma source(%dma_start3A_98 : memref<640xf32, #tpu.memory_space<vmem_shared>>) target(%dma_start3A_97 : memref<640xf32, #tpu.memory_space<hbm>>) target_semaphore(%run_scoped3A_96 : memref<!tpu.dma_semaphore, #tpu.memory_space<semaphore_mem>>)
        %dma_wait3A_99 = tpu.memref_slice %arg18[%run_scoped3A_94, %mul3A_93] : memref<4x10240xf32, #tpu.memory_space<hbm>> -> memref<1x640xf32, #tpu.memory_space<hbm>>
        %dma_wait3A_100 = tpu.memref_squeeze %dma_wait3A_99 : memref<1x640xf32, #tpu.memory_space<hbm>> -> memref<640xf32, #tpu.memory_space<hbm>>
        %dma_wait3A_101 = tpu.memref_slice %arg26[%mul3A_91] : memref<10240xf32, #tpu.memory_space<vmem_shared>> -> memref<640xf32, #tpu.memory_space<vmem_shared>>
        tpu.wait_dma2 semaphore(%run_scoped3A_96 : memref<!tpu.dma_semaphore, #tpu.memory_space<semaphore_mem>>) src(%dma_wait3A_101 : memref<640xf32, #tpu.memory_space<vmem_shared>>) dst(%dma_wait3A_100 : memref<640xf32, #tpu.memory_space<hbm>>)
        tpu.yield
      }) : () -> ()
      %barrier3A_95 = arith.constant 0 : index
      tpu.barrier barrier_id(%barrier3A_95)
    } else {
    }
    %eq3A_16 = arith.constant 1 : i32
    %eq3A_17 = arith.cmpi eq, %arg0, %eq3A_16 : i32
    %convert_element_type3A_18 = arith.extui %eq3A_17 : i1 to i32
    %cond3A_19 = arith.constant 0 : i32
    %cond3A_20 = arith.cmpi ne, %convert_element_type3A_18, %cond3A_19 : i32
    scf.if %cond3A_20 {
      %scan3A_21 = arith.constant 0 : i32
      %scan3A_22 = arith.constant 0 : i32
      %scan3A_23 = arith.constant 128 : i32
      %scan3A_24 = arith.addi %scan3A_22, %scan3A_23 : i32
      %scan3A_25 = arith.constant 1 : i32
      scf.for %scan3A_96 = %scan3A_22 to %scan3A_24 step %scan3A_25  : i32 {
        %swap3A = arith.index_cast %scan3A_96 : i32 to index
        %swap3A_97 = arith.constant 0 : index
        %swap3A_98 = tpu.vector_load %arg21[%swap3A, %swap3A_97] {strides = array<i32>} : memref<128x128xf32, #tpu.memory_space<vmem>>, vector<1x16xf32>,
        %swap3A_99 = vector.shape_cast %swap3A_98 : vector<1x16xf32> to vector<16xf32>
        %swap3A_100 = vector.shape_cast %broadcast_in_dim3A_0 : vector<16xf32> to vector<1x16xf32>
        tpu.vector_store %arg21[%swap3A, %swap3A_97], %swap3A_100 {strides = array<i32>} : memref<128x128xf32, #tpu.memory_space<vmem>>, vector<1x16xf32>,
        %swap3A_101 = arith.index_cast %scan3A_96 : i32 to index
        %swap3A_102 = arith.constant 16 : index
        %swap3A_103 = tpu.vector_load %arg21[%swap3A_101, %swap3A_102] {strides = array<i32>} : memref<128x128xf32, #tpu.memory_space<vmem>>, vector<1x16xf32>,
        %swap3A_104 = vector.shape_cast %swap3A_103 : vector<1x16xf32> to vector<16xf32>
        %swap3A_105 = vector.shape_cast %broadcast_in_dim3A_0 : vector<16xf32> to vector<1x16xf32>
        tpu.vector_store %arg21[%swap3A_101, %swap3A_102], %swap3A_105 {strides = array<i32>} : memref<128x128xf32, #tpu.memory_space<vmem>>, vector<1x16xf32>,
        %swap3A_106 = arith.index_cast %scan3A_96 : i32 to index
        %swap3A_107 = arith.constant 32 : index
        %swap3A_108 = tpu.vector_load %arg21[%swap3A_106, %swap3A_107] {strides = array<i32>} : memref<128x128xf32, #tpu.memory_space<vmem>>, vector<1x16xf32>,
        %swap3A_109 = vector.shape_cast %swap3A_108 : vector<1x16xf32> to vector<16xf32>
        %swap3A_110 = vector.shape_cast %broadcast_in_dim3A_0 : vector<16xf32> to vector<1x16xf32>
        tpu.vector_store %arg21[%swap3A_106, %swap3A_107], %swap3A_110 {strides = array<i32>} : memref<128x128xf32, #tpu.memory_space<vmem>>, vector<1x16xf32>,
        %swap3A_111 = arith.index_cast %scan3A_96 : i32 to index
        %swap3A_112 = arith.constant 48 : index
        %swap3A_113 = tpu.vector_load %arg21[%swap3A_111, %swap3A_112] {strides = array<i32>} : memref<128x128xf32, #tpu.memory_space<vmem>>, vector<1x16xf32>,
        %swap3A_114 = vector.shape_cast %swap3A_113 : vector<1x16xf32> to vector<16xf32>
        %swap3A_115 = vector.shape_cast %broadcast_in_dim3A_0 : vector<16xf32> to vector<1x16xf32>
        tpu.vector_store %arg21[%swap3A_111, %swap3A_112], %swap3A_115 {strides = array<i32>} : memref<128x128xf32, #tpu.memory_space<vmem>>, vector<1x16xf32>,
        %swap3A_116 = arith.index_cast %scan3A_96 : i32 to index
        %swap3A_117 = arith.constant 64 : index
        %swap3A_118 = tpu.vector_load %arg21[%swap3A_116, %swap3A_117] {strides = array<i32>} : memref<128x128xf32, #tpu.memory_space<vmem>>, vector<1x16xf32>,
        %swap3A_119 = vector.shape_cast %swap3A_118 : vector<1x16xf32> to vector<16xf32>
        %swap3A_120 = vector.shape_cast %broadcast_in_dim3A_0 : vector<16xf32> to vector<1x16xf32>
        tpu.vector_store %arg21[%swap3A_116, %swap3A_117], %swap3A_120 {strides = array<i32>} : memref<128x128xf32, #tpu.memory_space<vmem>>, vector<1x16xf32>,
        %swap3A_121 = arith.index_cast %scan3A_96 : i32 to index
        %swap3A_122 = arith.constant 80 : index
        %swap3A_123 = tpu.vector_load %arg21[%swap3A_121, %swap3A_122] {strides = array<i32>} : memref<128x128xf32, #tpu.memory_space<vmem>>, vector<1x16xf32>,
        %swap3A_124 = vector.shape_cast %swap3A_123 : vector<1x16xf32> to vector<16xf32>
        %swap3A_125 = vector.shape_cast %broadcast_in_dim3A_0 : vector<16xf32> to vector<1x16xf32>
        tpu.vector_store %arg21[%swap3A_121, %swap3A_122], %swap3A_125 {strides = array<i32>} : memref<128x128xf32, #tpu.memory_space<vmem>>, vector<1x16xf32>,
        %swap3A_126 = arith.index_cast %scan3A_96 : i32 to index
        %swap3A_127 = arith.constant 96 : index
        %swap3A_128 = tpu.vector_load %arg21[%swap3A_126, %swap3A_127] {strides = array<i32>} : memref<128x128xf32, #tpu.memory_space<vmem>>, vector<1x16xf32>,
        %swap3A_129 = vector.shape_cast %swap3A_128 : vector<1x16xf32> to vector<16xf32>
        %swap3A_130 = vector.shape_cast %broadcast_in_dim3A_0 : vector<16xf32> to vector<1x16xf32>
        tpu.vector_store %arg21[%swap3A_126, %swap3A_127], %swap3A_130 {strides = array<i32>} : memref<128x128xf32, #tpu.memory_space<vmem>>, vector<1x16xf32>,
        %swap3A_131 = arith.index_cast %scan3A_96 : i32 to index
        %swap3A_132 = arith.constant 112 : index
        %swap3A_133 = tpu.vector_load %arg21[%swap3A_131, %swap3A_132] {strides = array<i32>} : memref<128x128xf32, #tpu.memory_space<vmem>>, vector<1x16xf32>,
        %swap3A_134 = vector.shape_cast %swap3A_133 : vector<1x16xf32> to vector<16xf32>
        %swap3A_135 = vector.shape_cast %broadcast_in_dim3A_0 : vector<16xf32> to vector<1x16xf32>
        tpu.vector_store %arg21[%swap3A_131, %swap3A_132], %swap3A_135 {strides = array<i32>} : memref<128x128xf32, #tpu.memory_space<vmem>>, vector<1x16xf32>,
      }
      %scan3A_26 = arith.constant 128 : i32
      %mul3A = arith.constant 640 : i32
      %mul3A_27 = arith.muli %arg1, %mul3A : i32
      %add3A = arith.constant 0 : i32
      %add3A_28 = arith.addi %mul3A_27, %add3A : i32
      "tpu.region"() ({
        %run_scoped3A_96 = tpu.sem_alloc : memref<!tpu.dma_semaphore, #tpu.memory_space<semaphore_mem>>
        %dma_start3A = arith.constant 0 : i32
        %dma_start3A_97 = tpu.memref_slice %arg25[%add3A_28, %dma_start3A] : memref<10240x128xf32, #tpu.memory_space<vmem_shared>> -> memref<128x128xf32, #tpu.memory_space<vmem_shared>>
        %dma_start3A_98 = arith.constant 0 : i32
        %dma_start3A_99 = tpu.memref_slice %arg25[%add3A_28, %dma_start3A_98] : memref<10240x128xf32, #tpu.memory_space<vmem_shared>> -> memref<128x128xf32, #tpu.memory_space<vmem_shared>>
        tpu.enqueue_dma source(%arg21 : memref<128x128xf32, #tpu.memory_space<vmem>>) target(%dma_start3A_99 : memref<128x128xf32, #tpu.memory_space<vmem_shared>>) target_semaphore(%run_scoped3A_96 : memref<!tpu.dma_semaphore, #tpu.memory_space<semaphore_mem>>)
        %dma_wait3A_100 = arith.constant 0 : i32
        %dma_wait3A_101 = tpu.memref_slice %arg25[%add3A_28, %dma_wait3A_100] : memref<10240x128xf32, #tpu.memory_space<vmem_shared>> -> memref<128x128xf32, #tpu.memory_space<vmem_shared>>
        %dma_wait3A_102 = arith.constant 0 : i32
        %dma_wait3A_103 = tpu.memref_slice %arg25[%add3A_28, %dma_wait3A_102] : memref<10240x128xf32, #tpu.memory_space<vmem_shared>> -> memref<128x128xf32, #tpu.memory_space<vmem_shared>>
        tpu.wait_dma2 semaphore(%run_scoped3A_96 : memref<!tpu.dma_semaphore, #tpu.memory_space<semaphore_mem>>) src(%arg21 : memref<128x128xf32, #tpu.memory_space<vmem>>) dst(%dma_wait3A_103 : memref<128x128xf32, #tpu.memory_space<vmem_shared>>)
        tpu.yield
      }) : () -> ()
      %add3A_29 = arith.constant 128 : i32
      %add3A_30 = arith.addi %mul3A_27, %add3A_29 : i32
      "tpu.region"() ({
        %run_scoped3A_96 = tpu.sem_alloc : memref<!tpu.dma_semaphore, #tpu.memory_space<semaphore_mem>>
        %dma_start3A = arith.constant 0 : i32
        %dma_start3A_97 = tpu.memref_slice %arg25[%add3A_30, %dma_start3A] : memref<10240x128xf32, #tpu.memory_space<vmem_shared>> -> memref<128x128xf32, #tpu.memory_space<vmem_shared>>
        %dma_start3A_98 = arith.constant 0 : i32
        %dma_start3A_99 = tpu.memref_slice %arg25[%add3A_30, %dma_start3A_98] : memref<10240x128xf32, #tpu.memory_space<vmem_shared>> -> memref<128x128xf32, #tpu.memory_space<vmem_shared>>
        tpu.enqueue_dma source(%arg21 : memref<128x128xf32, #tpu.memory_space<vmem>>) target(%dma_start3A_99 : memref<128x128xf32, #tpu.memory_space<vmem_shared>>) target_semaphore(%run_scoped3A_96 : memref<!tpu.dma_semaphore, #tpu.memory_space<semaphore_mem>>)
        %dma_wait3A_100 = arith.constant 0 : i32
        %dma_wait3A_101 = tpu.memref_slice %arg25[%add3A_30, %dma_wait3A_100] : memref<10240x128xf32, #tpu.memory_space<vmem_shared>> -> memref<128x128xf32, #tpu.memory_space<vmem_shared>>
        %dma_wait3A_102 = arith.constant 0 : i32
        %dma_wait3A_103 = tpu.memref_slice %arg25[%add3A_30, %dma_wait3A_102] : memref<10240x128xf32, #tpu.memory_space<vmem_shared>> -> memref<128x128xf32, #tpu.memory_space<vmem_shared>>
        tpu.wait_dma2 semaphore(%run_scoped3A_96 : memref<!tpu.dma_semaphore, #tpu.memory_space<semaphore_mem>>) src(%arg21 : memref<128x128xf32, #tpu.memory_space<vmem>>) dst(%dma_wait3A_103 : memref<128x128xf32, #tpu.memory_space<vmem_shared>>)
        tpu.yield
      }) : () -> ()
      %add3A_31 = arith.constant 256 : i32
      %add3A_32 = arith.addi %mul3A_27, %add3A_31 : i32
      "tpu.region"() ({
        %run_scoped3A_96 = tpu.sem_alloc : memref<!tpu.dma_semaphore, #tpu.memory_space<semaphore_mem>>
        %dma_start3A = arith.constant 0 : i32
        %dma_start3A_97 = tpu.memref_slice %arg25[%add3A_32, %dma_start3A] : memref<10240x128xf32, #tpu.memory_space<vmem_shared>> -> memref<128x128xf32, #tpu.memory_space<vmem_shared>>
        %dma_start3A_98 = arith.constant 0 : i32
        %dma_start3A_99 = tpu.memref_slice %arg25[%add3A_32, %dma_start3A_98] : memref<10240x128xf32, #tpu.memory_space<vmem_shared>> -> memref<128x128xf32, #tpu.memory_space<vmem_shared>>
        tpu.enqueue_dma source(%arg21 : memref<128x128xf32, #tpu.memory_space<vmem>>) target(%dma_start3A_99 : memref<128x128xf32, #tpu.memory_space<vmem_shared>>) target_semaphore(%run_scoped3A_96 : memref<!tpu.dma_semaphore, #tpu.memory_space<semaphore_mem>>)
        %dma_wait3A_100 = arith.constant 0 : i32
        %dma_wait3A_101 = tpu.memref_slice %arg25[%add3A_32, %dma_wait3A_100] : memref<10240x128xf32, #tpu.memory_space<vmem_shared>> -> memref<128x128xf32, #tpu.memory_space<vmem_shared>>
        %dma_wait3A_102 = arith.constant 0 : i32
        %dma_wait3A_103 = tpu.memref_slice %arg25[%add3A_32, %dma_wait3A_102] : memref<10240x128xf32, #tpu.memory_space<vmem_shared>> -> memref<128x128xf32, #tpu.memory_space<vmem_shared>>
        tpu.wait_dma2 semaphore(%run_scoped3A_96 : memref<!tpu.dma_semaphore, #tpu.memory_space<semaphore_mem>>) src(%arg21 : memref<128x128xf32, #tpu.memory_space<vmem>>) dst(%dma_wait3A_103 : memref<128x128xf32, #tpu.memory_space<vmem_shared>>)
        tpu.yield
      }) : () -> ()
      %add3A_33 = arith.constant 384 : i32
      %add3A_34 = arith.addi %mul3A_27, %add3A_33 : i32
      "tpu.region"() ({
        %run_scoped3A_96 = tpu.sem_alloc : memref<!tpu.dma_semaphore, #tpu.memory_space<semaphore_mem>>
        %dma_start3A = arith.constant 0 : i32
        %dma_start3A_97 = tpu.memref_slice %arg25[%add3A_34, %dma_start3A] : memref<10240x128xf32, #tpu.memory_space<vmem_shared>> -> memref<128x128xf32, #tpu.memory_space<vmem_shared>>
        %dma_start3A_98 = arith.constant 0 : i32
        %dma_start3A_99 = tpu.memref_slice %arg25[%add3A_34, %dma_start3A_98] : memref<10240x128xf32, #tpu.memory_space<vmem_shared>> -> memref<128x128xf32, #tpu.memory_space<vmem_shared>>
        tpu.enqueue_dma source(%arg21 : memref<128x128xf32, #tpu.memory_space<vmem>>) target(%dma_start3A_99 : memref<128x128xf32, #tpu.memory_space<vmem_shared>>) target_semaphore(%run_scoped3A_96 : memref<!tpu.dma_semaphore, #tpu.memory_space<semaphore_mem>>)
        %dma_wait3A_100 = arith.constant 0 : i32
        %dma_wait3A_101 = tpu.memref_slice %arg25[%add3A_34, %dma_wait3A_100] : memref<10240x128xf32, #tpu.memory_space<vmem_shared>> -> memref<128x128xf32, #tpu.memory_space<vmem_shared>>
        %dma_wait3A_102 = arith.constant 0 : i32
        %dma_wait3A_103 = tpu.memref_slice %arg25[%add3A_34, %dma_wait3A_102] : memref<10240x128xf32, #tpu.memory_space<vmem_shared>> -> memref<128x128xf32, #tpu.memory_space<vmem_shared>>
        tpu.wait_dma2 semaphore(%run_scoped3A_96 : memref<!tpu.dma_semaphore, #tpu.memory_space<semaphore_mem>>) src(%arg21 : memref<128x128xf32, #tpu.memory_space<vmem>>) dst(%dma_wait3A_103 : memref<128x128xf32, #tpu.memory_space<vmem_shared>>)
        tpu.yield
      }) : () -> ()
      %add3A_35 = arith.constant 512 : i32
      %add3A_36 = arith.addi %mul3A_27, %add3A_35 : i32
      "tpu.region"() ({
        %run_scoped3A_96 = tpu.sem_alloc : memref<!tpu.dma_semaphore, #tpu.memory_space<semaphore_mem>>
        %dma_start3A = arith.constant 0 : i32
        %dma_start3A_97 = tpu.memref_slice %arg25[%add3A_36, %dma_start3A] : memref<10240x128xf32, #tpu.memory_space<vmem_shared>> -> memref<128x128xf32, #tpu.memory_space<vmem_shared>>
        %dma_start3A_98 = arith.constant 0 : i32
        %dma_start3A_99 = tpu.memref_slice %arg25[%add3A_36, %dma_start3A_98] : memref<10240x128xf32, #tpu.memory_space<vmem_shared>> -> memref<128x128xf32, #tpu.memory_space<vmem_shared>>
        tpu.enqueue_dma source(%arg21 : memref<128x128xf32, #tpu.memory_space<vmem>>) target(%dma_start3A_99 : memref<128x128xf32, #tpu.memory_space<vmem_shared>>) target_semaphore(%run_scoped3A_96 : memref<!tpu.dma_semaphore, #tpu.memory_space<semaphore_mem>>)
        %dma_wait3A_100 = arith.constant 0 : i32
        %dma_wait3A_101 = tpu.memref_slice %arg25[%add3A_36, %dma_wait3A_100] : memref<10240x128xf32, #tpu.memory_space<vmem_shared>> -> memref<128x128xf32, #tpu.memory_space<vmem_shared>>
        %dma_wait3A_102 = arith.constant 0 : i32
        %dma_wait3A_103 = tpu.memref_slice %arg25[%add3A_36, %dma_wait3A_102] : memref<10240x128xf32, #tpu.memory_space<vmem_shared>> -> memref<128x128xf32, #tpu.memory_space<vmem_shared>>
        tpu.wait_dma2 semaphore(%run_scoped3A_96 : memref<!tpu.dma_semaphore, #tpu.memory_space<semaphore_mem>>) src(%arg21 : memref<128x128xf32, #tpu.memory_space<vmem>>) dst(%dma_wait3A_103 : memref<128x128xf32, #tpu.memory_space<vmem_shared>>)
        tpu.yield
      }) : () -> ()
      %mul3A_37 = arith.constant 640 : i32
      %mul3A_38 = arith.muli %arg1, %mul3A_37 : i32
      "tpu.region"() ({
        %run_scoped3A_96 = tpu.sem_alloc : memref<!tpu.dma_semaphore, #tpu.memory_space<semaphore_mem>>
        %dma_start3A = tpu.memref_slice %arg26[%mul3A_38] : memref<10240xf32, #tpu.memory_space<vmem_shared>> -> memref<640xf32, #tpu.memory_space<vmem_shared>>
        %dma_start3A_97 = tpu.memref_slice %arg26[%mul3A_38] : memref<10240xf32, #tpu.memory_space<vmem_shared>> -> memref<640xf32, #tpu.memory_space<vmem_shared>>
        tpu.enqueue_dma source(%arg24 : memref<640xf32, #tpu.memory_space<vmem>>) target(%dma_start3A_97 : memref<640xf32, #tpu.memory_space<vmem_shared>>) target_semaphore(%run_scoped3A_96 : memref<!tpu.dma_semaphore, #tpu.memory_space<semaphore_mem>>)
        %dma_wait3A_98 = tpu.memref_slice %arg26[%mul3A_38] : memref<10240xf32, #tpu.memory_space<vmem_shared>> -> memref<640xf32, #tpu.memory_space<vmem_shared>>
        %dma_wait3A_99 = tpu.memref_slice %arg26[%mul3A_38] : memref<10240xf32, #tpu.memory_space<vmem_shared>> -> memref<640xf32, #tpu.memory_space<vmem_shared>>
        tpu.wait_dma2 semaphore(%run_scoped3A_96 : memref<!tpu.dma_semaphore, #tpu.memory_space<semaphore_mem>>) src(%arg24 : memref<640xf32, #tpu.memory_space<vmem>>) dst(%dma_wait3A_99 : memref<640xf32, #tpu.memory_space<vmem_shared>>)
        tpu.yield
      }) : () -> ()
      %barrier3A = arith.constant 0 : index
      tpu.barrier barrier_id(%barrier3A)
      %scan3A_39 = arith.constant 0 : i32
      %scan3A_40 = arith.constant 0 : i32
      %scan3A_41 = arith.constant 5 : i32
      %scan3A_42 = arith.addi %scan3A_40, %scan3A_41 : i32
      %scan3A_43 = arith.constant 1 : i32
      scf.for %scan3A_96 = %scan3A_40 to %scan3A_42 step %scan3A_43  : i32 {
        %mul3A_97 = arith.constant 160 : i32
        %mul3A_98 = arith.muli %arg1, %mul3A_97 : i32
        %mul3A_99 = arith.constant 32 : i32
        %mul3A_100 = arith.muli %scan3A_96, %mul3A_99 : i32
        %add3A_101 = arith.addi %mul3A_98, %mul3A_100 : i32
        "tpu.region"() ({
          %run_scoped3A_114 = tpu.sem_alloc : memref<!tpu.dma_semaphore, #tpu.memory_space<semaphore_mem>>
          %dma_start3A_115 = arith.constant 0 : i32
          %dma_start3A_116 = tpu.memref_slice %arg8[%add3A_101, %dma_start3A_115] : memref<2560x128xi32, #tpu.memory_space<hbm>> -> memref<32x128xi32, #tpu.memory_space<hbm>>
          %dma_start3A_117 = arith.constant 0 : i32
          %dma_start3A_118 = tpu.memref_slice %arg8[%add3A_101, %dma_start3A_117] : memref<2560x128xi32, #tpu.memory_space<hbm>> -> memref<32x128xi32, #tpu.memory_space<hbm>>
          tpu.enqueue_dma source(%dma_start3A_118 : memref<32x128xi32, #tpu.memory_space<hbm>>) target(%arg19 : memref<32x128xi32, #tpu.memory_space<vmem>>) target_semaphore(%run_scoped3A_114 : memref<!tpu.dma_semaphore, #tpu.memory_space<semaphore_mem>>)
          %dma_wait3A_119 = arith.constant 0 : i32
          %dma_wait3A_120 = tpu.memref_slice %arg8[%add3A_101, %dma_wait3A_119] : memref<2560x128xi32, #tpu.memory_space<hbm>> -> memref<32x128xi32, #tpu.memory_space<hbm>>
          %dma_wait3A_121 = arith.constant 0 : i32
          %dma_wait3A_122 = tpu.memref_slice %arg8[%add3A_101, %dma_wait3A_121] : memref<2560x128xi32, #tpu.memory_space<hbm>> -> memref<32x128xi32, #tpu.memory_space<hbm>>
          tpu.wait_dma2 semaphore(%run_scoped3A_114 : memref<!tpu.dma_semaphore, #tpu.memory_space<semaphore_mem>>) src(%dma_wait3A_122 : memref<32x128xi32, #tpu.memory_space<hbm>>) dst(%arg19 : memref<32x128xi32, #tpu.memory_space<vmem>>)
          tpu.yield
        }) : () -> ()
        "tpu.region"() ({
          %run_scoped3A_114 = tpu.sem_alloc : memref<!tpu.dma_semaphore, #tpu.memory_space<semaphore_mem>>
          %dma_start3A_115 = arith.constant 0 : i32
          %dma_start3A_116 = tpu.memref_slice %arg12[%add3A_101, %dma_start3A_115] : memref<2560x128xi32, #tpu.memory_space<hbm>> -> memref<32x128xi32, #tpu.memory_space<hbm>>
          %dma_start3A_117 = arith.constant 0 : i32
          %dma_start3A_118 = tpu.memref_slice %arg12[%add3A_101, %dma_start3A_117] : memref<2560x128xi32, #tpu.memory_space<hbm>> -> memref<32x128xi32, #tpu.memory_space<hbm>>
          tpu.enqueue_dma source(%dma_start3A_118 : memref<32x128xi32, #tpu.memory_space<hbm>>) target(%arg20 : memref<32x128xi32, #tpu.memory_space<vmem>>) target_semaphore(%run_scoped3A_114 : memref<!tpu.dma_semaphore, #tpu.memory_space<semaphore_mem>>)
          %dma_wait3A_119 = arith.constant 0 : i32
          %dma_wait3A_120 = tpu.memref_slice %arg12[%add3A_101, %dma_wait3A_119] : memref<2560x128xi32, #tpu.memory_space<hbm>> -> memref<32x128xi32, #tpu.memory_space<hbm>>
          %dma_wait3A_121 = arith.constant 0 : i32
          %dma_wait3A_122 = tpu.memref_slice %arg12[%add3A_101, %dma_wait3A_121] : memref<2560x128xi32, #tpu.memory_space<hbm>> -> memref<32x128xi32, #tpu.memory_space<hbm>>
          tpu.wait_dma2 semaphore(%run_scoped3A_114 : memref<!tpu.dma_semaphore, #tpu.memory_space<semaphore_mem>>) src(%dma_wait3A_122 : memref<32x128xi32, #tpu.memory_space<hbm>>) dst(%arg20 : memref<32x128xi32, #tpu.memory_space<vmem>>)
          tpu.yield
        }) : () -> ()
        %dma_start3A = arith.constant 0 : i32
        %dma_start3A_102 = arith.constant 0 : i32
        %dma_start3A_103 = tpu.memref_slice %arg19[%dma_start3A, %dma_start3A_102] : memref<32x128xi32, #tpu.memory_space<vmem>> -> memref<1x128xi32, #tpu.memory_space<vmem>>
        %dma_start3A_104 = tpu.memref_squeeze %dma_start3A_103 : memref<1x128xi32, #tpu.memory_space<vmem>> -> memref<128xi32, #tpu.memory_space<vmem>>
        %dma_start3A_105 = arith.constant 0 : i32
        %dma_start3A_106 = arith.constant 0 : i32
        %dma_start3A_107 = tpu.memref_slice %arg4[%dma_start3A_105, %dma_start3A_106] : memref<10032x128xf32, #tpu.memory_space<hbm>> -> memref<10032x128xf32, #tpu.memory_space<hbm>>
        tpu.enqueue_indirect_dma source(%dma_start3A_107 : memref<10032x128xf32, #tpu.memory_space<hbm>>) target(%arg21 : memref<128x128xf32, #tpu.memory_space<vmem>>) offsets(%dma_start3A_104 : memref<128xi32, #tpu.memory_space<vmem>>) semaphore(%arg27 : memref<!tpu.dma_semaphore, #tpu.memory_space<semaphore_mem>>)
        %scan3A_108 = arith.constant 0 : i32
        %scan3A_109 = arith.constant 0 : i32
        %scan3A_110 = arith.constant 16 : i32
        %scan3A_111 = arith.addi %scan3A_109, %scan3A_110 : i32
        %scan3A_112 = arith.constant 1 : i32
        scf.for %scan3A_114 = %scan3A_109 to %scan3A_111 step %scan3A_112  : i32 {
          %eq3A_115 = arith.constant 0 : i32
          %eq3A_116 = arith.cmpi eq, %scan3A_96, %eq3A_115 : i32
          %eq3A_117 = arith.constant 0 : i32
          %eq3A_118 = arith.cmpi eq, %scan3A_114, %eq3A_117 : i32
          %and3A = arith.andi %eq3A_116, %eq3A_118 : i1
          %dma_wait3A_119 = arith.constant 0 : i32
          %dma_wait3A_120 = arith.constant 0 : i32
          %dma_wait3A_121 = tpu.memref_slice %arg19[%dma_wait3A_119, %dma_wait3A_120] : memref<32x128xi32, #tpu.memory_space<vmem>> -> memref<1x128xi32, #tpu.memory_space<vmem>>
          %dma_wait3A_122 = tpu.memref_squeeze %dma_wait3A_121 : memref<1x128xi32, #tpu.memory_space<vmem>> -> memref<128xi32, #tpu.memory_space<vmem>>
          %dma_wait3A_123 = arith.constant 0 : i32
          %dma_wait3A_124 = arith.constant 0 : i32
          %dma_wait3A_125 = tpu.memref_slice %arg4[%dma_wait3A_123, %dma_wait3A_124] : memref<10032x128xf32, #tpu.memory_space<hbm>> -> memref<10032x128xf32, #tpu.memory_space<hbm>>
          tpu.wait_indirect_dma semaphore(%arg27 : memref<!tpu.dma_semaphore, #tpu.memory_space<semaphore_mem>>) src(%dma_wait3A_125 : memref<10032x128xf32, #tpu.memory_space<hbm>>) dst(%arg21 : memref<128x128xf32, #tpu.memory_space<vmem>>)
          %mul3A_126 = arith.constant 2 : i32
          %mul3A_127 = arith.muli %mul3A_126, %scan3A_114 : i32
          %add3A_128 = arith.constant 1 : i32
          %add3A_129 = arith.addi %mul3A_127, %add3A_128 : i32
          %dma_start3A_130 = arith.constant 0 : i32
          %dma_start3A_131 = tpu.memref_slice %arg19[%add3A_129, %dma_start3A_130] : memref<32x128xi32, #tpu.memory_space<vmem>> -> memref<1x128xi32, #tpu.memory_space<vmem>>
          %dma_start3A_132 = tpu.memref_squeeze %dma_start3A_131 : memref<1x128xi32, #tpu.memory_space<vmem>> -> memref<128xi32, #tpu.memory_space<vmem>>
          %dma_start3A_133 = arith.constant 0 : i32
          %dma_start3A_134 = arith.constant 0 : i32
          %dma_start3A_135 = tpu.memref_slice %arg4[%dma_start3A_133, %dma_start3A_134] : memref<10032x128xf32, #tpu.memory_space<hbm>> -> memref<10032x128xf32, #tpu.memory_space<hbm>>
          tpu.enqueue_indirect_dma source(%dma_start3A_135 : memref<10032x128xf32, #tpu.memory_space<hbm>>) target(%arg22 : memref<128x128xf32, #tpu.memory_space<vmem>>) offsets(%dma_start3A_132 : memref<128xi32, #tpu.memory_space<vmem>>) semaphore(%arg28 : memref<!tpu.dma_semaphore, #tpu.memory_space<semaphore_mem>>)
          %mul3A_136 = arith.constant 2 : i32
          %mul3A_137 = arith.muli %mul3A_136, %scan3A_114 : i32
          "tpu.region"() ({
            %run_scoped3A_179 = tpu.sem_alloc : memref<!tpu.dma_semaphore, #tpu.memory_space<semaphore_mem>>
            %dma_start3A_180 = arith.constant 0 : i32
            %dma_start3A_181 = tpu.memref_slice %arg20[%mul3A_137, %dma_start3A_180] : memref<32x128xi32, #tpu.memory_space<vmem>> -> memref<1x128xi32, #tpu.memory_space<vmem>>
            %dma_start3A_182 = tpu.memref_squeeze %dma_start3A_181 : memref<1x128xi32, #tpu.memory_space<vmem>> -> memref<128xi32, #tpu.memory_space<vmem>>
            %dma_start3A_183 = arith.constant 0 : i32
            %dma_start3A_184 = arith.constant 0 : i32
            %dma_start3A_185 = tpu.memref_slice %arg25[%dma_start3A_183, %dma_start3A_184] : memref<10240x128xf32, #tpu.memory_space<vmem_shared>> -> memref<10240x128xf32, #tpu.memory_space<vmem_shared>>
            tpu.enqueue_indirect_dma source(%arg21 : memref<128x128xf32, #tpu.memory_space<vmem>>) target(%dma_start3A_185 : memref<10240x128xf32, #tpu.memory_space<vmem_shared>>) offsets(%dma_start3A_182 : memref<128xi32, #tpu.memory_space<vmem>>) semaphore(%run_scoped3A_179 : memref<!tpu.dma_semaphore, #tpu.memory_space<semaphore_mem>>) {add = true}
            %dma_wait3A_186 = arith.constant 0 : i32
            %dma_wait3A_187 = tpu.memref_slice %arg20[%mul3A_137, %dma_wait3A_186] : memref<32x128xi32, #tpu.memory_space<vmem>> -> memref<1x128xi32, #tpu.memory_space<vmem>>
            %dma_wait3A_188 = tpu.memref_squeeze %dma_wait3A_187 : memref<1x128xi32, #tpu.memory_space<vmem>> -> memref<128xi32, #tpu.memory_space<vmem>>
            %dma_wait3A_189 = arith.constant 0 : i32
            %dma_wait3A_190 = arith.constant 0 : i32
            %dma_wait3A_191 = tpu.memref_slice %arg25[%dma_wait3A_189, %dma_wait3A_190] : memref<10240x128xf32, #tpu.memory_space<vmem_shared>> -> memref<10240x128xf32, #tpu.memory_space<vmem_shared>>
            tpu.wait_indirect_dma semaphore(%run_scoped3A_179 : memref<!tpu.dma_semaphore, #tpu.memory_space<semaphore_mem>>) src(%arg21 : memref<128x128xf32, #tpu.memory_space<vmem>>) dst(%dma_wait3A_191 : memref<10240x128xf32, #tpu.memory_space<vmem_shared>>)
            tpu.yield
          }) : () -> ()
          %not3A = arith.constant true
          %not3A_138 = arith.xori %and3A, %not3A : i1
          %convert_element_type3A_139 = arith.extui %not3A_138 : i1 to i32
          %cond3A_140 = arith.constant 0 : i32
          %cond3A_141 = arith.cmpi ne, %convert_element_type3A_139, %cond3A_140 : i32
          scf.if %cond3A_141 {
            %dma_wait3A_179 = arith.constant 0 : i32
            %dma_wait3A_180 = arith.constant 0 : i32
            %dma_wait3A_181 = tpu.memref_slice %arg20[%dma_wait3A_179, %dma_wait3A_180] : memref<32x128xi32, #tpu.memory_space<vmem>> -> memref<1x128xi32, #tpu.memory_space<vmem>>
            %dma_wait3A_182 = tpu.memref_squeeze %dma_wait3A_181 : memref<1x128xi32, #tpu.memory_space<vmem>> -> memref<128xi32, #tpu.memory_space<vmem>>
            %dma_wait3A_183 = arith.constant 0 : i32
            %dma_wait3A_184 = tpu.memref_slice %arg26[%dma_wait3A_183] : memref<10240xf32, #tpu.memory_space<vmem_shared>> -> memref<10240xf32, #tpu.memory_space<vmem_shared>>
            tpu.wait_indirect_dma semaphore(%arg29 : memref<!tpu.dma_semaphore, #tpu.memory_space<semaphore_mem>>) src(%arg23 : memref<128xf32, #tpu.memory_space<vmem>>) dst(%dma_wait3A_184 : memref<10240xf32, #tpu.memory_space<vmem_shared>>)
          } else {
          }
          %mul3A_142 = arith.constant 2 : i32
          %mul3A_143 = arith.muli %mul3A_142, %scan3A_114 : i32
          %dma_start3A_144 = arith.constant 0 : i32
          %dma_start3A_145 = tpu.memref_slice %arg20[%mul3A_143, %dma_start3A_144] : memref<32x128xi32, #tpu.memory_space<vmem>> -> memref<1x128xi32, #tpu.memory_space<vmem>>
          %dma_start3A_146 = tpu.memref_squeeze %dma_start3A_145 : memref<1x128xi32, #tpu.memory_space<vmem>> -> memref<128xi32, #tpu.memory_space<vmem>>
          %dma_start3A_147 = arith.constant 0 : i32
          %dma_start3A_148 = tpu.memref_slice %arg26[%dma_start3A_147] : memref<10240xf32, #tpu.memory_space<vmem_shared>> -> memref<10240xf32, #tpu.memory_space<vmem_shared>>
          tpu.enqueue_indirect_dma source(%arg23 : memref<128xf32, #tpu.memory_space<vmem>>) target(%dma_start3A_148 : memref<10240xf32, #tpu.memory_space<vmem_shared>>) offsets(%dma_start3A_146 : memref<128xi32, #tpu.memory_space<vmem>>) semaphore(%arg29 : memref<!tpu.dma_semaphore, #tpu.memory_space<semaphore_mem>>) {add = true}
          %lt3A = arith.constant 15 : i32
          %lt3A_149 = arith.cmpi slt, %scan3A_114, %lt3A : i32
          %convert_element_type3A_150 = arith.extui %lt3A_149 : i1 to i32
          %cond3A_151 = arith.constant 0 : i32
          %cond3A_152 = arith.cmpi ne, %convert_element_type3A_150, %cond3A_151 : i32
          scf.if %cond3A_152 {
            %mul3A_179 = arith.constant 2 : i32
            %mul3A_180 = arith.muli %mul3A_179, %scan3A_114 : i32
            %add3A_181 = arith.constant 2 : i32
            %add3A_182 = arith.addi %mul3A_180, %add3A_181 : i32
            %dma_start3A_183 = arith.constant 0 : i32
            %dma_start3A_184 = tpu.memref_slice %arg19[%add3A_182, %dma_start3A_183] : memref<32x128xi32, #tpu.memory_space<vmem>> -> memref<1x128xi32, #tpu.memory_space<vmem>>
            %dma_start3A_185 = tpu.memref_squeeze %dma_start3A_184 : memref<1x128xi32, #tpu.memory_space<vmem>> -> memref<128xi32, #tpu.memory_space<vmem>>
            %dma_start3A_186 = arith.constant 0 : i32
            %dma_start3A_187 = arith.constant 0 : i32
            %dma_start3A_188 = tpu.memref_slice %arg4[%dma_start3A_186, %dma_start3A_187] : memref<10032x128xf32, #tpu.memory_space<hbm>> -> memref<10032x128xf32, #tpu.memory_space<hbm>>
            tpu.enqueue_indirect_dma source(%dma_start3A_188 : memref<10032x128xf32, #tpu.memory_space<hbm>>) target(%arg21 : memref<128x128xf32, #tpu.memory_space<vmem>>) offsets(%dma_start3A_185 : memref<128xi32, #tpu.memory_space<vmem>>) semaphore(%arg27 : memref<!tpu.dma_semaphore, #tpu.memory_space<semaphore_mem>>)
          } else {
          }
          %dma_wait3A_153 = arith.constant 0 : i32
          %dma_wait3A_154 = arith.constant 0 : i32
          %dma_wait3A_155 = tpu.memref_slice %arg19[%dma_wait3A_153, %dma_wait3A_154] : memref<32x128xi32, #tpu.memory_space<vmem>> -> memref<1x128xi32, #tpu.memory_space<vmem>>
          %dma_wait3A_156 = tpu.memref_squeeze %dma_wait3A_155 : memref<1x128xi32, #tpu.memory_space<vmem>> -> memref<128xi32, #tpu.memory_space<vmem>>
          %dma_wait3A_157 = arith.constant 0 : i32
          %dma_wait3A_158 = arith.constant 0 : i32
          %dma_wait3A_159 = tpu.memref_slice %arg4[%dma_wait3A_157, %dma_wait3A_158] : memref<10032x128xf32, #tpu.memory_space<hbm>> -> memref<10032x128xf32, #tpu.memory_space<hbm>>
          tpu.wait_indirect_dma semaphore(%arg28 : memref<!tpu.dma_semaphore, #tpu.memory_space<semaphore_mem>>) src(%dma_wait3A_159 : memref<10032x128xf32, #tpu.memory_space<hbm>>) dst(%arg22 : memref<128x128xf32, #tpu.memory_space<vmem>>)
          %mul3A_160 = arith.constant 2 : i32
          %mul3A_161 = arith.muli %mul3A_160, %scan3A_114 : i32
          %add3A_162 = arith.constant 1 : i32
          %add3A_163 = arith.addi %mul3A_161, %add3A_162 : i32
          "tpu.region"() ({
            %run_scoped3A_179 = tpu.sem_alloc : memref<!tpu.dma_semaphore, #tpu.memory_space<semaphore_mem>>
            %dma_start3A_180 = arith.constant 0 : i32
            %dma_start3A_181 = tpu.memref_slice %arg20[%add3A_163, %dma_start3A_180] : memref<32x128xi32, #tpu.memory_space<vmem>> -> memref<1x128xi32, #tpu.memory_space<vmem>>
            %dma_start3A_182 = tpu.memref_squeeze %dma_start3A_181 : memref<1x128xi32, #tpu.memory_space<vmem>> -> memref<128xi32, #tpu.memory_space<vmem>>
            %dma_start3A_183 = arith.constant 0 : i32
            %dma_start3A_184 = arith.constant 0 : i32
            %dma_start3A_185 = tpu.memref_slice %arg25[%dma_start3A_183, %dma_start3A_184] : memref<10240x128xf32, #tpu.memory_space<vmem_shared>> -> memref<10240x128xf32, #tpu.memory_space<vmem_shared>>
            tpu.enqueue_indirect_dma source(%arg22 : memref<128x128xf32, #tpu.memory_space<vmem>>) target(%dma_start3A_185 : memref<10240x128xf32, #tpu.memory_space<vmem_shared>>) offsets(%dma_start3A_182 : memref<128xi32, #tpu.memory_space<vmem>>) semaphore(%run_scoped3A_179 : memref<!tpu.dma_semaphore, #tpu.memory_space<semaphore_mem>>) {add = true}
            %dma_wait3A_186 = arith.constant 0 : i32
            %dma_wait3A_187 = tpu.memref_slice %arg20[%add3A_163, %dma_wait3A_186] : memref<32x128xi32, #tpu.memory_space<vmem>> -> memref<1x128xi32, #tpu.memory_space<vmem>>
            %dma_wait3A_188 = tpu.memref_squeeze %dma_wait3A_187 : memref<1x128xi32, #tpu.memory_space<vmem>> -> memref<128xi32, #tpu.memory_space<vmem>>
            %dma_wait3A_189 = arith.constant 0 : i32
            %dma_wait3A_190 = arith.constant 0 : i32
            %dma_wait3A_191 = tpu.memref_slice %arg25[%dma_wait3A_189, %dma_wait3A_190] : memref<10240x128xf32, #tpu.memory_space<vmem_shared>> -> memref<10240x128xf32, #tpu.memory_space<vmem_shared>>
            tpu.wait_indirect_dma semaphore(%run_scoped3A_179 : memref<!tpu.dma_semaphore, #tpu.memory_space<semaphore_mem>>) src(%arg22 : memref<128x128xf32, #tpu.memory_space<vmem>>) dst(%dma_wait3A_191 : memref<10240x128xf32, #tpu.memory_space<vmem_shared>>)
            tpu.yield
          }) : () -> ()
          %dma_wait3A_164 = arith.constant 0 : i32
          %dma_wait3A_165 = arith.constant 0 : i32
          %dma_wait3A_166 = tpu.memref_slice %arg20[%dma_wait3A_164, %dma_wait3A_165] : memref<32x128xi32, #tpu.memory_space<vmem>> -> memref<1x128xi32, #tpu.memory_space<vmem>>
          %dma_wait3A_167 = tpu.memref_squeeze %dma_wait3A_166 : memref<1x128xi32, #tpu.memory_space<vmem>> -> memref<128xi32, #tpu.memory_space<vmem>>
          %dma_wait3A_168 = arith.constant 0 : i32
          %dma_wait3A_169 = tpu.memref_slice %arg26[%dma_wait3A_168] : memref<10240xf32, #tpu.memory_space<vmem_shared>> -> memref<10240xf32, #tpu.memory_space<vmem_shared>>
          tpu.wait_indirect_dma semaphore(%arg29 : memref<!tpu.dma_semaphore, #tpu.memory_space<semaphore_mem>>) src(%arg23 : memref<128xf32, #tpu.memory_space<vmem>>) dst(%dma_wait3A_169 : memref<10240xf32, #tpu.memory_space<vmem_shared>>)
          %mul3A_170 = arith.constant 2 : i32
          %mul3A_171 = arith.muli %mul3A_170, %scan3A_114 : i32
          %add3A_172 = arith.constant 1 : i32
          %add3A_173 = arith.addi %mul3A_171, %add3A_172 : i32
          %dma_start3A_174 = arith.constant 0 : i32
          %dma_start3A_175 = tpu.memref_slice %arg20[%add3A_173, %dma_start3A_174] : memref<32x128xi32, #tpu.memory_space<vmem>> -> memref<1x128xi32, #tpu.memory_space<vmem>>
          %dma_start3A_176 = tpu.memref_squeeze %dma_start3A_175 : memref<1x128xi32, #tpu.memory_space<vmem>> -> memref<128xi32, #tpu.memory_space<vmem>>
          %dma_start3A_177 = arith.constant 0 : i32
          %dma_start3A_178 = tpu.memref_slice %arg26[%dma_start3A_177] : memref<10240xf32, #tpu.memory_space<vmem_shared>> -> memref<10240xf32, #tpu.memory_space<vmem_shared>>
          tpu.enqueue_indirect_dma source(%arg23 : memref<128xf32, #tpu.memory_space<vmem>>) target(%dma_start3A_178 : memref<10240xf32, #tpu.memory_space<vmem_shared>>) offsets(%dma_start3A_176 : memref<128xi32, #tpu.memory_space<vmem>>) semaphore(%arg29 : memref<!tpu.dma_semaphore, #tpu.memory_space<semaphore_mem>>) {add = true}
        }
        %scan3A_113 = arith.constant 16 : i32
      }
      %scan3A_44 = arith.constant 5 : i32
      %dma_wait3A = arith.constant 0 : i32
      %dma_wait3A_45 = arith.constant 0 : i32
      %dma_wait3A_46 = tpu.memref_slice %arg20[%dma_wait3A, %dma_wait3A_45] : memref<32x128xi32, #tpu.memory_space<vmem>> -> memref<1x128xi32, #tpu.memory_space<vmem>>
      %dma_wait3A_47 = tpu.memref_squeeze %dma_wait3A_46 : memref<1x128xi32, #tpu.memory_space<vmem>> -> memref<128xi32, #tpu.memory_space<vmem>>
      %dma_wait3A_48 = arith.constant 0 : i32
      %dma_wait3A_49 = tpu.memref_slice %arg26[%dma_wait3A_48] : memref<10240xf32, #tpu.memory_space<vmem_shared>> -> memref<10240xf32, #tpu.memory_space<vmem_shared>>
      tpu.wait_indirect_dma semaphore(%arg29 : memref<!tpu.dma_semaphore, #tpu.memory_space<semaphore_mem>>) src(%arg23 : memref<128xf32, #tpu.memory_space<vmem>>) dst(%dma_wait3A_49 : memref<10240xf32, #tpu.memory_space<vmem_shared>>)
      %barrier3A_50 = arith.constant 0 : index
      tpu.barrier barrier_id(%barrier3A_50)
      "tpu.region"() ({
        %run_scoped3A_96 = tpu.sem_alloc : memref<!tpu.dma_semaphore, #tpu.memory_space<semaphore_mem>>
        %dma_start3A = arith.constant 0 : i32
        %dma_start3A_97 = tpu.memref_slice %arg16[%mul3A_27, %dma_start3A] : memref<10240x128xf32, #tpu.memory_space<hbm>> -> memref<640x128xf32, #tpu.memory_space<hbm>>
        %dma_start3A_98 = arith.constant 0 : i32
        %dma_start3A_99 = tpu.memref_slice %arg25[%mul3A_27, %dma_start3A_98] : memref<10240x128xf32, #tpu.memory_space<vmem_shared>> -> memref<640x128xf32, #tpu.memory_space<vmem_shared>>
        tpu.enqueue_dma source(%dma_start3A_99 : memref<640x128xf32, #tpu.memory_space<vmem_shared>>) target(%dma_start3A_97 : memref<640x128xf32, #tpu.memory_space<hbm>>) target_semaphore(%run_scoped3A_96 : memref<!tpu.dma_semaphore, #tpu.memory_space<semaphore_mem>>)
        %dma_wait3A_100 = arith.constant 0 : i32
        %dma_wait3A_101 = tpu.memref_slice %arg16[%mul3A_27, %dma_wait3A_100] : memref<10240x128xf32, #tpu.memory_space<hbm>> -> memref<640x128xf32, #tpu.memory_space<hbm>>
        %dma_wait3A_102 = arith.constant 0 : i32
        %dma_wait3A_103 = tpu.memref_slice %arg25[%mul3A_27, %dma_wait3A_102] : memref<10240x128xf32, #tpu.memory_space<vmem_shared>> -> memref<640x128xf32, #tpu.memory_space<vmem_shared>>
        tpu.wait_dma2 semaphore(%run_scoped3A_96 : memref<!tpu.dma_semaphore, #tpu.memory_space<semaphore_mem>>) src(%dma_wait3A_103 : memref<640x128xf32, #tpu.memory_space<vmem_shared>>) dst(%dma_wait3A_101 : memref<640x128xf32, #tpu.memory_space<hbm>>)
        tpu.yield
      }) : () -> ()
      %mul3A_51 = arith.constant 640 : i32
      %mul3A_52 = arith.muli %arg1, %mul3A_51 : i32
      %mul3A_53 = arith.constant 640 : i32
      %mul3A_54 = arith.muli %arg1, %mul3A_53 : i32
      %run_scoped3A = arith.constant 2 : i32
      "tpu.region"() ({
        %run_scoped3A_96 = tpu.sem_alloc : memref<!tpu.dma_semaphore, #tpu.memory_space<semaphore_mem>>
        %dma_start3A = tpu.memref_slice %arg18[%run_scoped3A, %mul3A_54] : memref<4x10240xf32, #tpu.memory_space<hbm>> -> memref<1x640xf32, #tpu.memory_space<hbm>>
        %dma_start3A_97 = tpu.memref_squeeze %dma_start3A : memref<1x640xf32, #tpu.memory_space<hbm>> -> memref<640xf32, #tpu.memory_space<hbm>>
        %dma_start3A_98 = tpu.memref_slice %arg26[%mul3A_52] : memref<10240xf32, #tpu.memory_space<vmem_shared>> -> memref<640xf32, #tpu.memory_space<vmem_shared>>
        tpu.enqueue_dma source(%dma_start3A_98 : memref<640xf32, #tpu.memory_space<vmem_shared>>) target(%dma_start3A_97 : memref<640xf32, #tpu.memory_space<hbm>>) target_semaphore(%run_scoped3A_96 : memref<!tpu.dma_semaphore, #tpu.memory_space<semaphore_mem>>)
        %dma_wait3A_99 = tpu.memref_slice %arg18[%run_scoped3A, %mul3A_54] : memref<4x10240xf32, #tpu.memory_space<hbm>> -> memref<1x640xf32, #tpu.memory_space<hbm>>
        %dma_wait3A_100 = tpu.memref_squeeze %dma_wait3A_99 : memref<1x640xf32, #tpu.memory_space<hbm>> -> memref<640xf32, #tpu.memory_space<hbm>>
        %dma_wait3A_101 = tpu.memref_slice %arg26[%mul3A_52] : memref<10240xf32, #tpu.memory_space<vmem_shared>> -> memref<640xf32, #tpu.memory_space<vmem_shared>>
        tpu.wait_dma2 semaphore(%run_scoped3A_96 : memref<!tpu.dma_semaphore, #tpu.memory_space<semaphore_mem>>) src(%dma_wait3A_101 : memref<640xf32, #tpu.memory_space<vmem_shared>>) dst(%dma_wait3A_100 : memref<640xf32, #tpu.memory_space<hbm>>)
        tpu.yield
      }) : () -> ()
      %barrier3A_55 = arith.constant 0 : index
      tpu.barrier barrier_id(%barrier3A_55)
      %scan3A_56 = arith.constant 0 : i32
      %scan3A_57 = arith.constant 0 : i32
      %scan3A_58 = arith.constant 128 : i32
      %scan3A_59 = arith.addi %scan3A_57, %scan3A_58 : i32
      %scan3A_60 = arith.constant 1 : i32
      scf.for %scan3A_96 = %scan3A_57 to %scan3A_59 step %scan3A_60  : i32 {
        %swap3A = arith.index_cast %scan3A_96 : i32 to index
        %swap3A_97 = arith.constant 0 : index
        %swap3A_98 = tpu.vector_load %arg21[%swap3A, %swap3A_97] {strides = array<i32>} : memref<128x128xf32, #tpu.memory_space<vmem>>, vector<1x16xf32>,
        %swap3A_99 = vector.shape_cast %swap3A_98 : vector<1x16xf32> to vector<16xf32>
        %swap3A_100 = vector.shape_cast %broadcast_in_dim3A_0 : vector<16xf32> to vector<1x16xf32>
        tpu.vector_store %arg21[%swap3A, %swap3A_97], %swap3A_100 {strides = array<i32>} : memref<128x128xf32, #tpu.memory_space<vmem>>, vector<1x16xf32>,
        %swap3A_101 = arith.index_cast %scan3A_96 : i32 to index
        %swap3A_102 = arith.constant 16 : index
        %swap3A_103 = tpu.vector_load %arg21[%swap3A_101, %swap3A_102] {strides = array<i32>} : memref<128x128xf32, #tpu.memory_space<vmem>>, vector<1x16xf32>,
        %swap3A_104 = vector.shape_cast %swap3A_103 : vector<1x16xf32> to vector<16xf32>
        %swap3A_105 = vector.shape_cast %broadcast_in_dim3A_0 : vector<16xf32> to vector<1x16xf32>
        tpu.vector_store %arg21[%swap3A_101, %swap3A_102], %swap3A_105 {strides = array<i32>} : memref<128x128xf32, #tpu.memory_space<vmem>>, vector<1x16xf32>,
        %swap3A_106 = arith.index_cast %scan3A_96 : i32 to index
        %swap3A_107 = arith.constant 32 : index
        %swap3A_108 = tpu.vector_load %arg21[%swap3A_106, %swap3A_107] {strides = array<i32>} : memref<128x128xf32, #tpu.memory_space<vmem>>, vector<1x16xf32>,
        %swap3A_109 = vector.shape_cast %swap3A_108 : vector<1x16xf32> to vector<16xf32>
        %swap3A_110 = vector.shape_cast %broadcast_in_dim3A_0 : vector<16xf32> to vector<1x16xf32>
        tpu.vector_store %arg21[%swap3A_106, %swap3A_107], %swap3A_110 {strides = array<i32>} : memref<128x128xf32, #tpu.memory_space<vmem>>, vector<1x16xf32>,
        %swap3A_111 = arith.index_cast %scan3A_96 : i32 to index
        %swap3A_112 = arith.constant 48 : index
        %swap3A_113 = tpu.vector_load %arg21[%swap3A_111, %swap3A_112] {strides = array<i32>} : memref<128x128xf32, #tpu.memory_space<vmem>>, vector<1x16xf32>,
        %swap3A_114 = vector.shape_cast %swap3A_113 : vector<1x16xf32> to vector<16xf32>
        %swap3A_115 = vector.shape_cast %broadcast_in_dim3A_0 : vector<16xf32> to vector<1x16xf32>
        tpu.vector_store %arg21[%swap3A_111, %swap3A_112], %swap3A_115 {strides = array<i32>} : memref<128x128xf32, #tpu.memory_space<vmem>>, vector<1x16xf32>,
        %swap3A_116 = arith.index_cast %scan3A_96 : i32 to index
        %swap3A_117 = arith.constant 64 : index
        %swap3A_118 = tpu.vector_load %arg21[%swap3A_116, %swap3A_117] {strides = array<i32>} : memref<128x128xf32, #tpu.memory_space<vmem>>, vector<1x16xf32>,
        %swap3A_119 = vector.shape_cast %swap3A_118 : vector<1x16xf32> to vector<16xf32>
        %swap3A_120 = vector.shape_cast %broadcast_in_dim3A_0 : vector<16xf32> to vector<1x16xf32>
        tpu.vector_store %arg21[%swap3A_116, %swap3A_117], %swap3A_120 {strides = array<i32>} : memref<128x128xf32, #tpu.memory_space<vmem>>, vector<1x16xf32>,
        %swap3A_121 = arith.index_cast %scan3A_96 : i32 to index
        %swap3A_122 = arith.constant 80 : index
        %swap3A_123 = tpu.vector_load %arg21[%swap3A_121, %swap3A_122] {strides = array<i32>} : memref<128x128xf32, #tpu.memory_space<vmem>>, vector<1x16xf32>,
        %swap3A_124 = vector.shape_cast %swap3A_123 : vector<1x16xf32> to vector<16xf32>
        %swap3A_125 = vector.shape_cast %broadcast_in_dim3A_0 : vector<16xf32> to vector<1x16xf32>
        tpu.vector_store %arg21[%swap3A_121, %swap3A_122], %swap3A_125 {strides = array<i32>} : memref<128x128xf32, #tpu.memory_space<vmem>>, vector<1x16xf32>,
        %swap3A_126 = arith.index_cast %scan3A_96 : i32 to index
        %swap3A_127 = arith.constant 96 : index
        %swap3A_128 = tpu.vector_load %arg21[%swap3A_126, %swap3A_127] {strides = array<i32>} : memref<128x128xf32, #tpu.memory_space<vmem>>, vector<1x16xf32>,
        %swap3A_129 = vector.shape_cast %swap3A_128 : vector<1x16xf32> to vector<16xf32>
        %swap3A_130 = vector.shape_cast %broadcast_in_dim3A_0 : vector<16xf32> to vector<1x16xf32>
        tpu.vector_store %arg21[%swap3A_126, %swap3A_127], %swap3A_130 {strides = array<i32>} : memref<128x128xf32, #tpu.memory_space<vmem>>, vector<1x16xf32>,
        %swap3A_131 = arith.index_cast %scan3A_96 : i32 to index
        %swap3A_132 = arith.constant 112 : index
        %swap3A_133 = tpu.vector_load %arg21[%swap3A_131, %swap3A_132] {strides = array<i32>} : memref<128x128xf32, #tpu.memory_space<vmem>>, vector<1x16xf32>,
        %swap3A_134 = vector.shape_cast %swap3A_133 : vector<1x16xf32> to vector<16xf32>
        %swap3A_135 = vector.shape_cast %broadcast_in_dim3A_0 : vector<16xf32> to vector<1x16xf32>
        tpu.vector_store %arg21[%swap3A_131, %swap3A_132], %swap3A_135 {strides = array<i32>} : memref<128x128xf32, #tpu.memory_space<vmem>>, vector<1x16xf32>,
      }
      %scan3A_61 = arith.constant 128 : i32
      %mul3A_62 = arith.constant 640 : i32
      %mul3A_63 = arith.muli %arg1, %mul3A_62 : i32
      %add3A_64 = arith.constant 0 : i32
      %add3A_65 = arith.addi %mul3A_63, %add3A_64 : i32
      "tpu.region"() ({
        %run_scoped3A_96 = tpu.sem_alloc : memref<!tpu.dma_semaphore, #tpu.memory_space<semaphore_mem>>
        %dma_start3A = arith.constant 0 : i32
        %dma_start3A_97 = tpu.memref_slice %arg25[%add3A_65, %dma_start3A] : memref<10240x128xf32, #tpu.memory_space<vmem_shared>> -> memref<128x128xf32, #tpu.memory_space<vmem_shared>>
        %dma_start3A_98 = arith.constant 0 : i32
        %dma_start3A_99 = tpu.memref_slice %arg25[%add3A_65, %dma_start3A_98] : memref<10240x128xf32, #tpu.memory_space<vmem_shared>> -> memref<128x128xf32, #tpu.memory_space<vmem_shared>>
        tpu.enqueue_dma source(%arg21 : memref<128x128xf32, #tpu.memory_space<vmem>>) target(%dma_start3A_99 : memref<128x128xf32, #tpu.memory_space<vmem_shared>>) target_semaphore(%run_scoped3A_96 : memref<!tpu.dma_semaphore, #tpu.memory_space<semaphore_mem>>)
        %dma_wait3A_100 = arith.constant 0 : i32
        %dma_wait3A_101 = tpu.memref_slice %arg25[%add3A_65, %dma_wait3A_100] : memref<10240x128xf32, #tpu.memory_space<vmem_shared>> -> memref<128x128xf32, #tpu.memory_space<vmem_shared>>
        %dma_wait3A_102 = arith.constant 0 : i32
        %dma_wait3A_103 = tpu.memref_slice %arg25[%add3A_65, %dma_wait3A_102] : memref<10240x128xf32, #tpu.memory_space<vmem_shared>> -> memref<128x128xf32, #tpu.memory_space<vmem_shared>>
        tpu.wait_dma2 semaphore(%run_scoped3A_96 : memref<!tpu.dma_semaphore, #tpu.memory_space<semaphore_mem>>) src(%arg21 : memref<128x128xf32, #tpu.memory_space<vmem>>) dst(%dma_wait3A_103 : memref<128x128xf32, #tpu.memory_space<vmem_shared>>)
        tpu.yield
      }) : () -> ()
      %add3A_66 = arith.constant 128 : i32
      %add3A_67 = arith.addi %mul3A_63, %add3A_66 : i32
      "tpu.region"() ({
        %run_scoped3A_96 = tpu.sem_alloc : memref<!tpu.dma_semaphore, #tpu.memory_space<semaphore_mem>>
        %dma_start3A = arith.constant 0 : i32
        %dma_start3A_97 = tpu.memref_slice %arg25[%add3A_67, %dma_start3A] : memref<10240x128xf32, #tpu.memory_space<vmem_shared>> -> memref<128x128xf32, #tpu.memory_space<vmem_shared>>
        %dma_start3A_98 = arith.constant 0 : i32
        %dma_start3A_99 = tpu.memref_slice %arg25[%add3A_67, %dma_start3A_98] : memref<10240x128xf32, #tpu.memory_space<vmem_shared>> -> memref<128x128xf32, #tpu.memory_space<vmem_shared>>
        tpu.enqueue_dma source(%arg21 : memref<128x128xf32, #tpu.memory_space<vmem>>) target(%dma_start3A_99 : memref<128x128xf32, #tpu.memory_space<vmem_shared>>) target_semaphore(%run_scoped3A_96 : memref<!tpu.dma_semaphore, #tpu.memory_space<semaphore_mem>>)
        %dma_wait3A_100 = arith.constant 0 : i32
        %dma_wait3A_101 = tpu.memref_slice %arg25[%add3A_67, %dma_wait3A_100] : memref<10240x128xf32, #tpu.memory_space<vmem_shared>> -> memref<128x128xf32, #tpu.memory_space<vmem_shared>>
        %dma_wait3A_102 = arith.constant 0 : i32
        %dma_wait3A_103 = tpu.memref_slice %arg25[%add3A_67, %dma_wait3A_102] : memref<10240x128xf32, #tpu.memory_space<vmem_shared>> -> memref<128x128xf32, #tpu.memory_space<vmem_shared>>
        tpu.wait_dma2 semaphore(%run_scoped3A_96 : memref<!tpu.dma_semaphore, #tpu.memory_space<semaphore_mem>>) src(%arg21 : memref<128x128xf32, #tpu.memory_space<vmem>>) dst(%dma_wait3A_103 : memref<128x128xf32, #tpu.memory_space<vmem_shared>>)
        tpu.yield
      }) : () -> ()
      %add3A_68 = arith.constant 256 : i32
      %add3A_69 = arith.addi %mul3A_63, %add3A_68 : i32
      "tpu.region"() ({
        %run_scoped3A_96 = tpu.sem_alloc : memref<!tpu.dma_semaphore, #tpu.memory_space<semaphore_mem>>
        %dma_start3A = arith.constant 0 : i32
        %dma_start3A_97 = tpu.memref_slice %arg25[%add3A_69, %dma_start3A] : memref<10240x128xf32, #tpu.memory_space<vmem_shared>> -> memref<128x128xf32, #tpu.memory_space<vmem_shared>>
        %dma_start3A_98 = arith.constant 0 : i32
        %dma_start3A_99 = tpu.memref_slice %arg25[%add3A_69, %dma_start3A_98] : memref<10240x128xf32, #tpu.memory_space<vmem_shared>> -> memref<128x128xf32, #tpu.memory_space<vmem_shared>>
        tpu.enqueue_dma source(%arg21 : memref<128x128xf32, #tpu.memory_space<vmem>>) target(%dma_start3A_99 : memref<128x128xf32, #tpu.memory_space<vmem_shared>>) target_semaphore(%run_scoped3A_96 : memref<!tpu.dma_semaphore, #tpu.memory_space<semaphore_mem>>)
        %dma_wait3A_100 = arith.constant 0 : i32
        %dma_wait3A_101 = tpu.memref_slice %arg25[%add3A_69, %dma_wait3A_100] : memref<10240x128xf32, #tpu.memory_space<vmem_shared>> -> memref<128x128xf32, #tpu.memory_space<vmem_shared>>
        %dma_wait3A_102 = arith.constant 0 : i32
        %dma_wait3A_103 = tpu.memref_slice %arg25[%add3A_69, %dma_wait3A_102] : memref<10240x128xf32, #tpu.memory_space<vmem_shared>> -> memref<128x128xf32, #tpu.memory_space<vmem_shared>>
        tpu.wait_dma2 semaphore(%run_scoped3A_96 : memref<!tpu.dma_semaphore, #tpu.memory_space<semaphore_mem>>) src(%arg21 : memref<128x128xf32, #tpu.memory_space<vmem>>) dst(%dma_wait3A_103 : memref<128x128xf32, #tpu.memory_space<vmem_shared>>)
        tpu.yield
      }) : () -> ()
      %add3A_70 = arith.constant 384 : i32
      %add3A_71 = arith.addi %mul3A_63, %add3A_70 : i32
      "tpu.region"() ({
        %run_scoped3A_96 = tpu.sem_alloc : memref<!tpu.dma_semaphore, #tpu.memory_space<semaphore_mem>>
        %dma_start3A = arith.constant 0 : i32
        %dma_start3A_97 = tpu.memref_slice %arg25[%add3A_71, %dma_start3A] : memref<10240x128xf32, #tpu.memory_space<vmem_shared>> -> memref<128x128xf32, #tpu.memory_space<vmem_shared>>
        %dma_start3A_98 = arith.constant 0 : i32
        %dma_start3A_99 = tpu.memref_slice %arg25[%add3A_71, %dma_start3A_98] : memref<10240x128xf32, #tpu.memory_space<vmem_shared>> -> memref<128x128xf32, #tpu.memory_space<vmem_shared>>
        tpu.enqueue_dma source(%arg21 : memref<128x128xf32, #tpu.memory_space<vmem>>) target(%dma_start3A_99 : memref<128x128xf32, #tpu.memory_space<vmem_shared>>) target_semaphore(%run_scoped3A_96 : memref<!tpu.dma_semaphore, #tpu.memory_space<semaphore_mem>>)
        %dma_wait3A_100 = arith.constant 0 : i32
        %dma_wait3A_101 = tpu.memref_slice %arg25[%add3A_71, %dma_wait3A_100] : memref<10240x128xf32, #tpu.memory_space<vmem_shared>> -> memref<128x128xf32, #tpu.memory_space<vmem_shared>>
        %dma_wait3A_102 = arith.constant 0 : i32
        %dma_wait3A_103 = tpu.memref_slice %arg25[%add3A_71, %dma_wait3A_102] : memref<10240x128xf32, #tpu.memory_space<vmem_shared>> -> memref<128x128xf32, #tpu.memory_space<vmem_shared>>
        tpu.wait_dma2 semaphore(%run_scoped3A_96 : memref<!tpu.dma_semaphore, #tpu.memory_space<semaphore_mem>>) src(%arg21 : memref<128x128xf32, #tpu.memory_space<vmem>>) dst(%dma_wait3A_103 : memref<128x128xf32, #tpu.memory_space<vmem_shared>>)
        tpu.yield
      }) : () -> ()
      %add3A_72 = arith.constant 512 : i32
      %add3A_73 = arith.addi %mul3A_63, %add3A_72 : i32
      "tpu.region"() ({
        %run_scoped3A_96 = tpu.sem_alloc : memref<!tpu.dma_semaphore, #tpu.memory_space<semaphore_mem>>
        %dma_start3A = arith.constant 0 : i32
        %dma_start3A_97 = tpu.memref_slice %arg25[%add3A_73, %dma_start3A] : memref<10240x128xf32, #tpu.memory_space<vmem_shared>> -> memref<128x128xf32, #tpu.memory_space<vmem_shared>>
        %dma_start3A_98 = arith.constant 0 : i32
        %dma_start3A_99 = tpu.memref_slice %arg25[%add3A_73, %dma_start3A_98] : memref<10240x128xf32, #tpu.memory_space<vmem_shared>> -> memref<128x128xf32, #tpu.memory_space<vmem_shared>>
        tpu.enqueue_dma source(%arg21 : memref<128x128xf32, #tpu.memory_space<vmem>>) target(%dma_start3A_99 : memref<128x128xf32, #tpu.memory_space<vmem_shared>>) target_semaphore(%run_scoped3A_96 : memref<!tpu.dma_semaphore, #tpu.memory_space<semaphore_mem>>)
        %dma_wait3A_100 = arith.constant 0 : i32
        %dma_wait3A_101 = tpu.memref_slice %arg25[%add3A_73, %dma_wait3A_100] : memref<10240x128xf32, #tpu.memory_space<vmem_shared>> -> memref<128x128xf32, #tpu.memory_space<vmem_shared>>
        %dma_wait3A_102 = arith.constant 0 : i32
        %dma_wait3A_103 = tpu.memref_slice %arg25[%add3A_73, %dma_wait3A_102] : memref<10240x128xf32, #tpu.memory_space<vmem_shared>> -> memref<128x128xf32, #tpu.memory_space<vmem_shared>>
        tpu.wait_dma2 semaphore(%run_scoped3A_96 : memref<!tpu.dma_semaphore, #tpu.memory_space<semaphore_mem>>) src(%arg21 : memref<128x128xf32, #tpu.memory_space<vmem>>) dst(%dma_wait3A_103 : memref<128x128xf32, #tpu.memory_space<vmem_shared>>)
        tpu.yield
      }) : () -> ()
      %mul3A_74 = arith.constant 640 : i32
      %mul3A_75 = arith.muli %arg1, %mul3A_74 : i32
      "tpu.region"() ({
        %run_scoped3A_96 = tpu.sem_alloc : memref<!tpu.dma_semaphore, #tpu.memory_space<semaphore_mem>>
        %dma_start3A = tpu.memref_slice %arg26[%mul3A_75] : memref<10240xf32, #tpu.memory_space<vmem_shared>> -> memref<640xf32, #tpu.memory_space<vmem_shared>>
        %dma_start3A_97 = tpu.memref_slice %arg26[%mul3A_75] : memref<10240xf32, #tpu.memory_space<vmem_shared>> -> memref<640xf32, #tpu.memory_space<vmem_shared>>
        tpu.enqueue_dma source(%arg24 : memref<640xf32, #tpu.memory_space<vmem>>) target(%dma_start3A_97 : memref<640xf32, #tpu.memory_space<vmem_shared>>) target_semaphore(%run_scoped3A_96 : memref<!tpu.dma_semaphore, #tpu.memory_space<semaphore_mem>>)
        %dma_wait3A_98 = tpu.memref_slice %arg26[%mul3A_75] : memref<10240xf32, #tpu.memory_space<vmem_shared>> -> memref<640xf32, #tpu.memory_space<vmem_shared>>
        %dma_wait3A_99 = tpu.memref_slice %arg26[%mul3A_75] : memref<10240xf32, #tpu.memory_space<vmem_shared>> -> memref<640xf32, #tpu.memory_space<vmem_shared>>
        tpu.wait_dma2 semaphore(%run_scoped3A_96 : memref<!tpu.dma_semaphore, #tpu.memory_space<semaphore_mem>>) src(%arg24 : memref<640xf32, #tpu.memory_space<vmem>>) dst(%dma_wait3A_99 : memref<640xf32, #tpu.memory_space<vmem_shared>>)
        tpu.yield
      }) : () -> ()
      %barrier3A_76 = arith.constant 0 : index
      tpu.barrier barrier_id(%barrier3A_76)
      %scan3A_77 = arith.constant 0 : i32
      %scan3A_78 = arith.constant 0 : i32
      %scan3A_79 = arith.constant 5 : i32
      %scan3A_80 = arith.addi %scan3A_78, %scan3A_79 : i32
      %scan3A_81 = arith.constant 1 : i32
      scf.for %scan3A_96 = %scan3A_78 to %scan3A_80 step %scan3A_81  : i32 {
        %mul3A_97 = arith.constant 160 : i32
        %mul3A_98 = arith.muli %arg1, %mul3A_97 : i32
        %mul3A_99 = arith.constant 32 : i32
        %mul3A_100 = arith.muli %scan3A_96, %mul3A_99 : i32
        %add3A_101 = arith.addi %mul3A_98, %mul3A_100 : i32
        "tpu.region"() ({
          %run_scoped3A_114 = tpu.sem_alloc : memref<!tpu.dma_semaphore, #tpu.memory_space<semaphore_mem>>
          %dma_start3A_115 = arith.constant 0 : i32
          %dma_start3A_116 = tpu.memref_slice %arg9[%add3A_101, %dma_start3A_115] : memref<2560x128xi32, #tpu.memory_space<hbm>> -> memref<32x128xi32, #tpu.memory_space<hbm>>
          %dma_start3A_117 = arith.constant 0 : i32
          %dma_start3A_118 = tpu.memref_slice %arg9[%add3A_101, %dma_start3A_117] : memref<2560x128xi32, #tpu.memory_space<hbm>> -> memref<32x128xi32, #tpu.memory_space<hbm>>
          tpu.enqueue_dma source(%dma_start3A_118 : memref<32x128xi32, #tpu.memory_space<hbm>>) target(%arg19 : memref<32x128xi32, #tpu.memory_space<vmem>>) target_semaphore(%run_scoped3A_114 : memref<!tpu.dma_semaphore, #tpu.memory_space<semaphore_mem>>)
          %dma_wait3A_119 = arith.constant 0 : i32
          %dma_wait3A_120 = tpu.memref_slice %arg9[%add3A_101, %dma_wait3A_119] : memref<2560x128xi32, #tpu.memory_space<hbm>> -> memref<32x128xi32, #tpu.memory_space<hbm>>
          %dma_wait3A_121 = arith.constant 0 : i32
          %dma_wait3A_122 = tpu.memref_slice %arg9[%add3A_101, %dma_wait3A_121] : memref<2560x128xi32, #tpu.memory_space<hbm>> -> memref<32x128xi32, #tpu.memory_space<hbm>>
          tpu.wait_dma2 semaphore(%run_scoped3A_114 : memref<!tpu.dma_semaphore, #tpu.memory_space<semaphore_mem>>) src(%dma_wait3A_122 : memref<32x128xi32, #tpu.memory_space<hbm>>) dst(%arg19 : memref<32x128xi32, #tpu.memory_space<vmem>>)
          tpu.yield
        }) : () -> ()
        "tpu.region"() ({
          %run_scoped3A_114 = tpu.sem_alloc : memref<!tpu.dma_semaphore, #tpu.memory_space<semaphore_mem>>
          %dma_start3A_115 = arith.constant 0 : i32
          %dma_start3A_116 = tpu.memref_slice %arg13[%add3A_101, %dma_start3A_115] : memref<2560x128xi32, #tpu.memory_space<hbm>> -> memref<32x128xi32, #tpu.memory_space<hbm>>
          %dma_start3A_117 = arith.constant 0 : i32
          %dma_start3A_118 = tpu.memref_slice %arg13[%add3A_101, %dma_start3A_117] : memref<2560x128xi32, #tpu.memory_space<hbm>> -> memref<32x128xi32, #tpu.memory_space<hbm>>
          tpu.enqueue_dma source(%dma_start3A_118 : memref<32x128xi32, #tpu.memory_space<hbm>>) target(%arg20 : memref<32x128xi32, #tpu.memory_space<vmem>>) target_semaphore(%run_scoped3A_114 : memref<!tpu.dma_semaphore, #tpu.memory_space<semaphore_mem>>)
          %dma_wait3A_119 = arith.constant 0 : i32
          %dma_wait3A_120 = tpu.memref_slice %arg13[%add3A_101, %dma_wait3A_119] : memref<2560x128xi32, #tpu.memory_space<hbm>> -> memref<32x128xi32, #tpu.memory_space<hbm>>
          %dma_wait3A_121 = arith.constant 0 : i32
          %dma_wait3A_122 = tpu.memref_slice %arg13[%add3A_101, %dma_wait3A_121] : memref<2560x128xi32, #tpu.memory_space<hbm>> -> memref<32x128xi32, #tpu.memory_space<hbm>>
          tpu.wait_dma2 semaphore(%run_scoped3A_114 : memref<!tpu.dma_semaphore, #tpu.memory_space<semaphore_mem>>) src(%dma_wait3A_122 : memref<32x128xi32, #tpu.memory_space<hbm>>) dst(%arg20 : memref<32x128xi32, #tpu.memory_space<vmem>>)
          tpu.yield
        }) : () -> ()
        %dma_start3A = arith.constant 0 : i32
        %dma_start3A_102 = arith.constant 0 : i32
        %dma_start3A_103 = tpu.memref_slice %arg19[%dma_start3A, %dma_start3A_102] : memref<32x128xi32, #tpu.memory_space<vmem>> -> memref<1x128xi32, #tpu.memory_space<vmem>>
        %dma_start3A_104 = tpu.memref_squeeze %dma_start3A_103 : memref<1x128xi32, #tpu.memory_space<vmem>> -> memref<128xi32, #tpu.memory_space<vmem>>
        %dma_start3A_105 = arith.constant 0 : i32
        %dma_start3A_106 = arith.constant 0 : i32
        %dma_start3A_107 = tpu.memref_slice %arg5[%dma_start3A_105, %dma_start3A_106] : memref<10032x128xf32, #tpu.memory_space<hbm>> -> memref<10032x128xf32, #tpu.memory_space<hbm>>
        tpu.enqueue_indirect_dma source(%dma_start3A_107 : memref<10032x128xf32, #tpu.memory_space<hbm>>) target(%arg21 : memref<128x128xf32, #tpu.memory_space<vmem>>) offsets(%dma_start3A_104 : memref<128xi32, #tpu.memory_space<vmem>>) semaphore(%arg27 : memref<!tpu.dma_semaphore, #tpu.memory_space<semaphore_mem>>)
        %scan3A_108 = arith.constant 0 : i32
        %scan3A_109 = arith.constant 0 : i32
        %scan3A_110 = arith.constant 16 : i32
        %scan3A_111 = arith.addi %scan3A_109, %scan3A_110 : i32
        %scan3A_112 = arith.constant 1 : i32
        scf.for %scan3A_114 = %scan3A_109 to %scan3A_111 step %scan3A_112  : i32 {
          %eq3A_115 = arith.constant 0 : i32
          %eq3A_116 = arith.cmpi eq, %scan3A_96, %eq3A_115 : i32
          %eq3A_117 = arith.constant 0 : i32
          %eq3A_118 = arith.cmpi eq, %scan3A_114, %eq3A_117 : i32
          %and3A = arith.andi %eq3A_116, %eq3A_118 : i1
          %dma_wait3A_119 = arith.constant 0 : i32
          %dma_wait3A_120 = arith.constant 0 : i32
          %dma_wait3A_121 = tpu.memref_slice %arg19[%dma_wait3A_119, %dma_wait3A_120] : memref<32x128xi32, #tpu.memory_space<vmem>> -> memref<1x128xi32, #tpu.memory_space<vmem>>
          %dma_wait3A_122 = tpu.memref_squeeze %dma_wait3A_121 : memref<1x128xi32, #tpu.memory_space<vmem>> -> memref<128xi32, #tpu.memory_space<vmem>>
          %dma_wait3A_123 = arith.constant 0 : i32
          %dma_wait3A_124 = arith.constant 0 : i32
          %dma_wait3A_125 = tpu.memref_slice %arg5[%dma_wait3A_123, %dma_wait3A_124] : memref<10032x128xf32, #tpu.memory_space<hbm>> -> memref<10032x128xf32, #tpu.memory_space<hbm>>
          tpu.wait_indirect_dma semaphore(%arg27 : memref<!tpu.dma_semaphore, #tpu.memory_space<semaphore_mem>>) src(%dma_wait3A_125 : memref<10032x128xf32, #tpu.memory_space<hbm>>) dst(%arg21 : memref<128x128xf32, #tpu.memory_space<vmem>>)
          %mul3A_126 = arith.constant 2 : i32
          %mul3A_127 = arith.muli %mul3A_126, %scan3A_114 : i32
          %add3A_128 = arith.constant 1 : i32
          %add3A_129 = arith.addi %mul3A_127, %add3A_128 : i32
          %dma_start3A_130 = arith.constant 0 : i32
          %dma_start3A_131 = tpu.memref_slice %arg19[%add3A_129, %dma_start3A_130] : memref<32x128xi32, #tpu.memory_space<vmem>> -> memref<1x128xi32, #tpu.memory_space<vmem>>
          %dma_start3A_132 = tpu.memref_squeeze %dma_start3A_131 : memref<1x128xi32, #tpu.memory_space<vmem>> -> memref<128xi32, #tpu.memory_space<vmem>>
          %dma_start3A_133 = arith.constant 0 : i32
          %dma_start3A_134 = arith.constant 0 : i32
          %dma_start3A_135 = tpu.memref_slice %arg5[%dma_start3A_133, %dma_start3A_134] : memref<10032x128xf32, #tpu.memory_space<hbm>> -> memref<10032x128xf32, #tpu.memory_space<hbm>>
          tpu.enqueue_indirect_dma source(%dma_start3A_135 : memref<10032x128xf32, #tpu.memory_space<hbm>>) target(%arg22 : memref<128x128xf32, #tpu.memory_space<vmem>>) offsets(%dma_start3A_132 : memref<128xi32, #tpu.memory_space<vmem>>) semaphore(%arg28 : memref<!tpu.dma_semaphore, #tpu.memory_space<semaphore_mem>>)
          %mul3A_136 = arith.constant 2 : i32
          %mul3A_137 = arith.muli %mul3A_136, %scan3A_114 : i32
          "tpu.region"() ({
            %run_scoped3A_179 = tpu.sem_alloc : memref<!tpu.dma_semaphore, #tpu.memory_space<semaphore_mem>>
            %dma_start3A_180 = arith.constant 0 : i32
            %dma_start3A_181 = tpu.memref_slice %arg20[%mul3A_137, %dma_start3A_180] : memref<32x128xi32, #tpu.memory_space<vmem>> -> memref<1x128xi32, #tpu.memory_space<vmem>>
            %dma_start3A_182 = tpu.memref_squeeze %dma_start3A_181 : memref<1x128xi32, #tpu.memory_space<vmem>> -> memref<128xi32, #tpu.memory_space<vmem>>
            %dma_start3A_183 = arith.constant 0 : i32
            %dma_start3A_184 = arith.constant 0 : i32
            %dma_start3A_185 = tpu.memref_slice %arg25[%dma_start3A_183, %dma_start3A_184] : memref<10240x128xf32, #tpu.memory_space<vmem_shared>> -> memref<10240x128xf32, #tpu.memory_space<vmem_shared>>
            tpu.enqueue_indirect_dma source(%arg21 : memref<128x128xf32, #tpu.memory_space<vmem>>) target(%dma_start3A_185 : memref<10240x128xf32, #tpu.memory_space<vmem_shared>>) offsets(%dma_start3A_182 : memref<128xi32, #tpu.memory_space<vmem>>) semaphore(%run_scoped3A_179 : memref<!tpu.dma_semaphore, #tpu.memory_space<semaphore_mem>>) {add = true}
            %dma_wait3A_186 = arith.constant 0 : i32
            %dma_wait3A_187 = tpu.memref_slice %arg20[%mul3A_137, %dma_wait3A_186] : memref<32x128xi32, #tpu.memory_space<vmem>> -> memref<1x128xi32, #tpu.memory_space<vmem>>
            %dma_wait3A_188 = tpu.memref_squeeze %dma_wait3A_187 : memref<1x128xi32, #tpu.memory_space<vmem>> -> memref<128xi32, #tpu.memory_space<vmem>>
            %dma_wait3A_189 = arith.constant 0 : i32
            %dma_wait3A_190 = arith.constant 0 : i32
            %dma_wait3A_191 = tpu.memref_slice %arg25[%dma_wait3A_189, %dma_wait3A_190] : memref<10240x128xf32, #tpu.memory_space<vmem_shared>> -> memref<10240x128xf32, #tpu.memory_space<vmem_shared>>
            tpu.wait_indirect_dma semaphore(%run_scoped3A_179 : memref<!tpu.dma_semaphore, #tpu.memory_space<semaphore_mem>>) src(%arg21 : memref<128x128xf32, #tpu.memory_space<vmem>>) dst(%dma_wait3A_191 : memref<10240x128xf32, #tpu.memory_space<vmem_shared>>)
            tpu.yield
          }) : () -> ()
          %not3A = arith.constant true
          %not3A_138 = arith.xori %and3A, %not3A : i1
          %convert_element_type3A_139 = arith.extui %not3A_138 : i1 to i32
          %cond3A_140 = arith.constant 0 : i32
          %cond3A_141 = arith.cmpi ne, %convert_element_type3A_139, %cond3A_140 : i32
          scf.if %cond3A_141 {
            %dma_wait3A_179 = arith.constant 0 : i32
            %dma_wait3A_180 = arith.constant 0 : i32
            %dma_wait3A_181 = tpu.memref_slice %arg20[%dma_wait3A_179, %dma_wait3A_180] : memref<32x128xi32, #tpu.memory_space<vmem>> -> memref<1x128xi32, #tpu.memory_space<vmem>>
            %dma_wait3A_182 = tpu.memref_squeeze %dma_wait3A_181 : memref<1x128xi32, #tpu.memory_space<vmem>> -> memref<128xi32, #tpu.memory_space<vmem>>
            %dma_wait3A_183 = arith.constant 0 : i32
            %dma_wait3A_184 = tpu.memref_slice %arg26[%dma_wait3A_183] : memref<10240xf32, #tpu.memory_space<vmem_shared>> -> memref<10240xf32, #tpu.memory_space<vmem_shared>>
            tpu.wait_indirect_dma semaphore(%arg29 : memref<!tpu.dma_semaphore, #tpu.memory_space<semaphore_mem>>) src(%arg23 : memref<128xf32, #tpu.memory_space<vmem>>) dst(%dma_wait3A_184 : memref<10240xf32, #tpu.memory_space<vmem_shared>>)
          } else {
          }
          %mul3A_142 = arith.constant 2 : i32
          %mul3A_143 = arith.muli %mul3A_142, %scan3A_114 : i32
          %dma_start3A_144 = arith.constant 0 : i32
          %dma_start3A_145 = tpu.memref_slice %arg20[%mul3A_143, %dma_start3A_144] : memref<32x128xi32, #tpu.memory_space<vmem>> -> memref<1x128xi32, #tpu.memory_space<vmem>>
          %dma_start3A_146 = tpu.memref_squeeze %dma_start3A_145 : memref<1x128xi32, #tpu.memory_space<vmem>> -> memref<128xi32, #tpu.memory_space<vmem>>
          %dma_start3A_147 = arith.constant 0 : i32
          %dma_start3A_148 = tpu.memref_slice %arg26[%dma_start3A_147] : memref<10240xf32, #tpu.memory_space<vmem_shared>> -> memref<10240xf32, #tpu.memory_space<vmem_shared>>
          tpu.enqueue_indirect_dma source(%arg23 : memref<128xf32, #tpu.memory_space<vmem>>) target(%dma_start3A_148 : memref<10240xf32, #tpu.memory_space<vmem_shared>>) offsets(%dma_start3A_146 : memref<128xi32, #tpu.memory_space<vmem>>) semaphore(%arg29 : memref<!tpu.dma_semaphore, #tpu.memory_space<semaphore_mem>>) {add = true}
          %lt3A = arith.constant 15 : i32
          %lt3A_149 = arith.cmpi slt, %scan3A_114, %lt3A : i32
          %convert_element_type3A_150 = arith.extui %lt3A_149 : i1 to i32
          %cond3A_151 = arith.constant 0 : i32
          %cond3A_152 = arith.cmpi ne, %convert_element_type3A_150, %cond3A_151 : i32
          scf.if %cond3A_152 {
            %mul3A_179 = arith.constant 2 : i32
            %mul3A_180 = arith.muli %mul3A_179, %scan3A_114 : i32
            %add3A_181 = arith.constant 2 : i32
            %add3A_182 = arith.addi %mul3A_180, %add3A_181 : i32
            %dma_start3A_183 = arith.constant 0 : i32
            %dma_start3A_184 = tpu.memref_slice %arg19[%add3A_182, %dma_start3A_183] : memref<32x128xi32, #tpu.memory_space<vmem>> -> memref<1x128xi32, #tpu.memory_space<vmem>>
            %dma_start3A_185 = tpu.memref_squeeze %dma_start3A_184 : memref<1x128xi32, #tpu.memory_space<vmem>> -> memref<128xi32, #tpu.memory_space<vmem>>
            %dma_start3A_186 = arith.constant 0 : i32
            %dma_start3A_187 = arith.constant 0 : i32
            %dma_start3A_188 = tpu.memref_slice %arg5[%dma_start3A_186, %dma_start3A_187] : memref<10032x128xf32, #tpu.memory_space<hbm>> -> memref<10032x128xf32, #tpu.memory_space<hbm>>
            tpu.enqueue_indirect_dma source(%dma_start3A_188 : memref<10032x128xf32, #tpu.memory_space<hbm>>) target(%arg21 : memref<128x128xf32, #tpu.memory_space<vmem>>) offsets(%dma_start3A_185 : memref<128xi32, #tpu.memory_space<vmem>>) semaphore(%arg27 : memref<!tpu.dma_semaphore, #tpu.memory_space<semaphore_mem>>)
          } else {
          }
          %dma_wait3A_153 = arith.constant 0 : i32
          %dma_wait3A_154 = arith.constant 0 : i32
          %dma_wait3A_155 = tpu.memref_slice %arg19[%dma_wait3A_153, %dma_wait3A_154] : memref<32x128xi32, #tpu.memory_space<vmem>> -> memref<1x128xi32, #tpu.memory_space<vmem>>
          %dma_wait3A_156 = tpu.memref_squeeze %dma_wait3A_155 : memref<1x128xi32, #tpu.memory_space<vmem>> -> memref<128xi32, #tpu.memory_space<vmem>>
          %dma_wait3A_157 = arith.constant 0 : i32
          %dma_wait3A_158 = arith.constant 0 : i32
          %dma_wait3A_159 = tpu.memref_slice %arg5[%dma_wait3A_157, %dma_wait3A_158] : memref<10032x128xf32, #tpu.memory_space<hbm>> -> memref<10032x128xf32, #tpu.memory_space<hbm>>
          tpu.wait_indirect_dma semaphore(%arg28 : memref<!tpu.dma_semaphore, #tpu.memory_space<semaphore_mem>>) src(%dma_wait3A_159 : memref<10032x128xf32, #tpu.memory_space<hbm>>) dst(%arg22 : memref<128x128xf32, #tpu.memory_space<vmem>>)
          %mul3A_160 = arith.constant 2 : i32
          %mul3A_161 = arith.muli %mul3A_160, %scan3A_114 : i32
          %add3A_162 = arith.constant 1 : i32
          %add3A_163 = arith.addi %mul3A_161, %add3A_162 : i32
          "tpu.region"() ({
            %run_scoped3A_179 = tpu.sem_alloc : memref<!tpu.dma_semaphore, #tpu.memory_space<semaphore_mem>>
            %dma_start3A_180 = arith.constant 0 : i32
            %dma_start3A_181 = tpu.memref_slice %arg20[%add3A_163, %dma_start3A_180] : memref<32x128xi32, #tpu.memory_space<vmem>> -> memref<1x128xi32, #tpu.memory_space<vmem>>
            %dma_start3A_182 = tpu.memref_squeeze %dma_start3A_181 : memref<1x128xi32, #tpu.memory_space<vmem>> -> memref<128xi32, #tpu.memory_space<vmem>>
            %dma_start3A_183 = arith.constant 0 : i32
            %dma_start3A_184 = arith.constant 0 : i32
            %dma_start3A_185 = tpu.memref_slice %arg25[%dma_start3A_183, %dma_start3A_184] : memref<10240x128xf32, #tpu.memory_space<vmem_shared>> -> memref<10240x128xf32, #tpu.memory_space<vmem_shared>>
            tpu.enqueue_indirect_dma source(%arg22 : memref<128x128xf32, #tpu.memory_space<vmem>>) target(%dma_start3A_185 : memref<10240x128xf32, #tpu.memory_space<vmem_shared>>) offsets(%dma_start3A_182 : memref<128xi32, #tpu.memory_space<vmem>>) semaphore(%run_scoped3A_179 : memref<!tpu.dma_semaphore, #tpu.memory_space<semaphore_mem>>) {add = true}
            %dma_wait3A_186 = arith.constant 0 : i32
            %dma_wait3A_187 = tpu.memref_slice %arg20[%add3A_163, %dma_wait3A_186] : memref<32x128xi32, #tpu.memory_space<vmem>> -> memref<1x128xi32, #tpu.memory_space<vmem>>
            %dma_wait3A_188 = tpu.memref_squeeze %dma_wait3A_187 : memref<1x128xi32, #tpu.memory_space<vmem>> -> memref<128xi32, #tpu.memory_space<vmem>>
            %dma_wait3A_189 = arith.constant 0 : i32
            %dma_wait3A_190 = arith.constant 0 : i32
            %dma_wait3A_191 = tpu.memref_slice %arg25[%dma_wait3A_189, %dma_wait3A_190] : memref<10240x128xf32, #tpu.memory_space<vmem_shared>> -> memref<10240x128xf32, #tpu.memory_space<vmem_shared>>
            tpu.wait_indirect_dma semaphore(%run_scoped3A_179 : memref<!tpu.dma_semaphore, #tpu.memory_space<semaphore_mem>>) src(%arg22 : memref<128x128xf32, #tpu.memory_space<vmem>>) dst(%dma_wait3A_191 : memref<10240x128xf32, #tpu.memory_space<vmem_shared>>)
            tpu.yield
          }) : () -> ()
          %dma_wait3A_164 = arith.constant 0 : i32
          %dma_wait3A_165 = arith.constant 0 : i32
          %dma_wait3A_166 = tpu.memref_slice %arg20[%dma_wait3A_164, %dma_wait3A_165] : memref<32x128xi32, #tpu.memory_space<vmem>> -> memref<1x128xi32, #tpu.memory_space<vmem>>
          %dma_wait3A_167 = tpu.memref_squeeze %dma_wait3A_166 : memref<1x128xi32, #tpu.memory_space<vmem>> -> memref<128xi32, #tpu.memory_space<vmem>>
          %dma_wait3A_168 = arith.constant 0 : i32
          %dma_wait3A_169 = tpu.memref_slice %arg26[%dma_wait3A_168] : memref<10240xf32, #tpu.memory_space<vmem_shared>> -> memref<10240xf32, #tpu.memory_space<vmem_shared>>
          tpu.wait_indirect_dma semaphore(%arg29 : memref<!tpu.dma_semaphore, #tpu.memory_space<semaphore_mem>>) src(%arg23 : memref<128xf32, #tpu.memory_space<vmem>>) dst(%dma_wait3A_169 : memref<10240xf32, #tpu.memory_space<vmem_shared>>)
          %mul3A_170 = arith.constant 2 : i32
          %mul3A_171 = arith.muli %mul3A_170, %scan3A_114 : i32
          %add3A_172 = arith.constant 1 : i32
          %add3A_173 = arith.addi %mul3A_171, %add3A_172 : i32
          %dma_start3A_174 = arith.constant 0 : i32
          %dma_start3A_175 = tpu.memref_slice %arg20[%add3A_173, %dma_start3A_174] : memref<32x128xi32, #tpu.memory_space<vmem>> -> memref<1x128xi32, #tpu.memory_space<vmem>>
          %dma_start3A_176 = tpu.memref_squeeze %dma_start3A_175 : memref<1x128xi32, #tpu.memory_space<vmem>> -> memref<128xi32, #tpu.memory_space<vmem>>
          %dma_start3A_177 = arith.constant 0 : i32
          %dma_start3A_178 = tpu.memref_slice %arg26[%dma_start3A_177] : memref<10240xf32, #tpu.memory_space<vmem_shared>> -> memref<10240xf32, #tpu.memory_space<vmem_shared>>
          tpu.enqueue_indirect_dma source(%arg23 : memref<128xf32, #tpu.memory_space<vmem>>) target(%dma_start3A_178 : memref<10240xf32, #tpu.memory_space<vmem_shared>>) offsets(%dma_start3A_176 : memref<128xi32, #tpu.memory_space<vmem>>) semaphore(%arg29 : memref<!tpu.dma_semaphore, #tpu.memory_space<semaphore_mem>>) {add = true}
        }
        %scan3A_113 = arith.constant 16 : i32
      }
      %scan3A_82 = arith.constant 5 : i32
      %dma_wait3A_83 = arith.constant 0 : i32
      %dma_wait3A_84 = arith.constant 0 : i32
      %dma_wait3A_85 = tpu.memref_slice %arg20[%dma_wait3A_83, %dma_wait3A_84] : memref<32x128xi32, #tpu.memory_space<vmem>> -> memref<1x128xi32, #tpu.memory_space<vmem>>
      %dma_wait3A_86 = tpu.memref_squeeze %dma_wait3A_85 : memref<1x128xi32, #tpu.memory_space<vmem>> -> memref<128xi32, #tpu.memory_space<vmem>>
      %dma_wait3A_87 = arith.constant 0 : i32
      %dma_wait3A_88 = tpu.memref_slice %arg26[%dma_wait3A_87] : memref<10240xf32, #tpu.memory_space<vmem_shared>> -> memref<10240xf32, #tpu.memory_space<vmem_shared>>
      tpu.wait_indirect_dma semaphore(%arg29 : memref<!tpu.dma_semaphore, #tpu.memory_space<semaphore_mem>>) src(%arg23 : memref<128xf32, #tpu.memory_space<vmem>>) dst(%dma_wait3A_88 : memref<10240xf32, #tpu.memory_space<vmem_shared>>)
      %barrier3A_89 = arith.constant 0 : index
      tpu.barrier barrier_id(%barrier3A_89)
      "tpu.region"() ({
        %run_scoped3A_96 = tpu.sem_alloc : memref<!tpu.dma_semaphore, #tpu.memory_space<semaphore_mem>>
        %dma_start3A = arith.constant 0 : i32
        %dma_start3A_97 = tpu.memref_slice %arg17[%mul3A_63, %dma_start3A] : memref<10240x128xf32, #tpu.memory_space<hbm>> -> memref<640x128xf32, #tpu.memory_space<hbm>>
        %dma_start3A_98 = arith.constant 0 : i32
        %dma_start3A_99 = tpu.memref_slice %arg25[%mul3A_63, %dma_start3A_98] : memref<10240x128xf32, #tpu.memory_space<vmem_shared>> -> memref<640x128xf32, #tpu.memory_space<vmem_shared>>
        tpu.enqueue_dma source(%dma_start3A_99 : memref<640x128xf32, #tpu.memory_space<vmem_shared>>) target(%dma_start3A_97 : memref<640x128xf32, #tpu.memory_space<hbm>>) target_semaphore(%run_scoped3A_96 : memref<!tpu.dma_semaphore, #tpu.memory_space<semaphore_mem>>)
        %dma_wait3A_100 = arith.constant 0 : i32
        %dma_wait3A_101 = tpu.memref_slice %arg17[%mul3A_63, %dma_wait3A_100] : memref<10240x128xf32, #tpu.memory_space<hbm>> -> memref<640x128xf32, #tpu.memory_space<hbm>>
        %dma_wait3A_102 = arith.constant 0 : i32
        %dma_wait3A_103 = tpu.memref_slice %arg25[%mul3A_63, %dma_wait3A_102] : memref<10240x128xf32, #tpu.memory_space<vmem_shared>> -> memref<640x128xf32, #tpu.memory_space<vmem_shared>>
        tpu.wait_dma2 semaphore(%run_scoped3A_96 : memref<!tpu.dma_semaphore, #tpu.memory_space<semaphore_mem>>) src(%dma_wait3A_103 : memref<640x128xf32, #tpu.memory_space<vmem_shared>>) dst(%dma_wait3A_101 : memref<640x128xf32, #tpu.memory_space<hbm>>)
        tpu.yield
      }) : () -> ()
      %mul3A_90 = arith.constant 640 : i32
      %mul3A_91 = arith.muli %arg1, %mul3A_90 : i32
      %mul3A_92 = arith.constant 640 : i32
      %mul3A_93 = arith.muli %arg1, %mul3A_92 : i32
      %run_scoped3A_94 = arith.constant 3 : i32
      "tpu.region"() ({
        %run_scoped3A_96 = tpu.sem_alloc : memref<!tpu.dma_semaphore, #tpu.memory_space<semaphore_mem>>
        %dma_start3A = tpu.memref_slice %arg18[%run_scoped3A_94, %mul3A_93] : memref<4x10240xf32, #tpu.memory_space<hbm>> -> memref<1x640xf32, #tpu.memory_space<hbm>>
        %dma_start3A_97 = tpu.memref_squeeze %dma_start3A : memref<1x640xf32, #tpu.memory_space<hbm>> -> memref<640xf32, #tpu.memory_space<hbm>>
        %dma_start3A_98 = tpu.memref_slice %arg26[%mul3A_91] : memref<10240xf32, #tpu.memory_space<vmem_shared>> -> memref<640xf32, #tpu.memory_space<vmem_shared>>
        tpu.enqueue_dma source(%dma_start3A_98 : memref<640xf32, #tpu.memory_space<vmem_shared>>) target(%dma_start3A_97 : memref<640xf32, #tpu.memory_space<hbm>>) target_semaphore(%run_scoped3A_96 : memref<!tpu.dma_semaphore, #tpu.memory_space<semaphore_mem>>)
        %dma_wait3A_99 = tpu.memref_slice %arg18[%run_scoped3A_94, %mul3A_93] : memref<4x10240xf32, #tpu.memory_space<hbm>> -> memref<1x640xf32, #tpu.memory_space<hbm>>
        %dma_wait3A_100 = tpu.memref_squeeze %dma_wait3A_99 : memref<1x640xf32, #tpu.memory_space<hbm>> -> memref<640xf32, #tpu.memory_space<hbm>>
        %dma_wait3A_101 = tpu.memref_slice %arg26[%mul3A_91] : memref<10240xf32, #tpu.memory_space<vmem_shared>> -> memref<640xf32, #tpu.memory_space<vmem_shared>>
        tpu.wait_dma2 semaphore(%run_scoped3A_96 : memref<!tpu.dma_semaphore, #tpu.memory_space<semaphore_mem>>) src(%dma_wait3A_101 : memref<640xf32, #tpu.memory_space<vmem_shared>>) dst(%dma_wait3A_100 : memref<640xf32, #tpu.memory_space<hbm>>)
        tpu.yield
      }) : () -> ()
      %barrier3A_95 = arith.constant 0 : index
      tpu.barrier barrier_id(%barrier3A_95)
    } else {
    }
    return
  }
}

module attributes {stable_mosaic.version = 14 : i64} {
  func.func @_h_body(%arg0: i32, %arg1: memref<1024x128xf32, #tpu.memory_space<vmem>>, %arg2: memref<1024x128xf32, #tpu.memory_space<vmem>>, %arg3: memref<4x10240xf32, #tpu.memory_space<vmem>>, %arg4: memref<128x128xf32, #tpu.memory_space<vmem>>, %arg5: memref<128x128xf32, #tpu.memory_space<vmem>>, %arg6: memref<1024x128xf32, #tpu.memory_space<vmem>>, %arg7: memref<1024x128xf32, #tpu.memory_space<vmem>>, %arg8: memref<1024x128xf32, #tpu.memory_space<vmem>>, %arg9: memref<1024x128xf32, #tpu.memory_space<vmem>>) attributes {dimension_semantics = [#tpu.dimension_semantics<arbitrary>], iteration_bounds = array<i64: 10>, scalar_prefetch = 0 : i64, scratch_operands = 0 : i64, tpu.core_type = #tpu.core_type<tc>, window_params = [{transform_indices = @transform_0, window_bounds = array<i64: 1024, 128>}, {transform_indices = @transform_1, window_bounds = array<i64: 1024, 128>}, {pipeline_mode = #tpu.pipeline_mode<synchronous>, transform_indices = @transform_2, window_bounds = array<i64: 4, 10240>}, {pipeline_mode = #tpu.pipeline_mode<synchronous>, transform_indices = @transform_3, window_bounds = array<i64: 128, 128>}, {pipeline_mode = #tpu.pipeline_mode<synchronous>, transform_indices = @transform_4, window_bounds = array<i64: 128, 128>}, {transform_indices = @transform_5, window_bounds = array<i64: 1024, 128>}, {transform_indices = @transform_6, window_bounds = array<i64: 1024, 128>}, {transform_indices = @transform_7, window_bounds = array<i64: 1024, 128>}, {transform_indices = @transform_8, window_bounds = array<i64: 1024, 128>}]} {
    %mul3A = arith.constant 1024 : i32
    %mul3A_0 = arith.muli %arg0, %mul3A : i32
    %get3A = arith.constant 0 : index
    %get3A_1 = arith.index_cast %mul3A_0 : i32 to index
    %get3A_2 = vector.load %arg3[%get3A, %get3A_1] : memref<4x10240xf32, #tpu.memory_space<vmem>>, vector<1x1024xf32>
    %get3A_3 = vector.shape_cast %get3A_2 : vector<1x1024xf32> to vector<1024xf32>
    %gt3A = arith.constant 0.000000e+00 : f32
    %gt3A_4 = vector.broadcast %gt3A : f32 to vector<1024xf32>
    %gt3A_5 = arith.cmpf ogt, %get3A_3, %gt3A_4 : vector<1024xf32>
    %rsqrt3A = math.rsqrt %get3A_3 : vector<1024xf32>
    %jit3A = arith.constant 0.000000e+00 : f32
    %broadcast_in_dim3A = vector.broadcast %jit3A : f32 to vector<1024xf32>
    %select_n3A = arith.select %gt3A_5, %rsqrt3A, %broadcast_in_dim3A : vector<1024xi1>, vector<1024xf32>
    %get3A_6 = arith.constant 0 : index
    %get3A_7 = arith.constant 0 : index
    %get3A_8 = vector.load %arg1[%get3A_6, %get3A_7] : memref<1024x128xf32, #tpu.memory_space<vmem>>, vector<1024x128xf32>
    %broadcast_in_dim3A_9 = vector.shape_cast %select_n3A : vector<1024xf32> to vector<1024x1xf32>
    %mul3A_10 = vector.broadcast %broadcast_in_dim3A_9 : vector<1024x1xf32> to vector<1024x128xf32>
    %mul3A_11 = arith.mulf %get3A_8, %mul3A_10 : vector<1024x128xf32>
    %get3A_12 = arith.constant 0 : index
    %get3A_13 = arith.constant 0 : index
    %get3A_14 = vector.load %arg4[%get3A_12, %get3A_13] : memref<128x128xf32, #tpu.memory_space<vmem>>, vector<128x128xf32>
    %dot_general3A = arith.constant dense<0.000000e+00> : vector<1024x128xf32>
    %dot_general3A_15 = tpu.matmul %mul3A_11, %get3A_14, %dot_general3A {dimension_numbers = #tpu.dot_dimension_numbers<[1], [0], [0], [1], [0, 0, 1, 1], [], []>, transpose_lhs_hint = false} : vector<1024x128xf32>, vector<128x128xf32>, vector<1024x128xf32> -> vector<1024x128xf32>
    %swap3A = arith.constant 0 : index
    %swap3A_16 = arith.constant 0 : index
    %swap3A_17 = vector.load %arg6[%swap3A, %swap3A_16] : memref<1024x128xf32, #tpu.memory_space<vmem>>, vector<1024x128xf32>
    tpu.vector_store %arg6[%swap3A, %swap3A_16], %dot_general3A_15 {strides = array<i32>} : memref<1024x128xf32, #tpu.memory_space<vmem>>, vector<1024x128xf32>,
    %mul3A_18 = arith.constant 1024 : i32
    %mul3A_19 = arith.muli %arg0, %mul3A_18 : i32
    %get3A_20 = arith.constant 1 : index
    %get3A_21 = arith.index_cast %mul3A_19 : i32 to index
    %get3A_22 = vector.load %arg3[%get3A_20, %get3A_21] : memref<4x10240xf32, #tpu.memory_space<vmem>>, vector<1x1024xf32>
    %get3A_23 = vector.shape_cast %get3A_22 : vector<1x1024xf32> to vector<1024xf32>
    %gt3A_24 = arith.constant 0.000000e+00 : f32
    %gt3A_25 = vector.broadcast %gt3A_24 : f32 to vector<1024xf32>
    %gt3A_26 = arith.cmpf ogt, %get3A_23, %gt3A_25 : vector<1024xf32>
    %rsqrt3A_27 = math.rsqrt %get3A_23 : vector<1024xf32>
    %jit3A_28 = arith.constant 0.000000e+00 : f32
    %broadcast_in_dim3A_29 = vector.broadcast %jit3A_28 : f32 to vector<1024xf32>
    %select_n3A_30 = arith.select %gt3A_26, %rsqrt3A_27, %broadcast_in_dim3A_29 : vector<1024xi1>, vector<1024xf32>
    %get3A_31 = arith.constant 0 : index
    %get3A_32 = arith.constant 0 : index
    %get3A_33 = vector.load %arg1[%get3A_31, %get3A_32] : memref<1024x128xf32, #tpu.memory_space<vmem>>, vector<1024x128xf32>
    %broadcast_in_dim3A_34 = vector.shape_cast %select_n3A_30 : vector<1024xf32> to vector<1024x1xf32>
    %mul3A_35 = vector.broadcast %broadcast_in_dim3A_34 : vector<1024x1xf32> to vector<1024x128xf32>
    %mul3A_36 = arith.mulf %get3A_33, %mul3A_35 : vector<1024x128xf32>
    %get3A_37 = arith.constant 0 : index
    %get3A_38 = arith.constant 0 : index
    %get3A_39 = vector.load %arg4[%get3A_37, %get3A_38] : memref<128x128xf32, #tpu.memory_space<vmem>>, vector<128x128xf32>
    %dot_general3A_40 = arith.constant dense<0.000000e+00> : vector<1024x128xf32>
    %dot_general3A_41 = tpu.matmul %mul3A_36, %get3A_39, %dot_general3A_40 {dimension_numbers = #tpu.dot_dimension_numbers<[1], [0], [0], [1], [0, 0, 1, 1], [], []>, transpose_lhs_hint = false} : vector<1024x128xf32>, vector<128x128xf32>, vector<1024x128xf32> -> vector<1024x128xf32>
    %swap3A_42 = arith.constant 0 : index
    %swap3A_43 = arith.constant 0 : index
    %swap3A_44 = vector.load %arg7[%swap3A_42, %swap3A_43] : memref<1024x128xf32, #tpu.memory_space<vmem>>, vector<1024x128xf32>
    tpu.vector_store %arg7[%swap3A_42, %swap3A_43], %dot_general3A_41 {strides = array<i32>} : memref<1024x128xf32, #tpu.memory_space<vmem>>, vector<1024x128xf32>,
    %mul3A_45 = arith.constant 1024 : i32
    %mul3A_46 = arith.muli %arg0, %mul3A_45 : i32
    %get3A_47 = arith.constant 2 : index
    %get3A_48 = arith.index_cast %mul3A_46 : i32 to index
    %get3A_49 = vector.load %arg3[%get3A_47, %get3A_48] : memref<4x10240xf32, #tpu.memory_space<vmem>>, vector<1x1024xf32>
    %get3A_50 = vector.shape_cast %get3A_49 : vector<1x1024xf32> to vector<1024xf32>
    %gt3A_51 = arith.constant 0.000000e+00 : f32
    %gt3A_52 = vector.broadcast %gt3A_51 : f32 to vector<1024xf32>
    %gt3A_53 = arith.cmpf ogt, %get3A_50, %gt3A_52 : vector<1024xf32>
    %rsqrt3A_54 = math.rsqrt %get3A_50 : vector<1024xf32>
    %jit3A_55 = arith.constant 0.000000e+00 : f32
    %broadcast_in_dim3A_56 = vector.broadcast %jit3A_55 : f32 to vector<1024xf32>
    %select_n3A_57 = arith.select %gt3A_53, %rsqrt3A_54, %broadcast_in_dim3A_56 : vector<1024xi1>, vector<1024xf32>
    %get3A_58 = arith.constant 0 : index
    %get3A_59 = arith.constant 0 : index
    %get3A_60 = vector.load %arg2[%get3A_58, %get3A_59] : memref<1024x128xf32, #tpu.memory_space<vmem>>, vector<1024x128xf32>
    %broadcast_in_dim3A_61 = vector.shape_cast %select_n3A_57 : vector<1024xf32> to vector<1024x1xf32>
    %mul3A_62 = vector.broadcast %broadcast_in_dim3A_61 : vector<1024x1xf32> to vector<1024x128xf32>
    %mul3A_63 = arith.mulf %get3A_60, %mul3A_62 : vector<1024x128xf32>
    %get3A_64 = arith.constant 0 : index
    %get3A_65 = arith.constant 0 : index
    %get3A_66 = vector.load %arg5[%get3A_64, %get3A_65] : memref<128x128xf32, #tpu.memory_space<vmem>>, vector<128x128xf32>
    %dot_general3A_67 = arith.constant dense<0.000000e+00> : vector<1024x128xf32>
    %dot_general3A_68 = tpu.matmul %mul3A_63, %get3A_66, %dot_general3A_67 {dimension_numbers = #tpu.dot_dimension_numbers<[1], [0], [0], [1], [0, 0, 1, 1], [], []>, transpose_lhs_hint = false} : vector<1024x128xf32>, vector<128x128xf32>, vector<1024x128xf32> -> vector<1024x128xf32>
    %swap3A_69 = arith.constant 0 : index
    %swap3A_70 = arith.constant 0 : index
    %swap3A_71 = vector.load %arg8[%swap3A_69, %swap3A_70] : memref<1024x128xf32, #tpu.memory_space<vmem>>, vector<1024x128xf32>
    tpu.vector_store %arg8[%swap3A_69, %swap3A_70], %dot_general3A_68 {strides = array<i32>} : memref<1024x128xf32, #tpu.memory_space<vmem>>, vector<1024x128xf32>,
    %mul3A_72 = arith.constant 1024 : i32
    %mul3A_73 = arith.muli %arg0, %mul3A_72 : i32
    %get3A_74 = arith.constant 3 : index
    %get3A_75 = arith.index_cast %mul3A_73 : i32 to index
    %get3A_76 = vector.load %arg3[%get3A_74, %get3A_75] : memref<4x10240xf32, #tpu.memory_space<vmem>>, vector<1x1024xf32>
    %get3A_77 = vector.shape_cast %get3A_76 : vector<1x1024xf32> to vector<1024xf32>
    %gt3A_78 = arith.constant 0.000000e+00 : f32
    %gt3A_79 = vector.broadcast %gt3A_78 : f32 to vector<1024xf32>
    %gt3A_80 = arith.cmpf ogt, %get3A_77, %gt3A_79 : vector<1024xf32>
    %rsqrt3A_81 = math.rsqrt %get3A_77 : vector<1024xf32>
    %jit3A_82 = arith.constant 0.000000e+00 : f32
    %broadcast_in_dim3A_83 = vector.broadcast %jit3A_82 : f32 to vector<1024xf32>
    %select_n3A_84 = arith.select %gt3A_80, %rsqrt3A_81, %broadcast_in_dim3A_83 : vector<1024xi1>, vector<1024xf32>
    %get3A_85 = arith.constant 0 : index
    %get3A_86 = arith.constant 0 : index
    %get3A_87 = vector.load %arg2[%get3A_85, %get3A_86] : memref<1024x128xf32, #tpu.memory_space<vmem>>, vector<1024x128xf32>
    %broadcast_in_dim3A_88 = vector.shape_cast %select_n3A_84 : vector<1024xf32> to vector<1024x1xf32>
    %mul3A_89 = vector.broadcast %broadcast_in_dim3A_88 : vector<1024x1xf32> to vector<1024x128xf32>
    %mul3A_90 = arith.mulf %get3A_87, %mul3A_89 : vector<1024x128xf32>
    %get3A_91 = arith.constant 0 : index
    %get3A_92 = arith.constant 0 : index
    %get3A_93 = vector.load %arg5[%get3A_91, %get3A_92] : memref<128x128xf32, #tpu.memory_space<vmem>>, vector<128x128xf32>
    %dot_general3A_94 = arith.constant dense<0.000000e+00> : vector<1024x128xf32>
    %dot_general3A_95 = tpu.matmul %mul3A_90, %get3A_93, %dot_general3A_94 {dimension_numbers = #tpu.dot_dimension_numbers<[1], [0], [0], [1], [0, 0, 1, 1], [], []>, transpose_lhs_hint = false} : vector<1024x128xf32>, vector<128x128xf32>, vector<1024x128xf32> -> vector<1024x128xf32>
    %swap3A_96 = arith.constant 0 : index
    %swap3A_97 = arith.constant 0 : index
    %swap3A_98 = vector.load %arg9[%swap3A_96, %swap3A_97] : memref<1024x128xf32, #tpu.memory_space<vmem>>, vector<1024x128xf32>
    tpu.vector_store %arg9[%swap3A_96, %swap3A_97], %dot_general3A_95 {strides = array<i32>} : memref<1024x128xf32, #tpu.memory_space<vmem>>, vector<1024x128xf32>,
    return
  }
  func.func @transform_0(%arg0: i32) -> (i32, i32) {
    %c0_i32 = arith.constant 0 : i32
    %c0_i32_0 = arith.constant 0 : i32
    return %arg0, %c0_i32 : i32, i32
  }
  func.func @transform_1(%arg0: i32) -> (i32, i32) {
    %c0_i32 = arith.constant 0 : i32
    %c0_i32_0 = arith.constant 0 : i32
    return %arg0, %c0_i32 : i32, i32
  }
  func.func @transform_2(%arg0: i32) -> (i32, i32) {
    %c0_i32 = arith.constant 0 : i32
    %c0_i32_0 = arith.constant 0 : i32
    %c0_i32_1 = arith.constant 0 : i32
    return %c0_i32, %c0_i32_0 : i32, i32
  }
  func.func @transform_3(%arg0: i32) -> (i32, i32) {
    %c0_i32 = arith.constant 0 : i32
    %c0_i32_0 = arith.constant 0 : i32
    %c0_i32_1 = arith.constant 0 : i32
    return %c0_i32, %c0_i32_0 : i32, i32
  }
  func.func @transform_4(%arg0: i32) -> (i32, i32) {
    %c0_i32 = arith.constant 0 : i32
    %c0_i32_0 = arith.constant 0 : i32
    %c0_i32_1 = arith.constant 0 : i32
    return %c0_i32, %c0_i32_0 : i32, i32
  }
  func.func @transform_5(%arg0: i32) -> (i32, i32) {
    %c0_i32 = arith.constant 0 : i32
    %c0_i32_0 = arith.constant 0 : i32
    return %arg0, %c0_i32 : i32, i32
  }
  func.func @transform_6(%arg0: i32) -> (i32, i32) {
    %c0_i32 = arith.constant 0 : i32
    %c0_i32_0 = arith.constant 0 : i32
    return %arg0, %c0_i32 : i32, i32
  }
  func.func @transform_7(%arg0: i32) -> (i32, i32) {
    %c0_i32 = arith.constant 0 : i32
    %c0_i32_0 = arith.constant 0 : i32
    return %arg0, %c0_i32 : i32, i32
  }
  func.func @transform_8(%arg0: i32) -> (i32, i32) {
    %c0_i32 = arith.constant 0 : i32
    %c0_i32_0 = arith.constant 0 : i32
    return %arg0, %c0_i32 : i32, i32
  }
}

module attributes {stable_mosaic.version = 14 : i64} {
  func.func @_fin_body(%arg0: i32, %arg1: i32, %arg2: memref<1024x128xf32, #tpu.memory_space<vmem>>, %arg3: memref<1024x128xf32, #tpu.memory_space<vmem>>, %arg4: memref<1024x128xf32, #tpu.memory_space<vmem>>, %arg5: memref<1024x128xf32, #tpu.memory_space<vmem>>, %arg6: memref<4x10240xf32, #tpu.memory_space<vmem>>, %arg7: memref<1x128xf32, #tpu.memory_space<vmem>>, %arg8: memref<1x128xf32, #tpu.memory_space<vmem>>, %arg9: memref<128x32xf32, #tpu.memory_space<vmem>>, %arg10: memref<1x32xf32, #tpu.memory_space<vmem>>, %arg11: memref<1x32xf32, #tpu.memory_space<vmem>>, %arg12: memref<128x32xf32, #tpu.memory_space<vmem>>, %arg13: memref<1x32xf32, #tpu.memory_space<vmem>>, %arg14: memref<1x32xf32, #tpu.memory_space<vmem>>, %arg15: memref<128x128xf32, #tpu.memory_space<vmem>>, %arg16: memref<128x128xf32, #tpu.memory_space<vmem>>, %arg17: memref<1024x128xf32, #tpu.memory_space<vmem>>, %arg18: memref<1024x128xf32, #tpu.memory_space<vmem>>, %arg19: memref<8x128xf32, #tpu.memory_space<vmem>>) attributes {dimension_semantics = [#tpu.dimension_semantics<arbitrary>, #tpu.dimension_semantics<arbitrary>], iteration_bounds = array<i64: 2, 10>, scalar_prefetch = 0 : i64, scratch_operands = 1 : i64, tpu.core_type = #tpu.core_type<tc>, window_params = [{transform_indices = @transform_0, window_bounds = array<i64: 1024, 128>}, {transform_indices = @transform_1, window_bounds = array<i64: 1024, 128>}, {transform_indices = @transform_2, window_bounds = array<i64: 1024, 128>}, {transform_indices = @transform_3, window_bounds = array<i64: 1024, 128>}, {pipeline_mode = #tpu.pipeline_mode<synchronous>, transform_indices = @transform_4, window_bounds = array<i64: 4, 10240>}, {pipeline_mode = #tpu.pipeline_mode<synchronous>, transform_indices = @transform_5, window_bounds = array<i64: 1, 128>}, {pipeline_mode = #tpu.pipeline_mode<synchronous>, transform_indices = @transform_6, window_bounds = array<i64: 1, 128>}, {pipeline_mode = #tpu.pipeline_mode<synchronous>, transform_indices = @transform_7, window_bounds = array<i64: 128, 32>}, {pipeline_mode = #tpu.pipeline_mode<synchronous>, transform_indices = @transform_8, window_bounds = array<i64: 1, 32>}, {pipeline_mode = #tpu.pipeline_mode<synchronous>, transform_indices = @transform_9, window_bounds = array<i64: 1, 32>}, {pipeline_mode = #tpu.pipeline_mode<synchronous>, transform_indices = @transform_10, window_bounds = array<i64: 128, 32>}, {pipeline_mode = #tpu.pipeline_mode<synchronous>, transform_indices = @transform_11, window_bounds = array<i64: 1, 32>}, {pipeline_mode = #tpu.pipeline_mode<synchronous>, transform_indices = @transform_12, window_bounds = array<i64: 1, 32>}, {pipeline_mode = #tpu.pipeline_mode<synchronous>, transform_indices = @transform_13, window_bounds = array<i64: 128, 128>}, {pipeline_mode = #tpu.pipeline_mode<synchronous>, transform_indices = @transform_14, window_bounds = array<i64: 128, 128>}, {transform_indices = @transform_15, window_bounds = array<i64: 1024, 128>}, {transform_indices = @transform_16, window_bounds = array<i64: 1024, 128>}]} {
    %mul3A = arith.constant 1024 : i32
    %mul3A_0 = arith.muli %arg1, %mul3A : i32
    %get3A = arith.constant 0 : index
    %get3A_1 = arith.index_cast %mul3A_0 : i32 to index
    %get3A_2 = vector.load %arg6[%get3A, %get3A_1] : memref<4x10240xf32, #tpu.memory_space<vmem>>, vector<1x1024xf32>
    %get3A_3 = vector.shape_cast %get3A_2 : vector<1x1024xf32> to vector<1024xf32>
    %gt3A = arith.constant 0.000000e+00 : f32
    %gt3A_4 = vector.broadcast %gt3A : f32 to vector<1024xf32>
    %gt3A_5 = arith.cmpf ogt, %get3A_3, %gt3A_4 : vector<1024xf32>
    %rsqrt3A = math.rsqrt %get3A_3 : vector<1024xf32>
    %jit3A = arith.constant 0.000000e+00 : f32
    %broadcast_in_dim3A = vector.broadcast %jit3A : f32 to vector<1024xf32>
    %select_n3A = arith.select %gt3A_5, %rsqrt3A, %broadcast_in_dim3A : vector<1024xi1>, vector<1024xf32>
    %get3A_6 = arith.constant 0 : index
    %get3A_7 = arith.constant 0 : index
    %get3A_8 = vector.load %arg2[%get3A_6, %get3A_7] : memref<1024x128xf32, #tpu.memory_space<vmem>>, vector<1024x128xf32>
    %broadcast_in_dim3A_9 = vector.shape_cast %select_n3A : vector<1024xf32> to vector<1024x1xf32>
    %mul3A_10 = vector.broadcast %broadcast_in_dim3A_9 : vector<1024x1xf32> to vector<1024x128xf32>
    %mul3A_11 = arith.mulf %get3A_8, %mul3A_10 : vector<1024x128xf32>
    %get3A_12 = arith.constant 0 : index
    %get3A_13 = arith.constant 0 : index
    %get3A_14 = vector.load %arg7[%get3A_12, %get3A_13] : memref<1x128xf32, #tpu.memory_space<vmem>>, vector<1x128xf32>
    %add3A = vector.broadcast %get3A_14 : vector<1x128xf32> to vector<1024x128xf32>
    %add3A_15 = arith.addf %mul3A_11, %add3A : vector<1024x128xf32>
    %max3A = arith.constant 0.000000e+00 : f32
    %max3A_16 = vector.broadcast %max3A : f32 to vector<1024x128xf32>
    %max3A_17 = arith.maximumf %add3A_15, %max3A_16 : vector<1024x128xf32>
    %mul3A_18 = arith.constant 1024 : i32
    %mul3A_19 = arith.muli %arg1, %mul3A_18 : i32
    %get3A_20 = arith.constant 1 : index
    %get3A_21 = arith.index_cast %mul3A_19 : i32 to index
    %get3A_22 = vector.load %arg6[%get3A_20, %get3A_21] : memref<4x10240xf32, #tpu.memory_space<vmem>>, vector<1x1024xf32>
    %get3A_23 = vector.shape_cast %get3A_22 : vector<1x1024xf32> to vector<1024xf32>
    %gt3A_24 = arith.constant 0.000000e+00 : f32
    %gt3A_25 = vector.broadcast %gt3A_24 : f32 to vector<1024xf32>
    %gt3A_26 = arith.cmpf ogt, %get3A_23, %gt3A_25 : vector<1024xf32>
    %rsqrt3A_27 = math.rsqrt %get3A_23 : vector<1024xf32>
    %jit3A_28 = arith.constant 0.000000e+00 : f32
    %broadcast_in_dim3A_29 = vector.broadcast %jit3A_28 : f32 to vector<1024xf32>
    %select_n3A_30 = arith.select %gt3A_26, %rsqrt3A_27, %broadcast_in_dim3A_29 : vector<1024xi1>, vector<1024xf32>
    %get3A_31 = arith.constant 0 : index
    %get3A_32 = arith.constant 0 : index
    %get3A_33 = vector.load %arg3[%get3A_31, %get3A_32] : memref<1024x128xf32, #tpu.memory_space<vmem>>, vector<1024x128xf32>
    %broadcast_in_dim3A_34 = vector.shape_cast %select_n3A_30 : vector<1024xf32> to vector<1024x1xf32>
    %mul3A_35 = vector.broadcast %broadcast_in_dim3A_34 : vector<1024x1xf32> to vector<1024x128xf32>
    %mul3A_36 = arith.mulf %get3A_33, %mul3A_35 : vector<1024x128xf32>
    %get3A_37 = arith.constant 0 : index
    %get3A_38 = arith.constant 0 : index
    %get3A_39 = vector.load %arg7[%get3A_37, %get3A_38] : memref<1x128xf32, #tpu.memory_space<vmem>>, vector<1x128xf32>
    %add3A_40 = vector.broadcast %get3A_39 : vector<1x128xf32> to vector<1024x128xf32>
    %add3A_41 = arith.addf %mul3A_36, %add3A_40 : vector<1024x128xf32>
    %max3A_42 = arith.constant 0.000000e+00 : f32
    %max3A_43 = vector.broadcast %max3A_42 : f32 to vector<1024x128xf32>
    %max3A_44 = arith.maximumf %add3A_41, %max3A_43 : vector<1024x128xf32>
    %mul3A_45 = arith.constant 1024 : i32
    %mul3A_46 = arith.muli %arg1, %mul3A_45 : i32
    %get3A_47 = arith.constant 2 : index
    %get3A_48 = arith.index_cast %mul3A_46 : i32 to index
    %get3A_49 = vector.load %arg6[%get3A_47, %get3A_48] : memref<4x10240xf32, #tpu.memory_space<vmem>>, vector<1x1024xf32>
    %get3A_50 = vector.shape_cast %get3A_49 : vector<1x1024xf32> to vector<1024xf32>
    %gt3A_51 = arith.constant 0.000000e+00 : f32
    %gt3A_52 = vector.broadcast %gt3A_51 : f32 to vector<1024xf32>
    %gt3A_53 = arith.cmpf ogt, %get3A_50, %gt3A_52 : vector<1024xf32>
    %rsqrt3A_54 = math.rsqrt %get3A_50 : vector<1024xf32>
    %jit3A_55 = arith.constant 0.000000e+00 : f32
    %broadcast_in_dim3A_56 = vector.broadcast %jit3A_55 : f32 to vector<1024xf32>
    %select_n3A_57 = arith.select %gt3A_53, %rsqrt3A_54, %broadcast_in_dim3A_56 : vector<1024xi1>, vector<1024xf32>
    %get3A_58 = arith.constant 0 : index
    %get3A_59 = arith.constant 0 : index
    %get3A_60 = vector.load %arg4[%get3A_58, %get3A_59] : memref<1024x128xf32, #tpu.memory_space<vmem>>, vector<1024x128xf32>
    %broadcast_in_dim3A_61 = vector.shape_cast %select_n3A_57 : vector<1024xf32> to vector<1024x1xf32>
    %mul3A_62 = vector.broadcast %broadcast_in_dim3A_61 : vector<1024x1xf32> to vector<1024x128xf32>
    %mul3A_63 = arith.mulf %get3A_60, %mul3A_62 : vector<1024x128xf32>
    %get3A_64 = arith.constant 0 : index
    %get3A_65 = arith.constant 0 : index
    %get3A_66 = vector.load %arg8[%get3A_64, %get3A_65] : memref<1x128xf32, #tpu.memory_space<vmem>>, vector<1x128xf32>
    %add3A_67 = vector.broadcast %get3A_66 : vector<1x128xf32> to vector<1024x128xf32>
    %add3A_68 = arith.addf %mul3A_63, %add3A_67 : vector<1024x128xf32>
    %max3A_69 = arith.constant 0.000000e+00 : f32
    %max3A_70 = vector.broadcast %max3A_69 : f32 to vector<1024x128xf32>
    %max3A_71 = arith.maximumf %add3A_68, %max3A_70 : vector<1024x128xf32>
    %mul3A_72 = arith.constant 1024 : i32
    %mul3A_73 = arith.muli %arg1, %mul3A_72 : i32
    %get3A_74 = arith.constant 3 : index
    %get3A_75 = arith.index_cast %mul3A_73 : i32 to index
    %get3A_76 = vector.load %arg6[%get3A_74, %get3A_75] : memref<4x10240xf32, #tpu.memory_space<vmem>>, vector<1x1024xf32>
    %get3A_77 = vector.shape_cast %get3A_76 : vector<1x1024xf32> to vector<1024xf32>
    %gt3A_78 = arith.constant 0.000000e+00 : f32
    %gt3A_79 = vector.broadcast %gt3A_78 : f32 to vector<1024xf32>
    %gt3A_80 = arith.cmpf ogt, %get3A_77, %gt3A_79 : vector<1024xf32>
    %rsqrt3A_81 = math.rsqrt %get3A_77 : vector<1024xf32>
    %jit3A_82 = arith.constant 0.000000e+00 : f32
    %broadcast_in_dim3A_83 = vector.broadcast %jit3A_82 : f32 to vector<1024xf32>
    %select_n3A_84 = arith.select %gt3A_80, %rsqrt3A_81, %broadcast_in_dim3A_83 : vector<1024xi1>, vector<1024xf32>
    %get3A_85 = arith.constant 0 : index
    %get3A_86 = arith.constant 0 : index
    %get3A_87 = vector.load %arg5[%get3A_85, %get3A_86] : memref<1024x128xf32, #tpu.memory_space<vmem>>, vector<1024x128xf32>
    %broadcast_in_dim3A_88 = vector.shape_cast %select_n3A_84 : vector<1024xf32> to vector<1024x1xf32>
    %mul3A_89 = vector.broadcast %broadcast_in_dim3A_88 : vector<1024x1xf32> to vector<1024x128xf32>
    %mul3A_90 = arith.mulf %get3A_87, %mul3A_89 : vector<1024x128xf32>
    %get3A_91 = arith.constant 0 : index
    %get3A_92 = arith.constant 0 : index
    %get3A_93 = vector.load %arg8[%get3A_91, %get3A_92] : memref<1x128xf32, #tpu.memory_space<vmem>>, vector<1x128xf32>
    %add3A_94 = vector.broadcast %get3A_93 : vector<1x128xf32> to vector<1024x128xf32>
    %add3A_95 = arith.addf %mul3A_90, %add3A_94 : vector<1024x128xf32>
    %max3A_96 = arith.constant 0.000000e+00 : f32
    %max3A_97 = vector.broadcast %max3A_96 : f32 to vector<1024x128xf32>
    %max3A_98 = arith.maximumf %add3A_95, %max3A_97 : vector<1024x128xf32>
    %eq3A = arith.constant 0 : i32
    %eq3A_99 = arith.cmpi eq, %arg0, %eq3A : i32
    %eq3A_100 = arith.constant 0 : i32
    %eq3A_101 = arith.cmpi eq, %arg1, %eq3A_100 : i32
    %and3A = arith.andi %eq3A_99, %eq3A_101 : i1
    %convert_element_type3A = arith.extui %and3A : i1 to i32
    %cond3A = arith.constant 0 : i32
    %cond3A_102 = arith.cmpi ne, %convert_element_type3A, %cond3A : i32
    scf.if %cond3A_102 {
      %broadcast_in_dim3A_113 = arith.constant 0.000000e+00 : f32
      %broadcast_in_dim3A_114 = vector.broadcast %broadcast_in_dim3A_113 : f32 to vector<8x128xf32>
      %swap3A = arith.constant 0 : index
      %swap3A_115 = arith.constant 0 : index
      %swap3A_116 = vector.load %arg19[%swap3A, %swap3A_115] : memref<8x128xf32, #tpu.memory_space<vmem>>, vector<8x128xf32>
      tpu.vector_store %arg19[%swap3A, %swap3A_115], %broadcast_in_dim3A_114 {strides = array<i32>} : memref<8x128xf32, #tpu.memory_space<vmem>>, vector<8x128xf32>,
    } else {
    }
    %eq3A_103 = arith.constant 0 : i32
    %eq3A_104 = arith.cmpi eq, %arg0, %eq3A_103 : i32
    %convert_element_type3A_105 = arith.extui %eq3A_104 : i1 to i32
    %cond3A_106 = arith.constant 0 : i32
    %cond3A_107 = arith.cmpi ne, %convert_element_type3A_105, %cond3A_106 : i32
    scf.if %cond3A_107 {
      %get3A_113 = arith.constant 0 : index
      %get3A_114 = arith.constant 0 : index
      %get3A_115 = vector.load %arg9[%get3A_113, %get3A_114] : memref<128x32xf32, #tpu.memory_space<vmem>>, vector<128x32xf32>
      %dot_general3A = arith.constant dense<0.000000e+00> : vector<1024x32xf32>
      %dot_general3A_116 = tpu.matmul %max3A_17, %get3A_115, %dot_general3A {dimension_numbers = #tpu.dot_dimension_numbers<[1], [0], [0], [1], [0, 0, 1, 1], [], []>, transpose_lhs_hint = false} : vector<1024x128xf32>, vector<128x32xf32>, vector<1024x32xf32> -> vector<1024x32xf32>
      %get3A_117 = arith.constant 0 : index
      %get3A_118 = arith.constant 0 : index
      %get3A_119 = vector.load %arg10[%get3A_117, %get3A_118] : memref<1x32xf32, #tpu.memory_space<vmem>>, vector<1x32xf32>
      %add3A_120 = vector.broadcast %get3A_119 : vector<1x32xf32> to vector<1024x32xf32>
      %add3A_121 = arith.addf %dot_general3A_116, %add3A_120 : vector<1024x32xf32>
      %tanh3A = math.tanh %add3A_121 : vector<1024x32xf32>
      %get3A_122 = arith.constant 0 : index
      %get3A_123 = arith.constant 0 : index
      %get3A_124 = vector.load %arg11[%get3A_122, %get3A_123] : memref<1x32xf32, #tpu.memory_space<vmem>>, vector<1x32xf32>
      %mul3A_125 = vector.broadcast %get3A_124 : vector<1x32xf32> to vector<1024x32xf32>
      %mul3A_126 = arith.mulf %tanh3A, %mul3A_125 : vector<1024x32xf32>
      %reduce_sum3A = arith.constant dense<0.000000e+00> : vector<1024xf32>
      %reduce_sum3A_127 = vector.multi_reduction <add>, %mul3A_126, %reduce_sum3A [1] : vector<1024x32xf32> to vector<1024xf32>
      %broadcast_in_dim3A_128 = vector.shape_cast %reduce_sum3A_127 : vector<1024xf32> to vector<1024x1xf32>
      %iota3A = tpu.iota {dimensions = array<i32: 0>} : vector<1024x1xi32>
      %mul3A_129 = arith.constant 1024 : i32
      %mul3A_130 = arith.muli %arg1, %mul3A_129 : i32
      %add3A_131 = vector.broadcast %mul3A_130 : i32 to vector<1024x1xi32>
      %add3A_132 = arith.addi %iota3A, %add3A_131 : vector<1024x1xi32>
      %lt3A = arith.constant 10000 : i32
      %lt3A_133 = vector.broadcast %lt3A : i32 to vector<1024x1xi32>
      %lt3A_134 = arith.cmpi slt, %add3A_132, %lt3A_133 : vector<1024x1xi32>
      %jit3A_135 = arith.constant 0.000000e+00 : f32
      %broadcast_in_dim3A_136 = vector.broadcast %jit3A_135 : f32 to vector<1024x1xf32>
      %select_n3A_137 = arith.select %lt3A_134, %broadcast_in_dim3A_128, %broadcast_in_dim3A_136 : vector<1024x1xi1>, vector<1024x1xf32>
      %reduce_sum3A_138 = vector.shape_cast %select_n3A_137 : vector<1024x1xf32> to vector<1x1024x1xf32>
      %reduce_sum3A_139 = arith.constant dense<0.000000e+00> : vector<1xf32>
      %reduce_sum3A_140 = vector.multi_reduction <add>, %reduce_sum3A_138, %reduce_sum3A_139 [1, 2] : vector<1x1024x1xf32> to vector<1xf32>
      %reduce_sum3A_141 = vector.shape_cast %reduce_sum3A_140 : vector<1xf32> to vector<1x1x1xf32>
      %reduce_sum3A_142 = vector.extract %reduce_sum3A_141[0, 0, 0] : f32 from vector<1x1x1xf32>
      %get3A_143 = arith.constant 0 : index
      %get3A_144 = arith.constant 0 : index
      %get3A_145 = vector.load %arg9[%get3A_143, %get3A_144] : memref<128x32xf32, #tpu.memory_space<vmem>>, vector<128x32xf32>
      %dot_general3A_146 = arith.constant dense<0.000000e+00> : vector<1024x32xf32>
      %dot_general3A_147 = tpu.matmul %max3A_44, %get3A_145, %dot_general3A_146 {dimension_numbers = #tpu.dot_dimension_numbers<[1], [0], [0], [1], [0, 0, 1, 1], [], []>, transpose_lhs_hint = false} : vector<1024x128xf32>, vector<128x32xf32>, vector<1024x32xf32> -> vector<1024x32xf32>
      %get3A_148 = arith.constant 0 : index
      %get3A_149 = arith.constant 0 : index
      %get3A_150 = vector.load %arg10[%get3A_148, %get3A_149] : memref<1x32xf32, #tpu.memory_space<vmem>>, vector<1x32xf32>
      %add3A_151 = vector.broadcast %get3A_150 : vector<1x32xf32> to vector<1024x32xf32>
      %add3A_152 = arith.addf %dot_general3A_147, %add3A_151 : vector<1024x32xf32>
      %tanh3A_153 = math.tanh %add3A_152 : vector<1024x32xf32>
      %get3A_154 = arith.constant 0 : index
      %get3A_155 = arith.constant 0 : index
      %get3A_156 = vector.load %arg11[%get3A_154, %get3A_155] : memref<1x32xf32, #tpu.memory_space<vmem>>, vector<1x32xf32>
      %mul3A_157 = vector.broadcast %get3A_156 : vector<1x32xf32> to vector<1024x32xf32>
      %mul3A_158 = arith.mulf %tanh3A_153, %mul3A_157 : vector<1024x32xf32>
      %reduce_sum3A_159 = arith.constant dense<0.000000e+00> : vector<1024xf32>
      %reduce_sum3A_160 = vector.multi_reduction <add>, %mul3A_158, %reduce_sum3A_159 [1] : vector<1024x32xf32> to vector<1024xf32>
      %broadcast_in_dim3A_161 = vector.shape_cast %reduce_sum3A_160 : vector<1024xf32> to vector<1024x1xf32>
      %iota3A_162 = tpu.iota {dimensions = array<i32: 0>} : vector<1024x1xi32>
      %mul3A_163 = arith.constant 1024 : i32
      %mul3A_164 = arith.muli %arg1, %mul3A_163 : i32
      %add3A_165 = vector.broadcast %mul3A_164 : i32 to vector<1024x1xi32>
      %add3A_166 = arith.addi %iota3A_162, %add3A_165 : vector<1024x1xi32>
      %lt3A_167 = arith.constant 10000 : i32
      %lt3A_168 = vector.broadcast %lt3A_167 : i32 to vector<1024x1xi32>
      %lt3A_169 = arith.cmpi slt, %add3A_166, %lt3A_168 : vector<1024x1xi32>
      %jit3A_170 = arith.constant 0.000000e+00 : f32
      %broadcast_in_dim3A_171 = vector.broadcast %jit3A_170 : f32 to vector<1024x1xf32>
      %select_n3A_172 = arith.select %lt3A_169, %broadcast_in_dim3A_161, %broadcast_in_dim3A_171 : vector<1024x1xi1>, vector<1024x1xf32>
      %reduce_sum3A_173 = vector.shape_cast %select_n3A_172 : vector<1024x1xf32> to vector<1x1024x1xf32>
      %reduce_sum3A_174 = arith.constant dense<0.000000e+00> : vector<1xf32>
      %reduce_sum3A_175 = vector.multi_reduction <add>, %reduce_sum3A_173, %reduce_sum3A_174 [1, 2] : vector<1x1024x1xf32> to vector<1xf32>
      %reduce_sum3A_176 = vector.shape_cast %reduce_sum3A_175 : vector<1xf32> to vector<1x1x1xf32>
      %reduce_sum3A_177 = vector.extract %reduce_sum3A_176[0, 0, 0] : f32 from vector<1x1x1xf32>
      %get3A_178 = arith.constant 0 : index
      %get3A_179 = arith.constant 0 : index
      %get3A_180 = vector.load %arg12[%get3A_178, %get3A_179] : memref<128x32xf32, #tpu.memory_space<vmem>>, vector<128x32xf32>
      %dot_general3A_181 = arith.constant dense<0.000000e+00> : vector<1024x32xf32>
      %dot_general3A_182 = tpu.matmul %max3A_71, %get3A_180, %dot_general3A_181 {dimension_numbers = #tpu.dot_dimension_numbers<[1], [0], [0], [1], [0, 0, 1, 1], [], []>, transpose_lhs_hint = false} : vector<1024x128xf32>, vector<128x32xf32>, vector<1024x32xf32> -> vector<1024x32xf32>
      %get3A_183 = arith.constant 0 : index
      %get3A_184 = arith.constant 0 : index
      %get3A_185 = vector.load %arg13[%get3A_183, %get3A_184] : memref<1x32xf32, #tpu.memory_space<vmem>>, vector<1x32xf32>
      %add3A_186 = vector.broadcast %get3A_185 : vector<1x32xf32> to vector<1024x32xf32>
      %add3A_187 = arith.addf %dot_general3A_182, %add3A_186 : vector<1024x32xf32>
      %tanh3A_188 = math.tanh %add3A_187 : vector<1024x32xf32>
      %get3A_189 = arith.constant 0 : index
      %get3A_190 = arith.constant 0 : index
      %get3A_191 = vector.load %arg14[%get3A_189, %get3A_190] : memref<1x32xf32, #tpu.memory_space<vmem>>, vector<1x32xf32>
      %mul3A_192 = vector.broadcast %get3A_191 : vector<1x32xf32> to vector<1024x32xf32>
      %mul3A_193 = arith.mulf %tanh3A_188, %mul3A_192 : vector<1024x32xf32>
      %reduce_sum3A_194 = arith.constant dense<0.000000e+00> : vector<1024xf32>
      %reduce_sum3A_195 = vector.multi_reduction <add>, %mul3A_193, %reduce_sum3A_194 [1] : vector<1024x32xf32> to vector<1024xf32>
      %broadcast_in_dim3A_196 = vector.shape_cast %reduce_sum3A_195 : vector<1024xf32> to vector<1024x1xf32>
      %iota3A_197 = tpu.iota {dimensions = array<i32: 0>} : vector<1024x1xi32>
      %mul3A_198 = arith.constant 1024 : i32
      %mul3A_199 = arith.muli %arg1, %mul3A_198 : i32
      %add3A_200 = vector.broadcast %mul3A_199 : i32 to vector<1024x1xi32>
      %add3A_201 = arith.addi %iota3A_197, %add3A_200 : vector<1024x1xi32>
      %lt3A_202 = arith.constant 10000 : i32
      %lt3A_203 = vector.broadcast %lt3A_202 : i32 to vector<1024x1xi32>
      %lt3A_204 = arith.cmpi slt, %add3A_201, %lt3A_203 : vector<1024x1xi32>
      %jit3A_205 = arith.constant 0.000000e+00 : f32
      %broadcast_in_dim3A_206 = vector.broadcast %jit3A_205 : f32 to vector<1024x1xf32>
      %select_n3A_207 = arith.select %lt3A_204, %broadcast_in_dim3A_196, %broadcast_in_dim3A_206 : vector<1024x1xi1>, vector<1024x1xf32>
      %reduce_sum3A_208 = vector.shape_cast %select_n3A_207 : vector<1024x1xf32> to vector<1x1024x1xf32>
      %reduce_sum3A_209 = arith.constant dense<0.000000e+00> : vector<1xf32>
      %reduce_sum3A_210 = vector.multi_reduction <add>, %reduce_sum3A_208, %reduce_sum3A_209 [1, 2] : vector<1x1024x1xf32> to vector<1xf32>
      %reduce_sum3A_211 = vector.shape_cast %reduce_sum3A_210 : vector<1xf32> to vector<1x1x1xf32>
      %reduce_sum3A_212 = vector.extract %reduce_sum3A_211[0, 0, 0] : f32 from vector<1x1x1xf32>
      %get3A_213 = arith.constant 0 : index
      %get3A_214 = arith.constant 0 : index
      %get3A_215 = vector.load %arg12[%get3A_213, %get3A_214] : memref<128x32xf32, #tpu.memory_space<vmem>>, vector<128x32xf32>
      %dot_general3A_216 = arith.constant dense<0.000000e+00> : vector<1024x32xf32>
      %dot_general3A_217 = tpu.matmul %max3A_98, %get3A_215, %dot_general3A_216 {dimension_numbers = #tpu.dot_dimension_numbers<[1], [0], [0], [1], [0, 0, 1, 1], [], []>, transpose_lhs_hint = false} : vector<1024x128xf32>, vector<128x32xf32>, vector<1024x32xf32> -> vector<1024x32xf32>
      %get3A_218 = arith.constant 0 : index
      %get3A_219 = arith.constant 0 : index
      %get3A_220 = vector.load %arg13[%get3A_218, %get3A_219] : memref<1x32xf32, #tpu.memory_space<vmem>>, vector<1x32xf32>
      %add3A_221 = vector.broadcast %get3A_220 : vector<1x32xf32> to vector<1024x32xf32>
      %add3A_222 = arith.addf %dot_general3A_217, %add3A_221 : vector<1024x32xf32>
      %tanh3A_223 = math.tanh %add3A_222 : vector<1024x32xf32>
      %get3A_224 = arith.constant 0 : index
      %get3A_225 = arith.constant 0 : index
      %get3A_226 = vector.load %arg14[%get3A_224, %get3A_225] : memref<1x32xf32, #tpu.memory_space<vmem>>, vector<1x32xf32>
      %mul3A_227 = vector.broadcast %get3A_226 : vector<1x32xf32> to vector<1024x32xf32>
      %mul3A_228 = arith.mulf %tanh3A_223, %mul3A_227 : vector<1024x32xf32>
      %reduce_sum3A_229 = arith.constant dense<0.000000e+00> : vector<1024xf32>
      %reduce_sum3A_230 = vector.multi_reduction <add>, %mul3A_228, %reduce_sum3A_229 [1] : vector<1024x32xf32> to vector<1024xf32>
      %broadcast_in_dim3A_231 = vector.shape_cast %reduce_sum3A_230 : vector<1024xf32> to vector<1024x1xf32>
      %iota3A_232 = tpu.iota {dimensions = array<i32: 0>} : vector<1024x1xi32>
      %mul3A_233 = arith.constant 1024 : i32
      %mul3A_234 = arith.muli %arg1, %mul3A_233 : i32
      %add3A_235 = vector.broadcast %mul3A_234 : i32 to vector<1024x1xi32>
      %add3A_236 = arith.addi %iota3A_232, %add3A_235 : vector<1024x1xi32>
      %lt3A_237 = arith.constant 10000 : i32
      %lt3A_238 = vector.broadcast %lt3A_237 : i32 to vector<1024x1xi32>
      %lt3A_239 = arith.cmpi slt, %add3A_236, %lt3A_238 : vector<1024x1xi32>
      %jit3A_240 = arith.constant 0.000000e+00 : f32
      %broadcast_in_dim3A_241 = vector.broadcast %jit3A_240 : f32 to vector<1024x1xf32>
      %select_n3A_242 = arith.select %lt3A_239, %broadcast_in_dim3A_231, %broadcast_in_dim3A_241 : vector<1024x1xi1>, vector<1024x1xf32>
      %reduce_sum3A_243 = vector.shape_cast %select_n3A_242 : vector<1024x1xf32> to vector<1x1024x1xf32>
      %reduce_sum3A_244 = arith.constant dense<0.000000e+00> : vector<1xf32>
      %reduce_sum3A_245 = vector.multi_reduction <add>, %reduce_sum3A_243, %reduce_sum3A_244 [1, 2] : vector<1x1024x1xf32> to vector<1xf32>
      %reduce_sum3A_246 = vector.shape_cast %reduce_sum3A_245 : vector<1xf32> to vector<1x1x1xf32>
      %reduce_sum3A_247 = vector.extract %reduce_sum3A_246[0, 0, 0] : f32 from vector<1x1x1xf32>
      %iota3A_248 = tpu.iota {dimensions = array<i32: 0>} : vector<8x128xi32>
      %broadcast_in_dim3A_249 = arith.constant 0.000000e+00 : f32
      %broadcast_in_dim3A_250 = vector.broadcast %broadcast_in_dim3A_249 : f32 to vector<8x128xf32>
      %eq3A_251 = arith.constant 0 : i32
      %eq3A_252 = vector.broadcast %eq3A_251 : i32 to vector<8x128xi32>
      %eq3A_253 = arith.cmpi eq, %iota3A_248, %eq3A_252 : vector<8x128xi32>
      %jit3A_254 = arith.constant 0.000000e+00 : f32
      %broadcast_in_dim3A_255 = vector.broadcast %reduce_sum3A_142 : f32 to vector<8x128xf32>
      %broadcast_in_dim3A_256 = vector.broadcast %jit3A_254 : f32 to vector<8x128xf32>
      %select_n3A_257 = arith.select %eq3A_253, %broadcast_in_dim3A_255, %broadcast_in_dim3A_256 : vector<8x128xi1>, vector<8x128xf32>
      %add3A_258 = arith.addf %broadcast_in_dim3A_250, %select_n3A_257 : vector<8x128xf32>
      %eq3A_259 = arith.constant 1 : i32
      %eq3A_260 = vector.broadcast %eq3A_259 : i32 to vector<8x128xi32>
      %eq3A_261 = arith.cmpi eq, %iota3A_248, %eq3A_260 : vector<8x128xi32>
      %jit3A_262 = arith.constant 0.000000e+00 : f32
      %broadcast_in_dim3A_263 = vector.broadcast %reduce_sum3A_177 : f32 to vector<8x128xf32>
      %broadcast_in_dim3A_264 = vector.broadcast %jit3A_262 : f32 to vector<8x128xf32>
      %select_n3A_265 = arith.select %eq3A_261, %broadcast_in_dim3A_263, %broadcast_in_dim3A_264 : vector<8x128xi1>, vector<8x128xf32>
      %add3A_266 = arith.addf %add3A_258, %select_n3A_265 : vector<8x128xf32>
      %eq3A_267 = arith.constant 2 : i32
      %eq3A_268 = vector.broadcast %eq3A_267 : i32 to vector<8x128xi32>
      %eq3A_269 = arith.cmpi eq, %iota3A_248, %eq3A_268 : vector<8x128xi32>
      %jit3A_270 = arith.constant 0.000000e+00 : f32
      %broadcast_in_dim3A_271 = vector.broadcast %reduce_sum3A_212 : f32 to vector<8x128xf32>
      %broadcast_in_dim3A_272 = vector.broadcast %jit3A_270 : f32 to vector<8x128xf32>
      %select_n3A_273 = arith.select %eq3A_269, %broadcast_in_dim3A_271, %broadcast_in_dim3A_272 : vector<8x128xi1>, vector<8x128xf32>
      %add3A_274 = arith.addf %add3A_266, %select_n3A_273 : vector<8x128xf32>
      %eq3A_275 = arith.constant 3 : i32
      %eq3A_276 = vector.broadcast %eq3A_275 : i32 to vector<8x128xi32>
      %eq3A_277 = arith.cmpi eq, %iota3A_248, %eq3A_276 : vector<8x128xi32>
      %jit3A_278 = arith.constant 0.000000e+00 : f32
      %broadcast_in_dim3A_279 = vector.broadcast %reduce_sum3A_247 : f32 to vector<8x128xf32>
      %broadcast_in_dim3A_280 = vector.broadcast %jit3A_278 : f32 to vector<8x128xf32>
      %select_n3A_281 = arith.select %eq3A_277, %broadcast_in_dim3A_279, %broadcast_in_dim3A_280 : vector<8x128xi1>, vector<8x128xf32>
      %add3A_282 = arith.addf %add3A_274, %select_n3A_281 : vector<8x128xf32>
      %get3A_283 = arith.constant 0 : index
      %get3A_284 = arith.constant 0 : index
      %get3A_285 = vector.load %arg19[%get3A_283, %get3A_284] : memref<8x128xf32, #tpu.memory_space<vmem>>, vector<8x128xf32>
      %add3A_286 = arith.addf %get3A_285, %add3A_282 : vector<8x128xf32>
      %swap3A = arith.constant 0 : index
      %swap3A_287 = arith.constant 0 : index
      %swap3A_288 = vector.load %arg19[%swap3A, %swap3A_287] : memref<8x128xf32, #tpu.memory_space<vmem>>, vector<8x128xf32>
      tpu.vector_store %arg19[%swap3A, %swap3A_287], %add3A_286 {strides = array<i32>} : memref<8x128xf32, #tpu.memory_space<vmem>>, vector<8x128xf32>,
      %swap3A_289 = arith.constant 0 : index
      %swap3A_290 = arith.constant 0 : index
      %swap3A_291 = vector.load %arg17[%swap3A_289, %swap3A_290] : memref<1024x128xf32, #tpu.memory_space<vmem>>, vector<1024x128xf32>
      tpu.vector_store %arg17[%swap3A_289, %swap3A_290], %max3A_17 {strides = array<i32>} : memref<1024x128xf32, #tpu.memory_space<vmem>>, vector<1024x128xf32>,
      %swap3A_292 = arith.constant 0 : index
      %swap3A_293 = arith.constant 0 : index
      %swap3A_294 = vector.load %arg18[%swap3A_292, %swap3A_293] : memref<1024x128xf32, #tpu.memory_space<vmem>>, vector<1024x128xf32>
      tpu.vector_store %arg18[%swap3A_292, %swap3A_293], %max3A_71 {strides = array<i32>} : memref<1024x128xf32, #tpu.memory_space<vmem>>, vector<1024x128xf32>,
    } else {
    }
    %eq3A_108 = arith.constant 1 : i32
    %eq3A_109 = arith.cmpi eq, %arg0, %eq3A_108 : i32
    %convert_element_type3A_110 = arith.extui %eq3A_109 : i1 to i32
    %cond3A_111 = arith.constant 0 : i32
    %cond3A_112 = arith.cmpi ne, %convert_element_type3A_110, %cond3A_111 : i32
    scf.if %cond3A_112 {
      %get3A_113 = arith.constant 0 : index
      %get3A_114 = arith.constant 0 : index
      %get3A_115 = vector.load %arg19[%get3A_113, %get3A_114] : memref<8x128xf32, #tpu.memory_space<vmem>>, vector<1x1xf32>
      %get3A_116 = vector.extract %get3A_115[0, 0] : f32 from vector<1x1xf32>
      %mul3A_117 = arith.constant 9.99999974E-5 : f32
      %mul3A_118 = arith.mulf %get3A_116, %mul3A_117 : f32
      %get3A_119 = arith.constant 1 : index
      %get3A_120 = arith.constant 0 : index
      %get3A_121 = vector.load %arg19[%get3A_119, %get3A_120] : memref<8x128xf32, #tpu.memory_space<vmem>>, vector<1x1xf32>
      %get3A_122 = vector.extract %get3A_121[0, 0] : f32 from vector<1x1xf32>
      %mul3A_123 = arith.constant 9.99999974E-5 : f32
      %mul3A_124 = arith.mulf %get3A_122, %mul3A_123 : f32
      %max3A_125 = arith.maximumf %mul3A_118, %mul3A_124 : f32
      %sub3A = arith.subf %mul3A_118, %max3A_125 : f32
      %exp3A = math.exp %sub3A : f32
      %sub3A_126 = arith.subf %mul3A_124, %max3A_125 : f32
      %exp3A_127 = math.exp %sub3A_126 : f32
      %add3A_128 = arith.addf %exp3A, %exp3A_127 : f32
      %div3A = arith.divf %exp3A, %add3A_128 : f32
      %add3A_129 = arith.addf %exp3A, %exp3A_127 : f32
      %div3A_130 = arith.divf %exp3A_127, %add3A_129 : f32
      %mul3A_131 = vector.broadcast %div3A : f32 to vector<1024x128xf32>
      %mul3A_132 = arith.mulf %mul3A_131, %max3A_17 : vector<1024x128xf32>
      %mul3A_133 = vector.broadcast %div3A_130 : f32 to vector<1024x128xf32>
      %mul3A_134 = arith.mulf %mul3A_133, %max3A_44 : vector<1024x128xf32>
      %add3A_135 = arith.addf %mul3A_132, %mul3A_134 : vector<1024x128xf32>
      %get3A_136 = arith.constant 0 : index
      %get3A_137 = arith.constant 0 : index
      %get3A_138 = vector.load %arg15[%get3A_136, %get3A_137] : memref<128x128xf32, #tpu.memory_space<vmem>>, vector<128x128xf32>
      %dot_general3A = arith.constant dense<0.000000e+00> : vector<1024x128xf32>
      %dot_general3A_139 = tpu.matmul %add3A_135, %get3A_138, %dot_general3A {dimension_numbers = #tpu.dot_dimension_numbers<[1], [0], [0], [1], [0, 0, 1, 1], [], []>, transpose_lhs_hint = false} : vector<1024x128xf32>, vector<128x128xf32>, vector<1024x128xf32> -> vector<1024x128xf32>
      %swap3A = arith.constant 0 : index
      %swap3A_140 = arith.constant 0 : index
      %swap3A_141 = vector.load %arg17[%swap3A, %swap3A_140] : memref<1024x128xf32, #tpu.memory_space<vmem>>, vector<1024x128xf32>
      tpu.vector_store %arg17[%swap3A, %swap3A_140], %dot_general3A_139 {strides = array<i32>} : memref<1024x128xf32, #tpu.memory_space<vmem>>, vector<1024x128xf32>,
      %get3A_142 = arith.constant 2 : index
      %get3A_143 = arith.constant 0 : index
      %get3A_144 = vector.load %arg19[%get3A_142, %get3A_143] : memref<8x128xf32, #tpu.memory_space<vmem>>, vector<1x1xf32>
      %get3A_145 = vector.extract %get3A_144[0, 0] : f32 from vector<1x1xf32>
      %mul3A_146 = arith.constant 9.99999974E-5 : f32
      %mul3A_147 = arith.mulf %get3A_145, %mul3A_146 : f32
      %get3A_148 = arith.constant 3 : index
      %get3A_149 = arith.constant 0 : index
      %get3A_150 = vector.load %arg19[%get3A_148, %get3A_149] : memref<8x128xf32, #tpu.memory_space<vmem>>, vector<1x1xf32>
      %get3A_151 = vector.extract %get3A_150[0, 0] : f32 from vector<1x1xf32>
      %mul3A_152 = arith.constant 9.99999974E-5 : f32
      %mul3A_153 = arith.mulf %get3A_151, %mul3A_152 : f32
      %max3A_154 = arith.maximumf %mul3A_147, %mul3A_153 : f32
      %sub3A_155 = arith.subf %mul3A_147, %max3A_154 : f32
      %exp3A_156 = math.exp %sub3A_155 : f32
      %sub3A_157 = arith.subf %mul3A_153, %max3A_154 : f32
      %exp3A_158 = math.exp %sub3A_157 : f32
      %add3A_159 = arith.addf %exp3A_156, %exp3A_158 : f32
      %div3A_160 = arith.divf %exp3A_156, %add3A_159 : f32
      %add3A_161 = arith.addf %exp3A_156, %exp3A_158 : f32
      %div3A_162 = arith.divf %exp3A_158, %add3A_161 : f32
      %mul3A_163 = vector.broadcast %div3A_160 : f32 to vector<1024x128xf32>
      %mul3A_164 = arith.mulf %mul3A_163, %max3A_71 : vector<1024x128xf32>
      %mul3A_165 = vector.broadcast %div3A_162 : f32 to vector<1024x128xf32>
      %mul3A_166 = arith.mulf %mul3A_165, %max3A_98 : vector<1024x128xf32>
      %add3A_167 = arith.addf %mul3A_164, %mul3A_166 : vector<1024x128xf32>
      %get3A_168 = arith.constant 0 : index
      %get3A_169 = arith.constant 0 : index
      %get3A_170 = vector.load %arg16[%get3A_168, %get3A_169] : memref<128x128xf32, #tpu.memory_space<vmem>>, vector<128x128xf32>
      %dot_general3A_171 = arith.constant dense<0.000000e+00> : vector<1024x128xf32>
      %dot_general3A_172 = tpu.matmul %add3A_167, %get3A_170, %dot_general3A_171 {dimension_numbers = #tpu.dot_dimension_numbers<[1], [0], [0], [1], [0, 0, 1, 1], [], []>, transpose_lhs_hint = false} : vector<1024x128xf32>, vector<128x128xf32>, vector<1024x128xf32> -> vector<1024x128xf32>
      %swap3A_173 = arith.constant 0 : index
      %swap3A_174 = arith.constant 0 : index
      %swap3A_175 = vector.load %arg18[%swap3A_173, %swap3A_174] : memref<1024x128xf32, #tpu.memory_space<vmem>>, vector<1024x128xf32>
      tpu.vector_store %arg18[%swap3A_173, %swap3A_174], %dot_general3A_172 {strides = array<i32>} : memref<1024x128xf32, #tpu.memory_space<vmem>>, vector<1024x128xf32>,
    } else {
    }
    return
  }
  func.func @transform_0(%arg0: i32, %arg1: i32) -> (i32, i32) {
    %c0_i32 = arith.constant 0 : i32
    %c0_i32_0 = arith.constant 0 : i32
    return %arg1, %c0_i32 : i32, i32
  }
  func.func @transform_1(%arg0: i32, %arg1: i32) -> (i32, i32) {
    %c0_i32 = arith.constant 0 : i32
    %c0_i32_0 = arith.constant 0 : i32
    return %arg1, %c0_i32 : i32, i32
  }
  func.func @transform_2(%arg0: i32, %arg1: i32) -> (i32, i32) {
    %c0_i32 = arith.constant 0 : i32
    %c0_i32_0 = arith.constant 0 : i32
    return %arg1, %c0_i32 : i32, i32
  }
  func.func @transform_3(%arg0: i32, %arg1: i32) -> (i32, i32) {
    %c0_i32 = arith.constant 0 : i32
    %c0_i32_0 = arith.constant 0 : i32
    return %arg1, %c0_i32 : i32, i32
  }
  func.func @transform_4(%arg0: i32, %arg1: i32) -> (i32, i32) {
    %c0_i32 = arith.constant 0 : i32
    %c0_i32_0 = arith.constant 0 : i32
    %c0_i32_1 = arith.constant 0 : i32
    return %c0_i32, %c0_i32_0 : i32, i32
  }
  func.func @transform_5(%arg0: i32, %arg1: i32) -> (i32, i32) {
    %c0_i32 = arith.constant 0 : i32
    %c0_i32_0 = arith.constant 0 : i32
    %c0_i32_1 = arith.constant 0 : i32
    return %c0_i32, %c0_i32_0 : i32, i32
  }
  func.func @transform_6(%arg0: i32, %arg1: i32) -> (i32, i32) {
    %c0_i32 = arith.constant 0 : i32
    %c0_i32_0 = arith.constant 0 : i32
    %c0_i32_1 = arith.constant 0 : i32
    return %c0_i32, %c0_i32_0 : i32, i32
  }
  func.func @transform_7(%arg0: i32, %arg1: i32) -> (i32, i32) {
    %c0_i32 = arith.constant 0 : i32
    %c0_i32_0 = arith.constant 0 : i32
    %c0_i32_1 = arith.constant 0 : i32
    return %c0_i32, %c0_i32_0 : i32, i32
  }
  func.func @transform_8(%arg0: i32, %arg1: i32) -> (i32, i32) {
    %c0_i32 = arith.constant 0 : i32
    %c0_i32_0 = arith.constant 0 : i32
    %c0_i32_1 = arith.constant 0 : i32
    return %c0_i32, %c0_i32_0 : i32, i32
  }
  func.func @transform_9(%arg0: i32, %arg1: i32) -> (i32, i32) {
    %c0_i32 = arith.constant 0 : i32
    %c0_i32_0 = arith.constant 0 : i32
    %c0_i32_1 = arith.constant 0 : i32
    return %c0_i32, %c0_i32_0 : i32, i32
  }
  func.func @transform_10(%arg0: i32, %arg1: i32) -> (i32, i32) {
    %c0_i32 = arith.constant 0 : i32
    %c0_i32_0 = arith.constant 0 : i32
    %c0_i32_1 = arith.constant 0 : i32
    return %c0_i32, %c0_i32_0 : i32, i32
  }
  func.func @transform_11(%arg0: i32, %arg1: i32) -> (i32, i32) {
    %c0_i32 = arith.constant 0 : i32
    %c0_i32_0 = arith.constant 0 : i32
    %c0_i32_1 = arith.constant 0 : i32
    return %c0_i32, %c0_i32_0 : i32, i32
  }
  func.func @transform_12(%arg0: i32, %arg1: i32) -> (i32, i32) {
    %c0_i32 = arith.constant 0 : i32
    %c0_i32_0 = arith.constant 0 : i32
    %c0_i32_1 = arith.constant 0 : i32
    return %c0_i32, %c0_i32_0 : i32, i32
  }
  func.func @transform_13(%arg0: i32, %arg1: i32) -> (i32, i32) {
    %c0_i32 = arith.constant 0 : i32
    %c0_i32_0 = arith.constant 0 : i32
    %c0_i32_1 = arith.constant 0 : i32
    return %c0_i32, %c0_i32_0 : i32, i32
  }
  func.func @transform_14(%arg0: i32, %arg1: i32) -> (i32, i32) {
    %c0_i32 = arith.constant 0 : i32
    %c0_i32_0 = arith.constant 0 : i32
    %c0_i32_1 = arith.constant 0 : i32
    return %c0_i32, %c0_i32_0 : i32, i32
  }
  func.func @transform_15(%arg0: i32, %arg1: i32) -> (i32, i32) {
    %c0_i32 = arith.constant 0 : i32
    %c0_i32_0 = arith.constant 0 : i32
    return %arg1, %c0_i32 : i32, i32
  }
  func.func @transform_16(%arg0: i32, %arg1: i32) -> (i32, i32) {
    %c0_i32 = arith.constant 0 : i32
    %c0_i32_0 = arith.constant 0 : i32
    return %arg1, %c0_i32 : i32, i32
  }
}

</mosaic_0001>

<sc_bundles>
// kernel: kernel.6.cloned.1.call-start
scs
__scs_entry_jumppad:
0x0: {  	(pc) =	sbr.rel $0x88, $3  }
0x1: {  	(tag) =	ssettag $0x0;
	lr =	simm.s32 $0x1  }
0x2: {  	[smem:$0x3F8F] =	sst lr;
	_ =	strace $0xD0000000  }
0x3: {  	_ = 	snop  }
0x4: {  	_ = 	snop  }
0x5: {  	_ = 	snop  }
0x6: {  	_ = 	snop  }
0x7: {  	_ = 	snop  }
__scs_overlays_trampoline_lowered:
0x8: {  	[smem:$0x3F9E] =	sst s0  }
0x9: {  	[smem:$0x3F9F] =	sst s1  }
0xa: {  	[smem:$0x3FA0] =	sst s2  }
0xb: {  	[smem:$0x3FA1] =	sst s3  }
0xc: {  	[smem:$0x3FA2] =	sst s4  }
0xd: {  	[smem:$0x3FA3] =	sst s5  }
0xe: {  	[smem:$0x3FA4] =	sst s6  }
0xf: {  	[smem:$0x3FA5] =	sst s7  }
0x10: {  	[smem:$0x3FA6] =	sst s8  }
0x11: {  	[smem:$0x3FA7] =	sst s9;
	s0 =	simm.s32 @!p0 $0x0  }
0x12: {  	s1 =	sld [smem:$0x3F8D];
	s0 =	simm.s32 @p0 $0x1  }
0x13: {  	[smem:$0x3FA8] =	sst s0;
	s0 =	simm.s32 @!p1 $0x0  }
0x14: {  	s2 =	sld [smem:$0x3F8C];
	s0 =	simm.s32 @p1 $0x1  }
0x15: {  	[smem:$0x3FA9] =	sst s0;
	s0 =	simm.s32 @!p2 $0x0  }
0x16: {  	s3 =	sld [smem:$0x3FDB];
	s0 =	simm.s32 @p2 $0x1  }
0x17: {  	s4 =	simm.s32 $0x1BF5;
	[smem:$0x3FAB] =	sst s0  }
0x18: {  	s0 =	sld [smem:$0x3F8E];
	_ =	swait.ge [sflag:s4], $0x0  }
0x19: {  	s7 =	sld [smem:$0x3F8F]  }
0x1a: {  	s8 =	sadd.s32 $0xFFFFE003, lr  }
0x1b: {  	s9 =	sadd.s32 $0xFFFFFEF7, lr;
	s5 =	simm.s32 $0xFFFFFFFF;
	p2 =	slt.u32 s8, $0xFFFFF086  }
0x1c: {  	p1 =	slt.u32 s9, $0xF7A;
	s5 =	simm.s32 @!p2 $0x0  }
0x1d: {  	s5 =	simm.s32 @p1 $0x1;
	p0 =	seq.s32 s7, s2  }
0x1e: {  	s7 =	smul.u32 @!p0 $0xF7A, s2;
	p2 =	seq.s32 @!p0 s5, $0x0  }
0x1f: {  	s9 =	smul.u32 $0xF7A, s1;
	s8 =	simm.s32 @!p0 $0x1BF5;
	p2 =	por !p2, p0  }
0x20: {  	[sflag:s8] =	ssyncset.s32 @!p0 $0xFFFFF086;
	s6 =	sadd.s32 @!p0 s3, s7;
	s7 =	simm.s32 @!p0 $0x108  }
0x21: {  	s3 =	sadd.s32 s3, s9;
	s6 =	sadd.s32 @!p0 $0x88, s6;
	s7 =	simm.s32 @p2 $0x1082  }
0x22: {  	[simem:s7], [sflag:s8] =	dma.local @!p0 [hbm:s6], $0xF7A  }
0x23: {  	s9 =	sor.u32 $0xD0000000, s2;
	s6 =	simm.s32 $0x108;
	_ =	swait.ge @!p0 [sflag:s8], $0x0  }
0x24: {  	s3 =	sadd.s32 $0x88, s3;
	s6 =	simm.s32 @!p1 $0x1082;
	[sflag:s4] =	ssyncset.s32 $0xFFFFF086  }
0x25: {  	[simem:s6], [sflag:s4] =	dma.local [hbm:s3], $0xF7A  }
0x26: {  	[smem:$0x3F8F] =	sst s1;
	(tag) =	ssettag s2;
	_ =	strace s9  }
0x27: {  	s1 =	sld [smem:$0x3F9F]  }
0x28: {  	s2 =	sld [smem:$0x3FA0]  }
0x29: {  	s4 =	sld [smem:$0x3FA2]  }
0x2a: {  	p0 =	seq.s32 s5, $0x0;
	s5 =	sld [smem:$0x3FA3]  }
0x2b: {  	s6 =	sld [smem:$0x3FA4]  }
0x2c: {  	s7 =	sld [smem:$0x3FA5]  }
0x2d: {  	s3 =	simm.s32 $0x108;
	s8 =	sld [smem:$0x3FA6]  }
0x2e: {  	s3 =	simm.s32 @!p0 $0x1082;
	s9 =	sld [smem:$0x3FA7]  }
0x2f: {  	lr =	sadd.s32 s0, s3;
	s0 =	sld [smem:$0x3F9E]  }
0x30: {  	s3 =	sld [smem:$0x3FA1]  }
0x31: {  	[smem:$0x3FAA] =	sst s10  }
0x32: {  	s10 =	sld [smem:$0x3FA8];
	_ =	sdelay $0x3  }
0x33: {  	p0 =	seq.s32 s10, $0x1;
	s10 =	sld [smem:$0x3FAA];
	_ =	sdelay $0x3  }
0x34: {  	[smem:$0x3FAA] =	sst s10  }
0x35: {  	s10 =	sld [smem:$0x3FA9];
	_ =	sdelay $0x3  }
0x36: {  	p1 =	seq.s32 s10, $0x1;
	s10 =	sld [smem:$0x3FAA];
	_ =	sdelay $0x3  }
0x37: {  	[smem:$0x3FAA] =	sst s10  }
0x38: {  	s10 =	sld [smem:$0x3FAB]  }
0x39: {  	_ = 	snop;
	(pc) =	sbr.ind lr, $3  }
0x3a: {  	_ = 	snop  }
0x3b: {  	_ = 	snop  }
0x3c: {  	p2 =	seq.s32 s10, $0x1;
	s10 =	sld [smem:$0x3FAA]  }
0x3d: {  	_ =	shalt  }
0x3e: {  	_ =	shalt  }
0x3f: {  	_ =	shalt  }
0x40: {  	_ =	shalt  }
0x41: {  	_ =	shalt  }
0x42: {  	_ =	shalt  }
0x43: {  	_ =	shalt  }
0x44: {  	_ =	shalt  }
0x45: {  	_ =	shalt  }
0x46: {  	_ =	shalt  }
0x47: {  	_ =	shalt  }
0x48: {  	_ =	shalt  }
0x49: {  	_ =	shalt  }
0x4a: {  	_ =	shalt  }
0x4b: {  	_ =	shalt  }
0x4c: {  	_ =	shalt  }
0x4d: {  	_ =	shalt  }
0x4e: {  	_ =	shalt  }
0x4f: {  	_ =	shalt  }
0x50: {  	_ =	shalt  }
0x51: {  	_ =	shalt  }
0x52: {  	_ =	shalt  }
0x53: {  	_ =	shalt  }
0x54: {  	_ =	shalt  }
0x55: {  	_ =	shalt  }
0x56: {  	_ =	shalt  }
0x57: {  	_ =	shalt  }
0x58: {  	_ =	shalt  }
0x59: {  	_ =	shalt  }
0x5a: {  	_ =	shalt  }
0x5b: {  	_ =	shalt  }
0x5c: {  	_ =	shalt  }
0x5d: {  	_ =	shalt  }
0x5e: {  	_ =	shalt  }
0x5f: {  	_ =	shalt  }
0x60: {  	_ =	shalt  }
0x61: {  	_ =	shalt  }
0x62: {  	_ =	shalt  }
0x63: {  	_ =	shalt  }
0x64: {  	_ =	shalt  }
0x65: {  	_ =	shalt  }
0x66: {  	_ =	shalt  }
0x67: {  	_ =	shalt  }
0x68: {  	_ =	shalt  }
0x69: {  	_ =	shalt  }
0x6a: {  	_ =	shalt  }
0x6b: {  	_ =	shalt  }
0x6c: {  	_ =	shalt  }
0x6d: {  	_ =	shalt  }
0x6e: {  	_ =	shalt  }
0x6f: {  	_ =	shalt  }
0x70: {  	_ =	shalt  }
0x71: {  	_ =	shalt  }
0x72: {  	_ =	shalt  }
0x73: {  	_ =	shalt  }
0x74: {  	_ =	shalt  }
0x75: {  	_ =	shalt  }
0x76: {  	_ =	shalt  }
0x77: {  	_ =	shalt  }
0x78: {  	_ =	shalt  }
0x79: {  	_ =	shalt  }
0x7a: {  	_ =	shalt  }
0x7b: {  	_ =	shalt  }
0x7c: {  	_ =	shalt  }
0x7d: {  	_ =	shalt  }
0x7e: {  	_ =	shalt  }
0x7f: {  	_ =	shalt  }
0x80: {  	_ =	shalt  }
0x81: {  	_ =	shalt  }
0x82: {  	_ =	shalt  }
0x83: {  	_ =	shalt  }
0x84: {  	_ =	shalt  }
0x85: {  	_ =	shalt  }
0x86: {  	_ =	shalt  }
0x87: {  	_ =	shalt  }
.Lfunc_end0:
.L_simem_size_0:
called_computation_lowered:
.L_overlay_start_0:
0x88: {  	s2 =	sld [smem:$0x3FD9]  }
0x89: {  	s3 =	sld [smem:$0x3FFE];
	_ =	sdelay $0x1  }
0x8a: {  	s1 =	srdreg.scid  }
0x8b: {  	s0 =	sand.u32 $0x1, s1  }
0x8c: {  	s14 =	sshll.u32 s0, $0xA;
	s2 =	sadd.s32 s3, s2  }
0x8d: {  	s2 =	sadd.s32 s2, s14  }
0x8e: {  	[smem:$0x3FB6] =	sst s2  }
0x8f: {  	_ = 	snop  }
0x90: {  	s2 =	sld [smem:$0x3FD0];
	_ =	sdelay $0x2  }
0x91: {  	s15 =	simm.s32 $0xA;
	s4 =	simm.s32 $0x10  }
0x92: {  	[smem:s4], [sflag:s15] =	dma.local [hbm:s2], $0x1  }
0x93: {  	_ =	swait.eq [sflag:s15], $0x1  }
0x94: {  	[sflag:s15] =	ssyncset.done $0x0  }
0x95: {  	[sflag:s15] =	ssyncadd.s32 $0xFFFFFFFF  }
0x96: {  	s16 =	sld [smem:$0x10];
	(tm) =	ssettm $0x1  }
0x97: {  	s17 =	sld [smem:$0x3FFB];
	_ =	sdelay $0x3  }
0x98: {  	_ =	strace s17  }
0x99: {  	s3 =	sld [smem:$0x3FFC];
	_ =	sdelay $0x3  }
0x9a: {  	_ =	strace s3  }
0x9b: {  	s3 =	sld [smem:$0x3FFD];
	_ =	sdelay $0x3  }
0x9c: {  	_ =	strace s3  }
0x9d: {  	_ =	strace $0x8FFFFFFF  }
0x9e: {  	s18 =	sld [smem:$0x3FDB];
	_ =	sdelay $0x1  }
0x9f: {  	s19 =	simm.s32 $_scs_section_size  }
0xa0: {  	s5 =	simm.s32 $_size__tile_overlayer_lowered;
	s6 =	simm.s32 $_tile_overlayer_lowered  }
0xa1: {  	s22 =	simm.s32 $0x1BFF;
	s21 =	sshll.u32 s6, $0x1;
	s3 =	sadd.s32 s19, s18  }
0xa2: {  	s7 =	simm.s32 $0x0;
	s20 =	sshll.u32 s5, $0x1;
	s5 =	sadd.s32 s21, s3  }
0xa3: {  	[timem:s7], [sflag:s22] =	dma.local [hbm:s5], s20  }
0xa4: {  	_ =	swait.ge [sflag:s22], s20  }
0xa5: {  	s4 =	ssub.s32 $0x0, s20;
	[sflag:s22] =	ssyncset.done $0x0  }
0xa6: {  	[sflag:s22] =	ssyncadd.s32 s4;
	_ =	sdelay $0x1  }
0xa7: {  	s23 =	simm.s32 $0x1B8B  }
0xa8: {  	_ =	swait.ge [sflag:s23], $0x1  }
0xa9: {  	[sflag:s23] =	ssyncset.done $0x0  }
0xaa: {  	s25 =	simm.s32 $0x1B8E;
	s24 =	sld [smem:$0x3FFE];
	[sflag:s23] =	ssyncadd.s32 $0xFFFFFFFF  }
0xab: {  	s26 =	simm.s32 $execute0_lowered;
	[smem:$0x3FD2] =	sst s25  }
0xac: {  	s5 =	sshll.u32 s26, $0x1;
	_ =	strace $0x80000046;
	[dreg:$0x1] =	wrdreg $0xFFFFFFFF  }
0xad: {  	s28 =	simm.s32 $_size_execute0_lowered;
	s3 =	sadd.s32 s3, s5;
	[dreg:$0x0] =	wrdreg $0x0  }
0xae: {  	s5 =	sshll.u32 s28, $0x1;
	[dreg:$0x2] =	wrdreg s3  }
0xaf: {  	[dreg:$0x3] =	wrdreg s5  }
0xb0: {  	[dreg:$0x4] =	wrdreg $0xC0  }
0xb1: {  	_ =	task [dreg:s7], $0x5FFFF  }
0xb2: {  	[dreg:$0x1] =	wrdreg $0xFFFFFFFF  }
0xb3: {  	[dreg:$0x0] =	wrdreg $0x60  }
0xb4: {  	[dreg:$0x2] =	wrdreg s24  }
0xb5: {  	[dreg:$0x3] =	wrdreg s16  }
0xb6: {  	[dreg:$0x4] =	wrdreg $0x53000  }
0xb7: {  	[dreg:$0x5] =	wrdreg $0x55800  }
0xb8: {  	[dreg:$0x6] =	wrdreg $0x9  }
0xb9: {  	_ =	task.clear_ibuf [dreg:s7], $0x7FFFF;
	_ =	strace $0x90000046  }
0xba: {  	s29 =	simm.s32 $0x9;
	_ =	strace $0x80000048  }
0xbb: {  	_ =	swait.ge [sflag:s29], $0x1  }
0xbc: {  	[sflag:s29] =	ssyncadd.s32 $0xFFFFFFFF  }
0xbd: {  	_ =	strace $0x90000048  }
0xbe: {  	_ =	sfence  }
0xbf: {  	s30 =	sld [smem:$0x0];
	_ =	sdelay $0x2  }
0xc0: {  	s31 =	sshll.u32 s1, $0xD;
	s1 =	sshrl.u32 s1, $0x2  }
0xc1: {  	s3 =	sand.u32 $0x4000, s31;
	s1 =	sadd.s32 s1, s30  }
0xc2: {  	s0 =	sor.u32 s3, s0;
	s1 =	sshll.u32 s1, $0x11  }
0xc3: {  	s0 =	sor.u32 s1, s0  }
0xc4: {  	s0 =	sadd.s32 $0x8F2B, s0  }
0xc5: {  	[sflag:s0] =	ssyncadd.remote.s32 $0x1  }
0xc6: {  	_ =	sfence.sel $0xFFFF  }
0xc7: {  	[dreg:$0x0] =	wrdreg $0xFFFFFFFF;
	(pc) =	sbr.abs _section_cstart, $3  }
0xc8: {  	[dreg:$0x1] =	wrdreg $0xFFFFFFFF  }
0xc9: {  	_ =	task.clear_ibuf [dreg:s7], $0x2FFFF;
	_ =	strace $0x9FFFFFFF  }
0xca: {  	(tm) =	ssettm $0x7FFFFFFF  }
0xcb: {  	_ =	shalt  }
tec
execute0_lowered:
.L_overlay_start_1:
0x0: {  	(tag) =	ssettag $0x1  }
0x1: {  	s0 =	rddreg [dreg:$0x0]  }
0x2: {  	s2 =	rddreg [dreg:$0x1]  }
0x3: {  	s1 =	rddreg [dreg:$0x2]  }
0x4: {  	s3 =	rddreg [dreg:$0x3];
	s5 =	srdreg.scid;
	s4 =	simm.s32 $0x0  }
0x5: {  	s12 =	stileid.u32;
	s16 =	simm.s32 $0x5080;
	s17 =	simm.s32 $0x2  }
0x6: {  	s18 =	simm.s32 $0x80;
	s19 =	simm.s32 $0x5000;
	s20 =	simm.s32 $0x100  }
0x7: {  	s28 =	simm.s32 $0x480;
	s29 =	simm.s32 $0x500;
	s30 =	simm.s32 $0x580  }
0x8: {  	s31 =	simm.s32 $0x600;
	s5 =	sand.u32 $0x1, s5;
	s8 =	smul.u32 $0xA00, s12  }
0x9: {  	[smem:$0x7FF] =	sst s4;
	s9 =	smul.u32 $0x280, s12;
	s11 =	sadd.s32 $0x3E200, s0  }
0xa: {  	s24 =	sadd.s32 $0x3E230, s0;
	_ =	strace $0x80000047;
	[dreg:$0x5] =	wrdreg s11  }
0xb: {  	s25 =	sadd.s32 $0x3E220, s0;
	p1 =	seq.s32 s12, $0x0;
	[dreg:$0x8] =	wrdreg s24  }
0xc: {  	p2 =	seq.s32 s12, $0x1;
	s6 =	ssub.s32 $0x2, s5;
	[dreg:$0x9] =	wrdreg s25  }
0xd: {  	p0 =	sne.s32 s5, $0x0;
	s24 =	simm.s32 $0x300;
	s25 =	simm.s32 $0x380  }
0xe: {  	s5 =	simm.s32 $0x780;
	s7 =	sshrl.u32 s6, $0x1;
	s10 =	sadd.s32 s8, s0  }
0xf: {  	s13 =	sadd.s32 s2, s8;
	s0 =	sadd.s32 $0x3E210, s0;
	s2 =	simm.s32 $0x700  }
0x10: {  	s21 =	ssub.s32 s6, s7;
	s6 =	sadd.s32 s9, s1;
	s7 =	sadd.s32 s9, s3  }
.Ltmp0:
0x11: {  	s22 =	sadd.s32 $0x2200, s10;
	[dreg:$0xb] =	wrdreg s0;
	(pc) =	sbr.rel .LBB2_1-.Ltmp0, $4  }
0x12: {  	s23 =	sadd.s32 $0xC200, s10;
	s26 =	sadd.s32 $0x34200, s10;
	[dreg:$0x6] =	wrdreg s22  }
0x13: {  	s0 =	simm.s32 $0x680;
	s10 =	simm.s32 $0x1;
	[dreg:$0x7] =	wrdreg s23  }
0x14: {  	[dreg:$0xa] =	wrdreg s26;
	s15 =	smax.u32 s21, $0x1;
	s21 =	simm.s32 $0x180  }
0x15: {  	v0 =	vimm.f32 $1.000000000e+00;
	v1 =	vimm.f32 $0.0e+00;
	s22 =	simm.s32 $0x200;
	s23 =	simm.s32 $0x280;
	s26 =	simm.s32 $0x400  }
.LBB2_17:
0x16: {  	s8 =	sshrl.u32 s1, $0x3;
	s9 =	rddreg [dreg:$0x9]  }
0x17: {  	s11 =	simm.s32 $0x40;
	s12 =	simm.s32 $0x10;
	s14 =	simm.s32 $0x1C02  }
0x18: {  	[hbm:s9@s11], [sflag:s14] =	dma.strided [spmem:s8@s12], $0x500, s10, $0x10   }
.LBB2_18:
0x19: {  	_ =	swait.ge [sflag:s17], $0x500  }
0x1a: {  	[sflag:s17] =	ssyncset.done $0x0  }
0x1b: {  	[sflag:s17] =	ssyncadd.s32 $0xFFFFFB00  }
.LBB2_19:
0x1c: {  	s4 =	sadd.s32 $0x1, s4  }
0x1d: {  	p3 =	sne.s32 s4, s15  }
.Ltmp1:
0x1e: {  	_ = 	snop;
	(pc) =	sbr.rel @!p3 .LBB2_20-.Ltmp1, $1  }
0x1f: {  	_ =	sdelay $0x3  }
.LBB2_1:
0x20: {  	[tilespmem:$0x5000] =	vst v0  }
0x21: {  	[tilespmem:$0x5010] =	vst v0  }
0x22: {  	[tilespmem:$0x5020] =	vst v0  }
0x23: {  	[tilespmem:$0x5030] =	vst v0  }
0x24: {  	[tilespmem:$0x5040] =	vst v0  }
0x25: {  	[tilespmem:$0x5050] =	vst v0  }
0x26: {  	[tilespmem:$0x5060] =	vst v0  }
0x27: {  	[tilespmem:$0x5070] =	vst v0  }
0x28: {  	[tilespmem:$0x5080] =	vst v1  }
0x29: {  	[tilespmem:$0x5090] =	vst v1  }
0x2a: {  	[tilespmem:$0x50A0] =	vst v1  }
0x2b: {  	[tilespmem:$0x50B0] =	vst v1  }
0x2c: {  	[tilespmem:$0x50C0] =	vst v1  }
0x2d: {  	[tilespmem:$0x50D0] =	vst v1  }
0x2e: {  	[tilespmem:$0x50E0] =	vst v1  }
0x2f: {  	[tilespmem:$0x50F0] =	vst v1  }
0x30: {  	[tilespmem:$0x5100] =	vst v1  }
0x31: {  	[tilespmem:$0x5110] =	vst v1  }
0x32: {  	[tilespmem:$0x5120] =	vst v1  }
0x33: {  	[tilespmem:$0x5130] =	vst v1  }
0x34: {  	[tilespmem:$0x5140] =	vst v1  }
0x35: {  	[tilespmem:$0x5150] =	vst v1  }
0x36: {  	[tilespmem:$0x5160] =	vst v1  }
0x37: {  	[tilespmem:$0x5170] =	vst v1  }
0x38: {  	[tilespmem:$0x5180] =	vst v1  }
0x39: {  	[tilespmem:$0x5190] =	vst v1  }
0x3a: {  	[tilespmem:$0x51A0] =	vst v1  }
0x3b: {  	[tilespmem:$0x51B0] =	vst v1  }
0x3c: {  	[tilespmem:$0x51C0] =	vst v1  }
0x3d: {  	[tilespmem:$0x51D0] =	vst v1  }
0x3e: {  	[tilespmem:$0x51E0] =	vst v1  }
0x3f: {  	[tilespmem:$0x51F0] =	vst v1  }
0x40: {  	[tilespmem:$0x5200] =	vst v1  }
0x41: {  	[tilespmem:$0x5210] =	vst v1  }
0x42: {  	[tilespmem:$0x5220] =	vst v1  }
0x43: {  	[tilespmem:$0x5230] =	vst v1  }
0x44: {  	[tilespmem:$0x5240] =	vst v1  }
0x45: {  	[tilespmem:$0x5250] =	vst v1  }
0x46: {  	[tilespmem:$0x5260] =	vst v1  }
0x47: {  	[tilespmem:$0x5270] =	vst v1  }
0x48: {  	[tilespmem:$0x5280] =	vst v1  }
0x49: {  	[tilespmem:$0x5290] =	vst v1  }
0x4a: {  	[tilespmem:$0x52A0] =	vst v1  }
0x4b: {  	[tilespmem:$0x52B0] =	vst v1  }
0x4c: {  	[tilespmem:$0x52C0] =	vst v1  }
0x4d: {  	[tilespmem:$0x52D0] =	vst v1  }
0x4e: {  	[tilespmem:$0x52E0] =	vst v1  }
0x4f: {  	[tilespmem:$0x52F0] =	vst v1  }
0x50: {  	[spmem:s6] =	stream.linear.scatter [tilespmem:s16], [sflag:$0x2], $0x280, $0x38;
	[tilespmem:$0x5800] =	vst v63  }
0x51: {  	_ =	swait.ge [sflag:s17], $0x280  }
0x52: {  	[sflag:s17] =	ssyncset.done $0x0  }
0x53: {  	[sflag:s17] =	ssyncadd.s32 $0xFFFFFD80  }
0x54: {  	[spmem:s7] =	stream.linear.scatter [tilespmem:s16], [sflag:$0x2], $0x280, $0x38;
	[tilespmem:$0x5800] =	vst v63  }
.Ltmp2:
0x55: {  	_ =	swait.ge [sflag:s17], $0x280;
	(pc) =	sbr.rel @p0 .LBB2_9-.Ltmp2, $4  }
0x56: {  	[sflag:s17] =	ssyncset.done $0x0  }
0x57: {  	[sflag:s17] =	ssyncadd.s32 $0xFFFFFD80  }
0x58: {  	[bflag:$0x0] =	sbarrier.arrive $0xFFFF  }
0x59: {  	s8 =	simm.s32 $0x0  }
0x5a: {  	s9 =	rddreg [dreg:$0xa]  }
0x5b: {  	[tilespmem:s8], [sflag:$0x2] =	stream.linear.gather [hbm4b:s9+s8], $0x5000, $0x38;
	[tilespmem:$0x5800] =	vst v63  }
0x5c: {  	_ =	swait.ge [sflag:s17], $0x5000  }
0x5d: {  	[sflag:s17] =	ssyncset.done $0x0  }
0x5e: {  	[sflag:s17] =	ssyncadd.s32 $0xFFFFB000  }
0x5f: {  	[spmem:s1] =	stream.indirect.scatter.add.f32 [tilespmem:s19], [sflag:$0x1], $0x1, s8, s18, $0xb8;
	[tilespmem:$0x5800] =	vst v63  }
0x60: {  	_ = 	snop  }
0x61: {  	[spmem:s1] =	stream.indirect.scatter.add.f32 [tilespmem:s19], [sflag:$0x1], $0x1, s18, s18, $0xb8;
	[tilespmem:$0x5800] =	vst v63  }
0x62: {  	_ = 	snop  }
0x63: {  	[spmem:s1] =	stream.indirect.scatter.add.f32 [tilespmem:s19], [sflag:$0x1], $0x1, s20, s18, $0xb8;
	[tilespmem:$0x5800] =	vst v63  }
0x64: {  	_ = 	snop  }
0x65: {  	[spmem:s1] =	stream.indirect.scatter.add.f32 [tilespmem:s19], [sflag:$0x1], $0x1, s21, s18, $0xb8;
	[tilespmem:$0x5800] =	vst v63  }
0x66: {  	_ = 	snop  }
0x67: {  	[spmem:s1] =	stream.indirect.scatter.add.f32 [tilespmem:s19], [sflag:$0x1], $0x1, s22, s18, $0xb8;
	[tilespmem:$0x5800] =	vst v63  }
0x68: {  	_ = 	snop  }
0x69: {  	[spmem:s1] =	stream.indirect.scatter.add.f32 [tilespmem:s19], [sflag:$0x1], $0x1, s23, s18, $0xb8;
	[tilespmem:$0x5800] =	vst v63  }
0x6a: {  	_ = 	snop  }
0x6b: {  	[spmem:s1] =	stream.indirect.scatter.add.f32 [tilespmem:s19], [sflag:$0x1], $0x1, s24, s18, $0xb8;
	[tilespmem:$0x5800] =	vst v63  }
0x6c: {  	_ = 	snop  }
0x6d: {  	[spmem:s1] =	stream.indirect.scatter.add.f32 [tilespmem:s19], [sflag:$0x1], $0x1, s25, s18, $0xb8;
	[tilespmem:$0x5800] =	vst v63  }
0x6e: {  	_ = 	snop  }
0x6f: {  	[spmem:s1] =	stream.indirect.scatter.add.f32 [tilespmem:s19], [sflag:$0x1], $0x1, s26, s18, $0xb8;
	[tilespmem:$0x5800] =	vst v63  }
0x70: {  	_ = 	snop  }
0x71: {  	[spmem:s1] =	stream.indirect.scatter.add.f32 [tilespmem:s19], [sflag:$0x1], $0x1, s28, s18, $0xb8;
	[tilespmem:$0x5800] =	vst v63  }
0x72: {  	_ = 	snop  }
0x73: {  	[spmem:s1] =	stream.indirect.scatter.add.f32 [tilespmem:s19], [sflag:$0x1], $0x1, s29, s18, $0xb8;
	[tilespmem:$0x5800] =	vst v63  }
0x74: {  	_ = 	snop  }
0x75: {  	[spmem:s1] =	stream.indirect.scatter.add.f32 [tilespmem:s19], [sflag:$0x1], $0x1, s30, s18, $0xb8;
	[tilespmem:$0x5800] =	vst v63  }
0x76: {  	_ = 	snop  }
0x77: {  	[spmem:s1] =	stream.indirect.scatter.add.f32 [tilespmem:s19], [sflag:$0x1], $0x1, s31, s18, $0xb8;
	[tilespmem:$0x5800] =	vst v63  }
0x78: {  	_ = 	snop  }
0x79: {  	[spmem:s1] =	stream.indirect.scatter.add.f32 [tilespmem:s19], [sflag:$0x1], $0x1, s0, s18, $0xb8;
	[tilespmem:$0x5800] =	vst v63  }
0x7a: {  	_ = 	snop  }
0x7b: {  	[spmem:s1] =	stream.indirect.scatter.add.f32 [tilespmem:s19], [sflag:$0x1], $0x1, s2, s18, $0xb8;
	[tilespmem:$0x5800] =	vst v63  }
0x7c: {  	_ = 	snop  }
0x7d: {  	[spmem:s1] =	stream.indirect.scatter.add.f32 [tilespmem:s19], [sflag:$0x1], $0x1, s5, s18, $0xb8;
	[tilespmem:$0x5800] =	vst v63  }
0x7e: {  	s9 =	simm.s32 $0x800  }
0x7f: {  	[spmem:s1] =	stream.indirect.scatter.add.f32 [tilespmem:s19], [sflag:$0x1], $0x1, s9, s18, $0xb8;
	[tilespmem:$0x5800] =	vst v63  }
0x80: {  	s11 =	simm.s32 $0x880  }
0x81: {  	[spmem:s1] =	stream.indirect.scatter.add.f32 [tilespmem:s19], [sflag:$0x1], $0x1, s11, s18, $0xb8;
	[tilespmem:$0x5800] =	vst v63  }
0x82: {  	s12 =	simm.s32 $0x900  }
0x83: {  	[spmem:s1] =	stream.indirect.scatter.add.f32 [tilespmem:s19], [sflag:$0x1], $0x1, s12, s18, $0xb8;
	[tilespmem:$0x5800] =	vst v63  }
0x84: {  	s14 =	simm.s32 $0x980  }
0x85: {  	[spmem:s1] =	stream.indirect.scatter.add.f32 [tilespmem:s19], [sflag:$0x1], $0x1, s14, s18, $0xb8;
	[tilespmem:$0x5800] =	vst v63  }
0x86: {  	s9 =	simm.s32 $0xA00  }
0x87: {  	[spmem:s1] =	stream.indirect.scatter.add.f32 [tilespmem:s19], [sflag:$0x1], $0x1, s9, s18, $0xb8;
	[tilespmem:$0x5800] =	vst v63  }
0x88: {  	s11 =	simm.s32 $0xA80  }
0x89: {  	[spmem:s1] =	stream.indirect.scatter.add.f32 [tilespmem:s19], [sflag:$0x1], $0x1, s11, s18, $0xb8;
	[tilespmem:$0x5800] =	vst v63  }
0x8a: {  	s12 =	simm.s32 $0xB00  }
0x8b: {  	[spmem:s1] =	stream.indirect.scatter.add.f32 [tilespmem:s19], [sflag:$0x1], $0x1, s12, s18, $0xb8;
	[tilespmem:$0x5800] =	vst v63  }
0x8c: {  	s14 =	simm.s32 $0xB80  }
0x8d: {  	[spmem:s1] =	stream.indirect.scatter.add.f32 [tilespmem:s19], [sflag:$0x1], $0x1, s14, s18, $0xb8;
	[tilespmem:$0x5800] =	vst v63  }
0x8e: {  	s9 =	simm.s32 $0xC00  }
0x8f: {  	[spmem:s1] =	stream.indirect.scatter.add.f32 [tilespmem:s19], [sflag:$0x1], $0x1, s9, s18, $0xb8;
	[tilespmem:$0x5800] =	vst v63  }
0x90: {  	s11 =	simm.s32 $0xC80  }
0x91: {  	[spmem:s1] =	stream.indirect.scatter.add.f32 [tilespmem:s19], [sflag:$0x1], $0x1, s11, s18, $0xb8;
	[tilespmem:$0x5800] =	vst v63  }
0x92: {  	s12 =	simm.s32 $0xD00  }
0x93: {  	[spmem:s1] =	stream.indirect.scatter.add.f32 [tilespmem:s19], [sflag:$0x1], $0x1, s12, s18, $0xb8;
	[tilespmem:$0x5800] =	vst v63  }
0x94: {  	s14 =	simm.s32 $0xD80  }
0x95: {  	[spmem:s1] =	stream.indirect.scatter.add.f32 [tilespmem:s19], [sflag:$0x1], $0x1, s14, s18, $0xb8;
	[tilespmem:$0x5800] =	vst v63  }
0x96: {  	s9 =	simm.s32 $0xE00  }
0x97: {  	[spmem:s1] =	stream.indirect.scatter.add.f32 [tilespmem:s19], [sflag:$0x1], $0x1, s9, s18, $0xb8;
	[tilespmem:$0x5800] =	vst v63  }
0x98: {  	s11 =	simm.s32 $0xE80  }
0x99: {  	[spmem:s1] =	stream.indirect.scatter.add.f32 [tilespmem:s19], [sflag:$0x1], $0x1, s11, s18, $0xb8;
	[tilespmem:$0x5800] =	vst v63  }
0x9a: {  	s12 =	simm.s32 $0xF00  }
0x9b: {  	[spmem:s1] =	stream.indirect.scatter.add.f32 [tilespmem:s19], [sflag:$0x1], $0x1, s12, s18, $0xb8;
	[tilespmem:$0x5800] =	vst v63  }
0x9c: {  	s14 =	simm.s32 $0xF80  }
0x9d: {  	[spmem:s1] =	stream.indirect.scatter.add.f32 [tilespmem:s19], [sflag:$0x1], $0x1, s14, s18, $0xb8;
	[tilespmem:$0x5800] =	vst v63  }
0x9e: {  	_ =	swait.ge [sflag:s10], $0x80  }
0x9f: {  	[sflag:s10] =	ssyncset.done $0x0  }
0xa0: {  	[sflag:s10] =	ssyncadd.s32 $0xFFFFFF80  }
0xa1: {  	_ =	swait.ge [sflag:s10], $0x80  }
0xa2: {  	[sflag:s10] =	ssyncset.done $0x0  }
0xa3: {  	[sflag:s10] =	ssyncadd.s32 $0xFFFFFF80  }
0xa4: {  	_ =	swait.ge [sflag:s10], $0x80  }
0xa5: {  	[sflag:s10] =	ssyncset.done $0x0  }
0xa6: {  	[sflag:s10] =	ssyncadd.s32 $0xFFFFFF80  }
0xa7: {  	_ =	swait.ge [sflag:s10], $0x80  }
0xa8: {  	[sflag:s10] =	ssyncset.done $0x0  }
0xa9: {  	[sflag:s10] =	ssyncadd.s32 $0xFFFFFF80  }
0xaa: {  	_ =	swait.ge [sflag:s10], $0x80  }
0xab: {  	[sflag:s10] =	ssyncset.done $0x0  }
0xac: {  	[sflag:s10] =	ssyncadd.s32 $0xFFFFFF80  }
0xad: {  	_ =	swait.ge [sflag:s10], $0x80  }
0xae: {  	[sflag:s10] =	ssyncset.done $0x0  }
0xaf: {  	[sflag:s10] =	ssyncadd.s32 $0xFFFFFF80  }
0xb0: {  	_ =	swait.ge [sflag:s10], $0x80  }
0xb1: {  	[sflag:s10] =	ssyncset.done $0x0  }
0xb2: {  	[sflag:s10] =	ssyncadd.s32 $0xFFFFFF80  }
0xb3: {  	_ =	swait.ge [sflag:s10], $0x80  }
0xb4: {  	[sflag:s10] =	ssyncset.done $0x0  }
0xb5: {  	[sflag:s10] =	ssyncadd.s32 $0xFFFFFF80  }
0xb6: {  	_ =	swait.ge [sflag:s10], $0x80  }
0xb7: {  	[sflag:s10] =	ssyncset.done $0x0  }
0xb8: {  	[sflag:s10] =	ssyncadd.s32 $0xFFFFFF80  }
0xb9: {  	_ =	swait.ge [sflag:s10], $0x80  }
0xba: {  	[sflag:s10] =	ssyncset.done $0x0  }
0xbb: {  	[sflag:s10] =	ssyncadd.s32 $0xFFFFFF80  }
0xbc: {  	_ =	swait.ge [sflag:s10], $0x80  }
0xbd: {  	[sflag:s10] =	ssyncset.done $0x0  }
0xbe: {  	[sflag:s10] =	ssyncadd.s32 $0xFFFFFF80  }
0xbf: {  	_ =	swait.ge [sflag:s10], $0x80  }
0xc0: {  	[sflag:s10] =	ssyncset.done $0x0  }
0xc1: {  	[sflag:s10] =	ssyncadd.s32 $0xFFFFFF80  }
0xc2: {  	_ =	swait.ge [sflag:s10], $0x80  }
0xc3: {  	[sflag:s10] =	ssyncset.done $0x0  }
0xc4: {  	[sflag:s10] =	ssyncadd.s32 $0xFFFFFF80  }
0xc5: {  	_ =	swait.ge [sflag:s10], $0x80  }
0xc6: {  	[sflag:s10] =	ssyncset.done $0x0  }
0xc7: {  	[sflag:s10] =	ssyncadd.s32 $0xFFFFFF80  }
0xc8: {  	_ =	swait.ge [sflag:s10], $0x80  }
0xc9: {  	[sflag:s10] =	ssyncset.done $0x0  }
0xca: {  	[sflag:s10] =	ssyncadd.s32 $0xFFFFFF80  }
0xcb: {  	_ =	swait.ge [sflag:s10], $0x80  }
0xcc: {  	s8 =	simm.s32 $0x800;
	s11 =	simm.s32 $0x4000;
	[sflag:s10] =	ssyncset.done $0x0  }
.LBB2_3:
0xcd: {  	s12 =	sadd.s32 $0x800, s8  }
0xce: {  	[sflag:s10] =	ssyncadd.s32 $0xFFFFFF80;
	s14 =	smov.u32 s11;
	s9 =	sadd.s32 $0x2000, s11  }
0xcf: {  	[spmem:s1] =	stream.indirect.scatter.add.f32 [tilespmem:s19], [sflag:$0x1], $0x1, s12, s18, $0xb8;
	[tilespmem:$0x5800] =	vst v63  }
0xd0: {  	p3 =	sne.s32 s11, $0x10000;
	s11 =	sadd.s32 $0x880, s8  }
0xd1: {  	[spmem:s1] =	stream.indirect.scatter.add.f32 [tilespmem:s19], [sflag:$0x1], $0x1, s11, s18, $0xb8;
	[tilespmem:$0x5800] =	vst v63  }
0xd2: {  	s11 =	sadd.s32 $0x900, s8  }
0xd3: {  	[spmem:s1] =	stream.indirect.scatter.add.f32 [tilespmem:s19], [sflag:$0x1], $0x1, s11, s18, $0xb8;
	[tilespmem:$0x5800] =	vst v63  }
0xd4: {  	s11 =	sadd.s32 $0x980, s8  }
0xd5: {  	[spmem:s1] =	stream.indirect.scatter.add.f32 [tilespmem:s19], [sflag:$0x1], $0x1, s11, s18, $0xb8;
	[tilespmem:$0x5800] =	vst v63  }
0xd6: {  	s11 =	sadd.s32 $0xA00, s8  }
0xd7: {  	[spmem:s1] =	stream.indirect.scatter.add.f32 [tilespmem:s19], [sflag:$0x1], $0x1, s11, s18, $0xb8;
	[tilespmem:$0x5800] =	vst v63  }
0xd8: {  	s11 =	sadd.s32 $0xA80, s8  }
0xd9: {  	[spmem:s1] =	stream.indirect.scatter.add.f32 [tilespmem:s19], [sflag:$0x1], $0x1, s11, s18, $0xb8;
	[tilespmem:$0x5800] =	vst v63  }
0xda: {  	s11 =	sadd.s32 $0xB00, s8  }
0xdb: {  	[spmem:s1] =	stream.indirect.scatter.add.f32 [tilespmem:s19], [sflag:$0x1], $0x1, s11, s18, $0xb8;
	[tilespmem:$0x5800] =	vst v63  }
0xdc: {  	s11 =	sadd.s32 $0xB80, s8  }
0xdd: {  	[spmem:s1] =	stream.indirect.scatter.add.f32 [tilespmem:s19], [sflag:$0x1], $0x1, s11, s18, $0xb8;
	[tilespmem:$0x5800] =	vst v63  }
0xde: {  	s11 =	sadd.s32 $0xC00, s8  }
0xdf: {  	[spmem:s1] =	stream.indirect.scatter.add.f32 [tilespmem:s19], [sflag:$0x1], $0x1, s11, s18, $0xb8;
	[tilespmem:$0x5800] =	vst v63  }
0xe0: {  	s11 =	sadd.s32 $0xC80, s8  }
0xe1: {  	[spmem:s1] =	stream.indirect.scatter.add.f32 [tilespmem:s19], [sflag:$0x1], $0x1, s11, s18, $0xb8;
	[tilespmem:$0x5800] =	vst v63  }
0xe2: {  	s11 =	sadd.s32 $0xD00, s8  }
0xe3: {  	[spmem:s1] =	stream.indirect.scatter.add.f32 [tilespmem:s19], [sflag:$0x1], $0x1, s11, s18, $0xb8;
	[tilespmem:$0x5800] =	vst v63  }
0xe4: {  	s11 =	sadd.s32 $0xD80, s8  }
0xe5: {  	[spmem:s1] =	stream.indirect.scatter.add.f32 [tilespmem:s19], [sflag:$0x1], $0x1, s11, s18, $0xb8;
	[tilespmem:$0x5800] =	vst v63  }
0xe6: {  	s11 =	sadd.s32 $0xE00, s8  }
0xe7: {  	[spmem:s1] =	stream.indirect.scatter.add.f32 [tilespmem:s19], [sflag:$0x1], $0x1, s11, s18, $0xb8;
	[tilespmem:$0x5800] =	vst v63  }
0xe8: {  	s11 =	sadd.s32 $0xE80, s8  }
0xe9: {  	[spmem:s1] =	stream.indirect.scatter.add.f32 [tilespmem:s19], [sflag:$0x1], $0x1, s11, s18, $0xb8;
	[tilespmem:$0x5800] =	vst v63  }
0xea: {  	s11 =	sadd.s32 $0xF00, s8  }
0xeb: {  	[spmem:s1] =	stream.indirect.scatter.add.f32 [tilespmem:s19], [sflag:$0x1], $0x1, s11, s18, $0xb8;
	[tilespmem:$0x5800] =	vst v63  }
0xec: {  	s8 =	sadd.s32 $0xF80, s8  }
0xed: {  	[spmem:s1] =	stream.indirect.scatter.add.f32 [tilespmem:s19], [sflag:$0x1], $0x1, s8, s18, $0xb8;
	[tilespmem:$0x5800] =	vst v63  }
0xee: {  	_ =	swait.ge [sflag:s10], $0x80  }
0xef: {  	[sflag:s10] =	ssyncset.done $0x0  }
0xf0: {  	[sflag:s10] =	ssyncadd.s32 $0xFFFFFF80  }
0xf1: {  	_ =	swait.ge [sflag:s10], $0x80  }
0xf2: {  	[sflag:s10] =	ssyncset.done $0x0  }
0xf3: {  	[sflag:s10] =	ssyncadd.s32 $0xFFFFFF80  }
0xf4: {  	_ =	swait.ge [sflag:s10], $0x80  }
0xf5: {  	[sflag:s10] =	ssyncset.done $0x0  }
0xf6: {  	[sflag:s10] =	ssyncadd.s32 $0xFFFFFF80  }
0xf7: {  	_ =	swait.ge [sflag:s10], $0x80  }
0xf8: {  	[sflag:s10] =	ssyncset.done $0x0  }
0xf9: {  	[sflag:s10] =	ssyncadd.s32 $0xFFFFFF80  }
0xfa: {  	_ =	swait.ge [sflag:s10], $0x80  }
0xfb: {  	[sflag:s10] =	ssyncset.done $0x0  }
0xfc: {  	[sflag:s10] =	ssyncadd.s32 $0xFFFFFF80  }
0xfd: {  	_ =	swait.ge [sflag:s10], $0x80  }
0xfe: {  	[sflag:s10] =	ssyncset.done $0x0  }
0xff: {  	[sflag:s10] =	ssyncadd.s32 $0xFFFFFF80  }
0x100: {  	_ =	swait.ge [sflag:s10], $0x80  }
0x101: {  	[sflag:s10] =	ssyncset.done $0x0  }
0x102: {  	[sflag:s10] =	ssyncadd.s32 $0xFFFFFF80  }
0x103: {  	_ =	swait.ge [sflag:s10], $0x80  }
0x104: {  	[sflag:s10] =	ssyncset.done $0x0  }
0x105: {  	[sflag:s10] =	ssyncadd.s32 $0xFFFFFF80  }
0x106: {  	_ =	swait.ge [sflag:s10], $0x80  }
0x107: {  	[sflag:s10] =	ssyncset.done $0x0  }
0x108: {  	[sflag:s10] =	ssyncadd.s32 $0xFFFFFF80  }
0x109: {  	_ =	swait.ge [sflag:s10], $0x80  }
0x10a: {  	[sflag:s10] =	ssyncset.done $0x0  }
0x10b: {  	[sflag:s10] =	ssyncadd.s32 $0xFFFFFF80  }
0x10c: {  	_ =	swait.ge [sflag:s10], $0x80  }
0x10d: {  	[sflag:s10] =	ssyncset.done $0x0  }
0x10e: {  	[sflag:s10] =	ssyncadd.s32 $0xFFFFFF80  }
0x10f: {  	_ =	swait.ge [sflag:s10], $0x80  }
0x110: {  	[sflag:s10] =	ssyncset.done $0x0  }
0x111: {  	[sflag:s10] =	ssyncadd.s32 $0xFFFFFF80  }
0x112: {  	_ =	swait.ge [sflag:s10], $0x80  }
0x113: {  	[sflag:s10] =	ssyncset.done $0x0  }
0x114: {  	[sflag:s10] =	ssyncadd.s32 $0xFFFFFF80  }
0x115: {  	_ =	swait.ge [sflag:s10], $0x80  }
0x116: {  	[sflag:s10] =	ssyncset.done $0x0  }
0x117: {  	[sflag:s10] =	ssyncadd.s32 $0xFFFFFF80  }
.Ltmp3:
0x118: {  	_ =	swait.ge [sflag:s10], $0x80;
	(pc) =	sbr.rel @p3 .LBB2_3-.Ltmp3, $4  }
0x119: {  	[sflag:s10] =	ssyncset.done $0x0  }
0x11a: {  	[sflag:s10] =	ssyncadd.s32 $0xFFFFFF80  }
0x11b: {  	_ =	swait.ge [sflag:s10], $0x80  }
0x11c: {  	s11 =	smov.u32 s9;
	s8 =	sshra.s32 s14, $0x2;
	[sflag:s10] =	ssyncset.done $0x0  }
0x11d: {  	s9 =	sadd.s32 $0x800, s8;
	[sflag:s10] =	ssyncadd.s32 $0xFFFFFF80  }
0x11e: {  	[spmem:s1] =	stream.indirect.scatter.add.f32 [tilespmem:s19], [sflag:$0x1], $0x1, s9, s18, $0xb8;
	[tilespmem:$0x5800] =	vst v63  }
0x11f: {  	s14 =	sadd.s32 $0x880, s8  }
0x120: {  	[spmem:s1] =	stream.indirect.scatter.add.f32 [tilespmem:s19], [sflag:$0x1], $0x1, s14, s18, $0xb8;
	[tilespmem:$0x5800] =	vst v63  }
0x121: {  	s11 =	sadd.s32 $0x900, s8  }
0x122: {  	[spmem:s1] =	stream.indirect.scatter.add.f32 [tilespmem:s19], [sflag:$0x1], $0x1, s11, s18, $0xb8;
	[tilespmem:$0x5800] =	vst v63  }
0x123: {  	s12 =	sadd.s32 $0x980, s8  }
0x124: {  	[spmem:s1] =	stream.indirect.scatter.add.f32 [tilespmem:s19], [sflag:$0x1], $0x1, s12, s18, $0xb8;
	[tilespmem:$0x5800] =	vst v63  }
0x125: {  	s14 =	sadd.s32 $0xA00, s8  }
0x126: {  	[spmem:s1] =	stream.indirect.scatter.add.f32 [tilespmem:s19], [sflag:$0x1], $0x1, s14, s18, $0xb8;
	[tilespmem:$0x5800] =	vst v63  }
0x127: {  	s11 =	sadd.s32 $0xA80, s8  }
0x128: {  	[spmem:s1] =	stream.indirect.scatter.add.f32 [tilespmem:s19], [sflag:$0x1], $0x1, s11, s18, $0xb8;
	[tilespmem:$0x5800] =	vst v63  }
0x129: {  	s12 =	sadd.s32 $0xB00, s8  }
0x12a: {  	[spmem:s1] =	stream.indirect.scatter.add.f32 [tilespmem:s19], [sflag:$0x1], $0x1, s12, s18, $0xb8;
	[tilespmem:$0x5800] =	vst v63  }
0x12b: {  	s14 =	sadd.s32 $0xB80, s8  }
0x12c: {  	[spmem:s1] =	stream.indirect.scatter.add.f32 [tilespmem:s19], [sflag:$0x1], $0x1, s14, s18, $0xb8;
	[tilespmem:$0x5800] =	vst v63  }
0x12d: {  	s11 =	sadd.s32 $0xC00, s8  }
0x12e: {  	[spmem:s1] =	stream.indirect.scatter.add.f32 [tilespmem:s19], [sflag:$0x1], $0x1, s11, s18, $0xb8;
	[tilespmem:$0x5800] =	vst v63  }
0x12f: {  	s12 =	sadd.s32 $0xC80, s8  }
0x130: {  	[spmem:s1] =	stream.indirect.scatter.add.f32 [tilespmem:s19], [sflag:$0x1], $0x1, s12, s18, $0xb8;
	[tilespmem:$0x5800] =	vst v63  }
0x131: {  	s14 =	sadd.s32 $0xD00, s8  }
0x132: {  	[spmem:s1] =	stream.indirect.scatter.add.f32 [tilespmem:s19], [sflag:$0x1], $0x1, s14, s18, $0xb8;
	[tilespmem:$0x5800] =	vst v63  }
0x133: {  	s11 =	sadd.s32 $0xD80, s8  }
0x134: {  	[spmem:s1] =	stream.indirect.scatter.add.f32 [tilespmem:s19], [sflag:$0x1], $0x1, s11, s18, $0xb8;
	[tilespmem:$0x5800] =	vst v63  }
0x135: {  	s12 =	sadd.s32 $0xE00, s8  }
0x136: {  	[spmem:s1] =	stream.indirect.scatter.add.f32 [tilespmem:s19], [sflag:$0x1], $0x1, s12, s18, $0xb8;
	[tilespmem:$0x5800] =	vst v63  }
0x137: {  	s14 =	sadd.s32 $0xE80, s8  }
0x138: {  	[spmem:s1] =	stream.indirect.scatter.add.f32 [tilespmem:s19], [sflag:$0x1], $0x1, s14, s18, $0xb8;
	[tilespmem:$0x5800] =	vst v63  }
0x139: {  	s11 =	sadd.s32 $0xF00, s8  }
0x13a: {  	[spmem:s1] =	stream.indirect.scatter.add.f32 [tilespmem:s19], [sflag:$0x1], $0x1, s11, s18, $0xb8;
	[tilespmem:$0x5800] =	vst v63  }
0x13b: {  	s12 =	sadd.s32 $0xF80, s8  }
0x13c: {  	[spmem:s1] =	stream.indirect.scatter.add.f32 [tilespmem:s19], [sflag:$0x1], $0x1, s12, s18, $0xb8;
	[tilespmem:$0x5800] =	vst v63  }
0x13d: {  	_ =	swait.ge [sflag:s10], $0x80  }
0x13e: {  	[sflag:s10] =	ssyncset.done $0x0  }
0x13f: {  	[sflag:s10] =	ssyncadd.s32 $0xFFFFFF80  }
0x140: {  	_ =	swait.ge [sflag:s10], $0x80  }
0x141: {  	[sflag:s10] =	ssyncset.done $0x0  }
0x142: {  	[sflag:s10] =	ssyncadd.s32 $0xFFFFFF80  }
0x143: {  	_ =	swait.ge [sflag:s10], $0x80  }
0x144: {  	[sflag:s10] =	ssyncset.done $0x0  }
0x145: {  	[sflag:s10] =	ssyncadd.s32 $0xFFFFFF80  }
0x146: {  	_ =	swait.ge [sflag:s10], $0x80  }
0x147: {  	[sflag:s10] =	ssyncset.done $0x0  }
0x148: {  	[sflag:s10] =	ssyncadd.s32 $0xFFFFFF80  }
0x149: {  	_ =	swait.ge [sflag:s10], $0x80  }
0x14a: {  	[sflag:s10] =	ssyncset.done $0x0  }
0x14b: {  	[sflag:s10] =	ssyncadd.s32 $0xFFFFFF80  }
0x14c: {  	_ =	swait.ge [sflag:s10], $0x80  }
0x14d: {  	[sflag:s10] =	ssyncset.done $0x0  }
0x14e: {  	[sflag:s10] =	ssyncadd.s32 $0xFFFFFF80  }
0x14f: {  	_ =	swait.ge [sflag:s10], $0x80  }
0x150: {  	[sflag:s10] =	ssyncset.done $0x0  }
0x151: {  	[sflag:s10] =	ssyncadd.s32 $0xFFFFFF80  }
0x152: {  	_ =	swait.ge [sflag:s10], $0x80  }
0x153: {  	[sflag:s10] =	ssyncset.done $0x0  }
0x154: {  	[sflag:s10] =	ssyncadd.s32 $0xFFFFFF80  }
0x155: {  	_ =	swait.ge [sflag:s10], $0x80  }
0x156: {  	[sflag:s10] =	ssyncset.done $0x0  }
0x157: {  	[sflag:s10] =	ssyncadd.s32 $0xFFFFFF80  }
0x158: {  	_ =	swait.ge [sflag:s10], $0x80  }
0x159: {  	[sflag:s10] =	ssyncset.done $0x0  }
0x15a: {  	[sflag:s10] =	ssyncadd.s32 $0xFFFFFF80  }
0x15b: {  	_ =	swait.ge [sflag:s10], $0x80  }
0x15c: {  	[sflag:s10] =	ssyncset.done $0x0  }
0x15d: {  	[sflag:s10] =	ssyncadd.s32 $0xFFFFFF80  }
0x15e: {  	_ =	swait.ge [sflag:s10], $0x80  }
0x15f: {  	[sflag:s10] =	ssyncset.done $0x0  }
0x160: {  	[sflag:s10] =	ssyncadd.s32 $0xFFFFFF80  }
0x161: {  	_ =	swait.ge [sflag:s10], $0x80  }
0x162: {  	[sflag:s10] =	ssyncset.done $0x0  }
0x163: {  	[sflag:s10] =	ssyncadd.s32 $0xFFFFFF80  }
0x164: {  	_ =	swait.ge [sflag:s10], $0x80  }
0x165: {  	[sflag:s10] =	ssyncset.done $0x0  }
0x166: {  	[sflag:s10] =	ssyncadd.s32 $0xFFFFFF80  }
0x167: {  	_ =	swait.ge [sflag:s10], $0x80  }
0x168: {  	[sflag:s10] =	ssyncset.done $0x0  }
0x169: {  	[sflag:s10] =	ssyncadd.s32 $0xFFFFFF80  }
0x16a: {  	_ =	swait.ge [sflag:s10], $0x80  }
0x16b: {  	[sflag:s10] =	ssyncset.done $0x0  }
0x16c: {  	[sflag:s10] =	ssyncadd.s32 $0xFFFFFF80  }
0x16d: {  	_ =	swait.ge [sflag:s10], $0x80  }
0x16e: {  	[sflag:s10] =	ssyncset.done $0x0  }
0x16f: {  	[sflag:s10] =	ssyncadd.s32 $0xFFFFFF80  }
0x170: {  	_ =	swait.ge [sflag:s10], $0x80  }
0x171: {  	[sflag:s10] =	ssyncset.done $0x0  }
0x172: {  	[sflag:s10] =	ssyncadd.s32 $0xFFFFFF80  }
0x173: {  	_ =	swait.ge [sflag:s10], $0x80  }
0x174: {  	[sflag:s10] =	ssyncset.done $0x0  }
0x175: {  	[sflag:s10] =	ssyncadd.s32 $0xFFFFFF80  }
0x176: {  	_ =	swait.ge [sflag:s10], $0x80  }
0x177: {  	[sflag:s10] =	ssyncset.done $0x0  }
0x178: {  	[sflag:s10] =	ssyncadd.s32 $0xFFFFFF80  }
0x179: {  	_ =	swait.ge [sflag:s10], $0x80  }
0x17a: {  	[sflag:s10] =	ssyncset.done $0x0  }
0x17b: {  	[sflag:s10] =	ssyncadd.s32 $0xFFFFFF80  }
0x17c: {  	_ =	swait.ge [sflag:s10], $0x80  }
0x17d: {  	[sflag:s10] =	ssyncset.done $0x0  }
0x17e: {  	[sflag:s10] =	ssyncadd.s32 $0xFFFFFF80  }
0x17f: {  	_ =	swait.ge [sflag:s10], $0x80  }
0x180: {  	[sflag:s10] =	ssyncset.done $0x0  }
0x181: {  	[sflag:s10] =	ssyncadd.s32 $0xFFFFFF80  }
0x182: {  	_ =	swait.ge [sflag:s10], $0x80  }
0x183: {  	[sflag:s10] =	ssyncset.done $0x0  }
0x184: {  	[sflag:s10] =	ssyncadd.s32 $0xFFFFFF80  }
0x185: {  	_ =	swait.ge [sflag:s10], $0x80  }
0x186: {  	[sflag:s10] =	ssyncset.done $0x0  }
0x187: {  	[sflag:s10] =	ssyncadd.s32 $0xFFFFFF80  }
0x188: {  	_ =	swait.ge [sflag:s10], $0x80  }
0x189: {  	[sflag:s10] =	ssyncset.done $0x0  }
0x18a: {  	[sflag:s10] =	ssyncadd.s32 $0xFFFFFF80  }
0x18b: {  	_ =	swait.ge [sflag:s10], $0x80  }
0x18c: {  	[sflag:s10] =	ssyncset.done $0x0  }
0x18d: {  	[sflag:s10] =	ssyncadd.s32 $0xFFFFFF80  }
0x18e: {  	_ =	swait.ge [sflag:s10], $0x80  }
0x18f: {  	[sflag:s10] =	ssyncset.done $0x0  }
0x190: {  	[sflag:s10] =	ssyncadd.s32 $0xFFFFFF80  }
0x191: {  	_ =	swait.ge [sflag:s10], $0x80  }
0x192: {  	[sflag:s10] =	ssyncset.done $0x0  }
0x193: {  	[sflag:s10] =	ssyncadd.s32 $0xFFFFFF80  }
0x194: {  	_ =	swait.ge [sflag:s10], $0x80  }
0x195: {  	[sflag:s10] =	ssyncset.done $0x0  }
0x196: {  	[sflag:s10] =	ssyncadd.s32 $0xFFFFFF80  }
0x197: {  	_ =	swait.ge [sflag:s10], $0x80  }
0x198: {  	[sflag:s10] =	ssyncset.done $0x0  }
0x199: {  	[sflag:s10] =	ssyncadd.s32 $0xFFFFFF80  }
0x19a: {  	_ =	swait.ge [sflag:s10], $0x80  }
0x19b: {  	[sflag:s10] =	ssyncset.done $0x0  }
0x19c: {  	s14 =	simm.s32 $0x0;
	[sflag:s10] =	ssyncadd.s32 $0xFFFFFF80  }
0x19d: {  	[tilespmem:s14], [sflag:$0x2] =	stream.linear.gather [hbm4b:s13+s14], $0x5000, $0x38;
	[tilespmem:$0x5800] =	vst v63  }
0x19e: {  	_ =	swait.ge [sflag:s17], $0x5000  }
0x19f: {  	[sflag:s17] =	ssyncset.done $0x0  }
0x1a0: {  	[sflag:s17] =	ssyncadd.s32 $0xFFFFB000  }
0x1a1: {  	[spmem:s3] =	stream.indirect.scatter.add.f32 [tilespmem:s19], [sflag:$0x1], $0x1, s14, s18, $0xb8;
	[tilespmem:$0x5800] =	vst v63  }
0x1a2: {  	_ = 	snop  }
0x1a3: {  	[spmem:s3] =	stream.indirect.scatter.add.f32 [tilespmem:s19], [sflag:$0x1], $0x1, s18, s18, $0xb8;
	[tilespmem:$0x5800] =	vst v63  }
0x1a4: {  	_ = 	snop  }
0x1a5: {  	[spmem:s3] =	stream.indirect.scatter.add.f32 [tilespmem:s19], [sflag:$0x1], $0x1, s20, s18, $0xb8;
	[tilespmem:$0x5800] =	vst v63  }
0x1a6: {  	_ = 	snop  }
0x1a7: {  	[spmem:s3] =	stream.indirect.scatter.add.f32 [tilespmem:s19], [sflag:$0x1], $0x1, s21, s18, $0xb8;
	[tilespmem:$0x5800] =	vst v63  }
0x1a8: {  	_ = 	snop  }
0x1a9: {  	[spmem:s3] =	stream.indirect.scatter.add.f32 [tilespmem:s19], [sflag:$0x1], $0x1, s22, s18, $0xb8;
	[tilespmem:$0x5800] =	vst v63  }
0x1aa: {  	_ = 	snop  }
0x1ab: {  	[spmem:s3] =	stream.indirect.scatter.add.f32 [tilespmem:s19], [sflag:$0x1], $0x1, s23, s18, $0xb8;
	[tilespmem:$0x5800] =	vst v63  }
0x1ac: {  	_ = 	snop  }
0x1ad: {  	[spmem:s3] =	stream.indirect.scatter.add.f32 [tilespmem:s19], [sflag:$0x1], $0x1, s24, s18, $0xb8;
	[tilespmem:$0x5800] =	vst v63  }
0x1ae: {  	_ = 	snop  }
0x1af: {  	[spmem:s3] =	stream.indirect.scatter.add.f32 [tilespmem:s19], [sflag:$0x1], $0x1, s25, s18, $0xb8;
	[tilespmem:$0x5800] =	vst v63  }
0x1b0: {  	_ = 	snop  }
0x1b1: {  	[spmem:s3] =	stream.indirect.scatter.add.f32 [tilespmem:s19], [sflag:$0x1], $0x1, s26, s18, $0xb8;
	[tilespmem:$0x5800] =	vst v63  }
0x1b2: {  	_ = 	snop  }
0x1b3: {  	[spmem:s3] =	stream.indirect.scatter.add.f32 [tilespmem:s19], [sflag:$0x1], $0x1, s28, s18, $0xb8;
	[tilespmem:$0x5800] =	vst v63  }
0x1b4: {  	_ = 	snop  }
0x1b5: {  	[spmem:s3] =	stream.indirect.scatter.add.f32 [tilespmem:s19], [sflag:$0x1], $0x1, s29, s18, $0xb8;
	[tilespmem:$0x5800] =	vst v63  }
0x1b6: {  	_ = 	snop  }
0x1b7: {  	[spmem:s3] =	stream.indirect.scatter.add.f32 [tilespmem:s19], [sflag:$0x1], $0x1, s30, s18, $0xb8;
	[tilespmem:$0x5800] =	vst v63  }
0x1b8: {  	_ = 	snop  }
0x1b9: {  	[spmem:s3] =	stream.indirect.scatter.add.f32 [tilespmem:s19], [sflag:$0x1], $0x1, s31, s18, $0xb8;
	[tilespmem:$0x5800] =	vst v63  }
0x1ba: {  	_ = 	snop  }
0x1bb: {  	[spmem:s3] =	stream.indirect.scatter.add.f32 [tilespmem:s19], [sflag:$0x1], $0x1, s0, s18, $0xb8;
	[tilespmem:$0x5800] =	vst v63  }
0x1bc: {  	_ = 	snop  }
0x1bd: {  	[spmem:s3] =	stream.indirect.scatter.add.f32 [tilespmem:s19], [sflag:$0x1], $0x1, s2, s18, $0xb8;
	[tilespmem:$0x5800] =	vst v63  }
0x1be: {  	_ = 	snop  }
0x1bf: {  	[spmem:s3] =	stream.indirect.scatter.add.f32 [tilespmem:s19], [sflag:$0x1], $0x1, s5, s18, $0xb8;
	[tilespmem:$0x5800] =	vst v63  }
0x1c0: {  	s9 =	simm.s32 $0x800  }
0x1c1: {  	[spmem:s3] =	stream.indirect.scatter.add.f32 [tilespmem:s19], [sflag:$0x1], $0x1, s9, s18, $0xb8;
	[tilespmem:$0x5800] =	vst v63  }
0x1c2: {  	s11 =	simm.s32 $0x880  }
0x1c3: {  	[spmem:s3] =	stream.indirect.scatter.add.f32 [tilespmem:s19], [sflag:$0x1], $0x1, s11, s18, $0xb8;
	[tilespmem:$0x5800] =	vst v63  }
0x1c4: {  	s12 =	simm.s32 $0x900  }
0x1c5: {  	[spmem:s3] =	stream.indirect.scatter.add.f32 [tilespmem:s19], [sflag:$0x1], $0x1, s12, s18, $0xb8;
	[tilespmem:$0x5800] =	vst v63  }
0x1c6: {  	s14 =	simm.s32 $0x980  }
0x1c7: {  	[spmem:s3] =	stream.indirect.scatter.add.f32 [tilespmem:s19], [sflag:$0x1], $0x1, s14, s18, $0xb8;
	[tilespmem:$0x5800] =	vst v63  }
0x1c8: {  	s9 =	simm.s32 $0xA00  }
0x1c9: {  	[spmem:s3] =	stream.indirect.scatter.add.f32 [tilespmem:s19], [sflag:$0x1], $0x1, s9, s18, $0xb8;
	[tilespmem:$0x5800] =	vst v63  }
0x1ca: {  	s11 =	simm.s32 $0xA80  }
0x1cb: {  	[spmem:s3] =	stream.indirect.scatter.add.f32 [tilespmem:s19], [sflag:$0x1], $0x1, s11, s18, $0xb8;
	[tilespmem:$0x5800] =	vst v63  }
0x1cc: {  	s12 =	simm.s32 $0xB00  }
0x1cd: {  	[spmem:s3] =	stream.indirect.scatter.add.f32 [tilespmem:s19], [sflag:$0x1], $0x1, s12, s18, $0xb8;
	[tilespmem:$0x5800] =	vst v63  }
0x1ce: {  	s14 =	simm.s32 $0xB80  }
0x1cf: {  	[spmem:s3] =	stream.indirect.scatter.add.f32 [tilespmem:s19], [sflag:$0x1], $0x1, s14, s18, $0xb8;
	[tilespmem:$0x5800] =	vst v63  }
0x1d0: {  	s9 =	simm.s32 $0xC00  }
0x1d1: {  	[spmem:s3] =	stream.indirect.scatter.add.f32 [tilespmem:s19], [sflag:$0x1], $0x1, s9, s18, $0xb8;
	[tilespmem:$0x5800] =	vst v63  }
0x1d2: {  	s11 =	simm.s32 $0xC80  }
0x1d3: {  	[spmem:s3] =	stream.indirect.scatter.add.f32 [tilespmem:s19], [sflag:$0x1], $0x1, s11, s18, $0xb8;
	[tilespmem:$0x5800] =	vst v63  }
0x1d4: {  	s12 =	simm.s32 $0xD00  }
0x1d5: {  	[spmem:s3] =	stream.indirect.scatter.add.f32 [tilespmem:s19], [sflag:$0x1], $0x1, s12, s18, $0xb8;
	[tilespmem:$0x5800] =	vst v63  }
0x1d6: {  	s14 =	simm.s32 $0xD80  }
0x1d7: {  	[spmem:s3] =	stream.indirect.scatter.add.f32 [tilespmem:s19], [sflag:$0x1], $0x1, s14, s18, $0xb8;
	[tilespmem:$0x5800] =	vst v63  }
0x1d8: {  	s9 =	simm.s32 $0xE00  }
0x1d9: {  	[spmem:s3] =	stream.indirect.scatter.add.f32 [tilespmem:s19], [sflag:$0x1], $0x1, s9, s18, $0xb8;
	[tilespmem:$0x5800] =	vst v63  }
0x1da: {  	s11 =	simm.s32 $0xE80  }
0x1db: {  	[spmem:s3] =	stream.indirect.scatter.add.f32 [tilespmem:s19], [sflag:$0x1], $0x1, s11, s18, $0xb8;
	[tilespmem:$0x5800] =	vst v63  }
0x1dc: {  	s12 =	simm.s32 $0xF00  }
0x1dd: {  	[spmem:s3] =	stream.indirect.scatter.add.f32 [tilespmem:s19], [sflag:$0x1], $0x1, s12, s18, $0xb8;
	[tilespmem:$0x5800] =	vst v63  }
0x1de: {  	s14 =	simm.s32 $0xF80  }
0x1df: {  	[spmem:s3] =	stream.indirect.scatter.add.f32 [tilespmem:s19], [sflag:$0x1], $0x1, s14, s18, $0xb8;
	[tilespmem:$0x5800] =	vst v63  }
0x1e0: {  	_ =	swait.ge [sflag:s10], $0x80  }
0x1e1: {  	[sflag:s10] =	ssyncset.done $0x0  }
0x1e2: {  	[sflag:s10] =	ssyncadd.s32 $0xFFFFFF80  }
0x1e3: {  	_ =	swait.ge [sflag:s10], $0x80  }
0x1e4: {  	[sflag:s10] =	ssyncset.done $0x0  }
0x1e5: {  	[sflag:s10] =	ssyncadd.s32 $0xFFFFFF80  }
0x1e6: {  	_ =	swait.ge [sflag:s10], $0x80  }
0x1e7: {  	[sflag:s10] =	ssyncset.done $0x0  }
0x1e8: {  	[sflag:s10] =	ssyncadd.s32 $0xFFFFFF80  }
0x1e9: {  	_ =	swait.ge [sflag:s10], $0x80  }
0x1ea: {  	[sflag:s10] =	ssyncset.done $0x0  }
0x1eb: {  	[sflag:s10] =	ssyncadd.s32 $0xFFFFFF80  }
0x1ec: {  	_ =	swait.ge [sflag:s10], $0x80  }
0x1ed: {  	[sflag:s10] =	ssyncset.done $0x0  }
0x1ee: {  	[sflag:s10] =	ssyncadd.s32 $0xFFFFFF80  }
0x1ef: {  	_ =	swait.ge [sflag:s10], $0x80  }
0x1f0: {  	[sflag:s10] =	ssyncset.done $0x0  }
0x1f1: {  	[sflag:s10] =	ssyncadd.s32 $0xFFFFFF80  }
0x1f2: {  	_ =	swait.ge [sflag:s10], $0x80  }
0x1f3: {  	[sflag:s10] =	ssyncset.done $0x0  }
0x1f4: {  	[sflag:s10] =	ssyncadd.s32 $0xFFFFFF80  }
0x1f5: {  	_ =	swait.ge [sflag:s10], $0x80  }
0x1f6: {  	[sflag:s10] =	ssyncset.done $0x0  }
0x1f7: {  	[sflag:s10] =	ssyncadd.s32 $0xFFFFFF80  }
0x1f8: {  	_ =	swait.ge [sflag:s10], $0x80  }
0x1f9: {  	[sflag:s10] =	ssyncset.done $0x0  }
0x1fa: {  	[sflag:s10] =	ssyncadd.s32 $0xFFFFFF80  }
0x1fb: {  	_ =	swait.ge [sflag:s10], $0x80  }
0x1fc: {  	[sflag:s10] =	ssyncset.done $0x0  }
0x1fd: {  	[sflag:s10] =	ssyncadd.s32 $0xFFFFFF80  }
0x1fe: {  	_ =	swait.ge [sflag:s10], $0x80  }
0x1ff: {  	[sflag:s10] =	ssyncset.done $0x0  }
0x200: {  	[sflag:s10] =	ssyncadd.s32 $0xFFFFFF80  }
0x201: {  	_ =	swait.ge [sflag:s10], $0x80  }
0x202: {  	[sflag:s10] =	ssyncset.done $0x0  }
0x203: {  	[sflag:s10] =	ssyncadd.s32 $0xFFFFFF80  }
0x204: {  	_ =	swait.ge [sflag:s10], $0x80  }
0x205: {  	[sflag:s10] =	ssyncset.done $0x0  }
0x206: {  	[sflag:s10] =	ssyncadd.s32 $0xFFFFFF80  }
0x207: {  	_ =	swait.ge [sflag:s10], $0x80  }
0x208: {  	[sflag:s10] =	ssyncset.done $0x0  }
0x209: {  	[sflag:s10] =	ssyncadd.s32 $0xFFFFFF80  }
0x20a: {  	_ =	swait.ge [sflag:s10], $0x80  }
0x20b: {  	[sflag:s10] =	ssyncset.done $0x0  }
0x20c: {  	[sflag:s10] =	ssyncadd.s32 $0xFFFFFF80  }
0x20d: {  	_ =	swait.ge [sflag:s10], $0x80  }
0x20e: {  	s8 =	simm.s32 $0x800;
	s9 =	simm.s32 $0x4000;
	[sflag:s10] =	ssyncset.done $0x0  }
.LBB2_5:
0x20f: {  	s12 =	sadd.s32 $0x800, s8  }
0x210: {  	[sflag:s10] =	ssyncadd.s32 $0xFFFFFF80;
	s14 =	smov.u32 s9;
	s11 =	sadd.s32 $0x2000, s9  }
0x211: {  	[spmem:s3] =	stream.indirect.scatter.add.f32 [tilespmem:s19], [sflag:$0x1], $0x1, s12, s18, $0xb8;
	[tilespmem:$0x5800] =	vst v63  }
0x212: {  	p3 =	sne.s32 s9, $0x10000;
	s9 =	sadd.s32 $0x880, s8  }
0x213: {  	[spmem:s3] =	stream.indirect.scatter.add.f32 [tilespmem:s19], [sflag:$0x1], $0x1, s9, s18, $0xb8;
	[tilespmem:$0x5800] =	vst v63  }
0x214: {  	s9 =	sadd.s32 $0x900, s8  }
0x215: {  	[spmem:s3] =	stream.indirect.scatter.add.f32 [tilespmem:s19], [sflag:$0x1], $0x1, s9, s18, $0xb8;
	[tilespmem:$0x5800] =	vst v63  }
0x216: {  	s9 =	sadd.s32 $0x980, s8  }
0x217: {  	[spmem:s3] =	stream.indirect.scatter.add.f32 [tilespmem:s19], [sflag:$0x1], $0x1, s9, s18, $0xb8;
	[tilespmem:$0x5800] =	vst v63  }
0x218: {  	s9 =	sadd.s32 $0xA00, s8  }
0x219: {  	[spmem:s3] =	stream.indirect.scatter.add.f32 [tilespmem:s19], [sflag:$0x1], $0x1, s9, s18, $0xb8;
	[tilespmem:$0x5800] =	vst v63  }
0x21a: {  	s9 =	sadd.s32 $0xA80, s8  }
0x21b: {  	[spmem:s3] =	stream.indirect.scatter.add.f32 [tilespmem:s19], [sflag:$0x1], $0x1, s9, s18, $0xb8;
	[tilespmem:$0x5800] =	vst v63  }
0x21c: {  	s9 =	sadd.s32 $0xB00, s8  }
0x21d: {  	[spmem:s3] =	stream.indirect.scatter.add.f32 [tilespmem:s19], [sflag:$0x1], $0x1, s9, s18, $0xb8;
	[tilespmem:$0x5800] =	vst v63  }
0x21e: {  	s9 =	sadd.s32 $0xB80, s8  }
0x21f: {  	[spmem:s3] =	stream.indirect.scatter.add.f32 [tilespmem:s19], [sflag:$0x1], $0x1, s9, s18, $0xb8;
	[tilespmem:$0x5800] =	vst v63  }
0x220: {  	s9 =	sadd.s32 $0xC00, s8  }
0x221: {  	[spmem:s3] =	stream.indirect.scatter.add.f32 [tilespmem:s19], [sflag:$0x1], $0x1, s9, s18, $0xb8;
	[tilespmem:$0x5800] =	vst v63  }
0x222: {  	s9 =	sadd.s32 $0xC80, s8  }
0x223: {  	[spmem:s3] =	stream.indirect.scatter.add.f32 [tilespmem:s19], [sflag:$0x1], $0x1, s9, s18, $0xb8;
	[tilespmem:$0x5800] =	vst v63  }
0x224: {  	s9 =	sadd.s32 $0xD00, s8  }
0x225: {  	[spmem:s3] =	stream.indirect.scatter.add.f32 [tilespmem:s19], [sflag:$0x1], $0x1, s9, s18, $0xb8;
	[tilespmem:$0x5800] =	vst v63  }
0x226: {  	s9 =	sadd.s32 $0xD80, s8  }
0x227: {  	[spmem:s3] =	stream.indirect.scatter.add.f32 [tilespmem:s19], [sflag:$0x1], $0x1, s9, s18, $0xb8;
	[tilespmem:$0x5800] =	vst v63  }
0x228: {  	s9 =	sadd.s32 $0xE00, s8  }
0x229: {  	[spmem:s3] =	stream.indirect.scatter.add.f32 [tilespmem:s19], [sflag:$0x1], $0x1, s9, s18, $0xb8;
	[tilespmem:$0x5800] =	vst v63  }
0x22a: {  	s9 =	sadd.s32 $0xE80, s8  }
0x22b: {  	[spmem:s3] =	stream.indirect.scatter.add.f32 [tilespmem:s19], [sflag:$0x1], $0x1, s9, s18, $0xb8;
	[tilespmem:$0x5800] =	vst v63  }
0x22c: {  	s9 =	sadd.s32 $0xF00, s8  }
0x22d: {  	[spmem:s3] =	stream.indirect.scatter.add.f32 [tilespmem:s19], [sflag:$0x1], $0x1, s9, s18, $0xb8;
	[tilespmem:$0x5800] =	vst v63  }
0x22e: {  	s8 =	sadd.s32 $0xF80, s8  }
0x22f: {  	[spmem:s3] =	stream.indirect.scatter.add.f32 [tilespmem:s19], [sflag:$0x1], $0x1, s8, s18, $0xb8;
	[tilespmem:$0x5800] =	vst v63  }
0x230: {  	_ =	swait.ge [sflag:s10], $0x80  }
0x231: {  	[sflag:s10] =	ssyncset.done $0x0  }
0x232: {  	[sflag:s10] =	ssyncadd.s32 $0xFFFFFF80  }
0x233: {  	_ =	swait.ge [sflag:s10], $0x80  }
0x234: {  	[sflag:s10] =	ssyncset.done $0x0  }
0x235: {  	[sflag:s10] =	ssyncadd.s32 $0xFFFFFF80  }
0x236: {  	_ =	swait.ge [sflag:s10], $0x80  }
0x237: {  	[sflag:s10] =	ssyncset.done $0x0  }
0x238: {  	[sflag:s10] =	ssyncadd.s32 $0xFFFFFF80  }
0x239: {  	_ =	swait.ge [sflag:s10], $0x80  }
0x23a: {  	[sflag:s10] =	ssyncset.done $0x0  }
0x23b: {  	[sflag:s10] =	ssyncadd.s32 $0xFFFFFF80  }
0x23c: {  	_ =	swait.ge [sflag:s10], $0x80  }
0x23d: {  	[sflag:s10] =	ssyncset.done $0x0  }
0x23e: {  	[sflag:s10] =	ssyncadd.s32 $0xFFFFFF80  }
0x23f: {  	_ =	swait.ge [sflag:s10], $0x80  }
0x240: {  	[sflag:s10] =	ssyncset.done $0x0  }
0x241: {  	[sflag:s10] =	ssyncadd.s32 $0xFFFFFF80  }
0x242: {  	_ =	swait.ge [sflag:s10], $0x80  }
0x243: {  	[sflag:s10] =	ssyncset.done $0x0  }
0x244: {  	[sflag:s10] =	ssyncadd.s32 $0xFFFFFF80  }
0x245: {  	_ =	swait.ge [sflag:s10], $0x80  }
0x246: {  	[sflag:s10] =	ssyncset.done $0x0  }
0x247: {  	[sflag:s10] =	ssyncadd.s32 $0xFFFFFF80  }
0x248: {  	_ =	swait.ge [sflag:s10], $0x80  }
0x249: {  	[sflag:s10] =	ssyncset.done $0x0  }
0x24a: {  	[sflag:s10] =	ssyncadd.s32 $0xFFFFFF80  }
0x24b: {  	_ =	swait.ge [sflag:s10], $0x80  }
0x24c: {  	[sflag:s10] =	ssyncset.done $0x0  }
0x24d: {  	[sflag:s10] =	ssyncadd.s32 $0xFFFFFF80  }
0x24e: {  	_ =	swait.ge [sflag:s10], $0x80  }
0x24f: {  	[sflag:s10] =	ssyncset.done $0x0  }
0x250: {  	[sflag:s10] =	ssyncadd.s32 $0xFFFFFF80  }
0x251: {  	_ =	swait.ge [sflag:s10], $0x80  }
0x252: {  	[sflag:s10] =	ssyncset.done $0x0  }
0x253: {  	[sflag:s10] =	ssyncadd.s32 $0xFFFFFF80  }
0x254: {  	_ =	swait.ge [sflag:s10], $0x80  }
0x255: {  	[sflag:s10] =	ssyncset.done $0x0  }
0x256: {  	[sflag:s10] =	ssyncadd.s32 $0xFFFFFF80  }
0x257: {  	_ =	swait.ge [sflag:s10], $0x80  }
0x258: {  	[sflag:s10] =	ssyncset.done $0x0  }
0x259: {  	[sflag:s10] =	ssyncadd.s32 $0xFFFFFF80  }
.Ltmp4:
0x25a: {  	_ =	swait.ge [sflag:s10], $0x80;
	(pc) =	sbr.rel @p3 .LBB2_5-.Ltmp4, $4  }
0x25b: {  	[sflag:s10] =	ssyncset.done $0x0  }
0x25c: {  	[sflag:s10] =	ssyncadd.s32 $0xFFFFFF80  }
0x25d: {  	_ =	swait.ge [sflag:s10], $0x80  }
0x25e: {  	s9 =	smov.u32 s11;
	s8 =	sshra.s32 s14, $0x2;
	[sflag:s10] =	ssyncset.done $0x0  }
0x25f: {  	s9 =	sadd.s32 $0x800, s8;
	[sflag:s10] =	ssyncadd.s32 $0xFFFFFF80  }
0x260: {  	[spmem:s3] =	stream.indirect.scatter.add.f32 [tilespmem:s19], [sflag:$0x1], $0x1, s9, s18, $0xb8;
	[tilespmem:$0x5800] =	vst v63  }
0x261: {  	s11 =	sadd.s32 $0x880, s8  }
0x262: {  	[spmem:s3] =	stream.indirect.scatter.add.f32 [tilespmem:s19], [sflag:$0x1], $0x1, s11, s18, $0xb8;
	[tilespmem:$0x5800] =	vst v63  }
0x263: {  	s12 =	sadd.s32 $0x900, s8  }
0x264: {  	[spmem:s3] =	stream.indirect.scatter.add.f32 [tilespmem:s19], [sflag:$0x1], $0x1, s12, s18, $0xb8;
	[tilespmem:$0x5800] =	vst v63  }
0x265: {  	s14 =	sadd.s32 $0x980, s8  }
0x266: {  	[spmem:s3] =	stream.indirect.scatter.add.f32 [tilespmem:s19], [sflag:$0x1], $0x1, s14, s18, $0xb8;
	[tilespmem:$0x5800] =	vst v63  }
0x267: {  	s11 =	sadd.s32 $0xA00, s8  }
0x268: {  	[spmem:s3] =	stream.indirect.scatter.add.f32 [tilespmem:s19], [sflag:$0x1], $0x1, s11, s18, $0xb8;
	[tilespmem:$0x5800] =	vst v63  }
0x269: {  	s12 =	sadd.s32 $0xA80, s8  }
0x26a: {  	[spmem:s3] =	stream.indirect.scatter.add.f32 [tilespmem:s19], [sflag:$0x1], $0x1, s12, s18, $0xb8;
	[tilespmem:$0x5800] =	vst v63  }
0x26b: {  	s14 =	sadd.s32 $0xB00, s8  }
0x26c: {  	[spmem:s3] =	stream.indirect.scatter.add.f32 [tilespmem:s19], [sflag:$0x1], $0x1, s14, s18, $0xb8;
	[tilespmem:$0x5800] =	vst v63  }
0x26d: {  	s11 =	sadd.s32 $0xB80, s8  }
0x26e: {  	[spmem:s3] =	stream.indirect.scatter.add.f32 [tilespmem:s19], [sflag:$0x1], $0x1, s11, s18, $0xb8;
	[tilespmem:$0x5800] =	vst v63  }
0x26f: {  	s12 =	sadd.s32 $0xC00, s8  }
0x270: {  	[spmem:s3] =	stream.indirect.scatter.add.f32 [tilespmem:s19], [sflag:$0x1], $0x1, s12, s18, $0xb8;
	[tilespmem:$0x5800] =	vst v63  }
0x271: {  	s14 =	sadd.s32 $0xC80, s8  }
0x272: {  	[spmem:s3] =	stream.indirect.scatter.add.f32 [tilespmem:s19], [sflag:$0x1], $0x1, s14, s18, $0xb8;
	[tilespmem:$0x5800] =	vst v63  }
0x273: {  	s11 =	sadd.s32 $0xD00, s8  }
0x274: {  	[spmem:s3] =	stream.indirect.scatter.add.f32 [tilespmem:s19], [sflag:$0x1], $0x1, s11, s18, $0xb8;
	[tilespmem:$0x5800] =	vst v63  }
0x275: {  	s12 =	sadd.s32 $0xD80, s8  }
0x276: {  	[spmem:s3] =	stream.indirect.scatter.add.f32 [tilespmem:s19], [sflag:$0x1], $0x1, s12, s18, $0xb8;
	[tilespmem:$0x5800] =	vst v63  }
0x277: {  	s14 =	sadd.s32 $0xE00, s8  }
0x278: {  	[spmem:s3] =	stream.indirect.scatter.add.f32 [tilespmem:s19], [sflag:$0x1], $0x1, s14, s18, $0xb8;
	[tilespmem:$0x5800] =	vst v63  }
0x279: {  	s11 =	sadd.s32 $0xE80, s8  }
0x27a: {  	[spmem:s3] =	stream.indirect.scatter.add.f32 [tilespmem:s19], [sflag:$0x1], $0x1, s11, s18, $0xb8;
	[tilespmem:$0x5800] =	vst v63  }
0x27b: {  	s12 =	sadd.s32 $0xF00, s8  }
0x27c: {  	[spmem:s3] =	stream.indirect.scatter.add.f32 [tilespmem:s19], [sflag:$0x1], $0x1, s12, s18, $0xb8;
	[tilespmem:$0x5800] =	vst v63  }
0x27d: {  	s14 =	sadd.s32 $0xF80, s8  }
0x27e: {  	[spmem:s3] =	stream.indirect.scatter.add.f32 [tilespmem:s19], [sflag:$0x1], $0x1, s14, s18, $0xb8;
	[tilespmem:$0x5800] =	vst v63  }
0x27f: {  	_ =	swait.ge [sflag:s10], $0x80  }
0x280: {  	[sflag:s10] =	ssyncset.done $0x0  }
0x281: {  	[sflag:s10] =	ssyncadd.s32 $0xFFFFFF80  }
0x282: {  	_ =	swait.ge [sflag:s10], $0x80  }
0x283: {  	[sflag:s10] =	ssyncset.done $0x0  }
0x284: {  	[sflag:s10] =	ssyncadd.s32 $0xFFFFFF80  }
0x285: {  	_ =	swait.ge [sflag:s10], $0x80  }
0x286: {  	[sflag:s10] =	ssyncset.done $0x0  }
0x287: {  	[sflag:s10] =	ssyncadd.s32 $0xFFFFFF80  }
0x288: {  	_ =	swait.ge [sflag:s10], $0x80  }
0x289: {  	[sflag:s10] =	ssyncset.done $0x0  }
0x28a: {  	[sflag:s10] =	ssyncadd.s32 $0xFFFFFF80  }
0x28b: {  	_ =	swait.ge [sflag:s10], $0x80  }
0x28c: {  	[sflag:s10] =	ssyncset.done $0x0  }
0x28d: {  	[sflag:s10] =	ssyncadd.s32 $0xFFFFFF80  }
0x28e: {  	_ =	swait.ge [sflag:s10], $0x80  }
0x28f: {  	[sflag:s10] =	ssyncset.done $0x0  }
0x290: {  	[sflag:s10] =	ssyncadd.s32 $0xFFFFFF80  }
0x291: {  	_ =	swait.ge [sflag:s10], $0x80  }
0x292: {  	[sflag:s10] =	ssyncset.done $0x0  }
0x293: {  	[sflag:s10] =	ssyncadd.s32 $0xFFFFFF80  }
0x294: {  	_ =	swait.ge [sflag:s10], $0x80  }
0x295: {  	[sflag:s10] =	ssyncset.done $0x0  }
0x296: {  	[sflag:s10] =	ssyncadd.s32 $0xFFFFFF80  }
0x297: {  	_ =	swait.ge [sflag:s10], $0x80  }
0x298: {  	[sflag:s10] =	ssyncset.done $0x0  }
0x299: {  	[sflag:s10] =	ssyncadd.s32 $0xFFFFFF80  }
0x29a: {  	_ =	swait.ge [sflag:s10], $0x80  }
0x29b: {  	[sflag:s10] =	ssyncset.done $0x0  }
0x29c: {  	[sflag:s10] =	ssyncadd.s32 $0xFFFFFF80  }
0x29d: {  	_ =	swait.ge [sflag:s10], $0x80  }
0x29e: {  	[sflag:s10] =	ssyncset.done $0x0  }
0x29f: {  	[sflag:s10] =	ssyncadd.s32 $0xFFFFFF80  }
0x2a0: {  	_ =	swait.ge [sflag:s10], $0x80  }
0x2a1: {  	[sflag:s10] =	ssyncset.done $0x0  }
0x2a2: {  	[sflag:s10] =	ssyncadd.s32 $0xFFFFFF80  }
0x2a3: {  	_ =	swait.ge [sflag:s10], $0x80  }
0x2a4: {  	[sflag:s10] =	ssyncset.done $0x0  }
0x2a5: {  	[sflag:s10] =	ssyncadd.s32 $0xFFFFFF80  }
0x2a6: {  	_ =	swait.ge [sflag:s10], $0x80  }
0x2a7: {  	[sflag:s10] =	ssyncset.done $0x0  }
0x2a8: {  	[sflag:s10] =	ssyncadd.s32 $0xFFFFFF80  }
0x2a9: {  	_ =	swait.ge [sflag:s10], $0x80  }
0x2aa: {  	[sflag:s10] =	ssyncset.done $0x0  }
0x2ab: {  	[sflag:s10] =	ssyncadd.s32 $0xFFFFFF80  }
0x2ac: {  	_ =	swait.ge [sflag:s10], $0x80  }
0x2ad: {  	[sflag:s10] =	ssyncset.done $0x0  }
0x2ae: {  	[sflag:s10] =	ssyncadd.s32 $0xFFFFFF80  }
0x2af: {  	_ =	swait.ge [sflag:s10], $0x80  }
0x2b0: {  	[sflag:s10] =	ssyncset.done $0x0  }
0x2b1: {  	[sflag:s10] =	ssyncadd.s32 $0xFFFFFF80  }
0x2b2: {  	_ =	swait.ge [sflag:s10], $0x80  }
0x2b3: {  	[sflag:s10] =	ssyncset.done $0x0  }
0x2b4: {  	[sflag:s10] =	ssyncadd.s32 $0xFFFFFF80  }
0x2b5: {  	_ =	swait.ge [sflag:s10], $0x80  }
0x2b6: {  	[sflag:s10] =	ssyncset.done $0x0  }
0x2b7: {  	[sflag:s10] =	ssyncadd.s32 $0xFFFFFF80  }
0x2b8: {  	_ =	swait.ge [sflag:s10], $0x80  }
0x2b9: {  	[sflag:s10] =	ssyncset.done $0x0  }
0x2ba: {  	[sflag:s10] =	ssyncadd.s32 $0xFFFFFF80  }
0x2bb: {  	_ =	swait.ge [sflag:s10], $0x80  }
0x2bc: {  	[sflag:s10] =	ssyncset.done $0x0  }
0x2bd: {  	[sflag:s10] =	ssyncadd.s32 $0xFFFFFF80  }
0x2be: {  	_ =	swait.ge [sflag:s10], $0x80  }
0x2bf: {  	[sflag:s10] =	ssyncset.done $0x0  }
0x2c0: {  	[sflag:s10] =	ssyncadd.s32 $0xFFFFFF80  }
0x2c1: {  	_ =	swait.ge [sflag:s10], $0x80  }
0x2c2: {  	[sflag:s10] =	ssyncset.done $0x0  }
0x2c3: {  	[sflag:s10] =	ssyncadd.s32 $0xFFFFFF80  }
0x2c4: {  	_ =	swait.ge [sflag:s10], $0x80  }
0x2c5: {  	[sflag:s10] =	ssyncset.done $0x0  }
0x2c6: {  	[sflag:s10] =	ssyncadd.s32 $0xFFFFFF80  }
0x2c7: {  	_ =	swait.ge [sflag:s10], $0x80  }
0x2c8: {  	[sflag:s10] =	ssyncset.done $0x0  }
0x2c9: {  	[sflag:s10] =	ssyncadd.s32 $0xFFFFFF80  }
0x2ca: {  	_ =	swait.ge [sflag:s10], $0x80  }
0x2cb: {  	[sflag:s10] =	ssyncset.done $0x0  }
0x2cc: {  	[sflag:s10] =	ssyncadd.s32 $0xFFFFFF80  }
0x2cd: {  	_ =	swait.ge [sflag:s10], $0x80  }
0x2ce: {  	[sflag:s10] =	ssyncset.done $0x0  }
0x2cf: {  	[sflag:s10] =	ssyncadd.s32 $0xFFFFFF80  }
0x2d0: {  	_ =	swait.ge [sflag:s10], $0x80  }
0x2d1: {  	[sflag:s10] =	ssyncset.done $0x0  }
0x2d2: {  	[sflag:s10] =	ssyncadd.s32 $0xFFFFFF80  }
0x2d3: {  	_ =	swait.ge [sflag:s10], $0x80  }
0x2d4: {  	[sflag:s10] =	ssyncset.done $0x0  }
0x2d5: {  	[sflag:s10] =	ssyncadd.s32 $0xFFFFFF80  }
0x2d6: {  	_ =	swait.ge [sflag:s10], $0x80  }
0x2d7: {  	[sflag:s10] =	ssyncset.done $0x0  }
0x2d8: {  	[sflag:s10] =	ssyncadd.s32 $0xFFFFFF80  }
0x2d9: {  	_ =	swait.ge [sflag:s10], $0x80  }
0x2da: {  	[sflag:s10] =	ssyncset.done $0x0  }
0x2db: {  	[sflag:s10] =	ssyncadd.s32 $0xFFFFFF80  }
.Ltmp5:
0x2dc: {  	_ =	swait.ge [sflag:s10], $0x80;
	(pc) =	sbr.rel @p1 .LBB2_16-.Ltmp5, $3  }
0x2dd: {  	[sflag:s10] =	ssyncset.done $0x0  }
0x2de: {  	[sflag:s10] =	ssyncadd.s32 $0xFFFFFF80  }
0x2df: {  	[bflag:$0x0] =	sbarrier.arrive $0xFFFF;
	_ =	sdelay $0x1  }
.Ltmp6:
0x2e0: {  	(pc) =	sbr.rel @!p2 .LBB2_19-.Ltmp6, $1  }
0x2e1: {  	_ =	sdelay $0x3  }
.Ltmp7:
0x2e2: {  	(pc) =	sbr.rel .LBB2_18-.Ltmp7, $4  }
0x2e3: {  	_ = 	snop  }
0x2e4: {  	s8 =	sshrl.u32 s3, $0x3;
	s9 =	rddreg [dreg:$0xb]  }
0x2e5: {  	s11 =	simm.s32 $0x40;
	s12 =	simm.s32 $0x10;
	s14 =	simm.s32 $0x1C42  }
0x2e6: {  	[hbm:s9@s11], [sflag:s14] =	dma.strided [spmem:s8@s12], $0x500, s10, $0x10   }
.LBB2_9:
0x2e7: {  	s9 =	rddreg [dreg:$0x6]  }
0x2e8: {  	[tilespmem:s8], [sflag:$0x2] =	stream.linear.gather [hbm4b:s9+s8], $0x5000, $0x38;
	[tilespmem:$0x5800] =	vst v63  }
0x2e9: {  	_ =	swait.ge [sflag:s17], $0x5000  }
0x2ea: {  	[sflag:s17] =	ssyncset.done $0x0  }
0x2eb: {  	[sflag:s17] =	ssyncadd.s32 $0xFFFFB000  }
0x2ec: {  	[spmem:s1] =	stream.indirect.scatter.add.f32 [tilespmem:s19], [sflag:$0x1], $0x1, s8, s18, $0xb8;
	[tilespmem:$0x5800] =	vst v63  }
0x2ed: {  	_ = 	snop  }
0x2ee: {  	[spmem:s1] =	stream.indirect.scatter.add.f32 [tilespmem:s19], [sflag:$0x1], $0x1, s18, s18, $0xb8;
	[tilespmem:$0x5800] =	vst v63  }
0x2ef: {  	_ = 	snop  }
0x2f0: {  	[spmem:s1] =	stream.indirect.scatter.add.f32 [tilespmem:s19], [sflag:$0x1], $0x1, s20, s18, $0xb8;
	[tilespmem:$0x5800] =	vst v63  }
0x2f1: {  	_ = 	snop  }
0x2f2: {  	[spmem:s1] =	stream.indirect.scatter.add.f32 [tilespmem:s19], [sflag:$0x1], $0x1, s21, s18, $0xb8;
	[tilespmem:$0x5800] =	vst v63  }
0x2f3: {  	_ = 	snop  }
0x2f4: {  	[spmem:s1] =	stream.indirect.scatter.add.f32 [tilespmem:s19], [sflag:$0x1], $0x1, s22, s18, $0xb8;
	[tilespmem:$0x5800] =	vst v63  }
0x2f5: {  	_ = 	snop  }
0x2f6: {  	[spmem:s1] =	stream.indirect.scatter.add.f32 [tilespmem:s19], [sflag:$0x1], $0x1, s23, s18, $0xb8;
	[tilespmem:$0x5800] =	vst v63  }
0x2f7: {  	_ = 	snop  }
0x2f8: {  	[spmem:s1] =	stream.indirect.scatter.add.f32 [tilespmem:s19], [sflag:$0x1], $0x1, s24, s18, $0xb8;
	[tilespmem:$0x5800] =	vst v63  }
0x2f9: {  	_ = 	snop  }
0x2fa: {  	[spmem:s1] =	stream.indirect.scatter.add.f32 [tilespmem:s19], [sflag:$0x1], $0x1, s25, s18, $0xb8;
	[tilespmem:$0x5800] =	vst v63  }
0x2fb: {  	_ = 	snop  }
0x2fc: {  	[spmem:s1] =	stream.indirect.scatter.add.f32 [tilespmem:s19], [sflag:$0x1], $0x1, s26, s18, $0xb8;
	[tilespmem:$0x5800] =	vst v63  }
0x2fd: {  	_ = 	snop  }
0x2fe: {  	[spmem:s1] =	stream.indirect.scatter.add.f32 [tilespmem:s19], [sflag:$0x1], $0x1, s28, s18, $0xb8;
	[tilespmem:$0x5800] =	vst v63  }
0x2ff: {  	_ = 	snop  }
0x300: {  	[spmem:s1] =	stream.indirect.scatter.add.f32 [tilespmem:s19], [sflag:$0x1], $0x1, s29, s18, $0xb8;
	[tilespmem:$0x5800] =	vst v63  }
0x301: {  	_ = 	snop  }
0x302: {  	[spmem:s1] =	stream.indirect.scatter.add.f32 [tilespmem:s19], [sflag:$0x1], $0x1, s30, s18, $0xb8;
	[tilespmem:$0x5800] =	vst v63  }
0x303: {  	_ = 	snop  }
0x304: {  	[spmem:s1] =	stream.indirect.scatter.add.f32 [tilespmem:s19], [sflag:$0x1], $0x1, s31, s18, $0xb8;
	[tilespmem:$0x5800] =	vst v63  }
0x305: {  	_ = 	snop  }
0x306: {  	[spmem:s1] =	stream.indirect.scatter.add.f32 [tilespmem:s19], [sflag:$0x1], $0x1, s0, s18, $0xb8;
	[tilespmem:$0x5800] =	vst v63  }
0x307: {  	_ = 	snop  }
0x308: {  	[spmem:s1] =	stream.indirect.scatter.add.f32 [tilespmem:s19], [sflag:$0x1], $0x1, s2, s18, $0xb8;
	[tilespmem:$0x5800] =	vst v63  }
0x309: {  	_ = 	snop  }
0x30a: {  	[spmem:s1] =	stream.indirect.scatter.add.f32 [tilespmem:s19], [sflag:$0x1], $0x1, s5, s18, $0xb8;
	[tilespmem:$0x5800] =	vst v63  }
0x30b: {  	s9 =	simm.s32 $0x800  }
0x30c: {  	[spmem:s1] =	stream.indirect.scatter.add.f32 [tilespmem:s19], [sflag:$0x1], $0x1, s9, s18, $0xb8;
	[tilespmem:$0x5800] =	vst v63  }
0x30d: {  	s11 =	simm.s32 $0x880  }
0x30e: {  	[spmem:s1] =	stream.indirect.scatter.add.f32 [tilespmem:s19], [sflag:$0x1], $0x1, s11, s18, $0xb8;
	[tilespmem:$0x5800] =	vst v63  }
0x30f: {  	s12 =	simm.s32 $0x900  }
0x310: {  	[spmem:s1] =	stream.indirect.scatter.add.f32 [tilespmem:s19], [sflag:$0x1], $0x1, s12, s18, $0xb8;
	[tilespmem:$0x5800] =	vst v63  }
0x311: {  	s14 =	simm.s32 $0x980  }
0x312: {  	[spmem:s1] =	stream.indirect.scatter.add.f32 [tilespmem:s19], [sflag:$0x1], $0x1, s14, s18, $0xb8;
	[tilespmem:$0x5800] =	vst v63  }
0x313: {  	s9 =	simm.s32 $0xA00  }
0x314: {  	[spmem:s1] =	stream.indirect.scatter.add.f32 [tilespmem:s19], [sflag:$0x1], $0x1, s9, s18, $0xb8;
	[tilespmem:$0x5800] =	vst v63  }
0x315: {  	s11 =	simm.s32 $0xA80  }
0x316: {  	[spmem:s1] =	stream.indirect.scatter.add.f32 [tilespmem:s19], [sflag:$0x1], $0x1, s11, s18, $0xb8;
	[tilespmem:$0x5800] =	vst v63  }
0x317: {  	s12 =	simm.s32 $0xB00  }
0x318: {  	[spmem:s1] =	stream.indirect.scatter.add.f32 [tilespmem:s19], [sflag:$0x1], $0x1, s12, s18, $0xb8;
	[tilespmem:$0x5800] =	vst v63  }
0x319: {  	s14 =	simm.s32 $0xB80  }
0x31a: {  	[spmem:s1] =	stream.indirect.scatter.add.f32 [tilespmem:s19], [sflag:$0x1], $0x1, s14, s18, $0xb8;
	[tilespmem:$0x5800] =	vst v63  }
0x31b: {  	s9 =	simm.s32 $0xC00  }
0x31c: {  	[spmem:s1] =	stream.indirect.scatter.add.f32 [tilespmem:s19], [sflag:$0x1], $0x1, s9, s18, $0xb8;
	[tilespmem:$0x5800] =	vst v63  }
0x31d: {  	s11 =	simm.s32 $0xC80  }
0x31e: {  	[spmem:s1] =	stream.indirect.scatter.add.f32 [tilespmem:s19], [sflag:$0x1], $0x1, s11, s18, $0xb8;
	[tilespmem:$0x5800] =	vst v63  }
0x31f: {  	s12 =	simm.s32 $0xD00  }
0x320: {  	[spmem:s1] =	stream.indirect.scatter.add.f32 [tilespmem:s19], [sflag:$0x1], $0x1, s12, s18, $0xb8;
	[tilespmem:$0x5800] =	vst v63  }
0x321: {  	s14 =	simm.s32 $0xD80  }
0x322: {  	[spmem:s1] =	stream.indirect.scatter.add.f32 [tilespmem:s19], [sflag:$0x1], $0x1, s14, s18, $0xb8;
	[tilespmem:$0x5800] =	vst v63  }
0x323: {  	s9 =	simm.s32 $0xE00  }
0x324: {  	[spmem:s1] =	stream.indirect.scatter.add.f32 [tilespmem:s19], [sflag:$0x1], $0x1, s9, s18, $0xb8;
	[tilespmem:$0x5800] =	vst v63  }
0x325: {  	s11 =	simm.s32 $0xE80  }
0x326: {  	[spmem:s1] =	stream.indirect.scatter.add.f32 [tilespmem:s19], [sflag:$0x1], $0x1, s11, s18, $0xb8;
	[tilespmem:$0x5800] =	vst v63  }
0x327: {  	s12 =	simm.s32 $0xF00  }
0x328: {  	[spmem:s1] =	stream.indirect.scatter.add.f32 [tilespmem:s19], [sflag:$0x1], $0x1, s12, s18, $0xb8;
	[tilespmem:$0x5800] =	vst v63  }
0x329: {  	s14 =	simm.s32 $0xF80  }
0x32a: {  	[spmem:s1] =	stream.indirect.scatter.add.f32 [tilespmem:s19], [sflag:$0x1], $0x1, s14, s18, $0xb8;
	[tilespmem:$0x5800] =	vst v63  }
0x32b: {  	_ =	swait.ge [sflag:s10], $0x80  }
0x32c: {  	[sflag:s10] =	ssyncset.done $0x0  }
0x32d: {  	[sflag:s10] =	ssyncadd.s32 $0xFFFFFF80  }
0x32e: {  	_ =	swait.ge [sflag:s10], $0x80  }
0x32f: {  	[sflag:s10] =	ssyncset.done $0x0  }
0x330: {  	[sflag:s10] =	ssyncadd.s32 $0xFFFFFF80  }
0x331: {  	_ =	swait.ge [sflag:s10], $0x80  }
0x332: {  	[sflag:s10] =	ssyncset.done $0x0  }
0x333: {  	[sflag:s10] =	ssyncadd.s32 $0xFFFFFF80  }
0x334: {  	_ =	swait.ge [sflag:s10], $0x80  }
0x335: {  	[sflag:s10] =	ssyncset.done $0x0  }
0x336: {  	[sflag:s10] =	ssyncadd.s32 $0xFFFFFF80  }
0x337: {  	_ =	swait.ge [sflag:s10], $0x80  }
0x338: {  	[sflag:s10] =	ssyncset.done $0x0  }
0x339: {  	[sflag:s10] =	ssyncadd.s32 $0xFFFFFF80  }
0x33a: {  	_ =	swait.ge [sflag:s10], $0x80  }
0x33b: {  	[sflag:s10] =	ssyncset.done $0x0  }
0x33c: {  	[sflag:s10] =	ssyncadd.s32 $0xFFFFFF80  }
0x33d: {  	_ =	swait.ge [sflag:s10], $0x80  }
0x33e: {  	[sflag:s10] =	ssyncset.done $0x0  }
0x33f: {  	[sflag:s10] =	ssyncadd.s32 $0xFFFFFF80  }
0x340: {  	_ =	swait.ge [sflag:s10], $0x80  }
0x341: {  	[sflag:s10] =	ssyncset.done $0x0  }
0x342: {  	[sflag:s10] =	ssyncadd.s32 $0xFFFFFF80  }
0x343: {  	_ =	swait.ge [sflag:s10], $0x80  }
0x344: {  	[sflag:s10] =	ssyncset.done $0x0  }
0x345: {  	[sflag:s10] =	ssyncadd.s32 $0xFFFFFF80  }
0x346: {  	_ =	swait.ge [sflag:s10], $0x80  }
0x347: {  	[sflag:s10] =	ssyncset.done $0x0  }
0x348: {  	[sflag:s10] =	ssyncadd.s32 $0xFFFFFF80  }
0x349: {  	_ =	swait.ge [sflag:s10], $0x80  }
0x34a: {  	[sflag:s10] =	ssyncset.done $0x0  }
0x34b: {  	[sflag:s10] =	ssyncadd.s32 $0xFFFFFF80  }
0x34c: {  	_ =	swait.ge [sflag:s10], $0x80  }
0x34d: {  	[sflag:s10] =	ssyncset.done $0x0  }
0x34e: {  	[sflag:s10] =	ssyncadd.s32 $0xFFFFFF80  }
0x34f: {  	_ =	swait.ge [sflag:s10], $0x80  }
0x350: {  	[sflag:s10] =	ssyncset.done $0x0  }
0x351: {  	[sflag:s10] =	ssyncadd.s32 $0xFFFFFF80  }
0x352: {  	_ =	swait.ge [sflag:s10], $0x80  }
0x353: {  	[sflag:s10] =	ssyncset.done $0x0  }
0x354: {  	[sflag:s10] =	ssyncadd.s32 $0xFFFFFF80  }
0x355: {  	_ =	swait.ge [sflag:s10], $0x80  }
0x356: {  	[sflag:s10] =	ssyncset.done $0x0  }
0x357: {  	[sflag:s10] =	ssyncadd.s32 $0xFFFFFF80  }
0x358: {  	_ =	swait.ge [sflag:s10], $0x80  }
0x359: {  	s8 =	simm.s32 $0x800;
	s9 =	simm.s32 $0x4000;
	[sflag:s10] =	ssyncset.done $0x0  }
.LBB2_10:
0x35a: {  	s12 =	sadd.s32 $0x800, s8  }
0x35b: {  	[sflag:s10] =	ssyncadd.s32 $0xFFFFFF80;
	s14 =	smov.u32 s9;
	s11 =	sadd.s32 $0x2000, s9  }
0x35c: {  	[spmem:s1] =	stream.indirect.scatter.add.f32 [tilespmem:s19], [sflag:$0x1], $0x1, s12, s18, $0xb8;
	[tilespmem:$0x5800] =	vst v63  }
0x35d: {  	p3 =	sne.s32 s9, $0x10000;
	s9 =	sadd.s32 $0x880, s8  }
0x35e: {  	[spmem:s1] =	stream.indirect.scatter.add.f32 [tilespmem:s19], [sflag:$0x1], $0x1, s9, s18, $0xb8;
	[tilespmem:$0x5800] =	vst v63  }
0x35f: {  	s9 =	sadd.s32 $0x900, s8  }
0x360: {  	[spmem:s1] =	stream.indirect.scatter.add.f32 [tilespmem:s19], [sflag:$0x1], $0x1, s9, s18, $0xb8;
	[tilespmem:$0x5800] =	vst v63  }
0x361: {  	s9 =	sadd.s32 $0x980, s8  }
0x362: {  	[spmem:s1] =	stream.indirect.scatter.add.f32 [tilespmem:s19], [sflag:$0x1], $0x1, s9, s18, $0xb8;
	[tilespmem:$0x5800] =	vst v63  }
0x363: {  	s9 =	sadd.s32 $0xA00, s8  }
0x364: {  	[spmem:s1] =	stream.indirect.scatter.add.f32 [tilespmem:s19], [sflag:$0x1], $0x1, s9, s18, $0xb8;
	[tilespmem:$0x5800] =	vst v63  }
0x365: {  	s9 =	sadd.s32 $0xA80, s8  }
0x366: {  	[spmem:s1] =	stream.indirect.scatter.add.f32 [tilespmem:s19], [sflag:$0x1], $0x1, s9, s18, $0xb8;
	[tilespmem:$0x5800] =	vst v63  }
0x367: {  	s9 =	sadd.s32 $0xB00, s8  }
0x368: {  	[spmem:s1] =	stream.indirect.scatter.add.f32 [tilespmem:s19], [sflag:$0x1], $0x1, s9, s18, $0xb8;
	[tilespmem:$0x5800] =	vst v63  }
0x369: {  	s9 =	sadd.s32 $0xB80, s8  }
0x36a: {  	[spmem:s1] =	stream.indirect.scatter.add.f32 [tilespmem:s19], [sflag:$0x1], $0x1, s9, s18, $0xb8;
	[tilespmem:$0x5800] =	vst v63  }
0x36b: {  	s9 =	sadd.s32 $0xC00, s8  }
0x36c: {  	[spmem:s1] =	stream.indirect.scatter.add.f32 [tilespmem:s19], [sflag:$0x1], $0x1, s9, s18, $0xb8;
	[tilespmem:$0x5800] =	vst v63  }
0x36d: {  	s9 =	sadd.s32 $0xC80, s8  }
0x36e: {  	[spmem:s1] =	stream.indirect.scatter.add.f32 [tilespmem:s19], [sflag:$0x1], $0x1, s9, s18, $0xb8;
	[tilespmem:$0x5800] =	vst v63  }
0x36f: {  	s9 =	sadd.s32 $0xD00, s8  }
0x370: {  	[spmem:s1] =	stream.indirect.scatter.add.f32 [tilespmem:s19], [sflag:$0x1], $0x1, s9, s18, $0xb8;
	[tilespmem:$0x5800] =	vst v63  }
0x371: {  	s9 =	sadd.s32 $0xD80, s8  }
0x372: {  	[spmem:s1] =	stream.indirect.scatter.add.f32 [tilespmem:s19], [sflag:$0x1], $0x1, s9, s18, $0xb8;
	[tilespmem:$0x5800] =	vst v63  }
0x373: {  	s9 =	sadd.s32 $0xE00, s8  }
0x374: {  	[spmem:s1] =	stream.indirect.scatter.add.f32 [tilespmem:s19], [sflag:$0x1], $0x1, s9, s18, $0xb8;
	[tilespmem:$0x5800] =	vst v63  }
0x375: {  	s9 =	sadd.s32 $0xE80, s8  }
0x376: {  	[spmem:s1] =	stream.indirect.scatter.add.f32 [tilespmem:s19], [sflag:$0x1], $0x1, s9, s18, $0xb8;
	[tilespmem:$0x5800] =	vst v63  }
0x377: {  	s9 =	sadd.s32 $0xF00, s8  }
0x378: {  	[spmem:s1] =	stream.indirect.scatter.add.f32 [tilespmem:s19], [sflag:$0x1], $0x1, s9, s18, $0xb8;
	[tilespmem:$0x5800] =	vst v63  }
0x379: {  	s8 =	sadd.s32 $0xF80, s8  }
0x37a: {  	[spmem:s1] =	stream.indirect.scatter.add.f32 [tilespmem:s19], [sflag:$0x1], $0x1, s8, s18, $0xb8;
	[tilespmem:$0x5800] =	vst v63  }
0x37b: {  	_ =	swait.ge [sflag:s10], $0x80  }
0x37c: {  	[sflag:s10] =	ssyncset.done $0x0  }
0x37d: {  	[sflag:s10] =	ssyncadd.s32 $0xFFFFFF80  }
0x37e: {  	_ =	swait.ge [sflag:s10], $0x80  }
0x37f: {  	[sflag:s10] =	ssyncset.done $0x0  }
0x380: {  	[sflag:s10] =	ssyncadd.s32 $0xFFFFFF80  }
0x381: {  	_ =	swait.ge [sflag:s10], $0x80  }
0x382: {  	[sflag:s10] =	ssyncset.done $0x0  }
0x383: {  	[sflag:s10] =	ssyncadd.s32 $0xFFFFFF80  }
0x384: {  	_ =	swait.ge [sflag:s10], $0x80  }
0x385: {  	[sflag:s10] =	ssyncset.done $0x0  }
0x386: {  	[sflag:s10] =	ssyncadd.s32 $0xFFFFFF80  }
0x387: {  	_ =	swait.ge [sflag:s10], $0x80  }
0x388: {  	[sflag:s10] =	ssyncset.done $0x0  }
0x389: {  	[sflag:s10] =	ssyncadd.s32 $0xFFFFFF80  }
0x38a: {  	_ =	swait.ge [sflag:s10], $0x80  }
0x38b: {  	[sflag:s10] =	ssyncset.done $0x0  }
0x38c: {  	[sflag:s10] =	ssyncadd.s32 $0xFFFFFF80  }
0x38d: {  	_ =	swait.ge [sflag:s10], $0x80  }
0x38e: {  	[sflag:s10] =	ssyncset.done $0x0  }
0x38f: {  	[sflag:s10] =	ssyncadd.s32 $0xFFFFFF80  }
0x390: {  	_ =	swait.ge [sflag:s10], $0x80  }
0x391: {  	[sflag:s10] =	ssyncset.done $0x0  }
0x392: {  	[sflag:s10] =	ssyncadd.s32 $0xFFFFFF80  }
0x393: {  	_ =	swait.ge [sflag:s10], $0x80  }
0x394: {  	[sflag:s10] =	ssyncset.done $0x0  }
0x395: {  	[sflag:s10] =	ssyncadd.s32 $0xFFFFFF80  }
0x396: {  	_ =	swait.ge [sflag:s10], $0x80  }
0x397: {  	[sflag:s10] =	ssyncset.done $0x0  }
0x398: {  	[sflag:s10] =	ssyncadd.s32 $0xFFFFFF80  }
0x399: {  	_ =	swait.ge [sflag:s10], $0x80  }
0x39a: {  	[sflag:s10] =	ssyncset.done $0x0  }
0x39b: {  	[sflag:s10] =	ssyncadd.s32 $0xFFFFFF80  }
0x39c: {  	_ =	swait.ge [sflag:s10], $0x80  }
0x39d: {  	[sflag:s10] =	ssyncset.done $0x0  }
0x39e: {  	[sflag:s10] =	ssyncadd.s32 $0xFFFFFF80  }
0x39f: {  	_ =	swait.ge [sflag:s10], $0x80  }
0x3a0: {  	[sflag:s10] =	ssyncset.done $0x0  }
0x3a1: {  	[sflag:s10] =	ssyncadd.s32 $0xFFFFFF80  }
0x3a2: {  	_ =	swait.ge [sflag:s10], $0x80  }
0x3a3: {  	[sflag:s10] =	ssyncset.done $0x0  }
0x3a4: {  	[sflag:s10] =	ssyncadd.s32 $0xFFFFFF80  }
.Ltmp8:
0x3a5: {  	_ =	swait.ge [sflag:s10], $0x80;
	(pc) =	sbr.rel @p3 .LBB2_10-.Ltmp8, $4  }
0x3a6: {  	[sflag:s10] =	ssyncset.done $0x0  }
0x3a7: {  	[sflag:s10] =	ssyncadd.s32 $0xFFFFFF80  }
0x3a8: {  	_ =	swait.ge [sflag:s10], $0x80  }
0x3a9: {  	s9 =	smov.u32 s11;
	s8 =	sshra.s32 s14, $0x2;
	[sflag:s10] =	ssyncset.done $0x0  }
0x3aa: {  	s9 =	sadd.s32 $0x800, s8;
	[sflag:s10] =	ssyncadd.s32 $0xFFFFFF80  }
0x3ab: {  	[spmem:s1] =	stream.indirect.scatter.add.f32 [tilespmem:s19], [sflag:$0x1], $0x1, s9, s18, $0xb8;
	[tilespmem:$0x5800] =	vst v63  }
0x3ac: {  	s12 =	sadd.s32 $0x880, s8  }
0x3ad: {  	[spmem:s1] =	stream.indirect.scatter.add.f32 [tilespmem:s19], [sflag:$0x1], $0x1, s12, s18, $0xb8;
	[tilespmem:$0x5800] =	vst v63  }
0x3ae: {  	s14 =	sadd.s32 $0x900, s8  }
0x3af: {  	[spmem:s1] =	stream.indirect.scatter.add.f32 [tilespmem:s19], [sflag:$0x1], $0x1, s14, s18, $0xb8;
	[tilespmem:$0x5800] =	vst v63  }
0x3b0: {  	s11 =	sadd.s32 $0x980, s8  }
0x3b1: {  	[spmem:s1] =	stream.indirect.scatter.add.f32 [tilespmem:s19], [sflag:$0x1], $0x1, s11, s18, $0xb8;
	[tilespmem:$0x5800] =	vst v63  }
0x3b2: {  	s12 =	sadd.s32 $0xA00, s8  }
0x3b3: {  	[spmem:s1] =	stream.indirect.scatter.add.f32 [tilespmem:s19], [sflag:$0x1], $0x1, s12, s18, $0xb8;
	[tilespmem:$0x5800] =	vst v63  }
0x3b4: {  	s14 =	sadd.s32 $0xA80, s8  }
0x3b5: {  	[spmem:s1] =	stream.indirect.scatter.add.f32 [tilespmem:s19], [sflag:$0x1], $0x1, s14, s18, $0xb8;
	[tilespmem:$0x5800] =	vst v63  }
0x3b6: {  	s11 =	sadd.s32 $0xB00, s8  }
0x3b7: {  	[spmem:s1] =	stream.indirect.scatter.add.f32 [tilespmem:s19], [sflag:$0x1], $0x1, s11, s18, $0xb8;
	[tilespmem:$0x5800] =	vst v63  }
0x3b8: {  	s12 =	sadd.s32 $0xB80, s8  }
0x3b9: {  	[spmem:s1] =	stream.indirect.scatter.add.f32 [tilespmem:s19], [sflag:$0x1], $0x1, s12, s18, $0xb8;
	[tilespmem:$0x5800] =	vst v63  }
0x3ba: {  	s14 =	sadd.s32 $0xC00, s8  }
0x3bb: {  	[spmem:s1] =	stream.indirect.scatter.add.f32 [tilespmem:s19], [sflag:$0x1], $0x1, s14, s18, $0xb8;
	[tilespmem:$0x5800] =	vst v63  }
0x3bc: {  	s11 =	sadd.s32 $0xC80, s8  }
0x3bd: {  	[spmem:s1] =	stream.indirect.scatter.add.f32 [tilespmem:s19], [sflag:$0x1], $0x1, s11, s18, $0xb8;
	[tilespmem:$0x5800] =	vst v63  }
0x3be: {  	s12 =	sadd.s32 $0xD00, s8  }
0x3bf: {  	[spmem:s1] =	stream.indirect.scatter.add.f32 [tilespmem:s19], [sflag:$0x1], $0x1, s12, s18, $0xb8;
	[tilespmem:$0x5800] =	vst v63  }
0x3c0: {  	s14 =	sadd.s32 $0xD80, s8  }
0x3c1: {  	[spmem:s1] =	stream.indirect.scatter.add.f32 [tilespmem:s19], [sflag:$0x1], $0x1, s14, s18, $0xb8;
	[tilespmem:$0x5800] =	vst v63  }
0x3c2: {  	s11 =	sadd.s32 $0xE00, s8  }
0x3c3: {  	[spmem:s1] =	stream.indirect.scatter.add.f32 [tilespmem:s19], [sflag:$0x1], $0x1, s11, s18, $0xb8;
	[tilespmem:$0x5800] =	vst v63  }
0x3c4: {  	s12 =	sadd.s32 $0xE80, s8  }
0x3c5: {  	[spmem:s1] =	stream.indirect.scatter.add.f32 [tilespmem:s19], [sflag:$0x1], $0x1, s12, s18, $0xb8;
	[tilespmem:$0x5800] =	vst v63  }
0x3c6: {  	s14 =	sadd.s32 $0xF00, s8  }
0x3c7: {  	[spmem:s1] =	stream.indirect.scatter.add.f32 [tilespmem:s19], [sflag:$0x1], $0x1, s14, s18, $0xb8;
	[tilespmem:$0x5800] =	vst v63  }
0x3c8: {  	s11 =	sadd.s32 $0xF80, s8  }
0x3c9: {  	[spmem:s1] =	stream.indirect.scatter.add.f32 [tilespmem:s19], [sflag:$0x1], $0x1, s11, s18, $0xb8;
	[tilespmem:$0x5800] =	vst v63  }
0x3ca: {  	_ =	swait.ge [sflag:s10], $0x80  }
0x3cb: {  	[sflag:s10] =	ssyncset.done $0x0  }
0x3cc: {  	[sflag:s10] =	ssyncadd.s32 $0xFFFFFF80  }
0x3cd: {  	_ =	swait.ge [sflag:s10], $0x80  }
0x3ce: {  	[sflag:s10] =	ssyncset.done $0x0  }
0x3cf: {  	[sflag:s10] =	ssyncadd.s32 $0xFFFFFF80  }
0x3d0: {  	_ =	swait.ge [sflag:s10], $0x80  }
0x3d1: {  	[sflag:s10] =	ssyncset.done $0x0  }
0x3d2: {  	[sflag:s10] =	ssyncadd.s32 $0xFFFFFF80  }
0x3d3: {  	_ =	swait.ge [sflag:s10], $0x80  }
0x3d4: {  	[sflag:s10] =	ssyncset.done $0x0  }
0x3d5: {  	[sflag:s10] =	ssyncadd.s32 $0xFFFFFF80  }
0x3d6: {  	_ =	swait.ge [sflag:s10], $0x80  }
0x3d7: {  	[sflag:s10] =	ssyncset.done $0x0  }
0x3d8: {  	[sflag:s10] =	ssyncadd.s32 $0xFFFFFF80  }
0x3d9: {  	_ =	swait.ge [sflag:s10], $0x80  }
0x3da: {  	[sflag:s10] =	ssyncset.done $0x0  }
0x3db: {  	[sflag:s10] =	ssyncadd.s32 $0xFFFFFF80  }
0x3dc: {  	_ =	swait.ge [sflag:s10], $0x80  }
0x3dd: {  	[sflag:s10] =	ssyncset.done $0x0  }
0x3de: {  	[sflag:s10] =	ssyncadd.s32 $0xFFFFFF80  }
0x3df: {  	_ =	swait.ge [sflag:s10], $0x80  }
0x3e0: {  	[sflag:s10] =	ssyncset.done $0x0  }
0x3e1: {  	[sflag:s10] =	ssyncadd.s32 $0xFFFFFF80  }
0x3e2: {  	_ =	swait.ge [sflag:s10], $0x80  }
0x3e3: {  	[sflag:s10] =	ssyncset.done $0x0  }
0x3e4: {  	[sflag:s10] =	ssyncadd.s32 $0xFFFFFF80  }
0x3e5: {  	_ =	swait.ge [sflag:s10], $0x80  }
0x3e6: {  	[sflag:s10] =	ssyncset.done $0x0  }
0x3e7: {  	[sflag:s10] =	ssyncadd.s32 $0xFFFFFF80  }
0x3e8: {  	_ =	swait.ge [sflag:s10], $0x80  }
0x3e9: {  	[sflag:s10] =	ssyncset.done $0x0  }
0x3ea: {  	[sflag:s10] =	ssyncadd.s32 $0xFFFFFF80  }
0x3eb: {  	_ =	swait.ge [sflag:s10], $0x80  }
0x3ec: {  	[sflag:s10] =	ssyncset.done $0x0  }
0x3ed: {  	[sflag:s10] =	ssyncadd.s32 $0xFFFFFF80  }
0x3ee: {  	_ =	swait.ge [sflag:s10], $0x80  }
0x3ef: {  	[sflag:s10] =	ssyncset.done $0x0  }
0x3f0: {  	[sflag:s10] =	ssyncadd.s32 $0xFFFFFF80  }
0x3f1: {  	_ =	swait.ge [sflag:s10], $0x80  }
0x3f2: {  	[sflag:s10] =	ssyncset.done $0x0  }
0x3f3: {  	[sflag:s10] =	ssyncadd.s32 $0xFFFFFF80  }
0x3f4: {  	_ =	swait.ge [sflag:s10], $0x80  }
0x3f5: {  	[sflag:s10] =	ssyncset.done $0x0  }
0x3f6: {  	[sflag:s10] =	ssyncadd.s32 $0xFFFFFF80  }
0x3f7: {  	_ =	swait.ge [sflag:s10], $0x80  }
0x3f8: {  	[sflag:s10] =	ssyncset.done $0x0  }
0x3f9: {  	[sflag:s10] =	ssyncadd.s32 $0xFFFFFF80  }
0x3fa: {  	_ =	swait.ge [sflag:s10], $0x80  }
0x3fb: {  	[sflag:s10] =	ssyncset.done $0x0  }
0x3fc: {  	[sflag:s10] =	ssyncadd.s32 $0xFFFFFF80  }
0x3fd: {  	_ =	swait.ge [sflag:s10], $0x80  }
0x3fe: {  	[sflag:s10] =	ssyncset.done $0x0  }
0x3ff: {  	[sflag:s10] =	ssyncadd.s32 $0xFFFFFF80  }
0x400: {  	_ =	swait.ge [sflag:s10], $0x80  }
0x401: {  	[sflag:s10] =	ssyncset.done $0x0  }
0x402: {  	[sflag:s10] =	ssyncadd.s32 $0xFFFFFF80  }
0x403: {  	_ =	swait.ge [sflag:s10], $0x80  }
0x404: {  	[sflag:s10] =	ssyncset.done $0x0  }
0x405: {  	[sflag:s10] =	ssyncadd.s32 $0xFFFFFF80  }
0x406: {  	_ =	swait.ge [sflag:s10], $0x80  }
0x407: {  	[sflag:s10] =	ssyncset.done $0x0  }
0x408: {  	[sflag:s10] =	ssyncadd.s32 $0xFFFFFF80  }
0x409: {  	_ =	swait.ge [sflag:s10], $0x80  }
0x40a: {  	[sflag:s10] =	ssyncset.done $0x0  }
0x40b: {  	[sflag:s10] =	ssyncadd.s32 $0xFFFFFF80  }
0x40c: {  	_ =	swait.ge [sflag:s10], $0x80  }
0x40d: {  	[sflag:s10] =	ssyncset.done $0x0  }
0x40e: {  	[sflag:s10] =	ssyncadd.s32 $0xFFFFFF80  }
0x40f: {  	_ =	swait.ge [sflag:s10], $0x80  }
0x410: {  	[sflag:s10] =	ssyncset.done $0x0  }
0x411: {  	[sflag:s10] =	ssyncadd.s32 $0xFFFFFF80  }
0x412: {  	_ =	swait.ge [sflag:s10], $0x80  }
0x413: {  	[sflag:s10] =	ssyncset.done $0x0  }
0x414: {  	[sflag:s10] =	ssyncadd.s32 $0xFFFFFF80  }
0x415: {  	_ =	swait.ge [sflag:s10], $0x80  }
0x416: {  	[sflag:s10] =	ssyncset.done $0x0  }
0x417: {  	[sflag:s10] =	ssyncadd.s32 $0xFFFFFF80  }
0x418: {  	_ =	swait.ge [sflag:s10], $0x80  }
0x419: {  	[sflag:s10] =	ssyncset.done $0x0  }
0x41a: {  	[sflag:s10] =	ssyncadd.s32 $0xFFFFFF80  }
0x41b: {  	_ =	swait.ge [sflag:s10], $0x80  }
0x41c: {  	[sflag:s10] =	ssyncset.done $0x0  }
0x41d: {  	[sflag:s10] =	ssyncadd.s32 $0xFFFFFF80  }
0x41e: {  	_ =	swait.ge [sflag:s10], $0x80  }
0x41f: {  	[sflag:s10] =	ssyncset.done $0x0  }
0x420: {  	[sflag:s10] =	ssyncadd.s32 $0xFFFFFF80  }
0x421: {  	_ =	swait.ge [sflag:s10], $0x80  }
0x422: {  	[sflag:s10] =	ssyncset.done $0x0  }
0x423: {  	[sflag:s10] =	ssyncadd.s32 $0xFFFFFF80  }
0x424: {  	_ =	swait.ge [sflag:s10], $0x80  }
0x425: {  	[sflag:s10] =	ssyncset.done $0x0  }
0x426: {  	[sflag:s10] =	ssyncadd.s32 $0xFFFFFF80  }
0x427: {  	_ =	swait.ge [sflag:s10], $0x80  }
0x428: {  	[sflag:s10] =	ssyncset.done $0x0  }
0x429: {  	s12 =	simm.s32 $0x0;
	s14 =	rddreg [dreg:$0x7];
	[sflag:s10] =	ssyncadd.s32 $0xFFFFFF80  }
0x42a: {  	[tilespmem:s12], [sflag:$0x2] =	stream.linear.gather [hbm4b:s14+s12], $0x5000, $0x38;
	[tilespmem:$0x5800] =	vst v63  }
0x42b: {  	_ =	swait.ge [sflag:s17], $0x5000  }
0x42c: {  	[sflag:s17] =	ssyncset.done $0x0  }
0x42d: {  	[sflag:s17] =	ssyncadd.s32 $0xFFFFB000  }
0x42e: {  	[spmem:s3] =	stream.indirect.scatter.add.f32 [tilespmem:s19], [sflag:$0x1], $0x1, s12, s18, $0xb8;
	[tilespmem:$0x5800] =	vst v63  }
0x42f: {  	_ = 	snop  }
0x430: {  	[spmem:s3] =	stream.indirect.scatter.add.f32 [tilespmem:s19], [sflag:$0x1], $0x1, s18, s18, $0xb8;
	[tilespmem:$0x5800] =	vst v63  }
0x431: {  	_ = 	snop  }
0x432: {  	[spmem:s3] =	stream.indirect.scatter.add.f32 [tilespmem:s19], [sflag:$0x1], $0x1, s20, s18, $0xb8;
	[tilespmem:$0x5800] =	vst v63  }
0x433: {  	_ = 	snop  }
0x434: {  	[spmem:s3] =	stream.indirect.scatter.add.f32 [tilespmem:s19], [sflag:$0x1], $0x1, s21, s18, $0xb8;
	[tilespmem:$0x5800] =	vst v63  }
0x435: {  	_ = 	snop  }
0x436: {  	[spmem:s3] =	stream.indirect.scatter.add.f32 [tilespmem:s19], [sflag:$0x1], $0x1, s22, s18, $0xb8;
	[tilespmem:$0x5800] =	vst v63  }
0x437: {  	_ = 	snop  }
0x438: {  	[spmem:s3] =	stream.indirect.scatter.add.f32 [tilespmem:s19], [sflag:$0x1], $0x1, s23, s18, $0xb8;
	[tilespmem:$0x5800] =	vst v63  }
0x439: {  	_ = 	snop  }
0x43a: {  	[spmem:s3] =	stream.indirect.scatter.add.f32 [tilespmem:s19], [sflag:$0x1], $0x1, s24, s18, $0xb8;
	[tilespmem:$0x5800] =	vst v63  }
0x43b: {  	_ = 	snop  }
0x43c: {  	[spmem:s3] =	stream.indirect.scatter.add.f32 [tilespmem:s19], [sflag:$0x1], $0x1, s25, s18, $0xb8;
	[tilespmem:$0x5800] =	vst v63  }
0x43d: {  	_ = 	snop  }
0x43e: {  	[spmem:s3] =	stream.indirect.scatter.add.f32 [tilespmem:s19], [sflag:$0x1], $0x1, s26, s18, $0xb8;
	[tilespmem:$0x5800] =	vst v63  }
0x43f: {  	_ = 	snop  }
0x440: {  	[spmem:s3] =	stream.indirect.scatter.add.f32 [tilespmem:s19], [sflag:$0x1], $0x1, s28, s18, $0xb8;
	[tilespmem:$0x5800] =	vst v63  }
0x441: {  	_ = 	snop  }
0x442: {  	[spmem:s3] =	stream.indirect.scatter.add.f32 [tilespmem:s19], [sflag:$0x1], $0x1, s29, s18, $0xb8;
	[tilespmem:$0x5800] =	vst v63  }
0x443: {  	_ = 	snop  }
0x444: {  	[spmem:s3] =	stream.indirect.scatter.add.f32 [tilespmem:s19], [sflag:$0x1], $0x1, s30, s18, $0xb8;
	[tilespmem:$0x5800] =	vst v63  }
0x445: {  	_ = 	snop  }
0x446: {  	[spmem:s3] =	stream.indirect.scatter.add.f32 [tilespmem:s19], [sflag:$0x1], $0x1, s31, s18, $0xb8;
	[tilespmem:$0x5800] =	vst v63  }
0x447: {  	_ = 	snop  }
0x448: {  	[spmem:s3] =	stream.indirect.scatter.add.f32 [tilespmem:s19], [sflag:$0x1], $0x1, s0, s18, $0xb8;
	[tilespmem:$0x5800] =	vst v63  }
0x449: {  	_ = 	snop  }
0x44a: {  	[spmem:s3] =	stream.indirect.scatter.add.f32 [tilespmem:s19], [sflag:$0x1], $0x1, s2, s18, $0xb8;
	[tilespmem:$0x5800] =	vst v63  }
0x44b: {  	_ = 	snop  }
0x44c: {  	[spmem:s3] =	stream.indirect.scatter.add.f32 [tilespmem:s19], [sflag:$0x1], $0x1, s5, s18, $0xb8;
	[tilespmem:$0x5800] =	vst v63  }
0x44d: {  	s9 =	simm.s32 $0x800  }
0x44e: {  	[spmem:s3] =	stream.indirect.scatter.add.f32 [tilespmem:s19], [sflag:$0x1], $0x1, s9, s18, $0xb8;
	[tilespmem:$0x5800] =	vst v63  }
0x44f: {  	s11 =	simm.s32 $0x880  }
0x450: {  	[spmem:s3] =	stream.indirect.scatter.add.f32 [tilespmem:s19], [sflag:$0x1], $0x1, s11, s18, $0xb8;
	[tilespmem:$0x5800] =	vst v63  }
0x451: {  	s12 =	simm.s32 $0x900  }
0x452: {  	[spmem:s3] =	stream.indirect.scatter.add.f32 [tilespmem:s19], [sflag:$0x1], $0x1, s12, s18, $0xb8;
	[tilespmem:$0x5800] =	vst v63  }
0x453: {  	s14 =	simm.s32 $0x980  }
0x454: {  	[spmem:s3] =	stream.indirect.scatter.add.f32 [tilespmem:s19], [sflag:$0x1], $0x1, s14, s18, $0xb8;
	[tilespmem:$0x5800] =	vst v63  }
0x455: {  	s9 =	simm.s32 $0xA00  }
0x456: {  	[spmem:s3] =	stream.indirect.scatter.add.f32 [tilespmem:s19], [sflag:$0x1], $0x1, s9, s18, $0xb8;
	[tilespmem:$0x5800] =	vst v63  }
0x457: {  	s11 =	simm.s32 $0xA80  }
0x458: {  	[spmem:s3] =	stream.indirect.scatter.add.f32 [tilespmem:s19], [sflag:$0x1], $0x1, s11, s18, $0xb8;
	[tilespmem:$0x5800] =	vst v63  }
0x459: {  	s12 =	simm.s32 $0xB00  }
0x45a: {  	[spmem:s3] =	stream.indirect.scatter.add.f32 [tilespmem:s19], [sflag:$0x1], $0x1, s12, s18, $0xb8;
	[tilespmem:$0x5800] =	vst v63  }
0x45b: {  	s14 =	simm.s32 $0xB80  }
0x45c: {  	[spmem:s3] =	stream.indirect.scatter.add.f32 [tilespmem:s19], [sflag:$0x1], $0x1, s14, s18, $0xb8;
	[tilespmem:$0x5800] =	vst v63  }
0x45d: {  	s9 =	simm.s32 $0xC00  }
0x45e: {  	[spmem:s3] =	stream.indirect.scatter.add.f32 [tilespmem:s19], [sflag:$0x1], $0x1, s9, s18, $0xb8;
	[tilespmem:$0x5800] =	vst v63  }
0x45f: {  	s11 =	simm.s32 $0xC80  }
0x460: {  	[spmem:s3] =	stream.indirect.scatter.add.f32 [tilespmem:s19], [sflag:$0x1], $0x1, s11, s18, $0xb8;
	[tilespmem:$0x5800] =	vst v63  }
0x461: {  	s12 =	simm.s32 $0xD00  }
0x462: {  	[spmem:s3] =	stream.indirect.scatter.add.f32 [tilespmem:s19], [sflag:$0x1], $0x1, s12, s18, $0xb8;
	[tilespmem:$0x5800] =	vst v63  }
0x463: {  	s14 =	simm.s32 $0xD80  }
0x464: {  	[spmem:s3] =	stream.indirect.scatter.add.f32 [tilespmem:s19], [sflag:$0x1], $0x1, s14, s18, $0xb8;
	[tilespmem:$0x5800] =	vst v63  }
0x465: {  	s9 =	simm.s32 $0xE00  }
0x466: {  	[spmem:s3] =	stream.indirect.scatter.add.f32 [tilespmem:s19], [sflag:$0x1], $0x1, s9, s18, $0xb8;
	[tilespmem:$0x5800] =	vst v63  }
0x467: {  	s11 =	simm.s32 $0xE80  }
0x468: {  	[spmem:s3] =	stream.indirect.scatter.add.f32 [tilespmem:s19], [sflag:$0x1], $0x1, s11, s18, $0xb8;
	[tilespmem:$0x5800] =	vst v63  }
0x469: {  	s12 =	simm.s32 $0xF00  }
0x46a: {  	[spmem:s3] =	stream.indirect.scatter.add.f32 [tilespmem:s19], [sflag:$0x1], $0x1, s12, s18, $0xb8;
	[tilespmem:$0x5800] =	vst v63  }
0x46b: {  	s14 =	simm.s32 $0xF80  }
0x46c: {  	[spmem:s3] =	stream.indirect.scatter.add.f32 [tilespmem:s19], [sflag:$0x1], $0x1, s14, s18, $0xb8;
	[tilespmem:$0x5800] =	vst v63  }
0x46d: {  	_ =	swait.ge [sflag:s10], $0x80  }
0x46e: {  	[sflag:s10] =	ssyncset.done $0x0  }
0x46f: {  	[sflag:s10] =	ssyncadd.s32 $0xFFFFFF80  }
0x470: {  	_ =	swait.ge [sflag:s10], $0x80  }
0x471: {  	[sflag:s10] =	ssyncset.done $0x0  }
0x472: {  	[sflag:s10] =	ssyncadd.s32 $0xFFFFFF80  }
0x473: {  	_ =	swait.ge [sflag:s10], $0x80  }
0x474: {  	[sflag:s10] =	ssyncset.done $0x0  }
0x475: {  	[sflag:s10] =	ssyncadd.s32 $0xFFFFFF80  }
0x476: {  	_ =	swait.ge [sflag:s10], $0x80  }
0x477: {  	[sflag:s10] =	ssyncset.done $0x0  }
0x478: {  	[sflag:s10] =	ssyncadd.s32 $0xFFFFFF80  }
0x479: {  	_ =	swait.ge [sflag:s10], $0x80  }
0x47a: {  	[sflag:s10] =	ssyncset.done $0x0  }
0x47b: {  	[sflag:s10] =	ssyncadd.s32 $0xFFFFFF80  }
0x47c: {  	_ =	swait.ge [sflag:s10], $0x80  }
0x47d: {  	[sflag:s10] =	ssyncset.done $0x0  }
0x47e: {  	[sflag:s10] =	ssyncadd.s32 $0xFFFFFF80  }
0x47f: {  	_ =	swait.ge [sflag:s10], $0x80  }
0x480: {  	[sflag:s10] =	ssyncset.done $0x0  }
0x481: {  	[sflag:s10] =	ssyncadd.s32 $0xFFFFFF80  }
0x482: {  	_ =	swait.ge [sflag:s10], $0x80  }
0x483: {  	[sflag:s10] =	ssyncset.done $0x0  }
0x484: {  	[sflag:s10] =	ssyncadd.s32 $0xFFFFFF80  }
0x485: {  	_ =	swait.ge [sflag:s10], $0x80  }
0x486: {  	[sflag:s10] =	ssyncset.done $0x0  }
0x487: {  	[sflag:s10] =	ssyncadd.s32 $0xFFFFFF80  }
0x488: {  	_ =	swait.ge [sflag:s10], $0x80  }
0x489: {  	[sflag:s10] =	ssyncset.done $0x0  }
0x48a: {  	[sflag:s10] =	ssyncadd.s32 $0xFFFFFF80  }
0x48b: {  	_ =	swait.ge [sflag:s10], $0x80  }
0x48c: {  	[sflag:s10] =	ssyncset.done $0x0  }
0x48d: {  	[sflag:s10] =	ssyncadd.s32 $0xFFFFFF80  }
0x48e: {  	_ =	swait.ge [sflag:s10], $0x80  }
0x48f: {  	[sflag:s10] =	ssyncset.done $0x0  }
0x490: {  	[sflag:s10] =	ssyncadd.s32 $0xFFFFFF80  }
0x491: {  	_ =	swait.ge [sflag:s10], $0x80  }
0x492: {  	[sflag:s10] =	ssyncset.done $0x0  }
0x493: {  	[sflag:s10] =	ssyncadd.s32 $0xFFFFFF80  }
0x494: {  	_ =	swait.ge [sflag:s10], $0x80  }
0x495: {  	[sflag:s10] =	ssyncset.done $0x0  }
0x496: {  	[sflag:s10] =	ssyncadd.s32 $0xFFFFFF80  }
0x497: {  	_ =	swait.ge [sflag:s10], $0x80  }
0x498: {  	[sflag:s10] =	ssyncset.done $0x0  }
0x499: {  	[sflag:s10] =	ssyncadd.s32 $0xFFFFFF80  }
0x49a: {  	_ =	swait.ge [sflag:s10], $0x80  }
0x49b: {  	s8 =	simm.s32 $0x800;
	s9 =	simm.s32 $0x4000;
	[sflag:s10] =	ssyncset.done $0x0  }
.LBB2_12:
0x49c: {  	s12 =	sadd.s32 $0x800, s8  }
0x49d: {  	[sflag:s10] =	ssyncadd.s32 $0xFFFFFF80;
	s14 =	smov.u32 s9;
	s11 =	sadd.s32 $0x2000, s9  }
0x49e: {  	[spmem:s3] =	stream.indirect.scatter.add.f32 [tilespmem:s19], [sflag:$0x1], $0x1, s12, s18, $0xb8;
	[tilespmem:$0x5800] =	vst v63  }
0x49f: {  	p3 =	sne.s32 s9, $0x10000;
	s9 =	sadd.s32 $0x880, s8  }
0x4a0: {  	[spmem:s3] =	stream.indirect.scatter.add.f32 [tilespmem:s19], [sflag:$0x1], $0x1, s9, s18, $0xb8;
	[tilespmem:$0x5800] =	vst v63  }
0x4a1: {  	s9 =	sadd.s32 $0x900, s8  }
0x4a2: {  	[spmem:s3] =	stream.indirect.scatter.add.f32 [tilespmem:s19], [sflag:$0x1], $0x1, s9, s18, $0xb8;
	[tilespmem:$0x5800] =	vst v63  }
0x4a3: {  	s9 =	sadd.s32 $0x980, s8  }
0x4a4: {  	[spmem:s3] =	stream.indirect.scatter.add.f32 [tilespmem:s19], [sflag:$0x1], $0x1, s9, s18, $0xb8;
	[tilespmem:$0x5800] =	vst v63  }
0x4a5: {  	s9 =	sadd.s32 $0xA00, s8  }
0x4a6: {  	[spmem:s3] =	stream.indirect.scatter.add.f32 [tilespmem:s19], [sflag:$0x1], $0x1, s9, s18, $0xb8;
	[tilespmem:$0x5800] =	vst v63  }
0x4a7: {  	s9 =	sadd.s32 $0xA80, s8  }
0x4a8: {  	[spmem:s3] =	stream.indirect.scatter.add.f32 [tilespmem:s19], [sflag:$0x1], $0x1, s9, s18, $0xb8;
	[tilespmem:$0x5800] =	vst v63  }
0x4a9: {  	s9 =	sadd.s32 $0xB00, s8  }
0x4aa: {  	[spmem:s3] =	stream.indirect.scatter.add.f32 [tilespmem:s19], [sflag:$0x1], $0x1, s9, s18, $0xb8;
	[tilespmem:$0x5800] =	vst v63  }
0x4ab: {  	s9 =	sadd.s32 $0xB80, s8  }
0x4ac: {  	[spmem:s3] =	stream.indirect.scatter.add.f32 [tilespmem:s19], [sflag:$0x1], $0x1, s9, s18, $0xb8;
	[tilespmem:$0x5800] =	vst v63  }
0x4ad: {  	s9 =	sadd.s32 $0xC00, s8  }
0x4ae: {  	[spmem:s3] =	stream.indirect.scatter.add.f32 [tilespmem:s19], [sflag:$0x1], $0x1, s9, s18, $0xb8;
	[tilespmem:$0x5800] =	vst v63  }
0x4af: {  	s9 =	sadd.s32 $0xC80, s8  }
0x4b0: {  	[spmem:s3] =	stream.indirect.scatter.add.f32 [tilespmem:s19], [sflag:$0x1], $0x1, s9, s18, $0xb8;
	[tilespmem:$0x5800] =	vst v63  }
0x4b1: {  	s9 =	sadd.s32 $0xD00, s8  }
0x4b2: {  	[spmem:s3] =	stream.indirect.scatter.add.f32 [tilespmem:s19], [sflag:$0x1], $0x1, s9, s18, $0xb8;
	[tilespmem:$0x5800] =	vst v63  }
0x4b3: {  	s9 =	sadd.s32 $0xD80, s8  }
0x4b4: {  	[spmem:s3] =	stream.indirect.scatter.add.f32 [tilespmem:s19], [sflag:$0x1], $0x1, s9, s18, $0xb8;
	[tilespmem:$0x5800] =	vst v63  }
0x4b5: {  	s9 =	sadd.s32 $0xE00, s8  }
0x4b6: {  	[spmem:s3] =	stream.indirect.scatter.add.f32 [tilespmem:s19], [sflag:$0x1], $0x1, s9, s18, $0xb8;
	[tilespmem:$0x5800] =	vst v63  }
0x4b7: {  	s9 =	sadd.s32 $0xE80, s8  }
0x4b8: {  	[spmem:s3] =	stream.indirect.scatter.add.f32 [tilespmem:s19], [sflag:$0x1], $0x1, s9, s18, $0xb8;
	[tilespmem:$0x5800] =	vst v63  }
0x4b9: {  	s9 =	sadd.s32 $0xF00, s8  }
0x4ba: {  	[spmem:s3] =	stream.indirect.scatter.add.f32 [tilespmem:s19], [sflag:$0x1], $0x1, s9, s18, $0xb8;
	[tilespmem:$0x5800] =	vst v63  }
0x4bb: {  	s8 =	sadd.s32 $0xF80, s8  }
0x4bc: {  	[spmem:s3] =	stream.indirect.scatter.add.f32 [tilespmem:s19], [sflag:$0x1], $0x1, s8, s18, $0xb8;
	[tilespmem:$0x5800] =	vst v63  }
0x4bd: {  	_ =	swait.ge [sflag:s10], $0x80  }
0x4be: {  	[sflag:s10] =	ssyncset.done $0x0  }
0x4bf: {  	[sflag:s10] =	ssyncadd.s32 $0xFFFFFF80  }
0x4c0: {  	_ =	swait.ge [sflag:s10], $0x80  }
0x4c1: {  	[sflag:s10] =	ssyncset.done $0x0  }
0x4c2: {  	[sflag:s10] =	ssyncadd.s32 $0xFFFFFF80  }
0x4c3: {  	_ =	swait.ge [sflag:s10], $0x80  }
0x4c4: {  	[sflag:s10] =	ssyncset.done $0x0  }
0x4c5: {  	[sflag:s10] =	ssyncadd.s32 $0xFFFFFF80  }
0x4c6: {  	_ =	swait.ge [sflag:s10], $0x80  }
0x4c7: {  	[sflag:s10] =	ssyncset.done $0x0  }
0x4c8: {  	[sflag:s10] =	ssyncadd.s32 $0xFFFFFF80  }
0x4c9: {  	_ =	swait.ge [sflag:s10], $0x80  }
0x4ca: {  	[sflag:s10] =	ssyncset.done $0x0  }
0x4cb: {  	[sflag:s10] =	ssyncadd.s32 $0xFFFFFF80  }
0x4cc: {  	_ =	swait.ge [sflag:s10], $0x80  }
0x4cd: {  	[sflag:s10] =	ssyncset.done $0x0  }
0x4ce: {  	[sflag:s10] =	ssyncadd.s32 $0xFFFFFF80  }
0x4cf: {  	_ =	swait.ge [sflag:s10], $0x80  }
0x4d0: {  	[sflag:s10] =	ssyncset.done $0x0  }
0x4d1: {  	[sflag:s10] =	ssyncadd.s32 $0xFFFFFF80  }
0x4d2: {  	_ =	swait.ge [sflag:s10], $0x80  }
0x4d3: {  	[sflag:s10] =	ssyncset.done $0x0  }
0x4d4: {  	[sflag:s10] =	ssyncadd.s32 $0xFFFFFF80  }
0x4d5: {  	_ =	swait.ge [sflag:s10], $0x80  }
0x4d6: {  	[sflag:s10] =	ssyncset.done $0x0  }
0x4d7: {  	[sflag:s10] =	ssyncadd.s32 $0xFFFFFF80  }
0x4d8: {  	_ =	swait.ge [sflag:s10], $0x80  }
0x4d9: {  	[sflag:s10] =	ssyncset.done $0x0  }
0x4da: {  	[sflag:s10] =	ssyncadd.s32 $0xFFFFFF80  }
0x4db: {  	_ =	swait.ge [sflag:s10], $0x80  }
0x4dc: {  	[sflag:s10] =	ssyncset.done $0x0  }
0x4dd: {  	[sflag:s10] =	ssyncadd.s32 $0xFFFFFF80  }
0x4de: {  	_ =	swait.ge [sflag:s10], $0x80  }
0x4df: {  	[sflag:s10] =	ssyncset.done $0x0  }
0x4e0: {  	[sflag:s10] =	ssyncadd.s32 $0xFFFFFF80  }
0x4e1: {  	_ =	swait.ge [sflag:s10], $0x80  }
0x4e2: {  	[sflag:s10] =	ssyncset.done $0x0  }
0x4e3: {  	[sflag:s10] =	ssyncadd.s32 $0xFFFFFF80  }
0x4e4: {  	_ =	swait.ge [sflag:s10], $0x80  }
0x4e5: {  	[sflag:s10] =	ssyncset.done $0x0  }
0x4e6: {  	[sflag:s10] =	ssyncadd.s32 $0xFFFFFF80  }
.Ltmp9:
0x4e7: {  	_ =	swait.ge [sflag:s10], $0x80;
	(pc) =	sbr.rel @p3 .LBB2_12-.Ltmp9, $4  }
0x4e8: {  	[sflag:s10] =	ssyncset.done $0x0  }
0x4e9: {  	[sflag:s10] =	ssyncadd.s32 $0xFFFFFF80  }
0x4ea: {  	_ =	swait.ge [sflag:s10], $0x80  }
0x4eb: {  	s9 =	smov.u32 s11;
	s8 =	sshra.s32 s14, $0x2;
	[sflag:s10] =	ssyncset.done $0x0  }
0x4ec: {  	s9 =	sadd.s32 $0x800, s8;
	[sflag:s10] =	ssyncadd.s32 $0xFFFFFF80  }
0x4ed: {  	[spmem:s3] =	stream.indirect.scatter.add.f32 [tilespmem:s19], [sflag:$0x1], $0x1, s9, s18, $0xb8;
	[tilespmem:$0x5800] =	vst v63  }
0x4ee: {  	s11 =	sadd.s32 $0x880, s8  }
0x4ef: {  	[spmem:s3] =	stream.indirect.scatter.add.f32 [tilespmem:s19], [sflag:$0x1], $0x1, s11, s18, $0xb8;
	[tilespmem:$0x5800] =	vst v63  }
0x4f0: {  	s12 =	sadd.s32 $0x900, s8  }
0x4f1: {  	[spmem:s3] =	stream.indirect.scatter.add.f32 [tilespmem:s19], [sflag:$0x1], $0x1, s12, s18, $0xb8;
	[tilespmem:$0x5800] =	vst v63  }
0x4f2: {  	s14 =	sadd.s32 $0x980, s8  }
0x4f3: {  	[spmem:s3] =	stream.indirect.scatter.add.f32 [tilespmem:s19], [sflag:$0x1], $0x1, s14, s18, $0xb8;
	[tilespmem:$0x5800] =	vst v63  }
0x4f4: {  	s11 =	sadd.s32 $0xA00, s8  }
0x4f5: {  	[spmem:s3] =	stream.indirect.scatter.add.f32 [tilespmem:s19], [sflag:$0x1], $0x1, s11, s18, $0xb8;
	[tilespmem:$0x5800] =	vst v63  }
0x4f6: {  	s12 =	sadd.s32 $0xA80, s8  }
0x4f7: {  	[spmem:s3] =	stream.indirect.scatter.add.f32 [tilespmem:s19], [sflag:$0x1], $0x1, s12, s18, $0xb8;
	[tilespmem:$0x5800] =	vst v63  }
0x4f8: {  	s14 =	sadd.s32 $0xB00, s8  }
0x4f9: {  	[spmem:s3] =	stream.indirect.scatter.add.f32 [tilespmem:s19], [sflag:$0x1], $0x1, s14, s18, $0xb8;
	[tilespmem:$0x5800] =	vst v63  }
0x4fa: {  	s11 =	sadd.s32 $0xB80, s8  }
0x4fb: {  	[spmem:s3] =	stream.indirect.scatter.add.f32 [tilespmem:s19], [sflag:$0x1], $0x1, s11, s18, $0xb8;
	[tilespmem:$0x5800] =	vst v63  }
0x4fc: {  	s12 =	sadd.s32 $0xC00, s8  }
0x4fd: {  	[spmem:s3] =	stream.indirect.scatter.add.f32 [tilespmem:s19], [sflag:$0x1], $0x1, s12, s18, $0xb8;
	[tilespmem:$0x5800] =	vst v63  }
0x4fe: {  	s14 =	sadd.s32 $0xC80, s8  }
0x4ff: {  	[spmem:s3] =	stream.indirect.scatter.add.f32 [tilespmem:s19], [sflag:$0x1], $0x1, s14, s18, $0xb8;
	[tilespmem:$0x5800] =	vst v63  }
0x500: {  	s11 =	sadd.s32 $0xD00, s8  }
0x501: {  	[spmem:s3] =	stream.indirect.scatter.add.f32 [tilespmem:s19], [sflag:$0x1], $0x1, s11, s18, $0xb8;
	[tilespmem:$0x5800] =	vst v63  }
0x502: {  	s12 =	sadd.s32 $0xD80, s8  }
0x503: {  	[spmem:s3] =	stream.indirect.scatter.add.f32 [tilespmem:s19], [sflag:$0x1], $0x1, s12, s18, $0xb8;
	[tilespmem:$0x5800] =	vst v63  }
0x504: {  	s14 =	sadd.s32 $0xE00, s8  }
0x505: {  	[spmem:s3] =	stream.indirect.scatter.add.f32 [tilespmem:s19], [sflag:$0x1], $0x1, s14, s18, $0xb8;
	[tilespmem:$0x5800] =	vst v63  }
0x506: {  	s11 =	sadd.s32 $0xE80, s8  }
0x507: {  	[spmem:s3] =	stream.indirect.scatter.add.f32 [tilespmem:s19], [sflag:$0x1], $0x1, s11, s18, $0xb8;
	[tilespmem:$0x5800] =	vst v63  }
0x508: {  	s12 =	sadd.s32 $0xF00, s8  }
0x509: {  	[spmem:s3] =	stream.indirect.scatter.add.f32 [tilespmem:s19], [sflag:$0x1], $0x1, s12, s18, $0xb8;
	[tilespmem:$0x5800] =	vst v63  }
0x50a: {  	s14 =	sadd.s32 $0xF80, s8  }
0x50b: {  	[spmem:s3] =	stream.indirect.scatter.add.f32 [tilespmem:s19], [sflag:$0x1], $0x1, s14, s18, $0xb8;
	[tilespmem:$0x5800] =	vst v63  }
0x50c: {  	_ =	swait.ge [sflag:s10], $0x80  }
0x50d: {  	[sflag:s10] =	ssyncset.done $0x0  }
0x50e: {  	[sflag:s10] =	ssyncadd.s32 $0xFFFFFF80  }
0x50f: {  	_ =	swait.ge [sflag:s10], $0x80  }
0x510: {  	[sflag:s10] =	ssyncset.done $0x0  }
0x511: {  	[sflag:s10] =	ssyncadd.s32 $0xFFFFFF80  }
0x512: {  	_ =	swait.ge [sflag:s10], $0x80  }
0x513: {  	[sflag:s10] =	ssyncset.done $0x0  }
0x514: {  	[sflag:s10] =	ssyncadd.s32 $0xFFFFFF80  }
0x515: {  	_ =	swait.ge [sflag:s10], $0x80  }
0x516: {  	[sflag:s10] =	ssyncset.done $0x0  }
0x517: {  	[sflag:s10] =	ssyncadd.s32 $0xFFFFFF80  }
0x518: {  	_ =	swait.ge [sflag:s10], $0x80  }
0x519: {  	[sflag:s10] =	ssyncset.done $0x0  }
0x51a: {  	[sflag:s10] =	ssyncadd.s32 $0xFFFFFF80  }
0x51b: {  	_ =	swait.ge [sflag:s10], $0x80  }
0x51c: {  	[sflag:s10] =	ssyncset.done $0x0  }
0x51d: {  	[sflag:s10] =	ssyncadd.s32 $0xFFFFFF80  }
0x51e: {  	_ =	swait.ge [sflag:s10], $0x80  }
0x51f: {  	[sflag:s10] =	ssyncset.done $0x0  }
0x520: {  	[sflag:s10] =	ssyncadd.s32 $0xFFFFFF80  }
0x521: {  	_ =	swait.ge [sflag:s10], $0x80  }
0x522: {  	[sflag:s10] =	ssyncset.done $0x0  }
0x523: {  	[sflag:s10] =	ssyncadd.s32 $0xFFFFFF80  }
0x524: {  	_ =	swait.ge [sflag:s10], $0x80  }
0x525: {  	[sflag:s10] =	ssyncset.done $0x0  }
0x526: {  	[sflag:s10] =	ssyncadd.s32 $0xFFFFFF80  }
0x527: {  	_ =	swait.ge [sflag:s10], $0x80  }
0x528: {  	[sflag:s10] =	ssyncset.done $0x0  }
0x529: {  	[sflag:s10] =	ssyncadd.s32 $0xFFFFFF80  }
0x52a: {  	_ =	swait.ge [sflag:s10], $0x80  }
0x52b: {  	[sflag:s10] =	ssyncset.done $0x0  }
0x52c: {  	[sflag:s10] =	ssyncadd.s32 $0xFFFFFF80  }
0x52d: {  	_ =	swait.ge [sflag:s10], $0x80  }
0x52e: {  	[sflag:s10] =	ssyncset.done $0x0  }
0x52f: {  	[sflag:s10] =	ssyncadd.s32 $0xFFFFFF80  }
0x530: {  	_ =	swait.ge [sflag:s10], $0x80  }
0x531: {  	[sflag:s10] =	ssyncset.done $0x0  }
0x532: {  	[sflag:s10] =	ssyncadd.s32 $0xFFFFFF80  }
0x533: {  	_ =	swait.ge [sflag:s10], $0x80  }
0x534: {  	[sflag:s10] =	ssyncset.done $0x0  }
0x535: {  	[sflag:s10] =	ssyncadd.s32 $0xFFFFFF80  }
0x536: {  	_ =	swait.ge [sflag:s10], $0x80  }
0x537: {  	[sflag:s10] =	ssyncset.done $0x0  }
0x538: {  	[sflag:s10] =	ssyncadd.s32 $0xFFFFFF80  }
0x539: {  	_ =	swait.ge [sflag:s10], $0x80  }
0x53a: {  	[sflag:s10] =	ssyncset.done $0x0  }
0x53b: {  	[sflag:s10] =	ssyncadd.s32 $0xFFFFFF80  }
0x53c: {  	_ =	swait.ge [sflag:s10], $0x80  }
0x53d: {  	[sflag:s10] =	ssyncset.done $0x0  }
0x53e: {  	[sflag:s10] =	ssyncadd.s32 $0xFFFFFF80  }
0x53f: {  	_ =	swait.ge [sflag:s10], $0x80  }
0x540: {  	[sflag:s10] =	ssyncset.done $0x0  }
0x541: {  	[sflag:s10] =	ssyncadd.s32 $0xFFFFFF80  }
0x542: {  	_ =	swait.ge [sflag:s10], $0x80  }
0x543: {  	[sflag:s10] =	ssyncset.done $0x0  }
0x544: {  	[sflag:s10] =	ssyncadd.s32 $0xFFFFFF80  }
0x545: {  	_ =	swait.ge [sflag:s10], $0x80  }
0x546: {  	[sflag:s10] =	ssyncset.done $0x0  }
0x547: {  	[sflag:s10] =	ssyncadd.s32 $0xFFFFFF80  }
0x548: {  	_ =	swait.ge [sflag:s10], $0x80  }
0x549: {  	[sflag:s10] =	ssyncset.done $0x0  }
0x54a: {  	[sflag:s10] =	ssyncadd.s32 $0xFFFFFF80  }
0x54b: {  	_ =	swait.ge [sflag:s10], $0x80  }
0x54c: {  	[sflag:s10] =	ssyncset.done $0x0  }
0x54d: {  	[sflag:s10] =	ssyncadd.s32 $0xFFFFFF80  }
0x54e: {  	_ =	swait.ge [sflag:s10], $0x80  }
0x54f: {  	[sflag:s10] =	ssyncset.done $0x0  }
0x550: {  	[sflag:s10] =	ssyncadd.s32 $0xFFFFFF80  }
0x551: {  	_ =	swait.ge [sflag:s10], $0x80  }
0x552: {  	[sflag:s10] =	ssyncset.done $0x0  }
0x553: {  	[sflag:s10] =	ssyncadd.s32 $0xFFFFFF80  }
0x554: {  	_ =	swait.ge [sflag:s10], $0x80  }
0x555: {  	[sflag:s10] =	ssyncset.done $0x0  }
0x556: {  	[sflag:s10] =	ssyncadd.s32 $0xFFFFFF80  }
0x557: {  	_ =	swait.ge [sflag:s10], $0x80  }
0x558: {  	[sflag:s10] =	ssyncset.done $0x0  }
0x559: {  	[sflag:s10] =	ssyncadd.s32 $0xFFFFFF80  }
0x55a: {  	_ =	swait.ge [sflag:s10], $0x80  }
0x55b: {  	[sflag:s10] =	ssyncset.done $0x0  }
0x55c: {  	[sflag:s10] =	ssyncadd.s32 $0xFFFFFF80  }
0x55d: {  	_ =	swait.ge [sflag:s10], $0x80  }
0x55e: {  	[sflag:s10] =	ssyncset.done $0x0  }
0x55f: {  	[sflag:s10] =	ssyncadd.s32 $0xFFFFFF80  }
0x560: {  	_ =	swait.ge [sflag:s10], $0x80  }
0x561: {  	[sflag:s10] =	ssyncset.done $0x0  }
0x562: {  	[sflag:s10] =	ssyncadd.s32 $0xFFFFFF80  }
0x563: {  	_ =	swait.ge [sflag:s10], $0x80  }
0x564: {  	[sflag:s10] =	ssyncset.done $0x0  }
0x565: {  	[sflag:s10] =	ssyncadd.s32 $0xFFFFFF80  }
0x566: {  	_ =	swait.ge [sflag:s10], $0x80  }
0x567: {  	[sflag:s10] =	ssyncset.done $0x0  }
0x568: {  	[sflag:s10] =	ssyncadd.s32 $0xFFFFFF80  }
.Ltmp10:
0x569: {  	_ =	swait.ge [sflag:s10], $0x80;
	(pc) =	sbr.rel @p1 .LBB2_17-.Ltmp10, $3  }
0x56a: {  	[sflag:s10] =	ssyncset.done $0x0  }
0x56b: {  	[sflag:s10] =	ssyncadd.s32 $0xFFFFFF80  }
0x56c: {  	[bflag:$0x0] =	sbarrier.arrive $0xFFFF;
	_ =	sdelay $0x1  }
.Ltmp11:
0x56d: {  	(pc) =	sbr.rel @!p2 .LBB2_19-.Ltmp11, $1  }
0x56e: {  	_ =	sdelay $0x3  }
.Ltmp12:
0x56f: {  	(pc) =	sbr.rel .LBB2_18-.Ltmp12, $4  }
0x570: {  	_ = 	snop  }
0x571: {  	s8 =	sshrl.u32 s3, $0x3;
	s9 =	rddreg [dreg:$0x8]  }
0x572: {  	s11 =	simm.s32 $0x40;
	s12 =	simm.s32 $0x10;
	s14 =	simm.s32 $0x1C42  }
0x573: {  	[hbm:s9@s11], [sflag:s14] =	dma.strided [spmem:s8@s12], $0x500, s10, $0x10   }
.LBB2_16:
.Ltmp13:
0x574: {  	(pc) =	sbr.rel .LBB2_18-.Ltmp13, $4  }
0x575: {  	_ = 	snop  }
0x576: {  	s8 =	sshrl.u32 s1, $0x3;
	s9 =	rddreg [dreg:$0x5]  }
0x577: {  	s11 =	simm.s32 $0x40;
	s12 =	simm.s32 $0x10;
	s14 =	simm.s32 $0x1C02  }
0x578: {  	[hbm:s9@s11], [sflag:s14] =	dma.strided [spmem:s8@s12], $0x500, s10, $0x10   }
.LBB2_20:
0x579: {  	_ =	sfence.sel $0x180000  }
0x57a: {  	[bflag:$0x0] =	sbarrier.arrive $0xFFFF  }
0x57b: {  	_ =	strace $0x90000047  }
0x57c: {  	s0 =	stileid.u32;
	[bflag:$0x2] =	sbarrier.arrive $0xFFFF  }
0x57d: {  	p0 =	sne.s32 s0, $0x0;
	s0 =	rddreg [dreg:$0x4]  }
0x57e: {  	s0 =	sadd.s32 @!p0 $0x100000, s0  }
0x57f: {  	[sflag:s0] =	ssyncadd.tile.s32 @!p0 $0x1;
	_ =	shalt  }
.Lfunc_end2:
_tile_overlayer_lowered:
.L_overlay_start_2:
0x580: {  	(tag) =	ssettag $0x2  }
0x581: {  	s0 =	rddreg [dreg:$0x0];
	s2 =	stileid.u32  }
0x582: {  	s1 =	rddreg [dreg:$0x1];
	p0 =	sne.s32 s2, $0x0  }
0x583: {  	s3 =	rddreg [dreg:$0x2];
	[bflag:$0x3] =	sbarrier.arrive $0xFFFF;
	s2 =	simm.s32 @!p0 $0x1C02  }
0x584: {  	[timem:s3], [sflag:s2] =	dma.local @!p0 [hbm:s0], s1  }
0x585: {  	s0 =	simm.s32 @!p0 $0x2  }
0x586: {  	_ =	swait.ge @!p0 [sflag:s0], s1  }
0x587: {  	s1 =	ssub.s32 @!p0 $0x0, s1;
	[sflag:s0] =	ssyncset.done @!p0 $0x0  }
0x588: {  	[sflag:s0] =	ssyncadd.s32 @!p0 s1  }
0x589: {  	[bflag:$0x3] =	sbarrier.arrive $0xFFFF  }
0x58a: {  	_ =	shalt  }

// kernel: kernel.9.cloned.1.call-start
scs
__scs_entry_jumppad:
0x0: {  	(pc) =	sbr.rel $0x88, $3  }
0x1: {  	(tag) =	ssettag $0x0;
	lr =	simm.s32 $0x1  }
0x2: {  	[smem:$0x3F8F] =	sst lr;
	_ =	strace $0xD0000000  }
0x3: {  	_ = 	snop  }
0x4: {  	_ = 	snop  }
0x5: {  	_ = 	snop  }
0x6: {  	_ = 	snop  }
0x7: {  	_ = 	snop  }
__scs_overlays_trampoline_lowered:
0x8: {  	[smem:$0x3F9E] =	sst s0  }
0x9: {  	[smem:$0x3F9F] =	sst s1  }
0xa: {  	[smem:$0x3FA0] =	sst s2  }
0xb: {  	[smem:$0x3FA1] =	sst s3  }
0xc: {  	[smem:$0x3FA2] =	sst s4  }
0xd: {  	[smem:$0x3FA3] =	sst s5  }
0xe: {  	[smem:$0x3FA4] =	sst s6  }
0xf: {  	[smem:$0x3FA5] =	sst s7  }
0x10: {  	[smem:$0x3FA6] =	sst s8  }
0x11: {  	[smem:$0x3FA7] =	sst s9;
	s0 =	simm.s32 @!p0 $0x0  }
0x12: {  	s1 =	sld [smem:$0x3F8D];
	s0 =	simm.s32 @p0 $0x1  }
0x13: {  	[smem:$0x3FA8] =	sst s0;
	s0 =	simm.s32 @!p1 $0x0  }
0x14: {  	s2 =	sld [smem:$0x3F8C];
	s0 =	simm.s32 @p1 $0x1  }
0x15: {  	[smem:$0x3FA9] =	sst s0;
	s0 =	simm.s32 @!p2 $0x0  }
0x16: {  	s3 =	sld [smem:$0x3FDB];
	s0 =	simm.s32 @p2 $0x1  }
0x17: {  	s4 =	simm.s32 $0x1BF5;
	[smem:$0x3FAB] =	sst s0  }
0x18: {  	s0 =	sld [smem:$0x3F8E];
	_ =	swait.ge [sflag:s4], $0x0  }
0x19: {  	s7 =	sld [smem:$0x3F8F]  }
0x1a: {  	s8 =	sadd.s32 $0xFFFFE003, lr  }
0x1b: {  	s9 =	sadd.s32 $0xFFFFFEF7, lr;
	s5 =	simm.s32 $0xFFFFFFFF;
	p2 =	slt.u32 s8, $0xFFFFF086  }
0x1c: {  	p1 =	slt.u32 s9, $0xF7A;
	s5 =	simm.s32 @!p2 $0x0  }
0x1d: {  	s5 =	simm.s32 @p1 $0x1;
	p0 =	seq.s32 s7, s2  }
0x1e: {  	s7 =	smul.u32 @!p0 $0xF7A, s2;
	p2 =	seq.s32 @!p0 s5, $0x0  }
0x1f: {  	s9 =	smul.u32 $0xF7A, s1;
	s8 =	simm.s32 @!p0 $0x1BF5;
	p2 =	por !p2, p0  }
0x20: {  	[sflag:s8] =	ssyncset.s32 @!p0 $0xFFFFF086;
	s6 =	sadd.s32 @!p0 s3, s7;
	s7 =	simm.s32 @!p0 $0x108  }
0x21: {  	s3 =	sadd.s32 s3, s9;
	s6 =	sadd.s32 @!p0 $0x88, s6;
	s7 =	simm.s32 @p2 $0x1082  }
0x22: {  	[simem:s7], [sflag:s8] =	dma.local @!p0 [hbm:s6], $0xF7A  }
0x23: {  	s9 =	sor.u32 $0xD0000000, s2;
	s6 =	simm.s32 $0x108;
	_ =	swait.ge @!p0 [sflag:s8], $0x0  }
0x24: {  	s3 =	sadd.s32 $0x88, s3;
	s6 =	simm.s32 @!p1 $0x1082;
	[sflag:s4] =	ssyncset.s32 $0xFFFFF086  }
0x25: {  	[simem:s6], [sflag:s4] =	dma.local [hbm:s3], $0xF7A  }
0x26: {  	[smem:$0x3F8F] =	sst s1;
	(tag) =	ssettag s2;
	_ =	strace s9  }
0x27: {  	s1 =	sld [smem:$0x3F9F]  }
0x28: {  	s2 =	sld [smem:$0x3FA0]  }
0x29: {  	s4 =	sld [smem:$0x3FA2]  }
0x2a: {  	p0 =	seq.s32 s5, $0x0;
	s5 =	sld [smem:$0x3FA3]  }
0x2b: {  	s6 =	sld [smem:$0x3FA4]  }
0x2c: {  	s7 =	sld [smem:$0x3FA5]  }
0x2d: {  	s3 =	simm.s32 $0x108;
	s8 =	sld [smem:$0x3FA6]  }
0x2e: {  	s3 =	simm.s32 @!p0 $0x1082;
	s9 =	sld [smem:$0x3FA7]  }
0x2f: {  	lr =	sadd.s32 s0, s3;
	s0 =	sld [smem:$0x3F9E]  }
0x30: {  	s3 =	sld [smem:$0x3FA1]  }
0x31: {  	[smem:$0x3FAA] =	sst s10  }
0x32: {  	s10 =	sld [smem:$0x3FA8];
	_ =	sdelay $0x3  }
0x33: {  	p0 =	seq.s32 s10, $0x1;
	s10 =	sld [smem:$0x3FAA];
	_ =	sdelay $0x3  }
0x34: {  	[smem:$0x3FAA] =	sst s10  }
0x35: {  	s10 =	sld [smem:$0x3FA9];
	_ =	sdelay $0x3  }
0x36: {  	p1 =	seq.s32 s10, $0x1;
	s10 =	sld [smem:$0x3FAA];
	_ =	sdelay $0x3  }
0x37: {  	[smem:$0x3FAA] =	sst s10  }
0x38: {  	s10 =	sld [smem:$0x3FAB]  }
0x39: {  	_ = 	snop;
	(pc) =	sbr.ind lr, $3  }
0x3a: {  	_ = 	snop  }
0x3b: {  	_ = 	snop  }
0x3c: {  	p2 =	seq.s32 s10, $0x1;
	s10 =	sld [smem:$0x3FAA]  }
0x3d: {  	_ =	shalt  }
0x3e: {  	_ =	shalt  }
0x3f: {  	_ =	shalt  }
0x40: {  	_ =	shalt  }
0x41: {  	_ =	shalt  }
0x42: {  	_ =	shalt  }
0x43: {  	_ =	shalt  }
0x44: {  	_ =	shalt  }
0x45: {  	_ =	shalt  }
0x46: {  	_ =	shalt  }
0x47: {  	_ =	shalt  }
0x48: {  	_ =	shalt  }
0x49: {  	_ =	shalt  }
0x4a: {  	_ =	shalt  }
0x4b: {  	_ =	shalt  }
0x4c: {  	_ =	shalt  }
0x4d: {  	_ =	shalt  }
0x4e: {  	_ =	shalt  }
0x4f: {  	_ =	shalt  }
0x50: {  	_ =	shalt  }
0x51: {  	_ =	shalt  }
0x52: {  	_ =	shalt  }
0x53: {  	_ =	shalt  }
0x54: {  	_ =	shalt  }
0x55: {  	_ =	shalt  }
0x56: {  	_ =	shalt  }
0x57: {  	_ =	shalt  }
0x58: {  	_ =	shalt  }
0x59: {  	_ =	shalt  }
0x5a: {  	_ =	shalt  }
0x5b: {  	_ =	shalt  }
0x5c: {  	_ =	shalt  }
0x5d: {  	_ =	shalt  }
0x5e: {  	_ =	shalt  }
0x5f: {  	_ =	shalt  }
0x60: {  	_ =	shalt  }
0x61: {  	_ =	shalt  }
0x62: {  	_ =	shalt  }
0x63: {  	_ =	shalt  }
0x64: {  	_ =	shalt  }
0x65: {  	_ =	shalt  }
0x66: {  	_ =	shalt  }
0x67: {  	_ =	shalt  }
0x68: {  	_ =	shalt  }
0x69: {  	_ =	shalt  }
0x6a: {  	_ =	shalt  }
0x6b: {  	_ =	shalt  }
0x6c: {  	_ =	shalt  }
0x6d: {  	_ =	shalt  }
0x6e: {  	_ =	shalt  }
0x6f: {  	_ =	shalt  }
0x70: {  	_ =	shalt  }
0x71: {  	_ =	shalt  }
0x72: {  	_ =	shalt  }
0x73: {  	_ =	shalt  }
0x74: {  	_ =	shalt  }
0x75: {  	_ =	shalt  }
0x76: {  	_ =	shalt  }
0x77: {  	_ =	shalt  }
0x78: {  	_ =	shalt  }
0x79: {  	_ =	shalt  }
0x7a: {  	_ =	shalt  }
0x7b: {  	_ =	shalt  }
0x7c: {  	_ =	shalt  }
0x7d: {  	_ =	shalt  }
0x7e: {  	_ =	shalt  }
0x7f: {  	_ =	shalt  }
0x80: {  	_ =	shalt  }
0x81: {  	_ =	shalt  }
0x82: {  	_ =	shalt  }
0x83: {  	_ =	shalt  }
0x84: {  	_ =	shalt  }
0x85: {  	_ =	shalt  }
0x86: {  	_ =	shalt  }
0x87: {  	_ =	shalt  }
.Lfunc_end0:
.L_simem_size_0:
called_computation.1_lowered:
.L_overlay_start_0:
0x88: {  	s2 =	sld [smem:$0x3FD9]  }
0x89: {  	s3 =	sld [smem:$0x3FFE];
	_ =	sdelay $0x1  }
0x8a: {  	s1 =	srdreg.scid  }
0x8b: {  	s0 =	sand.u32 $0x1, s1  }
0x8c: {  	s14 =	sshll.u32 s0, $0xA;
	s2 =	sadd.s32 s3, s2  }
0x8d: {  	s2 =	sadd.s32 s2, s14  }
0x8e: {  	[smem:$0x3FB6] =	sst s2  }
0x8f: {  	_ = 	snop  }
0x90: {  	s2 =	sld [smem:$0x3FD0];
	_ =	sdelay $0x2  }
0x91: {  	s15 =	simm.s32 $0xA;
	s4 =	simm.s32 $0x10  }
0x92: {  	[smem:s4], [sflag:s15] =	dma.local [hbm:s2], $0x1  }
0x93: {  	_ =	swait.eq [sflag:s15], $0x1  }
0x94: {  	[sflag:s15] =	ssyncset.done $0x0  }
0x95: {  	s16 =	sld [smem:$0x10];
	[sflag:s15] =	ssyncadd.s32 $0xFFFFFFFF  }
0x96: {  	s17 =	sld [smem:$0x11];
	(tm) =	ssettm $0x1  }
0x97: {  	s18 =	sld [smem:$0x3FFB];
	_ =	sdelay $0x3  }
0x98: {  	_ =	strace s18  }
0x99: {  	s4 =	sld [smem:$0x3FFC];
	_ =	sdelay $0x3  }
0x9a: {  	_ =	strace s4  }
0x9b: {  	s4 =	sld [smem:$0x3FFD];
	_ =	sdelay $0x3  }
0x9c: {  	_ =	strace s4  }
0x9d: {  	_ =	strace $0x8FFFFFFF  }
0x9e: {  	s19 =	sld [smem:$0x3FDB];
	_ =	sdelay $0x1  }
0x9f: {  	s5 =	simm.s32 $_scs_section_size  }
0xa0: {  	s6 =	simm.s32 $_size__tile_overlayer_lowered;
	s7 =	simm.s32 $_tile_overlayer_lowered  }
0xa1: {  	s22 =	simm.s32 $0x1BFF;
	s21 =	sshll.u32 s7, $0x1;
	s4 =	sadd.s32 s5, s19  }
0xa2: {  	s8 =	simm.s32 $0x0;
	s20 =	sshll.u32 s6, $0x1;
	s6 =	sadd.s32 s21, s4  }
0xa3: {  	[timem:s8], [sflag:s22] =	dma.local [hbm:s6], s20  }
0xa4: {  	_ =	swait.ge [sflag:s22], s20  }
0xa5: {  	s5 =	ssub.s32 $0x0, s20;
	[sflag:s22] =	ssyncset.done $0x0  }
0xa6: {  	[sflag:s22] =	ssyncadd.s32 s5;
	_ =	sdelay $0x1  }
0xa7: {  	s23 =	simm.s32 $0x1B8B  }
0xa8: {  	_ =	swait.ge [sflag:s23], $0x1  }
0xa9: {  	[sflag:s23] =	ssyncset.done $0x0  }
0xaa: {  	s25 =	simm.s32 $0x1B8E;
	s24 =	sld [smem:$0x3FFE];
	[sflag:s23] =	ssyncadd.s32 $0xFFFFFFFF  }
0xab: {  	s26 =	simm.s32 $execute0_lowered;
	[smem:$0x3FD2] =	sst s25  }
0xac: {  	s6 =	sshll.u32 s26, $0x1;
	_ =	strace $0x80000049;
	[dreg:$0x1] =	wrdreg $0xFFFFFFFF  }
0xad: {  	s28 =	simm.s32 $_size_execute0_lowered;
	s4 =	sadd.s32 s4, s6;
	[dreg:$0x0] =	wrdreg $0x0  }
0xae: {  	s6 =	sshll.u32 s28, $0x1;
	[dreg:$0x2] =	wrdreg s4  }
0xaf: {  	[dreg:$0x3] =	wrdreg s6  }
0xb0: {  	[dreg:$0x4] =	wrdreg $0xC0  }
0xb1: {  	_ =	task [dreg:s8], $0x5FFFF  }
0xb2: {  	[dreg:$0x1] =	wrdreg $0xFFFFFFFF  }
0xb3: {  	[dreg:$0x0] =	wrdreg $0x60  }
0xb4: {  	[dreg:$0x2] =	wrdreg s24  }
0xb5: {  	[dreg:$0x3] =	wrdreg s16  }
0xb6: {  	[dreg:$0x4] =	wrdreg s17  }
0xb7: {  	[dreg:$0x5] =	wrdreg $0xA3000  }
0xb8: {  	[dreg:$0x6] =	wrdreg $0x1E3000  }
0xb9: {  	[dreg:$0x7] =	wrdreg $0x9  }
0xba: {  	_ =	task.clear_ibuf [dreg:s8], $0x8FFFF;
	_ =	strace $0x90000049  }
0xbb: {  	s29 =	simm.s32 $0x9;
	_ =	strace $0x8000004B  }
0xbc: {  	_ =	swait.ge [sflag:s29], $0x1  }
0xbd: {  	[sflag:s29] =	ssyncadd.s32 $0xFFFFFFFF  }
0xbe: {  	_ =	strace $0x9000004B  }
0xbf: {  	_ =	sfence  }
0xc0: {  	s30 =	sld [smem:$0x0];
	_ =	sdelay $0x2  }
0xc1: {  	s31 =	sshll.u32 s1, $0xD;
	s1 =	sshrl.u32 s1, $0x2  }
0xc2: {  	s3 =	sand.u32 $0x4000, s31;
	s1 =	sadd.s32 s1, s30  }
0xc3: {  	s0 =	sor.u32 s3, s0;
	s1 =	sshll.u32 s1, $0x11  }
0xc4: {  	s0 =	sor.u32 s1, s0  }
0xc5: {  	s0 =	sadd.s32 $0x8F2B, s0  }
0xc6: {  	[sflag:s0] =	ssyncadd.remote.s32 $0x1  }
0xc7: {  	_ =	sfence.sel $0xFFFF  }
0xc8: {  	[dreg:$0x0] =	wrdreg $0xFFFFFFFF;
	(pc) =	sbr.abs _section_cstart, $3  }
0xc9: {  	[dreg:$0x1] =	wrdreg $0xFFFFFFFF  }
0xca: {  	_ =	task.clear_ibuf [dreg:s8], $0x2FFFF;
	_ =	strace $0x9FFFFFFF  }
0xcb: {  	(tm) =	ssettm $0x7FFFFFFF  }
tec
execute0_lowered:
.L_overlay_start_1:
0x0: {  	(tag) =	ssettag $0x1  }
0x1: {  	s0 =	rddreg [dreg:$0x0]  }
0x2: {  	s3 =	rddreg [dreg:$0x3]  }
0x3: {  	s4 =	rddreg [dreg:$0x4]  }
0x4: {  	s1 =	simm.s32 $0x0;
	s19 =	stileid.u32;
	s2 =	srdreg.scid  }
0x5: {  	s28 =	simm.s32 $0x80;
	s29 =	simm.s32 $0x1;
	s30 =	simm.s32 $0x3  }
0x6: {  	s31 =	simm.s32 $0x1F80;
	[smem:$0x7FF] =	sst s1;
	s6 =	sadd.s32 $0x8CA00, s0  }
0x7: {  	s7 =	sadd.s32 $0xB3E00, s0;
	s8 =	sadd.s32 $0x3E200, s0;
	s10 =	sadd.s32 $0x65600, s0  }
0x8: {  	s11 =	sadd.s32 $0x34200, s0;
	s12 =	sadd.s32 $0x2200, s0;
	s22 =	smul.u32 $0xA00, s19  }
0x9: {  	s16 =	smul.u32 $0x2800, s19;
	s2 =	sand.u32 $0x1, s2;
	s20 =	sadd.s32 $0x17B210, s0  }
0xa: {  	s9 =	smul.u32 $0x50000, s19;
	_ =	strace $0x8000004A;
	[dreg:$0x10] =	wrdreg s20  }
0xb: {  	s5 =	ssub.s32 $0x2, s2;
	p0 =	seq.s32 s2, $0x1;
	[dreg:$0x19] =	wrdreg s11  }
0xc: {  	s17 =	sshrl.u32 s22, $0x3;
	[dreg:$0x6] =	wrdreg s16;
	s16 =	sadd.s32 s16, s0  }
0xd: {  	s18 =	sshrl.u32 s5, $0x1;
	[dreg:$0x7] =	wrdreg s17;
	s25 =	sadd.s32 $0x12B200, s16  }
0xe: {  	s23 =	sshrl.u32 s9, $0x2;
	s26 =	sadd.s32 $0xDB200, s16;
	[dreg:$0xa] =	wrdreg s25  }
0xf: {  	s1 =	sshrl.u32 s22, $0x2;
	s16 =	sadd.s32 $0x103200, s0;
	[dreg:$0xb] =	wrdreg s26  }
0x10: {  	s5 =	ssub.s32 s5, s18;
	s18 =	sadd.s32 s23, s3;
	[dreg:$0xd] =	wrdreg s16  }
0x11: {  	s17 =	sadd.s32 s17, s0;
	s2 =	sadd.s32 s1, s4;
	[dreg:$0x8] =	wrdreg s18  }
0x12: {  	s13 =	sadd.s32 $0xC200, s0;
	s24 =	sadd.s32 $0x17B200, s17;
	[dreg:$0xf] =	wrdreg s2  }
0x13: {  	s14 =	sadd.s32 $0x16200, s0;
	s9 =	sadd.s32 $0x17B220, s17;
	[dreg:$0x9] =	wrdreg s24  }
0x14: {  	s15 =	sadd.s32 $0x20200, s0;
	s17 =	sadd.s32 $0x153200, s0;
	[dreg:$0xc] =	wrdreg s9  }
0x15: {  	s23 =	sadd.s32 $0x2A200, s0;
	s0 =	sadd.s32 $0x17B230, s0;
	[dreg:$0xe] =	wrdreg s17  }
0x16: {  	s21 =	smax.u32 s5, $0x1;
	s22 =	sadd.s32 $0x4000, s18;
	[dreg:$0x11] =	wrdreg s0  }
0x17: {  	s25 =	sadd.s32 $0xC000, s18;
	s26 =	sadd.s32 $0x10000, s18;
	[dreg:$0x12] =	wrdreg s21  }
.Ltmp0:
0x18: {  	s5 =	simm.s32 $0xA000;
	[dreg:$0x13] =	wrdreg s22;
	(pc) =	sbr.rel .LBB2_1-.Ltmp0, $4  }
0x19: {  	s16 =	simm.s32 $0xF80;
	s24 =	sadd.s32 $0x8000, s18;
	[dreg:$0x15] =	wrdreg s25  }
0x1a: {  	[dreg:$0x16] =	wrdreg s26;
	s21 =	smul.u32 $0x5000, s19;
	s22 =	simm.s32 $0x2000  }
0x1b: {  	s9 =	simm.s32 $0x6000;
	s25 =	simm.s32 $0x2;
	s17 =	simm.s32 $0x1F00  }
0x1c: {  	v0 =	vimm.f32 $1.000000000e+00;
	v1 =	vimm.f32 $0.0e+00;
	s26 =	simm.s32 $0x0;
	[dreg:$0x14] =	wrdreg s24;
	s24 =	simm.s32 $0x4  }
.LBB2_26:
0x1d: {  	_ =	swait.ge [sflag:s30], $0x80  }
0x1e: {  	[sflag:s30] =	ssyncset.done $0x0  }
0x1f: {  	[sflag:s30] =	ssyncadd.s32 $0xFFFFFF80  }
0x20: {  	s2 =	rddreg [dreg:$0x6];
	[bflag:$0x0] =	sbarrier.arrive $0xFFFF  }
0x21: {  	s18 =	rddreg [dreg:$0x8]  }
0x22: {  	s1 =	sadd.s32 s1, s2;
	s11 =	rddreg [dreg:$0x18];
	s20 =	sshrl.u32 s18, $0x3  }
0x23: {  	[hbm:s1], [sflag:s11] =	dma.local [spmem:s20], $0x2800  }
0x24: {  	_ =	swait.ge [sflag:s24], $0x2800  }
0x25: {  	s20 =	simm.s32 $0x10;
	s19 =	rddreg [dreg:$0x7]  }
0x26: {  	[sflag:s24] =	ssyncset.done $0x0;
	s2 =	rddreg [dreg:$0xf];
	s0 =	sadd.s32 s19, s0  }
0x27: {  	[sflag:s24] =	ssyncadd.s32 $0xFFFFD800;
	s1 =	sshrl.u32 s2, $0x3;
	s19 =	simm.s32 $0x40  }
0x28: {  	[hbm:s0@s19], [sflag:s11] =	dma.strided [spmem:s1@s20], $0x50, s29, $0x10   }
0x29: {  	_ =	swait.ge [sflag:s24], $0x50  }
0x2a: {  	s26 =	sadd.s32 $0x1, s26;
	s20 =	rddreg [dreg:$0x12]  }
0x2b: {  	p1 =	sne.s32 s26, s20  }
.Ltmp1:
0x2c: {  	_ = 	snop;
	(pc) =	sbr.rel @!p1 .LBB2_27-.Ltmp1, $4  }
0x2d: {  	[sflag:s24] =	ssyncset.done $0x0  }
0x2e: {  	[sflag:s24] =	ssyncadd.s32 $0xFFFFFFB0  }
0x2f: {  	[bflag:$0x0] =	sbarrier.arrive $0xFFFF  }
0x30: {  	s11 =	rddreg [dreg:$0x19]  }
.LBB2_1:
0x31: {  	[tilespmem:$0xA000] =	vst v0  }
0x32: {  	[tilespmem:$0xA010] =	vst v0  }
0x33: {  	[tilespmem:$0xA020] =	vst v0  }
0x34: {  	[tilespmem:$0xA030] =	vst v0  }
0x35: {  	[tilespmem:$0xA040] =	vst v0  }
0x36: {  	[tilespmem:$0xA050] =	vst v0  }
0x37: {  	[tilespmem:$0xA060] =	vst v0  }
0x38: {  	[tilespmem:$0xA070] =	vst v0  }
0x39: {  	[tilespmem:$0xA080] =	vst v1  }
0x3a: {  	[tilespmem:$0xA090] =	vst v1  }
0x3b: {  	[tilespmem:$0xA0A0] =	vst v1  }
0x3c: {  	[tilespmem:$0xA0B0] =	vst v1  }
0x3d: {  	[tilespmem:$0xA0C0] =	vst v1  }
0x3e: {  	[tilespmem:$0xA0D0] =	vst v1  }
0x3f: {  	[tilespmem:$0xA0E0] =	vst v1  }
0x40: {  	[tilespmem:$0xA0F0] =	vst v1  }
0x41: {  	[tilespmem:$0xA100] =	vst v1  }
0x42: {  	[tilespmem:$0xA110] =	vst v1  }
0x43: {  	[tilespmem:$0xA120] =	vst v1  }
0x44: {  	[tilespmem:$0xA130] =	vst v1  }
0x45: {  	[tilespmem:$0xA140] =	vst v1  }
0x46: {  	[tilespmem:$0xA150] =	vst v1  }
0x47: {  	[tilespmem:$0xA160] =	vst v1  }
0x48: {  	[tilespmem:$0xA170] =	vst v1  }
0x49: {  	[tilespmem:$0xA180] =	vst v1  }
0x4a: {  	[tilespmem:$0xA190] =	vst v1  }
0x4b: {  	[tilespmem:$0xA1A0] =	vst v1  }
0x4c: {  	[tilespmem:$0xA1B0] =	vst v1  }
0x4d: {  	[tilespmem:$0xA1C0] =	vst v1  }
0x4e: {  	[tilespmem:$0xA1D0] =	vst v1  }
0x4f: {  	[tilespmem:$0xA1E0] =	vst v1  }
0x50: {  	[tilespmem:$0xA1F0] =	vst v1  }
0x51: {  	[tilespmem:$0xA200] =	vst v1  }
0x52: {  	[tilespmem:$0xA210] =	vst v1  }
0x53: {  	[tilespmem:$0xA220] =	vst v1  }
0x54: {  	[tilespmem:$0xA230] =	vst v1  }
0x55: {  	[tilespmem:$0xA240] =	vst v1  }
0x56: {  	[tilespmem:$0xA250] =	vst v1  }
0x57: {  	[tilespmem:$0xA260] =	vst v1  }
0x58: {  	[tilespmem:$0xA270] =	vst v1  }
0x59: {  	[tilespmem:$0xA280] =	vst v1  }
0x5a: {  	[tilespmem:$0xA290] =	vst v1  }
0x5b: {  	[tilespmem:$0xA2A0] =	vst v1  }
.Ltmp2:
0x5c: {  	[tilespmem:$0xA2B0] =	vst v1;
	(pc) =	sbr.rel @!p0 .LBB2_2-.Ltmp2, $4  }
0x5d: {  	[tilespmem:$0xA2C0] =	vst v1  }
0x5e: {  	[tilespmem:$0xA2D0] =	vst v1  }
0x5f: {  	[tilespmem:$0xA2E0] =	vst v1;
	s1 =	simm.s32 $0x0  }
0x60: {  	[dreg:$0x17] =	wrdreg s26;
	[tilespmem:$0xA2F0] =	vst v1;
	s0 =	sshra.s32 s1, $0x2;
	s1 =	sadd.s32 $0x200, s1  }
.LBB2_14:
0x61: {  	p1 =	sne.s32 s1, $0xFE00;
	[tilespmem:s0+$0x2070] =	vst v1  }
0x62: {  	[tilespmem:s0+$0x2000] =	vst v1  }
0x63: {  	[tilespmem:s0+$0x2010] =	vst v1  }
.Ltmp3:
0x64: {  	[tilespmem:s0+$0x2020] =	vst v1;
	(pc) =	sbr.rel @p1 .LBB2_14-.Ltmp3, $4  }
0x65: {  	[tilespmem:s0+$0x2030] =	vst v1  }
0x66: {  	[tilespmem:s0+$0x2040] =	vst v1  }
0x67: {  	[tilespmem:s0+$0x2050] =	vst v1  }
0x68: {  	[tilespmem:s0+$0x2060] =	vst v1;
	s0 =	sshra.s32 s1, $0x2;
	s1 =	sadd.s32 $0x200, s1  }
0x69: {  	[tilespmem:s0+$0x2070] =	vst v1  }
0x6a: {  	[tilespmem:s0+$0x2000] =	vst v1  }
0x6b: {  	[tilespmem:s0+$0x2010] =	vst v1  }
0x6c: {  	[tilespmem:s0+$0x2020] =	vst v1  }
0x6d: {  	[tilespmem:s0+$0x2030] =	vst v1  }
0x6e: {  	[tilespmem:s0+$0x2040] =	vst v1  }
0x6f: {  	[tilespmem:s0+$0x2050] =	vst v1  }
0x70: {  	[tilespmem:s0+$0x2060] =	vst v1  }
0x71: {  	[spmem:s18] =	stream.linear.scatter [tilespmem:s22], [sflag:$0x4], $0x4000, $0x38;
	[tilespmem:$0x1E580] =	vst v63  }
0x72: {  	_ =	swait.ge [sflag:s24], $0x4000  }
0x73: {  	[sflag:s24] =	ssyncset.done $0x0  }
0x74: {  	s11 =	rddreg [dreg:$0x13];
	[sflag:s24] =	ssyncadd.s32 $0xFFFFC000  }
0x75: {  	[spmem:s11] =	stream.linear.scatter [tilespmem:s22], [sflag:$0x4], $0x4000, $0x38;
	[tilespmem:$0x1E580] =	vst v63  }
0x76: {  	_ =	swait.ge [sflag:s24], $0x4000  }
0x77: {  	[sflag:s24] =	ssyncset.done $0x0  }
0x78: {  	s18 =	rddreg [dreg:$0x14];
	[sflag:s24] =	ssyncadd.s32 $0xFFFFC000  }
0x79: {  	[spmem:s18] =	stream.linear.scatter [tilespmem:s22], [sflag:$0x4], $0x4000, $0x38;
	[tilespmem:$0x1E580] =	vst v63  }
0x7a: {  	_ =	swait.ge [sflag:s24], $0x4000  }
0x7b: {  	[sflag:s24] =	ssyncset.done $0x0  }
0x7c: {  	s19 =	rddreg [dreg:$0x15];
	[sflag:s24] =	ssyncadd.s32 $0xFFFFC000  }
0x7d: {  	[spmem:s19] =	stream.linear.scatter [tilespmem:s22], [sflag:$0x4], $0x4000, $0x38;
	[tilespmem:$0x1E580] =	vst v63  }
0x7e: {  	_ =	swait.ge [sflag:s24], $0x4000  }
0x7f: {  	[sflag:s24] =	ssyncset.done $0x0  }
0x80: {  	s20 =	rddreg [dreg:$0x16];
	[sflag:s24] =	ssyncadd.s32 $0xFFFFC000  }
0x81: {  	[spmem:s20] =	stream.linear.scatter [tilespmem:s22], [sflag:$0x4], $0x4000, $0x38;
	[tilespmem:$0x1E580] =	vst v63  }
0x82: {  	_ =	swait.ge [sflag:s24], $0x4000  }
0x83: {  	[sflag:s24] =	ssyncset.done $0x0  }
0x84: {  	s26 =	simm.s32 $0xA080;
	[sflag:s24] =	ssyncadd.s32 $0xFFFFC000  }
0x85: {  	[spmem:s2] =	stream.linear.scatter [tilespmem:s26], [sflag:$0x4], $0x280, $0x38;
	[tilespmem:$0x1E580] =	vst v63  }
0x86: {  	_ =	swait.ge [sflag:s24], $0x280  }
0x87: {  	[sflag:s24] =	ssyncset.done $0x0  }
0x88: {  	[sflag:s24] =	ssyncadd.s32 $0xFFFFFD80  }
0x89: {  	s19 =	simm.s32 $0x0;
	s20 =	simm.s32 $0x0;
	[bflag:$0x0] =	sbarrier.arrive $0xFFFF  }
.LBB2_16:
0x8a: {  	s0 =	sshll.u32 s20, $0xC  }
0x8b: {  	s0 =	sadd.s32 s21, s0  }
0x8c: {  	s0 =	sshrl.u32 s0, $0x3  }
0x8d: {  	s1 =	sadd.s32 s12, s0  }
0x8e: {  	[tilespmem:s19], [sflag:$0x4] =	stream.linear.gather [hbm4b:s1+s19], $0x1000, $0x38;
	[tilespmem:$0x1E580] =	vst v63  }
0x8f: {  	_ =	swait.ge [sflag:s24], $0x1000  }
0x90: {  	[sflag:s24] =	ssyncset.done $0x0  }
0x91: {  	s2 =	simm.s32 $0x1000;
	s0 =	sadd.s32 s23, s0;
	[sflag:s24] =	ssyncadd.s32 $0xFFFFF000  }
0x92: {  	[tilespmem:s2], [sflag:$0x4] =	stream.linear.gather [hbm4b:s0+s19], $0x1000, $0x38;
	[tilespmem:$0x1E580] =	vst v63  }
0x93: {  	_ =	swait.ge [sflag:s24], $0x1000  }
0x94: {  	[sflag:s24] =	ssyncset.done $0x0  }
0x95: {  	[sflag:s24] =	ssyncadd.s32 $0xFFFFF000  }
0x96: {  	[tilespmem:s22], [sflag:$0x1] =	stream.indirect.gather [hbm4b:s8+s28], $0x80, s19, s28, $0xb8;
	[tilespmem:$0x1E580] =	vst v63  }
0x97: {  	_ =	swait.ge [sflag:s29], $0x4000  }
0x98: {  	[sflag:s29] =	ssyncset.done $0x0  }
0x99: {  	s11 =	simm.s32 $0x80;
	[sflag:s29] =	ssyncadd.s32 $0xFFFFC000  }
0x9a: {  	[tilespmem:s9], [sflag:$0x2] =	stream.indirect.gather [hbm4b:s8+s28], $0x80, s11, s28, $0xb8;
	[tilespmem:$0x1E580] =	vst v63  }
0x9b: {  	_ = 	snop  }
0x9c: {  	[spmem:s3] =	stream.indirect.scatter.add.f32 [tilespmem:s22], [sflag:$0x4], $0x80, s2, s28, $0xb8;
	[tilespmem:$0x1E580] =	vst v63  }
0x9d: {  	s18 =	sor.u32 s20, s19;
	_ =	swait.ge [sflag:s24], $0x4000  }
0x9e: {  	p1 =	seq.s32 s18, $0x0;
	[sflag:s24] =	ssyncset.done $0x0  }
0x9f: {  	s0 =	simm.s32 @!p1 $0x3;
	[sflag:s24] =	ssyncadd.s32 $0xFFFFC000  }
0xa0: {  	_ =	swait.ge @!p1 [sflag:s0], $0x80  }
0xa1: {  	[sflag:s0] =	ssyncset.done @!p1 $0x0  }
0xa2: {  	[sflag:s0] =	ssyncadd.s32 @!p1 $0xFFFFFF80  }
0xa3: {  	[spmem:s4] =	stream.indirect.scatter.add.f32 [tilespmem:s5], [sflag:$0x3], $0x1, s2, s28, $0xb8;
	[tilespmem:$0x1E580] =	vst v63  }
0xa4: {  	s26 =	simm.s32 $0x100  }
0xa5: {  	[tilespmem:s22], [sflag:$0x1] =	stream.indirect.gather [hbm4b:s8+s28], $0x80, s26, s28, $0xb8;
	[tilespmem:$0x1E580] =	vst v63  }
0xa6: {  	_ =	swait.ge [sflag:s25], $0x4000  }
0xa7: {  	[sflag:s25] =	ssyncset.done $0x0  }
0xa8: {  	s2 =	simm.s32 $0x1080;
	[sflag:s25] =	ssyncadd.s32 $0xFFFFC000  }
0xa9: {  	[spmem:s3] =	stream.indirect.scatter.add.f32 [tilespmem:s9], [sflag:$0x4], $0x80, s2, s28, $0xb8;
	[tilespmem:$0x1E580] =	vst v63  }
0xaa: {  	_ =	swait.ge [sflag:s24], $0x4000  }
0xab: {  	[sflag:s24] =	ssyncset.done $0x0  }
0xac: {  	[sflag:s24] =	ssyncadd.s32 $0xFFFFC000  }
0xad: {  	_ =	swait.ge [sflag:s30], $0x80  }
0xae: {  	s18 =	simm.s32 $0x1;
	[sflag:s30] =	ssyncset.done $0x0  }
0xaf: {  	s1 =	simm.s32 $0x1100;
	s0 =	simm.s32 $0x200;
	[sflag:s30] =	ssyncadd.s32 $0xFFFFFF80  }
.LBB2_17:
0xb0: {  	[spmem:s4] =	stream.indirect.scatter.add.f32 [tilespmem:s5], [sflag:$0x3], $0x1, s2, s28, $0xb8;
	[tilespmem:$0x1E580] =	vst v63  }
0xb1: {  	s2 =	smov.u32 s18;
	s18 =	sadd.s32 $0x1, s18;
	_ =	swait.ge [sflag:s29], $0x4000  }
0xb2: {  	p1 =	sne.s32 s18, $0xF;
	[sflag:s29] =	ssyncset.done $0x0  }
0xb3: {  	s26 =	sadd.s32 $0xFFFFFF80, s0;
	[sflag:s29] =	ssyncadd.s32 $0xFFFFC000  }
0xb4: {  	[tilespmem:s9], [sflag:$0x2] =	stream.indirect.gather [hbm4b:s8+s28], $0x80, s26, s28, $0xb8;
	[tilespmem:$0x1E580] =	vst v63  }
0xb5: {  	_ = 	snop  }
0xb6: {  	[spmem:s3] =	stream.indirect.scatter.add.f32 [tilespmem:s22], [sflag:$0x4], $0x80, s1, s28, $0xb8;
	[tilespmem:$0x1E580] =	vst v63  }
0xb7: {  	s2 =	sor.u32 s20, s2;
	_ =	swait.ge [sflag:s24], $0x4000  }
0xb8: {  	p2 =	seq.s32 s2, $0x0;
	[sflag:s24] =	ssyncset.done $0x0  }
0xb9: {  	s2 =	simm.s32 @!p2 $0x3;
	[sflag:s24] =	ssyncadd.s32 $0xFFFFC000  }
0xba: {  	_ =	swait.ge @!p2 [sflag:s2], $0x80  }
0xbb: {  	[sflag:s2] =	ssyncset.done @!p2 $0x0  }
0xbc: {  	[sflag:s2] =	ssyncadd.s32 @!p2 $0xFFFFFF80  }
0xbd: {  	[spmem:s4] =	stream.indirect.scatter.add.f32 [tilespmem:s5], [sflag:$0x3], $0x1, s1, s28, $0xb8;
	[tilespmem:$0x1E580] =	vst v63  }
0xbe: {  	_ = 	snop  }
0xbf: {  	[tilespmem:s22], [sflag:$0x1] =	stream.indirect.gather [hbm4b:s8+s28], $0x80, s0, s28, $0xb8;
	[tilespmem:$0x1E580] =	vst v63  }
0xc0: {  	_ =	swait.ge [sflag:s25], $0x4000  }
0xc1: {  	[sflag:s25] =	ssyncset.done $0x0  }
0xc2: {  	s2 =	sadd.s32 $0x80, s1;
	[sflag:s25] =	ssyncadd.s32 $0xFFFFC000  }
0xc3: {  	[spmem:s3] =	stream.indirect.scatter.add.f32 [tilespmem:s9], [sflag:$0x4], $0x80, s2, s28, $0xb8;
	[tilespmem:$0x1E580] =	vst v63  }
0xc4: {  	_ =	swait.ge [sflag:s24], $0x4000  }
.Ltmp4:
0xc5: {  	[sflag:s24] =	ssyncset.done $0x0;
	(pc) =	sbr.rel @p1 .LBB2_17-.Ltmp4, $4  }
0xc6: {  	[sflag:s24] =	ssyncadd.s32 $0xFFFFC000  }
0xc7: {  	_ =	swait.ge [sflag:s30], $0x80  }
0xc8: {  	[sflag:s30] =	ssyncset.done $0x0  }
0xc9: {  	s1 =	sadd.s32 $0x100, s1;
	s0 =	sadd.s32 $0x100, s0;
	[sflag:s30] =	ssyncadd.s32 $0xFFFFFF80  }
0xca: {  	[spmem:s4] =	stream.indirect.scatter.add.f32 [tilespmem:s5], [sflag:$0x3], $0x1, s2, s28, $0xb8;
	[tilespmem:$0x1E580] =	vst v63  }
0xcb: {  	_ =	swait.ge [sflag:s29], $0x4000  }
0xcc: {  	[sflag:s29] =	ssyncset.done $0x0  }
0xcd: {  	[sflag:s29] =	ssyncadd.s32 $0xFFFFC000  }
0xce: {  	[tilespmem:s9], [sflag:$0x2] =	stream.indirect.gather [hbm4b:s8+s28], $0x80, s16, s28, $0xb8;
	[tilespmem:$0x1E580] =	vst v63  }
0xcf: {  	_ = 	snop  }
0xd0: {  	[spmem:s3] =	stream.indirect.scatter.add.f32 [tilespmem:s22], [sflag:$0x4], $0x80, s17, s28, $0xb8;
	[tilespmem:$0x1E580] =	vst v63  }
0xd1: {  	_ =	swait.ge [sflag:s24], $0x4000  }
0xd2: {  	[sflag:s24] =	ssyncset.done $0x0  }
0xd3: {  	[sflag:s24] =	ssyncadd.s32 $0xFFFFC000  }
0xd4: {  	_ =	swait.ge [sflag:s30], $0x80  }
0xd5: {  	[sflag:s30] =	ssyncset.done $0x0  }
0xd6: {  	[sflag:s30] =	ssyncadd.s32 $0xFFFFFF80  }
0xd7: {  	[spmem:s4] =	stream.indirect.scatter.add.f32 [tilespmem:s5], [sflag:$0x3], $0x1, s17, s28, $0xb8;
	[tilespmem:$0x1E580] =	vst v63  }
0xd8: {  	_ =	swait.ge [sflag:s25], $0x4000  }
0xd9: {  	[sflag:s25] =	ssyncset.done $0x0  }
0xda: {  	[sflag:s25] =	ssyncadd.s32 $0xFFFFC000  }
0xdb: {  	[spmem:s3] =	stream.indirect.scatter.add.f32 [tilespmem:s9], [sflag:$0x4], $0x80, s31, s28, $0xb8;
	[tilespmem:$0x1E580] =	vst v63  }
0xdc: {  	s20 =	sadd.s32 $0x1, s20;
	_ =	swait.ge [sflag:s24], $0x4000  }
0xdd: {  	p1 =	sne.s32 s20, $0x5;
	[sflag:s24] =	ssyncset.done $0x0  }
.Ltmp5:
0xde: {  	[sflag:s24] =	ssyncadd.s32 $0xFFFFC000;
	(pc) =	sbr.rel @p1 .LBB2_16-.Ltmp5, $4  }
0xdf: {  	_ =	swait.ge [sflag:s30], $0x80  }
0xe0: {  	[sflag:s30] =	ssyncset.done $0x0  }
0xe1: {  	[sflag:s30] =	ssyncadd.s32 $0xFFFFFF80  }
0xe2: {  	[spmem:s4] =	stream.indirect.scatter.add.f32 [tilespmem:s5], [sflag:$0x3], $0x1, s31, s28, $0xb8;
	[tilespmem:$0x1E580] =	vst v63  }
0xe3: {  	_ =	swait.ge [sflag:s30], $0x80  }
0xe4: {  	[sflag:s30] =	ssyncset.done $0x0  }
0xe5: {  	[sflag:s30] =	ssyncadd.s32 $0xFFFFFF80  }
0xe6: {  	s0 =	stileid.u32;
	[bflag:$0x0] =	sbarrier.arrive $0xFFFF  }
0xe7: {  	s0 =	sshll.u32 s0, $0x6;
	s2 =	rddreg [dreg:$0x8]  }
0xe8: {  	s26 =	sor.u32 $0x1C04, s0;
	s1 =	rddreg [dreg:$0xa];
	s20 =	sshrl.u32 s2, $0x3  }
0xe9: {  	[hbm:s1], [sflag:s26] =	dma.local [spmem:s20], $0x2800  }
0xea: {  	s19 =	simm.s32 $0x40;
	_ =	swait.ge [sflag:s24], $0x2800;
	[dreg:$0x18] =	wrdreg s26  }
0xeb: {  	s20 =	simm.s32 $0x10;
	[sflag:s24] =	ssyncset.done $0x0;
	s18 =	rddreg [dreg:$0xf]  }
0xec: {  	s11 =	rddreg [dreg:$0xc];
	[sflag:s24] =	ssyncadd.s32 $0xFFFFD800;
	s1 =	sshrl.u32 s18, $0x3  }
0xed: {  	[hbm:s11@s19], [sflag:s26] =	dma.strided [spmem:s1@s20], $0x50, s29, $0x10   }
0xee: {  	_ =	swait.ge [sflag:s24], $0x50  }
0xef: {  	[sflag:s24] =	ssyncset.done $0x0  }
0xf0: {  	[sflag:s24] =	ssyncadd.s32 $0xFFFFFFB0  }
0xf1: {  	s0 =	simm.s32 $0x0;
	s1 =	simm.s32 $0x200;
	[bflag:$0x0] =	sbarrier.arrive $0xFFFF  }
.LBB2_20:
0xf2: {  	p1 =	sne.s32 s1, $0xFE00;
	[tilespmem:s0+$0x2070] =	vst v1  }
0xf3: {  	[tilespmem:s0+$0x2000] =	vst v1  }
0xf4: {  	[tilespmem:s0+$0x2010] =	vst v1  }
.Ltmp6:
0xf5: {  	[tilespmem:s0+$0x2020] =	vst v1;
	(pc) =	sbr.rel @p1 .LBB2_20-.Ltmp6, $4  }
0xf6: {  	[tilespmem:s0+$0x2030] =	vst v1  }
0xf7: {  	[tilespmem:s0+$0x2040] =	vst v1  }
0xf8: {  	[tilespmem:s0+$0x2050] =	vst v1  }
0xf9: {  	[tilespmem:s0+$0x2060] =	vst v1;
	s0 =	sshra.s32 s1, $0x2;
	s1 =	sadd.s32 $0x200, s1  }
0xfa: {  	[tilespmem:s0+$0x2070] =	vst v1  }
0xfb: {  	[tilespmem:s0+$0x2000] =	vst v1  }
0xfc: {  	[tilespmem:s0+$0x2010] =	vst v1  }
0xfd: {  	[tilespmem:s0+$0x2020] =	vst v1  }
0xfe: {  	[tilespmem:s0+$0x2030] =	vst v1  }
0xff: {  	[tilespmem:s0+$0x2040] =	vst v1  }
0x100: {  	[tilespmem:s0+$0x2050] =	vst v1  }
0x101: {  	[tilespmem:s0+$0x2060] =	vst v1  }
0x102: {  	[spmem:s2] =	stream.linear.scatter [tilespmem:s22], [sflag:$0x4], $0x4000, $0x38;
	[tilespmem:$0x1E580] =	vst v63  }
0x103: {  	_ =	swait.ge [sflag:s24], $0x4000  }
0x104: {  	[sflag:s24] =	ssyncset.done $0x0  }
0x105: {  	s2 =	rddreg [dreg:$0x13];
	[sflag:s24] =	ssyncadd.s32 $0xFFFFC000  }
0x106: {  	[spmem:s2] =	stream.linear.scatter [tilespmem:s22], [sflag:$0x4], $0x4000, $0x38;
	[tilespmem:$0x1E580] =	vst v63  }
0x107: {  	_ =	swait.ge [sflag:s24], $0x4000  }
0x108: {  	[sflag:s24] =	ssyncset.done $0x0  }
0x109: {  	s11 =	rddreg [dreg:$0x14];
	[sflag:s24] =	ssyncadd.s32 $0xFFFFC000  }
0x10a: {  	[spmem:s11] =	stream.linear.scatter [tilespmem:s22], [sflag:$0x4], $0x4000, $0x38;
	[tilespmem:$0x1E580] =	vst v63  }
0x10b: {  	_ =	swait.ge [sflag:s24], $0x4000  }
0x10c: {  	[sflag:s24] =	ssyncset.done $0x0  }
0x10d: {  	s19 =	rddreg [dreg:$0x15];
	[sflag:s24] =	ssyncadd.s32 $0xFFFFC000  }
0x10e: {  	[spmem:s19] =	stream.linear.scatter [tilespmem:s22], [sflag:$0x4], $0x4000, $0x38;
	[tilespmem:$0x1E580] =	vst v63  }
0x10f: {  	_ =	swait.ge [sflag:s24], $0x4000  }
0x110: {  	[sflag:s24] =	ssyncset.done $0x0  }
0x111: {  	s20 =	rddreg [dreg:$0x16];
	[sflag:s24] =	ssyncadd.s32 $0xFFFFC000  }
0x112: {  	[spmem:s20] =	stream.linear.scatter [tilespmem:s22], [sflag:$0x4], $0x4000, $0x38;
	[tilespmem:$0x1E580] =	vst v63  }
0x113: {  	_ =	swait.ge [sflag:s24], $0x4000  }
0x114: {  	[sflag:s24] =	ssyncset.done $0x0  }
0x115: {  	s26 =	simm.s32 $0xA080;
	[sflag:s24] =	ssyncadd.s32 $0xFFFFC000  }
0x116: {  	[spmem:s18] =	stream.linear.scatter [tilespmem:s26], [sflag:$0x4], $0x280, $0x38;
	[tilespmem:$0x1E580] =	vst v63  }
0x117: {  	_ =	swait.ge [sflag:s24], $0x280  }
0x118: {  	[sflag:s24] =	ssyncset.done $0x0  }
0x119: {  	[sflag:s24] =	ssyncadd.s32 $0xFFFFFD80  }
0x11a: {  	s20 =	simm.s32 $0x0;
	s26 =	simm.s32 $0x0;
	[bflag:$0x0] =	sbarrier.arrive $0xFFFF  }
.LBB2_22:
0x11b: {  	s0 =	sshll.u32 s26, $0xC  }
0x11c: {  	s0 =	sadd.s32 s21, s0  }
0x11d: {  	s0 =	sshrl.u32 s0, $0x3  }
0x11e: {  	s1 =	sadd.s32 s13, s0  }
0x11f: {  	[tilespmem:s20], [sflag:$0x4] =	stream.linear.gather [hbm4b:s1+s20], $0x1000, $0x38;
	[tilespmem:$0x1E580] =	vst v63  }
0x120: {  	_ =	swait.ge [sflag:s24], $0x1000  }
0x121: {  	[sflag:s24] =	ssyncset.done $0x0  }
0x122: {  	[sflag:s24] =	ssyncadd.s32 $0xFFFFF000  }
0x123: {  	s19 =	rddreg [dreg:$0x2]  }
0x124: {  	s2 =	simm.s32 $0x1000;
	s0 =	sadd.s32 s19, s0  }
0x125: {  	[tilespmem:s2], [sflag:$0x4] =	stream.linear.gather [hbm4b:s0+s20], $0x1000, $0x38;
	[tilespmem:$0x1E580] =	vst v63  }
0x126: {  	_ =	swait.ge [sflag:s24], $0x1000  }
0x127: {  	[sflag:s24] =	ssyncset.done $0x0  }
0x128: {  	[sflag:s24] =	ssyncadd.s32 $0xFFFFF000  }
0x129: {  	[tilespmem:s22], [sflag:$0x1] =	stream.indirect.gather [hbm4b:s10+s28], $0x80, s20, s28, $0xb8;
	[tilespmem:$0x1E580] =	vst v63  }
0x12a: {  	_ =	swait.ge [sflag:s29], $0x4000  }
0x12b: {  	[sflag:s29] =	ssyncset.done $0x0  }
0x12c: {  	s11 =	simm.s32 $0x80;
	[sflag:s29] =	ssyncadd.s32 $0xFFFFC000  }
0x12d: {  	[tilespmem:s9], [sflag:$0x2] =	stream.indirect.gather [hbm4b:s10+s28], $0x80, s11, s28, $0xb8;
	[tilespmem:$0x1E580] =	vst v63  }
0x12e: {  	_ = 	snop  }
0x12f: {  	[spmem:s3] =	stream.indirect.scatter.add.f32 [tilespmem:s22], [sflag:$0x4], $0x80, s2, s28, $0xb8;
	[tilespmem:$0x1E580] =	vst v63  }
0x130: {  	s18 =	sor.u32 s26, s20;
	_ =	swait.ge [sflag:s24], $0x4000  }
0x131: {  	p1 =	seq.s32 s18, $0x0;
	[sflag:s24] =	ssyncset.done $0x0  }
0x132: {  	s0 =	simm.s32 @!p1 $0x3;
	[sflag:s24] =	ssyncadd.s32 $0xFFFFC000  }
0x133: {  	_ =	swait.ge @!p1 [sflag:s0], $0x80  }
0x134: {  	[sflag:s0] =	ssyncset.done @!p1 $0x0  }
0x135: {  	[sflag:s0] =	ssyncadd.s32 @!p1 $0xFFFFFF80  }
0x136: {  	[spmem:s4] =	stream.indirect.scatter.add.f32 [tilespmem:s5], [sflag:$0x3], $0x1, s2, s28, $0xb8;
	[tilespmem:$0x1E580] =	vst v63  }
0x137: {  	s19 =	simm.s32 $0x100  }
0x138: {  	[tilespmem:s22], [sflag:$0x1] =	stream.indirect.gather [hbm4b:s10+s28], $0x80, s19, s28, $0xb8;
	[tilespmem:$0x1E580] =	vst v63  }
0x139: {  	_ =	swait.ge [sflag:s25], $0x4000  }
0x13a: {  	[sflag:s25] =	ssyncset.done $0x0  }
0x13b: {  	s2 =	simm.s32 $0x1080;
	[sflag:s25] =	ssyncadd.s32 $0xFFFFC000  }
0x13c: {  	[spmem:s3] =	stream.indirect.scatter.add.f32 [tilespmem:s9], [sflag:$0x4], $0x80, s2, s28, $0xb8;
	[tilespmem:$0x1E580] =	vst v63  }
0x13d: {  	_ =	swait.ge [sflag:s24], $0x4000  }
0x13e: {  	[sflag:s24] =	ssyncset.done $0x0  }
0x13f: {  	[sflag:s24] =	ssyncadd.s32 $0xFFFFC000  }
0x140: {  	_ =	swait.ge [sflag:s30], $0x80  }
0x141: {  	s18 =	simm.s32 $0x1;
	[sflag:s30] =	ssyncset.done $0x0  }
0x142: {  	s1 =	simm.s32 $0x1100;
	s0 =	simm.s32 $0x200;
	[sflag:s30] =	ssyncadd.s32 $0xFFFFFF80  }
.LBB2_23:
0x143: {  	[spmem:s4] =	stream.indirect.scatter.add.f32 [tilespmem:s5], [sflag:$0x3], $0x1, s2, s28, $0xb8;
	[tilespmem:$0x1E580] =	vst v63  }
0x144: {  	s2 =	smov.u32 s18;
	s18 =	sadd.s32 $0x1, s18;
	_ =	swait.ge [sflag:s29], $0x4000  }
0x145: {  	p1 =	sne.s32 s18, $0xF;
	[sflag:s29] =	ssyncset.done $0x0  }
0x146: {  	s19 =	sadd.s32 $0xFFFFFF80, s0;
	[sflag:s29] =	ssyncadd.s32 $0xFFFFC000  }
0x147: {  	[tilespmem:s9], [sflag:$0x2] =	stream.indirect.gather [hbm4b:s10+s28], $0x80, s19, s28, $0xb8;
	[tilespmem:$0x1E580] =	vst v63  }
0x148: {  	_ = 	snop  }
0x149: {  	[spmem:s3] =	stream.indirect.scatter.add.f32 [tilespmem:s22], [sflag:$0x4], $0x80, s1, s28, $0xb8;
	[tilespmem:$0x1E580] =	vst v63  }
0x14a: {  	s2 =	sor.u32 s26, s2;
	_ =	swait.ge [sflag:s24], $0x4000  }
0x14b: {  	p2 =	seq.s32 s2, $0x0;
	[sflag:s24] =	ssyncset.done $0x0  }
0x14c: {  	s2 =	simm.s32 @!p2 $0x3;
	[sflag:s24] =	ssyncadd.s32 $0xFFFFC000  }
0x14d: {  	_ =	swait.ge @!p2 [sflag:s2], $0x80  }
0x14e: {  	[sflag:s2] =	ssyncset.done @!p2 $0x0  }
0x14f: {  	[sflag:s2] =	ssyncadd.s32 @!p2 $0xFFFFFF80  }
0x150: {  	[spmem:s4] =	stream.indirect.scatter.add.f32 [tilespmem:s5], [sflag:$0x3], $0x1, s1, s28, $0xb8;
	[tilespmem:$0x1E580] =	vst v63  }
0x151: {  	_ = 	snop  }
0x152: {  	[tilespmem:s22], [sflag:$0x1] =	stream.indirect.gather [hbm4b:s10+s28], $0x80, s0, s28, $0xb8;
	[tilespmem:$0x1E580] =	vst v63  }
0x153: {  	_ =	swait.ge [sflag:s25], $0x4000  }
0x154: {  	[sflag:s25] =	ssyncset.done $0x0  }
0x155: {  	s2 =	sadd.s32 $0x80, s1;
	[sflag:s25] =	ssyncadd.s32 $0xFFFFC000  }
0x156: {  	[spmem:s3] =	stream.indirect.scatter.add.f32 [tilespmem:s9], [sflag:$0x4], $0x80, s2, s28, $0xb8;
	[tilespmem:$0x1E580] =	vst v63  }
0x157: {  	_ =	swait.ge [sflag:s24], $0x4000  }
.Ltmp7:
0x158: {  	[sflag:s24] =	ssyncset.done $0x0;
	(pc) =	sbr.rel @p1 .LBB2_23-.Ltmp7, $4  }
0x159: {  	[sflag:s24] =	ssyncadd.s32 $0xFFFFC000  }
0x15a: {  	_ =	swait.ge [sflag:s30], $0x80  }
0x15b: {  	[sflag:s30] =	ssyncset.done $0x0  }
0x15c: {  	s1 =	sadd.s32 $0x100, s1;
	s0 =	sadd.s32 $0x100, s0;
	[sflag:s30] =	ssyncadd.s32 $0xFFFFFF80  }
0x15d: {  	[spmem:s4] =	stream.indirect.scatter.add.f32 [tilespmem:s5], [sflag:$0x3], $0x1, s2, s28, $0xb8;
	[tilespmem:$0x1E580] =	vst v63  }
0x15e: {  	_ =	swait.ge [sflag:s29], $0x4000  }
0x15f: {  	[sflag:s29] =	ssyncset.done $0x0  }
0x160: {  	[sflag:s29] =	ssyncadd.s32 $0xFFFFC000  }
0x161: {  	[tilespmem:s9], [sflag:$0x2] =	stream.indirect.gather [hbm4b:s10+s28], $0x80, s16, s28, $0xb8;
	[tilespmem:$0x1E580] =	vst v63  }
0x162: {  	_ = 	snop  }
0x163: {  	[spmem:s3] =	stream.indirect.scatter.add.f32 [tilespmem:s22], [sflag:$0x4], $0x80, s17, s28, $0xb8;
	[tilespmem:$0x1E580] =	vst v63  }
0x164: {  	_ =	swait.ge [sflag:s24], $0x4000  }
0x165: {  	[sflag:s24] =	ssyncset.done $0x0  }
0x166: {  	[sflag:s24] =	ssyncadd.s32 $0xFFFFC000  }
0x167: {  	_ =	swait.ge [sflag:s30], $0x80  }
0x168: {  	[sflag:s30] =	ssyncset.done $0x0  }
0x169: {  	[sflag:s30] =	ssyncadd.s32 $0xFFFFFF80  }
0x16a: {  	[spmem:s4] =	stream.indirect.scatter.add.f32 [tilespmem:s5], [sflag:$0x3], $0x1, s17, s28, $0xb8;
	[tilespmem:$0x1E580] =	vst v63  }
0x16b: {  	_ =	swait.ge [sflag:s25], $0x4000  }
0x16c: {  	[sflag:s25] =	ssyncset.done $0x0  }
0x16d: {  	[sflag:s25] =	ssyncadd.s32 $0xFFFFC000  }
0x16e: {  	[spmem:s3] =	stream.indirect.scatter.add.f32 [tilespmem:s9], [sflag:$0x4], $0x80, s31, s28, $0xb8;
	[tilespmem:$0x1E580] =	vst v63  }
0x16f: {  	s26 =	sadd.s32 $0x1, s26;
	_ =	swait.ge [sflag:s24], $0x4000  }
0x170: {  	p1 =	sne.s32 s26, $0x5;
	[sflag:s24] =	ssyncset.done $0x0  }
.Ltmp8:
0x171: {  	[sflag:s24] =	ssyncadd.s32 $0xFFFFC000;
	(pc) =	sbr.rel @p1 .LBB2_22-.Ltmp8, $4  }
0x172: {  	_ =	swait.ge [sflag:s30], $0x80  }
0x173: {  	[sflag:s30] =	ssyncset.done $0x0  }
0x174: {  	[sflag:s30] =	ssyncadd.s32 $0xFFFFFF80  }
0x175: {  	[spmem:s4] =	stream.indirect.scatter.add.f32 [tilespmem:s5], [sflag:$0x3], $0x1, s31, s28, $0xb8;
	[tilespmem:$0x1E580] =	vst v63  }
.Ltmp9:
0x176: {  	(pc) =	sbr.rel .LBB2_26-.Ltmp9, $4  }
0x177: {  	_ = 	snop  }
0x178: {  	s1 =	rddreg [dreg:$0xe]  }
0x179: {  	s0 =	rddreg [dreg:$0x11]  }
0x17a: {  	s26 =	rddreg [dreg:$0x17]  }
.LBB2_2:
0x17b: {  	p1 =	sne.s32 s1, $0xFE00;
	[tilespmem:s0+$0x2070] =	vst v1  }
0x17c: {  	[tilespmem:s0+$0x2000] =	vst v1  }
0x17d: {  	[tilespmem:s0+$0x2010] =	vst v1  }
.Ltmp10:
0x17e: {  	[tilespmem:s0+$0x2020] =	vst v1;
	(pc) =	sbr.rel @p1 .LBB2_2-.Ltmp10, $4  }
0x17f: {  	[tilespmem:s0+$0x2030] =	vst v1  }
0x180: {  	[tilespmem:s0+$0x2040] =	vst v1  }
0x181: {  	[tilespmem:s0+$0x2050] =	vst v1  }
0x182: {  	[tilespmem:s0+$0x2060] =	vst v1;
	s0 =	sshra.s32 s1, $0x2;
	s1 =	sadd.s32 $0x200, s1  }
0x183: {  	[tilespmem:s0+$0x2070] =	vst v1  }
0x184: {  	[tilespmem:s0+$0x2000] =	vst v1  }
0x185: {  	[tilespmem:s0+$0x2010] =	vst v1  }
0x186: {  	[tilespmem:s0+$0x2020] =	vst v1  }
0x187: {  	[tilespmem:s0+$0x2030] =	vst v1  }
0x188: {  	[tilespmem:s0+$0x2040] =	vst v1  }
0x189: {  	[tilespmem:s0+$0x2050] =	vst v1  }
0x18a: {  	[tilespmem:s0+$0x2060] =	vst v1  }
0x18b: {  	[spmem:s18] =	stream.linear.scatter [tilespmem:s22], [sflag:$0x4], $0x4000, $0x38;
	[tilespmem:$0x1E580] =	vst v63  }
0x18c: {  	_ =	swait.ge [sflag:s24], $0x4000  }
0x18d: {  	[sflag:s24] =	ssyncset.done $0x0  }
0x18e: {  	s1 =	rddreg [dreg:$0x13];
	[sflag:s24] =	ssyncadd.s32 $0xFFFFC000  }
0x18f: {  	[spmem:s1] =	stream.linear.scatter [tilespmem:s22], [sflag:$0x4], $0x4000, $0x38;
	[tilespmem:$0x1E580] =	vst v63  }
0x190: {  	_ =	swait.ge [sflag:s24], $0x4000  }
0x191: {  	[sflag:s24] =	ssyncset.done $0x0  }
0x192: {  	s18 =	rddreg [dreg:$0x14];
	[sflag:s24] =	ssyncadd.s32 $0xFFFFC000  }
0x193: {  	[spmem:s18] =	stream.linear.scatter [tilespmem:s22], [sflag:$0x4], $0x4000, $0x38;
	[tilespmem:$0x1E580] =	vst v63  }
0x194: {  	_ =	swait.ge [sflag:s24], $0x4000  }
0x195: {  	[sflag:s24] =	ssyncset.done $0x0  }
0x196: {  	s19 =	rddreg [dreg:$0x15];
	[sflag:s24] =	ssyncadd.s32 $0xFFFFC000  }
0x197: {  	[spmem:s19] =	stream.linear.scatter [tilespmem:s22], [sflag:$0x4], $0x4000, $0x38;
	[tilespmem:$0x1E580] =	vst v63  }
0x198: {  	_ =	swait.ge [sflag:s24], $0x4000  }
0x199: {  	[sflag:s24] =	ssyncset.done $0x0  }
0x19a: {  	s20 =	rddreg [dreg:$0x16];
	[sflag:s24] =	ssyncadd.s32 $0xFFFFC000  }
0x19b: {  	[spmem:s20] =	stream.linear.scatter [tilespmem:s22], [sflag:$0x4], $0x4000, $0x38;
	[tilespmem:$0x1E580] =	vst v63  }
0x19c: {  	_ =	swait.ge [sflag:s24], $0x4000  }
0x19d: {  	[sflag:s24] =	ssyncset.done $0x0  }
0x19e: {  	s26 =	simm.s32 $0xA080;
	[sflag:s24] =	ssyncadd.s32 $0xFFFFC000  }
0x19f: {  	[spmem:s2] =	stream.linear.scatter [tilespmem:s26], [sflag:$0x4], $0x280, $0x38;
	[tilespmem:$0x1E580] =	vst v63  }
0x1a0: {  	_ =	swait.ge [sflag:s24], $0x280  }
0x1a1: {  	[sflag:s24] =	ssyncset.done $0x0  }
0x1a2: {  	[sflag:s24] =	ssyncadd.s32 $0xFFFFFD80  }
0x1a3: {  	s19 =	simm.s32 $0x0;
	s20 =	simm.s32 $0x0;
	[bflag:$0x0] =	sbarrier.arrive $0xFFFF  }
.LBB2_4:
0x1a4: {  	s0 =	sshll.u32 s20, $0xC  }
0x1a5: {  	s0 =	sadd.s32 s21, s0  }
0x1a6: {  	s0 =	sshrl.u32 s0, $0x3  }
0x1a7: {  	s1 =	sadd.s32 s11, s0  }
0x1a8: {  	[tilespmem:s19], [sflag:$0x4] =	stream.linear.gather [hbm4b:s1+s19], $0x1000, $0x38;
	[tilespmem:$0x1E580] =	vst v63  }
0x1a9: {  	_ =	swait.ge [sflag:s24], $0x1000  }
0x1aa: {  	[sflag:s24] =	ssyncset.done $0x0  }
0x1ab: {  	s26 =	simm.s32 $0x1000;
	s0 =	sadd.s32 s14, s0;
	[sflag:s24] =	ssyncadd.s32 $0xFFFFF000  }
0x1ac: {  	[tilespmem:s26], [sflag:$0x4] =	stream.linear.gather [hbm4b:s0+s19], $0x1000, $0x38;
	[tilespmem:$0x1E580] =	vst v63  }
0x1ad: {  	_ =	swait.ge [sflag:s24], $0x1000  }
0x1ae: {  	[sflag:s24] =	ssyncset.done $0x0  }
0x1af: {  	[sflag:s24] =	ssyncadd.s32 $0xFFFFF000  }
0x1b0: {  	[tilespmem:s22], [sflag:$0x1] =	stream.indirect.gather [hbm4b:s6+s28], $0x80, s19, s28, $0xb8;
	[tilespmem:$0x1E580] =	vst v63  }
0x1b1: {  	_ =	swait.ge [sflag:s29], $0x4000  }
0x1b2: {  	[sflag:s29] =	ssyncset.done $0x0  }
0x1b3: {  	s2 =	simm.s32 $0x80;
	[sflag:s29] =	ssyncadd.s32 $0xFFFFC000  }
0x1b4: {  	[tilespmem:s9], [sflag:$0x2] =	stream.indirect.gather [hbm4b:s6+s28], $0x80, s2, s28, $0xb8;
	[tilespmem:$0x1E580] =	vst v63  }
0x1b5: {  	_ = 	snop  }
0x1b6: {  	[spmem:s3] =	stream.indirect.scatter.add.f32 [tilespmem:s22], [sflag:$0x4], $0x80, s26, s28, $0xb8;
	[tilespmem:$0x1E580] =	vst v63  }
0x1b7: {  	s18 =	sor.u32 s20, s19;
	_ =	swait.ge [sflag:s24], $0x4000  }
0x1b8: {  	p1 =	seq.s32 s18, $0x0;
	[sflag:s24] =	ssyncset.done $0x0  }
0x1b9: {  	s0 =	simm.s32 @!p1 $0x3;
	[sflag:s24] =	ssyncadd.s32 $0xFFFFC000  }
0x1ba: {  	_ =	swait.ge @!p1 [sflag:s0], $0x80  }
0x1bb: {  	[sflag:s0] =	ssyncset.done @!p1 $0x0  }
0x1bc: {  	[sflag:s0] =	ssyncadd.s32 @!p1 $0xFFFFFF80  }
0x1bd: {  	[spmem:s4] =	stream.indirect.scatter.add.f32 [tilespmem:s5], [sflag:$0x3], $0x1, s26, s28, $0xb8;
	[tilespmem:$0x1E580] =	vst v63  }
0x1be: {  	s26 =	simm.s32 $0x100  }
0x1bf: {  	[tilespmem:s22], [sflag:$0x1] =	stream.indirect.gather [hbm4b:s6+s28], $0x80, s26, s28, $0xb8;
	[tilespmem:$0x1E580] =	vst v63  }
0x1c0: {  	_ =	swait.ge [sflag:s25], $0x4000  }
0x1c1: {  	[sflag:s25] =	ssyncset.done $0x0  }
0x1c2: {  	s1 =	simm.s32 $0x1080;
	[sflag:s25] =	ssyncadd.s32 $0xFFFFC000  }
0x1c3: {  	[spmem:s3] =	stream.indirect.scatter.add.f32 [tilespmem:s9], [sflag:$0x4], $0x80, s1, s28, $0xb8;
	[tilespmem:$0x1E580] =	vst v63  }
0x1c4: {  	_ =	swait.ge [sflag:s24], $0x4000  }
0x1c5: {  	[sflag:s24] =	ssyncset.done $0x0  }
0x1c6: {  	[sflag:s24] =	ssyncadd.s32 $0xFFFFC000  }
0x1c7: {  	_ =	swait.ge [sflag:s30], $0x80  }
0x1c8: {  	s18 =	simm.s32 $0x200;
	[sflag:s30] =	ssyncset.done $0x0  }
0x1c9: {  	s0 =	simm.s32 $0x1100;
	s26 =	simm.s32 $0x1;
	[sflag:s30] =	ssyncadd.s32 $0xFFFFFF80  }
.LBB2_5:
0x1ca: {  	[spmem:s4] =	stream.indirect.scatter.add.f32 [tilespmem:s5], [sflag:$0x3], $0x1, s1, s28, $0xb8;
	[tilespmem:$0x1E580] =	vst v63  }
0x1cb: {  	s1 =	smov.u32 s26;
	s26 =	sadd.s32 $0x1, s26;
	_ =	swait.ge [sflag:s29], $0x4000  }
0x1cc: {  	p1 =	sne.s32 s26, $0xF;
	[sflag:s29] =	ssyncset.done $0x0  }
0x1cd: {  	s2 =	sadd.s32 $0xFFFFFF80, s18;
	[sflag:s29] =	ssyncadd.s32 $0xFFFFC000  }
0x1ce: {  	[tilespmem:s9], [sflag:$0x2] =	stream.indirect.gather [hbm4b:s6+s28], $0x80, s2, s28, $0xb8;
	[tilespmem:$0x1E580] =	vst v63  }
0x1cf: {  	_ = 	snop  }
0x1d0: {  	[spmem:s3] =	stream.indirect.scatter.add.f32 [tilespmem:s22], [sflag:$0x4], $0x80, s0, s28, $0xb8;
	[tilespmem:$0x1E580] =	vst v63  }
0x1d1: {  	s1 =	sor.u32 s20, s1;
	_ =	swait.ge [sflag:s24], $0x4000  }
0x1d2: {  	p2 =	seq.s32 s1, $0x0;
	[sflag:s24] =	ssyncset.done $0x0  }
0x1d3: {  	s1 =	simm.s32 @!p2 $0x3;
	[sflag:s24] =	ssyncadd.s32 $0xFFFFC000  }
0x1d4: {  	_ =	swait.ge @!p2 [sflag:s1], $0x80  }
0x1d5: {  	[sflag:s1] =	ssyncset.done @!p2 $0x0  }
0x1d6: {  	[sflag:s1] =	ssyncadd.s32 @!p2 $0xFFFFFF80  }
0x1d7: {  	[spmem:s4] =	stream.indirect.scatter.add.f32 [tilespmem:s5], [sflag:$0x3], $0x1, s0, s28, $0xb8;
	[tilespmem:$0x1E580] =	vst v63  }
0x1d8: {  	_ = 	snop  }
0x1d9: {  	[tilespmem:s22], [sflag:$0x1] =	stream.indirect.gather [hbm4b:s6+s28], $0x80, s18, s28, $0xb8;
	[tilespmem:$0x1E580] =	vst v63  }
0x1da: {  	_ =	swait.ge [sflag:s25], $0x4000  }
0x1db: {  	[sflag:s25] =	ssyncset.done $0x0  }
0x1dc: {  	s1 =	sadd.s32 $0x80, s0;
	[sflag:s25] =	ssyncadd.s32 $0xFFFFC000  }
0x1dd: {  	[spmem:s3] =	stream.indirect.scatter.add.f32 [tilespmem:s9], [sflag:$0x4], $0x80, s1, s28, $0xb8;
	[tilespmem:$0x1E580] =	vst v63  }
0x1de: {  	_ =	swait.ge [sflag:s24], $0x4000  }
.Ltmp11:
0x1df: {  	[sflag:s24] =	ssyncset.done $0x0;
	(pc) =	sbr.rel @p1 .LBB2_5-.Ltmp11, $4  }
0x1e0: {  	[sflag:s24] =	ssyncadd.s32 $0xFFFFC000  }
0x1e1: {  	_ =	swait.ge [sflag:s30], $0x80  }
0x1e2: {  	[sflag:s30] =	ssyncset.done $0x0  }
0x1e3: {  	s0 =	sadd.s32 $0x100, s0;
	s18 =	sadd.s32 $0x100, s18;
	[sflag:s30] =	ssyncadd.s32 $0xFFFFFF80  }
0x1e4: {  	[spmem:s4] =	stream.indirect.scatter.add.f32 [tilespmem:s5], [sflag:$0x3], $0x1, s1, s28, $0xb8;
	[tilespmem:$0x1E580] =	vst v63  }
0x1e5: {  	_ =	swait.ge [sflag:s29], $0x4000  }
0x1e6: {  	[sflag:s29] =	ssyncset.done $0x0  }
0x1e7: {  	[sflag:s29] =	ssyncadd.s32 $0xFFFFC000  }
0x1e8: {  	[tilespmem:s9], [sflag:$0x2] =	stream.indirect.gather [hbm4b:s6+s28], $0x80, s16, s28, $0xb8;
	[tilespmem:$0x1E580] =	vst v63  }
0x1e9: {  	_ = 	snop  }
0x1ea: {  	[spmem:s3] =	stream.indirect.scatter.add.f32 [tilespmem:s22], [sflag:$0x4], $0x80, s17, s28, $0xb8;
	[tilespmem:$0x1E580] =	vst v63  }
0x1eb: {  	_ =	swait.ge [sflag:s24], $0x4000  }
0x1ec: {  	[sflag:s24] =	ssyncset.done $0x0  }
0x1ed: {  	[sflag:s24] =	ssyncadd.s32 $0xFFFFC000  }
0x1ee: {  	_ =	swait.ge [sflag:s30], $0x80  }
0x1ef: {  	[sflag:s30] =	ssyncset.done $0x0  }
0x1f0: {  	[sflag:s30] =	ssyncadd.s32 $0xFFFFFF80  }
0x1f1: {  	[spmem:s4] =	stream.indirect.scatter.add.f32 [tilespmem:s5], [sflag:$0x3], $0x1, s17, s28, $0xb8;
	[tilespmem:$0x1E580] =	vst v63  }
0x1f2: {  	_ =	swait.ge [sflag:s25], $0x4000  }
0x1f3: {  	[sflag:s25] =	ssyncset.done $0x0  }
0x1f4: {  	[sflag:s25] =	ssyncadd.s32 $0xFFFFC000  }
0x1f5: {  	[spmem:s3] =	stream.indirect.scatter.add.f32 [tilespmem:s9], [sflag:$0x4], $0x80, s31, s28, $0xb8;
	[tilespmem:$0x1E580] =	vst v63  }
0x1f6: {  	s20 =	sadd.s32 $0x1, s20;
	_ =	swait.ge [sflag:s24], $0x4000  }
0x1f7: {  	p1 =	sne.s32 s20, $0x5;
	[sflag:s24] =	ssyncset.done $0x0  }
.Ltmp12:
0x1f8: {  	[sflag:s24] =	ssyncadd.s32 $0xFFFFC000;
	(pc) =	sbr.rel @p1 .LBB2_4-.Ltmp12, $4  }
0x1f9: {  	_ =	swait.ge [sflag:s30], $0x80  }
0x1fa: {  	[sflag:s30] =	ssyncset.done $0x0  }
0x1fb: {  	[sflag:s30] =	ssyncadd.s32 $0xFFFFFF80  }
0x1fc: {  	[spmem:s4] =	stream.indirect.scatter.add.f32 [tilespmem:s5], [sflag:$0x3], $0x1, s31, s28, $0xb8;
	[tilespmem:$0x1E580] =	vst v63  }
0x1fd: {  	_ =	swait.ge [sflag:s30], $0x80  }
0x1fe: {  	[sflag:s30] =	ssyncset.done $0x0  }
0x1ff: {  	[sflag:s30] =	ssyncadd.s32 $0xFFFFFF80  }
0x200: {  	s0 =	stileid.u32;
	[bflag:$0x0] =	sbarrier.arrive $0xFFFF  }
0x201: {  	s0 =	sshll.u32 s0, $0x6;
	s2 =	rddreg [dreg:$0x8]  }
0x202: {  	s26 =	sor.u32 $0x1C04, s0;
	s1 =	rddreg [dreg:$0xb];
	s20 =	sshrl.u32 s2, $0x3  }
0x203: {  	[hbm:s1], [sflag:s26] =	dma.local [spmem:s20], $0x2800  }
0x204: {  	s19 =	simm.s32 $0x40;
	_ =	swait.ge [sflag:s24], $0x2800;
	[dreg:$0x18] =	wrdreg s26  }
0x205: {  	s20 =	simm.s32 $0x10;
	[sflag:s24] =	ssyncset.done $0x0;
	s18 =	rddreg [dreg:$0xf]  }
0x206: {  	s11 =	rddreg [dreg:$0x9];
	[sflag:s24] =	ssyncadd.s32 $0xFFFFD800;
	s1 =	sshrl.u32 s18, $0x3  }
0x207: {  	[hbm:s11@s19], [sflag:s26] =	dma.strided [spmem:s1@s20], $0x50, s29, $0x10   }
0x208: {  	_ =	swait.ge [sflag:s24], $0x50  }
0x209: {  	[sflag:s24] =	ssyncset.done $0x0  }
0x20a: {  	[sflag:s24] =	ssyncadd.s32 $0xFFFFFFB0  }
0x20b: {  	s0 =	simm.s32 $0x0;
	s1 =	simm.s32 $0x200;
	[bflag:$0x0] =	sbarrier.arrive $0xFFFF  }
.LBB2_8:
0x20c: {  	p1 =	sne.s32 s1, $0xFE00;
	[tilespmem:s0+$0x2070] =	vst v1  }
0x20d: {  	[tilespmem:s0+$0x2000] =	vst v1  }
0x20e: {  	[tilespmem:s0+$0x2010] =	vst v1  }
.Ltmp13:
0x20f: {  	[tilespmem:s0+$0x2020] =	vst v1;
	(pc) =	sbr.rel @p1 .LBB2_8-.Ltmp13, $4  }
0x210: {  	[tilespmem:s0+$0x2030] =	vst v1  }
0x211: {  	[tilespmem:s0+$0x2040] =	vst v1  }
0x212: {  	[tilespmem:s0+$0x2050] =	vst v1  }
0x213: {  	[tilespmem:s0+$0x2060] =	vst v1;
	s0 =	sshra.s32 s1, $0x2;
	s1 =	sadd.s32 $0x200, s1  }
0x214: {  	[tilespmem:s0+$0x2070] =	vst v1  }
0x215: {  	[tilespmem:s0+$0x2000] =	vst v1  }
0x216: {  	[tilespmem:s0+$0x2010] =	vst v1  }
0x217: {  	[tilespmem:s0+$0x2020] =	vst v1  }
0x218: {  	[tilespmem:s0+$0x2030] =	vst v1  }
0x219: {  	[tilespmem:s0+$0x2040] =	vst v1  }
0x21a: {  	[tilespmem:s0+$0x2050] =	vst v1  }
0x21b: {  	[tilespmem:s0+$0x2060] =	vst v1  }
0x21c: {  	[spmem:s2] =	stream.linear.scatter [tilespmem:s22], [sflag:$0x4], $0x4000, $0x38;
	[tilespmem:$0x1E580] =	vst v63  }
0x21d: {  	_ =	swait.ge [sflag:s24], $0x4000  }
0x21e: {  	[sflag:s24] =	ssyncset.done $0x0  }
0x21f: {  	s2 =	rddreg [dreg:$0x13];
	[sflag:s24] =	ssyncadd.s32 $0xFFFFC000  }
0x220: {  	[spmem:s2] =	stream.linear.scatter [tilespmem:s22], [sflag:$0x4], $0x4000, $0x38;
	[tilespmem:$0x1E580] =	vst v63  }
0x221: {  	_ =	swait.ge [sflag:s24], $0x4000  }
0x222: {  	[sflag:s24] =	ssyncset.done $0x0  }
0x223: {  	s11 =	rddreg [dreg:$0x14];
	[sflag:s24] =	ssyncadd.s32 $0xFFFFC000  }
0x224: {  	[spmem:s11] =	stream.linear.scatter [tilespmem:s22], [sflag:$0x4], $0x4000, $0x38;
	[tilespmem:$0x1E580] =	vst v63  }
0x225: {  	_ =	swait.ge [sflag:s24], $0x4000  }
0x226: {  	[sflag:s24] =	ssyncset.done $0x0  }
0x227: {  	s19 =	rddreg [dreg:$0x15];
	[sflag:s24] =	ssyncadd.s32 $0xFFFFC000  }
0x228: {  	[spmem:s19] =	stream.linear.scatter [tilespmem:s22], [sflag:$0x4], $0x4000, $0x38;
	[tilespmem:$0x1E580] =	vst v63  }
0x229: {  	_ =	swait.ge [sflag:s24], $0x4000  }
0x22a: {  	[sflag:s24] =	ssyncset.done $0x0  }
0x22b: {  	s20 =	rddreg [dreg:$0x16];
	[sflag:s24] =	ssyncadd.s32 $0xFFFFC000  }
0x22c: {  	[spmem:s20] =	stream.linear.scatter [tilespmem:s22], [sflag:$0x4], $0x4000, $0x38;
	[tilespmem:$0x1E580] =	vst v63  }
0x22d: {  	_ =	swait.ge [sflag:s24], $0x4000  }
0x22e: {  	[sflag:s24] =	ssyncset.done $0x0  }
0x22f: {  	s26 =	simm.s32 $0xA080;
	[sflag:s24] =	ssyncadd.s32 $0xFFFFC000  }
0x230: {  	[spmem:s18] =	stream.linear.scatter [tilespmem:s26], [sflag:$0x4], $0x280, $0x38;
	[tilespmem:$0x1E580] =	vst v63  }
0x231: {  	_ =	swait.ge [sflag:s24], $0x280  }
0x232: {  	[sflag:s24] =	ssyncset.done $0x0  }
0x233: {  	[sflag:s24] =	ssyncadd.s32 $0xFFFFFD80  }
0x234: {  	s20 =	simm.s32 $0x0;
	s26 =	simm.s32 $0x0;
	[bflag:$0x0] =	sbarrier.arrive $0xFFFF  }
.LBB2_10:
0x235: {  	s0 =	sshll.u32 s26, $0xC  }
0x236: {  	s0 =	sadd.s32 s21, s0  }
0x237: {  	s1 =	rddreg [dreg:$0x1];
	s0 =	sshrl.u32 s0, $0x3  }
0x238: {  	s1 =	sadd.s32 s1, s0  }
0x239: {  	[tilespmem:s20], [sflag:$0x4] =	stream.linear.gather [hbm4b:s1+s20], $0x1000, $0x38;
	[tilespmem:$0x1E580] =	vst v63  }
0x23a: {  	_ =	swait.ge [sflag:s24], $0x1000  }
0x23b: {  	[sflag:s24] =	ssyncset.done $0x0  }
0x23c: {  	s2 =	simm.s32 $0x1000;
	s0 =	sadd.s32 s15, s0;
	[sflag:s24] =	ssyncadd.s32 $0xFFFFF000  }
0x23d: {  	[tilespmem:s2], [sflag:$0x4] =	stream.linear.gather [hbm4b:s0+s20], $0x1000, $0x38;
	[tilespmem:$0x1E580] =	vst v63  }
0x23e: {  	_ =	swait.ge [sflag:s24], $0x1000  }
0x23f: {  	[sflag:s24] =	ssyncset.done $0x0  }
0x240: {  	[sflag:s24] =	ssyncadd.s32 $0xFFFFF000  }
0x241: {  	[tilespmem:s22], [sflag:$0x1] =	stream.indirect.gather [hbm4b:s7+s28], $0x80, s20, s28, $0xb8;
	[tilespmem:$0x1E580] =	vst v63  }
0x242: {  	_ =	swait.ge [sflag:s29], $0x4000  }
0x243: {  	[sflag:s29] =	ssyncset.done $0x0  }
0x244: {  	s11 =	simm.s32 $0x80;
	[sflag:s29] =	ssyncadd.s32 $0xFFFFC000  }
0x245: {  	[tilespmem:s9], [sflag:$0x2] =	stream.indirect.gather [hbm4b:s7+s28], $0x80, s11, s28, $0xb8;
	[tilespmem:$0x1E580] =	vst v63  }
0x246: {  	_ = 	snop  }
0x247: {  	[spmem:s3] =	stream.indirect.scatter.add.f32 [tilespmem:s22], [sflag:$0x4], $0x80, s2, s28, $0xb8;
	[tilespmem:$0x1E580] =	vst v63  }
0x248: {  	s18 =	sor.u32 s26, s20;
	_ =	swait.ge [sflag:s24], $0x4000  }
0x249: {  	p1 =	seq.s32 s18, $0x0;
	[sflag:s24] =	ssyncset.done $0x0  }
0x24a: {  	s0 =	simm.s32 @!p1 $0x3;
	[sflag:s24] =	ssyncadd.s32 $0xFFFFC000  }
0x24b: {  	_ =	swait.ge @!p1 [sflag:s0], $0x80  }
0x24c: {  	[sflag:s0] =	ssyncset.done @!p1 $0x0  }
0x24d: {  	[sflag:s0] =	ssyncadd.s32 @!p1 $0xFFFFFF80  }
0x24e: {  	[spmem:s4] =	stream.indirect.scatter.add.f32 [tilespmem:s5], [sflag:$0x3], $0x1, s2, s28, $0xb8;
	[tilespmem:$0x1E580] =	vst v63  }
0x24f: {  	s19 =	simm.s32 $0x100  }
0x250: {  	[tilespmem:s22], [sflag:$0x1] =	stream.indirect.gather [hbm4b:s7+s28], $0x80, s19, s28, $0xb8;
	[tilespmem:$0x1E580] =	vst v63  }
0x251: {  	_ =	swait.ge [sflag:s25], $0x4000  }
0x252: {  	[sflag:s25] =	ssyncset.done $0x0  }
0x253: {  	s2 =	simm.s32 $0x1080;
	[sflag:s25] =	ssyncadd.s32 $0xFFFFC000  }
0x254: {  	[spmem:s3] =	stream.indirect.scatter.add.f32 [tilespmem:s9], [sflag:$0x4], $0x80, s2, s28, $0xb8;
	[tilespmem:$0x1E580] =	vst v63  }
0x255: {  	_ =	swait.ge [sflag:s24], $0x4000  }
0x256: {  	[sflag:s24] =	ssyncset.done $0x0  }
0x257: {  	[sflag:s24] =	ssyncadd.s32 $0xFFFFC000  }
0x258: {  	_ =	swait.ge [sflag:s30], $0x80  }
0x259: {  	s18 =	simm.s32 $0x1;
	[sflag:s30] =	ssyncset.done $0x0  }
0x25a: {  	s1 =	simm.s32 $0x1100;
	s0 =	simm.s32 $0x200;
	[sflag:s30] =	ssyncadd.s32 $0xFFFFFF80  }
.LBB2_11:
0x25b: {  	[spmem:s4] =	stream.indirect.scatter.add.f32 [tilespmem:s5], [sflag:$0x3], $0x1, s2, s28, $0xb8;
	[tilespmem:$0x1E580] =	vst v63  }
0x25c: {  	s2 =	smov.u32 s18;
	s18 =	sadd.s32 $0x1, s18;
	_ =	swait.ge [sflag:s29], $0x4000  }
0x25d: {  	p1 =	sne.s32 s18, $0xF;
	[sflag:s29] =	ssyncset.done $0x0  }
0x25e: {  	s19 =	sadd.s32 $0xFFFFFF80, s0;
	[sflag:s29] =	ssyncadd.s32 $0xFFFFC000  }
0x25f: {  	[tilespmem:s9], [sflag:$0x2] =	stream.indirect.gather [hbm4b:s7+s28], $0x80, s19, s28, $0xb8;
	[tilespmem:$0x1E580] =	vst v63  }
0x260: {  	_ = 	snop  }
0x261: {  	[spmem:s3] =	stream.indirect.scatter.add.f32 [tilespmem:s22], [sflag:$0x4], $0x80, s1, s28, $0xb8;
	[tilespmem:$0x1E580] =	vst v63  }
0x262: {  	s2 =	sor.u32 s26, s2;
	_ =	swait.ge [sflag:s24], $0x4000  }
0x263: {  	p2 =	seq.s32 s2, $0x0;
	[sflag:s24] =	ssyncset.done $0x0  }
0x264: {  	s2 =	simm.s32 @!p2 $0x3;
	[sflag:s24] =	ssyncadd.s32 $0xFFFFC000  }
0x265: {  	_ =	swait.ge @!p2 [sflag:s2], $0x80  }
0x266: {  	[sflag:s2] =	ssyncset.done @!p2 $0x0  }
0x267: {  	[sflag:s2] =	ssyncadd.s32 @!p2 $0xFFFFFF80  }
0x268: {  	[spmem:s4] =	stream.indirect.scatter.add.f32 [tilespmem:s5], [sflag:$0x3], $0x1, s1, s28, $0xb8;
	[tilespmem:$0x1E580] =	vst v63  }
0x269: {  	_ = 	snop  }
0x26a: {  	[tilespmem:s22], [sflag:$0x1] =	stream.indirect.gather [hbm4b:s7+s28], $0x80, s0, s28, $0xb8;
	[tilespmem:$0x1E580] =	vst v63  }
0x26b: {  	_ =	swait.ge [sflag:s25], $0x4000  }
0x26c: {  	[sflag:s25] =	ssyncset.done $0x0  }
0x26d: {  	s2 =	sadd.s32 $0x80, s1;
	[sflag:s25] =	ssyncadd.s32 $0xFFFFC000  }
0x26e: {  	[spmem:s3] =	stream.indirect.scatter.add.f32 [tilespmem:s9], [sflag:$0x4], $0x80, s2, s28, $0xb8;
	[tilespmem:$0x1E580] =	vst v63  }
0x26f: {  	_ =	swait.ge [sflag:s24], $0x4000  }
.Ltmp14:
0x270: {  	[sflag:s24] =	ssyncset.done $0x0;
	(pc) =	sbr.rel @p1 .LBB2_11-.Ltmp14, $4  }
0x271: {  	[sflag:s24] =	ssyncadd.s32 $0xFFFFC000  }
0x272: {  	_ =	swait.ge [sflag:s30], $0x80  }
0x273: {  	[sflag:s30] =	ssyncset.done $0x0  }
0x274: {  	s1 =	sadd.s32 $0x100, s1;
	s0 =	sadd.s32 $0x100, s0;
	[sflag:s30] =	ssyncadd.s32 $0xFFFFFF80  }
0x275: {  	[spmem:s4] =	stream.indirect.scatter.add.f32 [tilespmem:s5], [sflag:$0x3], $0x1, s2, s28, $0xb8;
	[tilespmem:$0x1E580] =	vst v63  }
0x276: {  	_ =	swait.ge [sflag:s29], $0x4000  }
0x277: {  	[sflag:s29] =	ssyncset.done $0x0  }
0x278: {  	[sflag:s29] =	ssyncadd.s32 $0xFFFFC000  }
0x279: {  	[tilespmem:s9], [sflag:$0x2] =	stream.indirect.gather [hbm4b:s7+s28], $0x80, s16, s28, $0xb8;
	[tilespmem:$0x1E580] =	vst v63  }
0x27a: {  	_ = 	snop  }
0x27b: {  	[spmem:s3] =	stream.indirect.scatter.add.f32 [tilespmem:s22], [sflag:$0x4], $0x80, s17, s28, $0xb8;
	[tilespmem:$0x1E580] =	vst v63  }
0x27c: {  	_ =	swait.ge [sflag:s24], $0x4000  }
0x27d: {  	[sflag:s24] =	ssyncset.done $0x0  }
0x27e: {  	[sflag:s24] =	ssyncadd.s32 $0xFFFFC000  }
0x27f: {  	_ =	swait.ge [sflag:s30], $0x80  }
0x280: {  	[sflag:s30] =	ssyncset.done $0x0  }
0x281: {  	[sflag:s30] =	ssyncadd.s32 $0xFFFFFF80  }
0x282: {  	[spmem:s4] =	stream.indirect.scatter.add.f32 [tilespmem:s5], [sflag:$0x3], $0x1, s17, s28, $0xb8;
	[tilespmem:$0x1E580] =	vst v63  }
0x283: {  	_ =	swait.ge [sflag:s25], $0x4000  }
0x284: {  	[sflag:s25] =	ssyncset.done $0x0  }
0x285: {  	[sflag:s25] =	ssyncadd.s32 $0xFFFFC000  }
0x286: {  	[spmem:s3] =	stream.indirect.scatter.add.f32 [tilespmem:s9], [sflag:$0x4], $0x80, s31, s28, $0xb8;
	[tilespmem:$0x1E580] =	vst v63  }
0x287: {  	s26 =	sadd.s32 $0x1, s26;
	_ =	swait.ge [sflag:s24], $0x4000  }
0x288: {  	p1 =	seq.s32 s26, $0x5;
	[sflag:s24] =	ssyncset.done $0x0  }
.Ltmp15:
0x289: {  	[sflag:s24] =	ssyncadd.s32 $0xFFFFC000;
	(pc) =	sbr.rel @!p1 .LBB2_10-.Ltmp15, $4  }
0x28a: {  	_ =	swait.ge [sflag:s30], $0x80  }
0x28b: {  	[sflag:s30] =	ssyncset.done $0x0  }
0x28c: {  	[sflag:s30] =	ssyncadd.s32 $0xFFFFFF80  }
0x28d: {  	[spmem:s4] =	stream.indirect.scatter.add.f32 [tilespmem:s5], [sflag:$0x3], $0x1, s31, s28, $0xb8;
	[tilespmem:$0x1E580] =	vst v63  }
.Ltmp16:
0x28e: {  	(pc) =	sbr.rel .LBB2_26-.Ltmp16, $4  }
0x28f: {  	_ = 	snop  }
0x290: {  	s1 =	rddreg [dreg:$0xd]  }
0x291: {  	s0 =	rddreg [dreg:$0x10]  }
0x292: {  	s26 =	rddreg [dreg:$0x17]  }
.LBB2_27:
0x293: {  	_ =	sfence.sel $0x180000  }
0x294: {  	[bflag:$0x0] =	sbarrier.arrive $0xFFFF  }
0x295: {  	_ =	strace $0x9000004A  }
0x296: {  	s0 =	stileid.u32;
	[bflag:$0x2] =	sbarrier.arrive $0xFFFF  }
0x297: {  	p0 =	sne.s32 s0, $0x0;
	s0 =	rddreg [dreg:$0x5]  }
0x298: {  	s0 =	sadd.s32 @!p0 $0x100000, s0  }
0x299: {  	[sflag:s0] =	ssyncadd.tile.s32 @!p0 $0x1;
	_ =	shalt  }
.Lfunc_end2:
_tile_overlayer_lowered:
.L_overlay_start_2:
0x29a: {  	(tag) =	ssettag $0x2  }
0x29b: {  	s0 =	rddreg [dreg:$0x0];
	s2 =	stileid.u32  }
0x29c: {  	s1 =	rddreg [dreg:$0x1];
	p0 =	sne.s32 s2, $0x0  }
0x29d: {  	s3 =	rddreg [dreg:$0x2];
	[bflag:$0x3] =	sbarrier.arrive $0xFFFF;
	s2 =	simm.s32 @!p0 $0x1C04  }
0x29e: {  	[timem:s3], [sflag:s2] =	dma.local @!p0 [hbm:s0], s1  }
0x29f: {  	s0 =	simm.s32 @!p0 $0x4  }
0x2a0: {  	_ =	swait.ge @!p0 [sflag:s0], s1  }
0x2a1: {  	s1 =	ssub.s32 @!p0 $0x0, s1;
	[sflag:s0] =	ssyncset.done @!p0 $0x0  }
0x2a2: {  	[sflag:s0] =	ssyncadd.s32 @!p0 s1  }
0x2a3: {  	[bflag:$0x3] =	sbarrier.arrive $0xFFFF  }
0x2a4: {  	_ =	shalt  }

</sc_bundles>
